<compile_context>
chip_gen: v7x
topology: tpu7x:2x2x1
jax: 0.10.2.dev20260603
libtpu: 0.0.44.dev20260713+nightly
codegen_flags: <defaults>
</compile_context>

<pallas_src>
import functools

import jax
import jax.numpy as jnp
from jax import lax
from jax.experimental import pallas as pl
from jax.experimental.pallas import tpu as pltpu
from jax.experimental.pallas import tpu_sc as plsc

N = 10000
E = 320000
D = 128
NG = 64
NC, NS = 2, 16
NW = NC * NS
K = 128
NP = 10240
EP = 327680
CPT = EP // K // NW
ARPT = NP // NS
PRPT = 320

_mesh = plsc.VectorSubcoreMesh(
    core_axis_name="c", subcore_axis_name="s", num_cores=NC, num_subcores=NS)


def _zero_1d(ref, nwords, unroll=4):
    z = jnp.zeros((16,), jnp.float32)

    def body(i, _):
        ref[pl.ds(i * 16, 16)] = z
        return 0

    lax.fori_loop(0, nwords // 16, body, 0, unroll=unroll)


@functools.partial(
    pl.kernel,
    out_type=jax.ShapeDtypeStruct((NC, NP, D), jnp.float32),
    mesh=_mesh,
    scratch_types=[
        pltpu.VMEM((CPT // 2, K), jnp.int32),
        pltpu.VMEM((CPT // 2, K), jnp.int32),
        pltpu.VMEM((K, D), jnp.float32),
        pltpu.VMEM((K, D), jnp.float32),
        pltpu.VMEM_SHARED((NP, D), jnp.float32),
        pltpu.SemaphoreType.DMA,
        pltpu.SemaphoreType.DMA,
    ],
)
def _agg_sc(h_hbm, src_hbm, dst_hbm, out_hbm,
            src_v, dst_v, rows_a, rows_b, acc, sem_a, sem_b):
    c = lax.axis_index("c")
    s = lax.axis_index("s")
    w = s * NC + c

    def zrow(i, _):
        row = rows_a.at[i]
        for j in range(D // 16):
            row[pl.ds(j * 16, 16)] = jnp.zeros((16,), jnp.float32)
        return 0

    lax.fori_loop(0, K, zrow, 0)

    def zacc(j, _):
        pltpu.sync_copy(rows_a, acc.at[pl.ds(s * ARPT + j * K, K)])
        return 0

    lax.fori_loop(0, ARPT // K, zacc, 0)

    plsc.subcore_barrier()

    base = w * CPT
    HCPT = CPT // 2
    for half in range(2):
        hb = base + half * HCPT
        pltpu.sync_copy(src_hbm.at[pl.ds(hb, HCPT)], src_v)
        pltpu.sync_copy(dst_hbm.at[pl.ds(hb, HCPT)], dst_v)
        pltpu.async_copy(h_hbm.at[src_v.at[0]], rows_a, sem_a)

        def chunk(jj, _):
            j0 = 2 * jj
            pltpu.make_async_copy(
                h_hbm.at[src_v.at[j0]], rows_a, sem_a).wait()
            pltpu.async_copy(h_hbm.at[src_v.at[j0 + 1]], rows_b, sem_b)
            pltpu.sync_copy(rows_a, acc.at[dst_v.at[j0]], add=True)
            pltpu.make_async_copy(
                h_hbm.at[src_v.at[j0 + 1]], rows_b, sem_b).wait()

            @pl.when(jj < HCPT // 2 - 1)
            def _():
                pltpu.async_copy(h_hbm.at[src_v.at[j0 + 2]], rows_a, sem_a)

            pltpu.sync_copy(rows_b, acc.at[dst_v.at[j0 + 1]], add=True)
            return 0

        lax.fori_loop(0, HCPT // 2, chunk, 0)

    plsc.subcore_barrier()

    def flush(j, _):
        r0 = s * ARPT + j * K
        pltpu.sync_copy(acc.at[pl.ds(r0, K)], rows_a)
        pltpu.sync_copy(rows_a, out_hbm.at[c].at[pl.ds(r0, K)])
        return 0

    lax.fori_loop(0, ARPT // K, flush, 0)


def _layer_tc(h, parts, W, b):
    BM = 2000

    def body(h_ref, p_ref, w_ref, b_ref, o_ref):
        acc = h_ref[...] + p_ref[0] + p_ref[1]
        y = jnp.dot(acc, w_ref[...], preferred_element_type=jnp.float32)
        o_ref[...] = jnp.maximum(y + b_ref[...], 0.0)

    return pl.pallas_call(
        body,
        grid=(N // BM,),
        in_specs=[
            pl.BlockSpec((BM, D), lambda i: (i, 0)),
            pl.BlockSpec((NC, BM, D), lambda i: (0, i, 0)),
            pl.BlockSpec((D, D), lambda i: (0, 0)),
            pl.BlockSpec((1, D), lambda i: (0, 0)),
        ],
        out_specs=pl.BlockSpec((BM, D), lambda i: (i, 0)),
        out_shape=jax.ShapeDtypeStruct((N, D), jnp.float32),
    )(h, parts, W, b.reshape(1, D))


@functools.partial(
    pl.kernel,
    out_type=[
        jax.ShapeDtypeStruct((NW, NG * D), jnp.float32),
        jax.ShapeDtypeStruct((NW, NG * D), jnp.float32),
        jax.ShapeDtypeStruct((NW, 128), jnp.float32),
    ],
    mesh=_mesh,
    scratch_types=[
        pltpu.VMEM((PRPT, D), jnp.float32),
        pltpu.VMEM((PRPT + 16,), jnp.int32),
        pltpu.VMEM((NG * D,), jnp.float32),
        pltpu.VMEM((NG * D,), jnp.float32),
        pltpu.VMEM((128 + 16,), jnp.float32),
    ],
)
def _pool_sc(h_hbm, ids_hbm, omax, osum, ocnt,
             rows_v, ids_v, lmax, lsum, lcnt):
    c = lax.axis_index("c")
    s = lax.axis_index("s")
    w = s * NC + c
    row0 = w * PRPT
    nlast = N - (NW - 1) * PRPT
    nrows = jnp.where(w == NW - 1, nlast, PRPT)

    neg = jnp.full((16,), -jnp.inf, jnp.float32)

    def iminf(i, _):
        lmax[pl.ds(i * 16, 16)] = neg
        return 0

    lax.fori_loop(0, NG * D // 16, iminf, 0, unroll=4)
    _zero_1d(lsum, NG * D)
    _zero_1d(lcnt, 128 + 16)

    @pl.when(w < NW - 1)
    def _():
        pltpu.sync_copy(h_hbm.at[pl.ds(row0, PRPT)], rows_v)
        pltpu.sync_copy(ids_hbm.at[pl.ds(row0, PRPT)],
                        ids_v.at[pl.ds(0, PRPT)])

    @pl.when(w == NW - 1)
    def _():
        pltpu.sync_copy(h_hbm.at[pl.ds(row0, nlast)],
                        rows_v.at[pl.ds(0, nlast)])
        pltpu.sync_copy(ids_hbm.at[pl.ds(row0, nlast)],
                        ids_v.at[pl.ds(0, nlast)])

    lane0 = jnp.where(
        lax.broadcasted_iota(jnp.int32, (16,), 0) == 0, 1.0, 0.0
    ).astype(jnp.float32)

    def rbody(i, _):
        bid = ids_v[pl.ds(i, 16)][0]
        bse = bid * D
        lcnt[pl.ds(bid, 16)] = lcnt[pl.ds(bid, 16)] + lane0
        for j in range(D // 16):
            v = rows_v[i, pl.ds(j * 16, 16)]
            m = lmax[pl.ds(bse + j * 16, 16)]
            lmax[pl.ds(bse + j * 16, 16)] = jnp.maximum(m, v)
            sm = lsum[pl.ds(bse + j * 16, 16)]
            lsum[pl.ds(bse + j * 16, 16)] = sm + v
        return 0

    lax.fori_loop(0, nrows, rbody, 0)

    pltpu.sync_copy(lmax, omax.at[w])
    pltpu.sync_copy(lsum, osum.at[w])
    pltpu.sync_copy(lcnt.at[pl.ds(0, 128)], ocnt.at[w])


def _head_tc(pmax, psum, pcnt, Wl1, bl1, Wl2, bl2, Wl3, bl3):
    def body(pm, ps, pc, w1, b1, w2, b2, w3, b3, o_ref):
        m = pm[0]
        sm = ps[0]
        cnt = pc[0]
        for i in range(1, NW):
            m = jnp.maximum(m, pm[i])
            sm = sm + ps[i]
            cnt = cnt + pc[i]
        m = jnp.where(m > -1e30, m, 0.0)
        mean = sm / jnp.maximum(cnt, 1.0)
        g = jnp.concatenate([m, mean], axis=1)
        g = jnp.maximum(
            jnp.dot(g, w1[...], preferred_element_type=jnp.float32) + b1[...],
            0.0)
        g = jnp.maximum(
            jnp.dot(g, w2[...], preferred_element_type=jnp.float32) + b2[...],
            0.0)
        o_ref[...] = (
            jnp.dot(g, w3[...], preferred_element_type=jnp.float32) + b3[...])

    return pl.pallas_call(
        body,
        out_shape=jax.ShapeDtypeStruct((NG, 1), jnp.float32),
    )(pmax.reshape(NW, NG, D), psum.reshape(NW, NG, D),
      pcnt[:, :NG].reshape(NW, NG, 1),
      Wl1, bl1.reshape(1, -1), Wl2, bl2.reshape(1, -1),
      Wl3, bl3.reshape(1, -1))


def kernel(x, edge_attr, edge_index, batch_index,
           W1, b1, W2, b2, W3, b3, Wl1, bl1, Wl2, bl2, Wl3, bl3):
    del edge_attr

    pad = EP - E
    ar = jnp.arange(pad, dtype=jnp.int32)
    src_pad = (ar * 997) % N
    dst_pad = N + (ar % (NP - N))
    srcp = jnp.concatenate([edge_index[0], src_pad]).reshape(EP // K, K)
    dstp = jnp.concatenate([edge_index[1], dst_pad]).reshape(EP // K, K)

    h = x
    for (W, b) in ((W1, b1), (W2, b2), (W3, b3)):
        parts = _agg_sc(h, srcp, dstp)
        h = _layer_tc(h, parts, W, b)

    pmax, psum, pcnt = _pool_sc(h, batch_index)
    return _head_tc(pmax, psum, pcnt, Wl1, bl1, Wl2, bl2, Wl3, bl3)

# --- scband reference (transcript-rebuilt; emitter-appended) ---
"""Pipeline reference for scband-gin-78761110274542 (READ-ONLY COPY).

The authoritative reference and input builder live on the scoring server;
editing this copy changes nothing except your own understanding.
"""

import jax, jax.numpy as jnp
import numpy as np

N = 10000
E = 320000
D = 128
EMB = 128
DENSE = 256
NG = 64
EDGE_DIM = 16


def _linear_params(key, fan_in, fan_out):
    k1, k2 = jax.random.split(key)
    bound = 1.0 / np.sqrt(fan_in)
    W = jax.random.uniform(k1, (fan_in, fan_out), jnp.float32, -bound, bound)
    b = jax.random.uniform(k2, (fan_out,), jnp.float32, -bound, bound)
    return W, b


def setup_inputs(seed: int = 0) -> dict:
    key = jax.random.key(seed)
    ks = jax.random.split(key, 12)
    x = jax.random.normal(ks[0], (N, D), jnp.float32)
    edge_attr = jax.random.normal(ks[1], (E, EDGE_DIM), jnp.float32)
    edge_index = jax.random.randint(ks[2], (2, E), 0, N, jnp.int32)
    batch_index = jnp.sort(jax.random.randint(ks[3], (N,), 0, NG, jnp.int32))
    W1, b1 = _linear_params(ks[4], D, EMB)
    W2, b2 = _linear_params(ks[5], EMB, EMB)
    W3, b3 = _linear_params(ks[6], EMB, EMB)
    Wl1, bl1 = _linear_params(ks[7], EMB * 2, DENSE)
    Wl2, bl2 = _linear_params(ks[8], DENSE, DENSE // 2)
    Wl3, bl3 = _linear_params(ks[9], DENSE // 2, 1)
    return {
        "x": x, "edge_attr": edge_attr, "edge_index": edge_index,
        "batch_index": batch_index,
        "W1": W1, "b1": b1, "W2": W2, "b2": b2, "W3": W3, "b3": b3,
        "Wl1": Wl1, "bl1": bl1, "Wl2": Wl2, "bl2": bl2, "Wl3": Wl3, "bl3": bl3,
    }


def reference(x, edge_attr, edge_index, batch_index,
              W1, b1, W2, b2, W3, b3, Wl1, bl1, Wl2, bl2, Wl3, bl3):
    # GINConv with eps=0: h' = Linear((1+eps)*h + sum_{j in N(i)} h_j)
    src = edge_index[0]
    dst = edge_index[1]
    h = x
    for (W, b) in ((W1, b1), (W2, b2), (W3, b3)):
        msgs = jnp.take(h, src, axis=0)                      # gather
        agg = jax.ops.segment_sum(msgs, dst, num_segments=N)  # scatter-add
        h = (h + agg) @ W + b
        h = jax.nn.relu(h)
    # global_max_pool and global_mean_pool over batch_index
    maxp = jax.ops.segment_max(h, batch_index, num_segments=NG)
    maxp = jnp.where(jnp.isfinite(maxp), maxp, 0.0)
    sump = jax.ops.segment_sum(h, batch_index, num_segments=NG)
    cnt = jax.ops.segment_sum(jnp.ones((N, 1), jnp.float32), batch_index, num_segments=NG)
    meanp = sump / jnp.maximum(cnt, 1.0)
    g = jnp.concatenate([maxp, meanp], axis=1)
    g = jax.nn.relu(g @ Wl1 + bl1)
    # dropout is identity in eval mode
    g = jax.nn.relu(g @ Wl2 + bl2)
    out = g @ Wl3 + bl3
    return out

if __name__ == "__main__":
    import jax
    _d = setup_inputs()
    print(jax.jit(kernel)(*tuple(_d.values())))

</pallas_src>

<mosaic_0001>
#map = affine_map<(d0, d1) -> (0, 0)>
#map1 = affine_map<(d0, d1) -> (0, 0, 0)>
module attributes {stable_mosaic.version = 14 : i64} {
  func.func @_agg_sc(%arg0: i32, %arg1: i32, %arg2: memref<10000x128xf32, #tpu.memory_space<hbm>>, %arg3: memref<2560x128xi32, #tpu.memory_space<hbm>>, %arg4: memref<2560x128xi32, #tpu.memory_space<hbm>>, %arg5: memref<2x10240x128xf32, #tpu.memory_space<hbm>>, %arg6: memref<40x128xi32, #tpu.memory_space<vmem>>, %arg7: memref<40x128xi32, #tpu.memory_space<vmem>>, %arg8: memref<128x128xf32, #tpu.memory_space<vmem>>, %arg9: memref<128x128xf32, #tpu.memory_space<vmem>>, %arg10: memref<10240x128xf32, #tpu.memory_space<vmem_shared>>, %arg11: memref<!tpu.dma_semaphore, #tpu.memory_space<semaphore_mem>>, %arg12: memref<!tpu.dma_semaphore, #tpu.memory_space<semaphore_mem>>) attributes {dimension_semantics = [#tpu.dimension_semantics<core_parallel>, #tpu.dimension_semantics<subcore_parallel>], iteration_bounds = array<i64: 2, 16>, scalar_prefetch = 0 : i64, scratch_operands = 7 : i64, tpu.core_type = #tpu.core_type<sc_vector_subcore>, window_params = [{transform_indices = #map}, {transform_indices = #map}, {transform_indices = #map}, {transform_indices = #map1}]} {
    %mul3A = arith.constant 2 : i32
    %mul3A_0 = arith.muli %arg1, %mul3A : i32
    %add3A = arith.addi %mul3A_0, %arg0 : i32
    %scan3A = arith.constant 0 : i32
    %scan3A_1 = arith.constant 0 : i32
    %scan3A_2 = arith.constant 128 : i32
    %scan3A_3 = arith.addi %scan3A_1, %scan3A_2 : i32
    %scan3A_4 = arith.constant 1 : i32
    %scan3A_5 = scf.for %scan3A_55 = %scan3A_1 to %scan3A_3 step %scan3A_4 iter_args(%scan3A_56 = %scan3A) -> (i32)  : i32 {
      %broadcast_in_dim3A = arith.constant 0.000000e+00 : f32
      %broadcast_in_dim3A_57 = vector.broadcast %broadcast_in_dim3A : f32 to vector<16xf32>
      %swap3A = arith.constant 0 : i32
      %swap3A_58 = tpu.memref_slice %arg8[%scan3A_55, %swap3A] : memref<128x128xf32, #tpu.memory_space<vmem>> -> memref<1x128xf32, #tpu.memory_space<vmem>>
      %swap3A_59 = tpu.memref_squeeze %swap3A_58 : memref<1x128xf32, #tpu.memory_space<vmem>> -> memref<128xf32, #tpu.memory_space<vmem>>
      %swap3A_60 = arith.constant 0 : index
      %swap3A_61 = tpu.vector_load %swap3A_59[%swap3A_60] {strides = array<i32>} : memref<128xf32, #tpu.memory_space<vmem>>, vector<16xf32>,
      %swap3A_62 = vector.shape_cast %swap3A_61 : vector<16xf32> to vector<16xf32>
      %swap3A_63 = vector.shape_cast %broadcast_in_dim3A_57 : vector<16xf32> to vector<16xf32>
      tpu.vector_store %swap3A_59[%swap3A_60], %swap3A_63 {strides = array<i32>} : memref<128xf32, #tpu.memory_space<vmem>>, vector<16xf32>,
      %broadcast_in_dim3A_64 = arith.constant 0.000000e+00 : f32
      %broadcast_in_dim3A_65 = vector.broadcast %broadcast_in_dim3A_64 : f32 to vector<16xf32>
      %swap3A_66 = arith.constant 0 : i32
      %swap3A_67 = tpu.memref_slice %arg8[%scan3A_55, %swap3A_66] : memref<128x128xf32, #tpu.memory_space<vmem>> -> memref<1x128xf32, #tpu.memory_space<vmem>>
      %swap3A_68 = tpu.memref_squeeze %swap3A_67 : memref<1x128xf32, #tpu.memory_space<vmem>> -> memref<128xf32, #tpu.memory_space<vmem>>
      %swap3A_69 = arith.constant 16 : index
      %swap3A_70 = tpu.vector_load %swap3A_68[%swap3A_69] {strides = array<i32>} : memref<128xf32, #tpu.memory_space<vmem>>, vector<16xf32>,
      %swap3A_71 = vector.shape_cast %swap3A_70 : vector<16xf32> to vector<16xf32>
      %swap3A_72 = vector.shape_cast %broadcast_in_dim3A_65 : vector<16xf32> to vector<16xf32>
      tpu.vector_store %swap3A_68[%swap3A_69], %swap3A_72 {strides = array<i32>} : memref<128xf32, #tpu.memory_space<vmem>>, vector<16xf32>,
      %broadcast_in_dim3A_73 = arith.constant 0.000000e+00 : f32
      %broadcast_in_dim3A_74 = vector.broadcast %broadcast_in_dim3A_73 : f32 to vector<16xf32>
      %swap3A_75 = arith.constant 0 : i32
      %swap3A_76 = tpu.memref_slice %arg8[%scan3A_55, %swap3A_75] : memref<128x128xf32, #tpu.memory_space<vmem>> -> memref<1x128xf32, #tpu.memory_space<vmem>>
      %swap3A_77 = tpu.memref_squeeze %swap3A_76 : memref<1x128xf32, #tpu.memory_space<vmem>> -> memref<128xf32, #tpu.memory_space<vmem>>
      %swap3A_78 = arith.constant 32 : index
      %swap3A_79 = tpu.vector_load %swap3A_77[%swap3A_78] {strides = array<i32>} : memref<128xf32, #tpu.memory_space<vmem>>, vector<16xf32>,
      %swap3A_80 = vector.shape_cast %swap3A_79 : vector<16xf32> to vector<16xf32>
      %swap3A_81 = vector.shape_cast %broadcast_in_dim3A_74 : vector<16xf32> to vector<16xf32>
      tpu.vector_store %swap3A_77[%swap3A_78], %swap3A_81 {strides = array<i32>} : memref<128xf32, #tpu.memory_space<vmem>>, vector<16xf32>,
      %broadcast_in_dim3A_82 = arith.constant 0.000000e+00 : f32
      %broadcast_in_dim3A_83 = vector.broadcast %broadcast_in_dim3A_82 : f32 to vector<16xf32>
      %swap3A_84 = arith.constant 0 : i32
      %swap3A_85 = tpu.memref_slice %arg8[%scan3A_55, %swap3A_84] : memref<128x128xf32, #tpu.memory_space<vmem>> -> memref<1x128xf32, #tpu.memory_space<vmem>>
      %swap3A_86 = tpu.memref_squeeze %swap3A_85 : memref<1x128xf32, #tpu.memory_space<vmem>> -> memref<128xf32, #tpu.memory_space<vmem>>
      %swap3A_87 = arith.constant 48 : index
      %swap3A_88 = tpu.vector_load %swap3A_86[%swap3A_87] {strides = array<i32>} : memref<128xf32, #tpu.memory_space<vmem>>, vector<16xf32>,
      %swap3A_89 = vector.shape_cast %swap3A_88 : vector<16xf32> to vector<16xf32>
      %swap3A_90 = vector.shape_cast %broadcast_in_dim3A_83 : vector<16xf32> to vector<16xf32>
      tpu.vector_store %swap3A_86[%swap3A_87], %swap3A_90 {strides = array<i32>} : memref<128xf32, #tpu.memory_space<vmem>>, vector<16xf32>,
      %broadcast_in_dim3A_91 = arith.constant 0.000000e+00 : f32
      %broadcast_in_dim3A_92 = vector.broadcast %broadcast_in_dim3A_91 : f32 to vector<16xf32>
      %swap3A_93 = arith.constant 0 : i32
      %swap3A_94 = tpu.memref_slice %arg8[%scan3A_55, %swap3A_93] : memref<128x128xf32, #tpu.memory_space<vmem>> -> memref<1x128xf32, #tpu.memory_space<vmem>>
      %swap3A_95 = tpu.memref_squeeze %swap3A_94 : memref<1x128xf32, #tpu.memory_space<vmem>> -> memref<128xf32, #tpu.memory_space<vmem>>
      %swap3A_96 = arith.constant 64 : index
      %swap3A_97 = tpu.vector_load %swap3A_95[%swap3A_96] {strides = array<i32>} : memref<128xf32, #tpu.memory_space<vmem>>, vector<16xf32>,
      %swap3A_98 = vector.shape_cast %swap3A_97 : vector<16xf32> to vector<16xf32>
      %swap3A_99 = vector.shape_cast %broadcast_in_dim3A_92 : vector<16xf32> to vector<16xf32>
      tpu.vector_store %swap3A_95[%swap3A_96], %swap3A_99 {strides = array<i32>} : memref<128xf32, #tpu.memory_space<vmem>>, vector<16xf32>,
      %broadcast_in_dim3A_100 = arith.constant 0.000000e+00 : f32
      %broadcast_in_dim3A_101 = vector.broadcast %broadcast_in_dim3A_100 : f32 to vector<16xf32>
      %swap3A_102 = arith.constant 0 : i32
      %swap3A_103 = tpu.memref_slice %arg8[%scan3A_55, %swap3A_102] : memref<128x128xf32, #tpu.memory_space<vmem>> -> memref<1x128xf32, #tpu.memory_space<vmem>>
      %swap3A_104 = tpu.memref_squeeze %swap3A_103 : memref<1x128xf32, #tpu.memory_space<vmem>> -> memref<128xf32, #tpu.memory_space<vmem>>
      %swap3A_105 = arith.constant 80 : index
      %swap3A_106 = tpu.vector_load %swap3A_104[%swap3A_105] {strides = array<i32>} : memref<128xf32, #tpu.memory_space<vmem>>, vector<16xf32>,
      %swap3A_107 = vector.shape_cast %swap3A_106 : vector<16xf32> to vector<16xf32>
      %swap3A_108 = vector.shape_cast %broadcast_in_dim3A_101 : vector<16xf32> to vector<16xf32>
      tpu.vector_store %swap3A_104[%swap3A_105], %swap3A_108 {strides = array<i32>} : memref<128xf32, #tpu.memory_space<vmem>>, vector<16xf32>,
      %broadcast_in_dim3A_109 = arith.constant 0.000000e+00 : f32
      %broadcast_in_dim3A_110 = vector.broadcast %broadcast_in_dim3A_109 : f32 to vector<16xf32>
      %swap3A_111 = arith.constant 0 : i32
      %swap3A_112 = tpu.memref_slice %arg8[%scan3A_55, %swap3A_111] : memref<128x128xf32, #tpu.memory_space<vmem>> -> memref<1x128xf32, #tpu.memory_space<vmem>>
      %swap3A_113 = tpu.memref_squeeze %swap3A_112 : memref<1x128xf32, #tpu.memory_space<vmem>> -> memref<128xf32, #tpu.memory_space<vmem>>
      %swap3A_114 = arith.constant 96 : index
      %swap3A_115 = tpu.vector_load %swap3A_113[%swap3A_114] {strides = array<i32>} : memref<128xf32, #tpu.memory_space<vmem>>, vector<16xf32>,
      %swap3A_116 = vector.shape_cast %swap3A_115 : vector<16xf32> to vector<16xf32>
      %swap3A_117 = vector.shape_cast %broadcast_in_dim3A_110 : vector<16xf32> to vector<16xf32>
      tpu.vector_store %swap3A_113[%swap3A_114], %swap3A_117 {strides = array<i32>} : memref<128xf32, #tpu.memory_space<vmem>>, vector<16xf32>,
      %broadcast_in_dim3A_118 = arith.constant 0.000000e+00 : f32
      %broadcast_in_dim3A_119 = vector.broadcast %broadcast_in_dim3A_118 : f32 to vector<16xf32>
      %swap3A_120 = arith.constant 0 : i32
      %swap3A_121 = tpu.memref_slice %arg8[%scan3A_55, %swap3A_120] : memref<128x128xf32, #tpu.memory_space<vmem>> -> memref<1x128xf32, #tpu.memory_space<vmem>>
      %swap3A_122 = tpu.memref_squeeze %swap3A_121 : memref<1x128xf32, #tpu.memory_space<vmem>> -> memref<128xf32, #tpu.memory_space<vmem>>
      %swap3A_123 = arith.constant 112 : index
      %swap3A_124 = tpu.vector_load %swap3A_122[%swap3A_123] {strides = array<i32>} : memref<128xf32, #tpu.memory_space<vmem>>, vector<16xf32>,
      %swap3A_125 = vector.shape_cast %swap3A_124 : vector<16xf32> to vector<16xf32>
      %swap3A_126 = vector.shape_cast %broadcast_in_dim3A_119 : vector<16xf32> to vector<16xf32>
      tpu.vector_store %swap3A_122[%swap3A_123], %swap3A_126 {strides = array<i32>} : memref<128xf32, #tpu.memory_space<vmem>>, vector<16xf32>,
      %scan3A_127 = arith.constant 0 : i32
      scf.yield %scan3A_127 : i32
    }
    %scan3A_6 = arith.constant 128 : i32
    %scan3A_7 = arith.constant 0 : i32
    %scan3A_8 = arith.constant 0 : i32
    %scan3A_9 = arith.constant 5 : i32
    %scan3A_10 = arith.addi %scan3A_8, %scan3A_9 : i32
    %scan3A_11 = arith.constant 1 : i32
    %scan3A_12 = scf.for %scan3A_55 = %scan3A_8 to %scan3A_10 step %scan3A_11 iter_args(%scan3A_56 = %scan3A_7) -> (i32)  : i32 {
      %mul3A_57 = arith.constant 640 : i32
      %mul3A_58 = arith.muli %arg1, %mul3A_57 : i32
      %mul3A_59 = arith.constant 128 : i32
      %mul3A_60 = arith.muli %scan3A_55, %mul3A_59 : i32
      %add3A_61 = arith.addi %mul3A_58, %mul3A_60 : i32
      "tpu.region"() ({
        %run_scoped3A = tpu.sem_alloc : memref<!tpu.dma_semaphore, #tpu.memory_space<semaphore_mem>>
        %dma_start3A_63 = arith.constant 0 : i32
        %dma_start3A_64 = tpu.memref_slice %arg10[%add3A_61, %dma_start3A_63] : memref<10240x128xf32, #tpu.memory_space<vmem_shared>> -> memref<128x128xf32, #tpu.memory_space<vmem_shared>>
        %dma_start3A_65 = arith.constant 0 : i32
        %dma_start3A_66 = tpu.memref_slice %arg10[%add3A_61, %dma_start3A_65] : memref<10240x128xf32, #tpu.memory_space<vmem_shared>> -> memref<128x128xf32, #tpu.memory_space<vmem_shared>>
        tpu.enqueue_dma source(%arg8 : memref<128x128xf32, #tpu.memory_space<vmem>>) target(%dma_start3A_66 : memref<128x128xf32, #tpu.memory_space<vmem_shared>>) target_semaphore(%run_scoped3A : memref<!tpu.dma_semaphore, #tpu.memory_space<semaphore_mem>>)
        %dma_wait3A = arith.constant 0 : i32
        %dma_wait3A_67 = tpu.memref_slice %arg10[%add3A_61, %dma_wait3A] : memref<10240x128xf32, #tpu.memory_space<vmem_shared>> -> memref<128x128xf32, #tpu.memory_space<vmem_shared>>
        %dma_wait3A_68 = arith.constant 0 : i32
        %dma_wait3A_69 = tpu.memref_slice %arg10[%add3A_61, %dma_wait3A_68] : memref<10240x128xf32, #tpu.memory_space<vmem_shared>> -> memref<128x128xf32, #tpu.memory_space<vmem_shared>>
        tpu.wait_dma2 semaphore(%run_scoped3A : memref<!tpu.dma_semaphore, #tpu.memory_space<semaphore_mem>>) src(%arg8 : memref<128x128xf32, #tpu.memory_space<vmem>>) dst(%dma_wait3A_69 : memref<128x128xf32, #tpu.memory_space<vmem_shared>>)
        tpu.yield
      }) : () -> ()
      %scan3A_62 = arith.constant 0 : i32
      scf.yield %scan3A_62 : i32
    }
    %scan3A_13 = arith.constant 5 : i32
    %barrier3A = arith.constant 0 : index
    tpu.barrier barrier_id(%barrier3A)
    %mul3A_14 = arith.constant 80 : i32
    %mul3A_15 = arith.muli %add3A, %mul3A_14 : i32
    %add3A_16 = arith.constant 0 : i32
    %add3A_17 = arith.addi %mul3A_15, %add3A_16 : i32
    "tpu.region"() ({
      %run_scoped3A = tpu.sem_alloc : memref<!tpu.dma_semaphore, #tpu.memory_space<semaphore_mem>>
      %dma_start3A_55 = arith.constant 0 : i32
      %dma_start3A_56 = tpu.memref_slice %arg3[%add3A_17, %dma_start3A_55] : memref<2560x128xi32, #tpu.memory_space<hbm>> -> memref<40x128xi32, #tpu.memory_space<hbm>>
      %dma_start3A_57 = arith.constant 0 : i32
      %dma_start3A_58 = tpu.memref_slice %arg3[%add3A_17, %dma_start3A_57] : memref<2560x128xi32, #tpu.memory_space<hbm>> -> memref<40x128xi32, #tpu.memory_space<hbm>>
      tpu.enqueue_dma source(%dma_start3A_58 : memref<40x128xi32, #tpu.memory_space<hbm>>) target(%arg6 : memref<40x128xi32, #tpu.memory_space<vmem>>) target_semaphore(%run_scoped3A : memref<!tpu.dma_semaphore, #tpu.memory_space<semaphore_mem>>)
      %dma_wait3A = arith.constant 0 : i32
      %dma_wait3A_59 = tpu.memref_slice %arg3[%add3A_17, %dma_wait3A] : memref<2560x128xi32, #tpu.memory_space<hbm>> -> memref<40x128xi32, #tpu.memory_space<hbm>>
      %dma_wait3A_60 = arith.constant 0 : i32
      %dma_wait3A_61 = tpu.memref_slice %arg3[%add3A_17, %dma_wait3A_60] : memref<2560x128xi32, #tpu.memory_space<hbm>> -> memref<40x128xi32, #tpu.memory_space<hbm>>
      tpu.wait_dma2 semaphore(%run_scoped3A : memref<!tpu.dma_semaphore, #tpu.memory_space<semaphore_mem>>) src(%dma_wait3A_61 : memref<40x128xi32, #tpu.memory_space<hbm>>) dst(%arg6 : memref<40x128xi32, #tpu.memory_space<vmem>>)
      tpu.yield
    }) : () -> ()
    "tpu.region"() ({
      %run_scoped3A = tpu.sem_alloc : memref<!tpu.dma_semaphore, #tpu.memory_space<semaphore_mem>>
      %dma_start3A_55 = arith.constant 0 : i32
      %dma_start3A_56 = tpu.memref_slice %arg4[%add3A_17, %dma_start3A_55] : memref<2560x128xi32, #tpu.memory_space<hbm>> -> memref<40x128xi32, #tpu.memory_space<hbm>>
      %dma_start3A_57 = arith.constant 0 : i32
      %dma_start3A_58 = tpu.memref_slice %arg4[%add3A_17, %dma_start3A_57] : memref<2560x128xi32, #tpu.memory_space<hbm>> -> memref<40x128xi32, #tpu.memory_space<hbm>>
      tpu.enqueue_dma source(%dma_start3A_58 : memref<40x128xi32, #tpu.memory_space<hbm>>) target(%arg7 : memref<40x128xi32, #tpu.memory_space<vmem>>) target_semaphore(%run_scoped3A : memref<!tpu.dma_semaphore, #tpu.memory_space<semaphore_mem>>)
      %dma_wait3A = arith.constant 0 : i32
      %dma_wait3A_59 = tpu.memref_slice %arg4[%add3A_17, %dma_wait3A] : memref<2560x128xi32, #tpu.memory_space<hbm>> -> memref<40x128xi32, #tpu.memory_space<hbm>>
      %dma_wait3A_60 = arith.constant 0 : i32
      %dma_wait3A_61 = tpu.memref_slice %arg4[%add3A_17, %dma_wait3A_60] : memref<2560x128xi32, #tpu.memory_space<hbm>> -> memref<40x128xi32, #tpu.memory_space<hbm>>
      tpu.wait_dma2 semaphore(%run_scoped3A : memref<!tpu.dma_semaphore, #tpu.memory_space<semaphore_mem>>) src(%dma_wait3A_61 : memref<40x128xi32, #tpu.memory_space<hbm>>) dst(%arg7 : memref<40x128xi32, #tpu.memory_space<vmem>>)
      tpu.yield
    }) : () -> ()
    %dma_start3A = arith.constant 0 : i32
    %dma_start3A_18 = arith.constant 0 : i32
    %dma_start3A_19 = tpu.memref_slice %arg6[%dma_start3A, %dma_start3A_18] : memref<40x128xi32, #tpu.memory_space<vmem>> -> memref<1x128xi32, #tpu.memory_space<vmem>>
    %dma_start3A_20 = tpu.memref_squeeze %dma_start3A_19 : memref<1x128xi32, #tpu.memory_space<vmem>> -> memref<128xi32, #tpu.memory_space<vmem>>
    %dma_start3A_21 = arith.constant 0 : i32
    %dma_start3A_22 = arith.constant 0 : i32
    %dma_start3A_23 = tpu.memref_slice %arg2[%dma_start3A_21, %dma_start3A_22] : memref<10000x128xf32, #tpu.memory_space<hbm>> -> memref<10000x128xf32, #tpu.memory_space<hbm>>
    tpu.enqueue_indirect_dma source(%dma_start3A_23 : memref<10000x128xf32, #tpu.memory_space<hbm>>) target(%arg8 : memref<128x128xf32, #tpu.memory_space<vmem>>) offsets(%dma_start3A_20 : memref<128xi32, #tpu.memory_space<vmem>>) semaphore(%arg11 : memref<!tpu.dma_semaphore, #tpu.memory_space<semaphore_mem>>)
    %scan3A_24 = arith.constant 0 : i32
    %scan3A_25 = arith.constant 0 : i32
    %scan3A_26 = arith.constant 20 : i32
    %scan3A_27 = arith.addi %scan3A_25, %scan3A_26 : i32
    %scan3A_28 = arith.constant 1 : i32
    %scan3A_29 = scf.for %scan3A_55 = %scan3A_25 to %scan3A_27 step %scan3A_28 iter_args(%scan3A_56 = %scan3A_24) -> (i32)  : i32 {
      %mul3A_57 = arith.constant 2 : i32
      %mul3A_58 = arith.muli %mul3A_57, %scan3A_55 : i32
      %dma_wait3A = arith.constant 0 : i32
      %dma_wait3A_59 = tpu.memref_slice %arg6[%mul3A_58, %dma_wait3A] : memref<40x128xi32, #tpu.memory_space<vmem>> -> memref<1x128xi32, #tpu.memory_space<vmem>>
      %dma_wait3A_60 = tpu.memref_squeeze %dma_wait3A_59 : memref<1x128xi32, #tpu.memory_space<vmem>> -> memref<128xi32, #tpu.memory_space<vmem>>
      %dma_wait3A_61 = arith.constant 0 : i32
      %dma_wait3A_62 = arith.constant 0 : i32
      %dma_wait3A_63 = tpu.memref_slice %arg2[%dma_wait3A_61, %dma_wait3A_62] : memref<10000x128xf32, #tpu.memory_space<hbm>> -> memref<10000x128xf32, #tpu.memory_space<hbm>>
      tpu.wait_indirect_dma semaphore(%arg11 : memref<!tpu.dma_semaphore, #tpu.memory_space<semaphore_mem>>) src(%dma_wait3A_63 : memref<10000x128xf32, #tpu.memory_space<hbm>>) dst(%arg8 : memref<128x128xf32, #tpu.memory_space<vmem>>)
      %add3A_64 = arith.constant 1 : i32
      %add3A_65 = arith.addi %mul3A_58, %add3A_64 : i32
      %dma_start3A_66 = arith.constant 0 : i32
      %dma_start3A_67 = tpu.memref_slice %arg6[%add3A_65, %dma_start3A_66] : memref<40x128xi32, #tpu.memory_space<vmem>> -> memref<1x128xi32, #tpu.memory_space<vmem>>
      %dma_start3A_68 = tpu.memref_squeeze %dma_start3A_67 : memref<1x128xi32, #tpu.memory_space<vmem>> -> memref<128xi32, #tpu.memory_space<vmem>>
      %dma_start3A_69 = arith.constant 0 : i32
      %dma_start3A_70 = arith.constant 0 : i32
      %dma_start3A_71 = tpu.memref_slice %arg2[%dma_start3A_69, %dma_start3A_70] : memref<10000x128xf32, #tpu.memory_space<hbm>> -> memref<10000x128xf32, #tpu.memory_space<hbm>>
      tpu.enqueue_indirect_dma source(%dma_start3A_71 : memref<10000x128xf32, #tpu.memory_space<hbm>>) target(%arg9 : memref<128x128xf32, #tpu.memory_space<vmem>>) offsets(%dma_start3A_68 : memref<128xi32, #tpu.memory_space<vmem>>) semaphore(%arg12 : memref<!tpu.dma_semaphore, #tpu.memory_space<semaphore_mem>>)
      "tpu.region"() ({
        %run_scoped3A = tpu.sem_alloc : memref<!tpu.dma_semaphore, #tpu.memory_space<semaphore_mem>>
        %dma_start3A_85 = arith.constant 0 : i32
        %dma_start3A_86 = tpu.memref_slice %arg7[%mul3A_58, %dma_start3A_85] : memref<40x128xi32, #tpu.memory_space<vmem>> -> memref<1x128xi32, #tpu.memory_space<vmem>>
        %dma_start3A_87 = tpu.memref_squeeze %dma_start3A_86 : memref<1x128xi32, #tpu.memory_space<vmem>> -> memref<128xi32, #tpu.memory_space<vmem>>
        %dma_start3A_88 = arith.constant 0 : i32
        %dma_start3A_89 = arith.constant 0 : i32
        %dma_start3A_90 = tpu.memref_slice %arg10[%dma_start3A_88, %dma_start3A_89] : memref<10240x128xf32, #tpu.memory_space<vmem_shared>> -> memref<10240x128xf32, #tpu.memory_space<vmem_shared>>
        tpu.enqueue_indirect_dma source(%arg8 : memref<128x128xf32, #tpu.memory_space<vmem>>) target(%dma_start3A_90 : memref<10240x128xf32, #tpu.memory_space<vmem_shared>>) offsets(%dma_start3A_87 : memref<128xi32, #tpu.memory_space<vmem>>) semaphore(%run_scoped3A : memref<!tpu.dma_semaphore, #tpu.memory_space<semaphore_mem>>) {add = true}
        %dma_wait3A_91 = arith.constant 0 : i32
        %dma_wait3A_92 = tpu.memref_slice %arg7[%mul3A_58, %dma_wait3A_91] : memref<40x128xi32, #tpu.memory_space<vmem>> -> memref<1x128xi32, #tpu.memory_space<vmem>>
        %dma_wait3A_93 = tpu.memref_squeeze %dma_wait3A_92 : memref<1x128xi32, #tpu.memory_space<vmem>> -> memref<128xi32, #tpu.memory_space<vmem>>
        %dma_wait3A_94 = arith.constant 0 : i32
        %dma_wait3A_95 = arith.constant 0 : i32
        %dma_wait3A_96 = tpu.memref_slice %arg10[%dma_wait3A_94, %dma_wait3A_95] : memref<10240x128xf32, #tpu.memory_space<vmem_shared>> -> memref<10240x128xf32, #tpu.memory_space<vmem_shared>>
        tpu.wait_indirect_dma semaphore(%run_scoped3A : memref<!tpu.dma_semaphore, #tpu.memory_space<semaphore_mem>>) src(%arg8 : memref<128x128xf32, #tpu.memory_space<vmem>>) dst(%dma_wait3A_96 : memref<10240x128xf32, #tpu.memory_space<vmem_shared>>)
        tpu.yield
      }) : () -> ()
      %add3A_72 = arith.constant 1 : i32
      %add3A_73 = arith.addi %mul3A_58, %add3A_72 : i32
      %dma_wait3A_74 = arith.constant 0 : i32
      %dma_wait3A_75 = tpu.memref_slice %arg6[%add3A_73, %dma_wait3A_74] : memref<40x128xi32, #tpu.memory_space<vmem>> -> memref<1x128xi32, #tpu.memory_space<vmem>>
      %dma_wait3A_76 = tpu.memref_squeeze %dma_wait3A_75 : memref<1x128xi32, #tpu.memory_space<vmem>> -> memref<128xi32, #tpu.memory_space<vmem>>
      %dma_wait3A_77 = arith.constant 0 : i32
      %dma_wait3A_78 = arith.constant 0 : i32
      %dma_wait3A_79 = tpu.memref_slice %arg2[%dma_wait3A_77, %dma_wait3A_78] : memref<10000x128xf32, #tpu.memory_space<hbm>> -> memref<10000x128xf32, #tpu.memory_space<hbm>>
      tpu.wait_indirect_dma semaphore(%arg12 : memref<!tpu.dma_semaphore, #tpu.memory_space<semaphore_mem>>) src(%dma_wait3A_79 : memref<10000x128xf32, #tpu.memory_space<hbm>>) dst(%arg9 : memref<128x128xf32, #tpu.memory_space<vmem>>)
      %lt3A = arith.constant 19 : i32
      %lt3A_80 = arith.cmpi slt, %scan3A_55, %lt3A : i32
      %convert_element_type3A = arith.extui %lt3A_80 : i1 to i32
      %cond3A = arith.constant 0 : i32
      %cond3A_81 = arith.cmpi ne, %convert_element_type3A, %cond3A : i32
      scf.if %cond3A_81 {
        %add3A_85 = arith.constant 2 : i32
        %add3A_86 = arith.addi %mul3A_58, %add3A_85 : i32
        %dma_start3A_87 = arith.constant 0 : i32
        %dma_start3A_88 = tpu.memref_slice %arg6[%add3A_86, %dma_start3A_87] : memref<40x128xi32, #tpu.memory_space<vmem>> -> memref<1x128xi32, #tpu.memory_space<vmem>>
        %dma_start3A_89 = tpu.memref_squeeze %dma_start3A_88 : memref<1x128xi32, #tpu.memory_space<vmem>> -> memref<128xi32, #tpu.memory_space<vmem>>
        %dma_start3A_90 = arith.constant 0 : i32
        %dma_start3A_91 = arith.constant 0 : i32
        %dma_start3A_92 = tpu.memref_slice %arg2[%dma_start3A_90, %dma_start3A_91] : memref<10000x128xf32, #tpu.memory_space<hbm>> -> memref<10000x128xf32, #tpu.memory_space<hbm>>
        tpu.enqueue_indirect_dma source(%dma_start3A_92 : memref<10000x128xf32, #tpu.memory_space<hbm>>) target(%arg8 : memref<128x128xf32, #tpu.memory_space<vmem>>) offsets(%dma_start3A_89 : memref<128xi32, #tpu.memory_space<vmem>>) semaphore(%arg11 : memref<!tpu.dma_semaphore, #tpu.memory_space<semaphore_mem>>)
      } else {
      }
      %add3A_82 = arith.constant 1 : i32
      %add3A_83 = arith.addi %mul3A_58, %add3A_82 : i32
      "tpu.region"() ({
        %run_scoped3A = tpu.sem_alloc : memref<!tpu.dma_semaphore, #tpu.memory_space<semaphore_mem>>
        %dma_start3A_85 = arith.constant 0 : i32
        %dma_start3A_86 = tpu.memref_slice %arg7[%add3A_83, %dma_start3A_85] : memref<40x128xi32, #tpu.memory_space<vmem>> -> memref<1x128xi32, #tpu.memory_space<vmem>>
        %dma_start3A_87 = tpu.memref_squeeze %dma_start3A_86 : memref<1x128xi32, #tpu.memory_space<vmem>> -> memref<128xi32, #tpu.memory_space<vmem>>
        %dma_start3A_88 = arith.constant 0 : i32
        %dma_start3A_89 = arith.constant 0 : i32
        %dma_start3A_90 = tpu.memref_slice %arg10[%dma_start3A_88, %dma_start3A_89] : memref<10240x128xf32, #tpu.memory_space<vmem_shared>> -> memref<10240x128xf32, #tpu.memory_space<vmem_shared>>
        tpu.enqueue_indirect_dma source(%arg9 : memref<128x128xf32, #tpu.memory_space<vmem>>) target(%dma_start3A_90 : memref<10240x128xf32, #tpu.memory_space<vmem_shared>>) offsets(%dma_start3A_87 : memref<128xi32, #tpu.memory_space<vmem>>) semaphore(%run_scoped3A : memref<!tpu.dma_semaphore, #tpu.memory_space<semaphore_mem>>) {add = true}
        %dma_wait3A_91 = arith.constant 0 : i32
        %dma_wait3A_92 = tpu.memref_slice %arg7[%add3A_83, %dma_wait3A_91] : memref<40x128xi32, #tpu.memory_space<vmem>> -> memref<1x128xi32, #tpu.memory_space<vmem>>
        %dma_wait3A_93 = tpu.memref_squeeze %dma_wait3A_92 : memref<1x128xi32, #tpu.memory_space<vmem>> -> memref<128xi32, #tpu.memory_space<vmem>>
        %dma_wait3A_94 = arith.constant 0 : i32
        %dma_wait3A_95 = arith.constant 0 : i32
        %dma_wait3A_96 = tpu.memref_slice %arg10[%dma_wait3A_94, %dma_wait3A_95] : memref<10240x128xf32, #tpu.memory_space<vmem_shared>> -> memref<10240x128xf32, #tpu.memory_space<vmem_shared>>
        tpu.wait_indirect_dma semaphore(%run_scoped3A : memref<!tpu.dma_semaphore, #tpu.memory_space<semaphore_mem>>) src(%arg9 : memref<128x128xf32, #tpu.memory_space<vmem>>) dst(%dma_wait3A_96 : memref<10240x128xf32, #tpu.memory_space<vmem_shared>>)
        tpu.yield
      }) : () -> ()
      %scan3A_84 = arith.constant 0 : i32
      scf.yield %scan3A_84 : i32
    }
    %scan3A_30 = arith.constant 20 : i32
    %add3A_31 = arith.constant 40 : i32
    %add3A_32 = arith.addi %mul3A_15, %add3A_31 : i32
    "tpu.region"() ({
      %run_scoped3A = tpu.sem_alloc : memref<!tpu.dma_semaphore, #tpu.memory_space<semaphore_mem>>
      %dma_start3A_55 = arith.constant 0 : i32
      %dma_start3A_56 = tpu.memref_slice %arg3[%add3A_32, %dma_start3A_55] : memref<2560x128xi32, #tpu.memory_space<hbm>> -> memref<40x128xi32, #tpu.memory_space<hbm>>
      %dma_start3A_57 = arith.constant 0 : i32
      %dma_start3A_58 = tpu.memref_slice %arg3[%add3A_32, %dma_start3A_57] : memref<2560x128xi32, #tpu.memory_space<hbm>> -> memref<40x128xi32, #tpu.memory_space<hbm>>
      tpu.enqueue_dma source(%dma_start3A_58 : memref<40x128xi32, #tpu.memory_space<hbm>>) target(%arg6 : memref<40x128xi32, #tpu.memory_space<vmem>>) target_semaphore(%run_scoped3A : memref<!tpu.dma_semaphore, #tpu.memory_space<semaphore_mem>>)
      %dma_wait3A = arith.constant 0 : i32
      %dma_wait3A_59 = tpu.memref_slice %arg3[%add3A_32, %dma_wait3A] : memref<2560x128xi32, #tpu.memory_space<hbm>> -> memref<40x128xi32, #tpu.memory_space<hbm>>
      %dma_wait3A_60 = arith.constant 0 : i32
      %dma_wait3A_61 = tpu.memref_slice %arg3[%add3A_32, %dma_wait3A_60] : memref<2560x128xi32, #tpu.memory_space<hbm>> -> memref<40x128xi32, #tpu.memory_space<hbm>>
      tpu.wait_dma2 semaphore(%run_scoped3A : memref<!tpu.dma_semaphore, #tpu.memory_space<semaphore_mem>>) src(%dma_wait3A_61 : memref<40x128xi32, #tpu.memory_space<hbm>>) dst(%arg6 : memref<40x128xi32, #tpu.memory_space<vmem>>)
      tpu.yield
    }) : () -> ()
    "tpu.region"() ({
      %run_scoped3A = tpu.sem_alloc : memref<!tpu.dma_semaphore, #tpu.memory_space<semaphore_mem>>
      %dma_start3A_55 = arith.constant 0 : i32
      %dma_start3A_56 = tpu.memref_slice %arg4[%add3A_32, %dma_start3A_55] : memref<2560x128xi32, #tpu.memory_space<hbm>> -> memref<40x128xi32, #tpu.memory_space<hbm>>
      %dma_start3A_57 = arith.constant 0 : i32
      %dma_start3A_58 = tpu.memref_slice %arg4[%add3A_32, %dma_start3A_57] : memref<2560x128xi32, #tpu.memory_space<hbm>> -> memref<40x128xi32, #tpu.memory_space<hbm>>
      tpu.enqueue_dma source(%dma_start3A_58 : memref<40x128xi32, #tpu.memory_space<hbm>>) target(%arg7 : memref<40x128xi32, #tpu.memory_space<vmem>>) target_semaphore(%run_scoped3A : memref<!tpu.dma_semaphore, #tpu.memory_space<semaphore_mem>>)
      %dma_wait3A = arith.constant 0 : i32
      %dma_wait3A_59 = tpu.memref_slice %arg4[%add3A_32, %dma_wait3A] : memref<2560x128xi32, #tpu.memory_space<hbm>> -> memref<40x128xi32, #tpu.memory_space<hbm>>
      %dma_wait3A_60 = arith.constant 0 : i32
      %dma_wait3A_61 = tpu.memref_slice %arg4[%add3A_32, %dma_wait3A_60] : memref<2560x128xi32, #tpu.memory_space<hbm>> -> memref<40x128xi32, #tpu.memory_space<hbm>>
      tpu.wait_dma2 semaphore(%run_scoped3A : memref<!tpu.dma_semaphore, #tpu.memory_space<semaphore_mem>>) src(%dma_wait3A_61 : memref<40x128xi32, #tpu.memory_space<hbm>>) dst(%arg7 : memref<40x128xi32, #tpu.memory_space<vmem>>)
      tpu.yield
    }) : () -> ()
    %dma_start3A_33 = arith.constant 0 : i32
    %dma_start3A_34 = arith.constant 0 : i32
    %dma_start3A_35 = tpu.memref_slice %arg6[%dma_start3A_33, %dma_start3A_34] : memref<40x128xi32, #tpu.memory_space<vmem>> -> memref<1x128xi32, #tpu.memory_space<vmem>>
    %dma_start3A_36 = tpu.memref_squeeze %dma_start3A_35 : memref<1x128xi32, #tpu.memory_space<vmem>> -> memref<128xi32, #tpu.memory_space<vmem>>
    %dma_start3A_37 = arith.constant 0 : i32
    %dma_start3A_38 = arith.constant 0 : i32
    %dma_start3A_39 = tpu.memref_slice %arg2[%dma_start3A_37, %dma_start3A_38] : memref<10000x128xf32, #tpu.memory_space<hbm>> -> memref<10000x128xf32, #tpu.memory_space<hbm>>
    tpu.enqueue_indirect_dma source(%dma_start3A_39 : memref<10000x128xf32, #tpu.memory_space<hbm>>) target(%arg8 : memref<128x128xf32, #tpu.memory_space<vmem>>) offsets(%dma_start3A_36 : memref<128xi32, #tpu.memory_space<vmem>>) semaphore(%arg11 : memref<!tpu.dma_semaphore, #tpu.memory_space<semaphore_mem>>)
    %scan3A_40 = arith.constant 0 : i32
    %scan3A_41 = arith.constant 0 : i32
    %scan3A_42 = arith.constant 20 : i32
    %scan3A_43 = arith.addi %scan3A_41, %scan3A_42 : i32
    %scan3A_44 = arith.constant 1 : i32
    %scan3A_45 = scf.for %scan3A_55 = %scan3A_41 to %scan3A_43 step %scan3A_44 iter_args(%scan3A_56 = %scan3A_40) -> (i32)  : i32 {
      %mul3A_57 = arith.constant 2 : i32
      %mul3A_58 = arith.muli %mul3A_57, %scan3A_55 : i32
      %dma_wait3A = arith.constant 0 : i32
      %dma_wait3A_59 = tpu.memref_slice %arg6[%mul3A_58, %dma_wait3A] : memref<40x128xi32, #tpu.memory_space<vmem>> -> memref<1x128xi32, #tpu.memory_space<vmem>>
      %dma_wait3A_60 = tpu.memref_squeeze %dma_wait3A_59 : memref<1x128xi32, #tpu.memory_space<vmem>> -> memref<128xi32, #tpu.memory_space<vmem>>
      %dma_wait3A_61 = arith.constant 0 : i32
      %dma_wait3A_62 = arith.constant 0 : i32
      %dma_wait3A_63 = tpu.memref_slice %arg2[%dma_wait3A_61, %dma_wait3A_62] : memref<10000x128xf32, #tpu.memory_space<hbm>> -> memref<10000x128xf32, #tpu.memory_space<hbm>>
      tpu.wait_indirect_dma semaphore(%arg11 : memref<!tpu.dma_semaphore, #tpu.memory_space<semaphore_mem>>) src(%dma_wait3A_63 : memref<10000x128xf32, #tpu.memory_space<hbm>>) dst(%arg8 : memref<128x128xf32, #tpu.memory_space<vmem>>)
      %add3A_64 = arith.constant 1 : i32
      %add3A_65 = arith.addi %mul3A_58, %add3A_64 : i32
      %dma_start3A_66 = arith.constant 0 : i32
      %dma_start3A_67 = tpu.memref_slice %arg6[%add3A_65, %dma_start3A_66] : memref<40x128xi32, #tpu.memory_space<vmem>> -> memref<1x128xi32, #tpu.memory_space<vmem>>
      %dma_start3A_68 = tpu.memref_squeeze %dma_start3A_67 : memref<1x128xi32, #tpu.memory_space<vmem>> -> memref<128xi32, #tpu.memory_space<vmem>>
      %dma_start3A_69 = arith.constant 0 : i32
      %dma_start3A_70 = arith.constant 0 : i32
      %dma_start3A_71 = tpu.memref_slice %arg2[%dma_start3A_69, %dma_start3A_70] : memref<10000x128xf32, #tpu.memory_space<hbm>> -> memref<10000x128xf32, #tpu.memory_space<hbm>>
      tpu.enqueue_indirect_dma source(%dma_start3A_71 : memref<10000x128xf32, #tpu.memory_space<hbm>>) target(%arg9 : memref<128x128xf32, #tpu.memory_space<vmem>>) offsets(%dma_start3A_68 : memref<128xi32, #tpu.memory_space<vmem>>) semaphore(%arg12 : memref<!tpu.dma_semaphore, #tpu.memory_space<semaphore_mem>>)
      "tpu.region"() ({
        %run_scoped3A = tpu.sem_alloc : memref<!tpu.dma_semaphore, #tpu.memory_space<semaphore_mem>>
        %dma_start3A_85 = arith.constant 0 : i32
        %dma_start3A_86 = tpu.memref_slice %arg7[%mul3A_58, %dma_start3A_85] : memref<40x128xi32, #tpu.memory_space<vmem>> -> memref<1x128xi32, #tpu.memory_space<vmem>>
        %dma_start3A_87 = tpu.memref_squeeze %dma_start3A_86 : memref<1x128xi32, #tpu.memory_space<vmem>> -> memref<128xi32, #tpu.memory_space<vmem>>
        %dma_start3A_88 = arith.constant 0 : i32
        %dma_start3A_89 = arith.constant 0 : i32
        %dma_start3A_90 = tpu.memref_slice %arg10[%dma_start3A_88, %dma_start3A_89] : memref<10240x128xf32, #tpu.memory_space<vmem_shared>> -> memref<10240x128xf32, #tpu.memory_space<vmem_shared>>
        tpu.enqueue_indirect_dma source(%arg8 : memref<128x128xf32, #tpu.memory_space<vmem>>) target(%dma_start3A_90 : memref<10240x128xf32, #tpu.memory_space<vmem_shared>>) offsets(%dma_start3A_87 : memref<128xi32, #tpu.memory_space<vmem>>) semaphore(%run_scoped3A : memref<!tpu.dma_semaphore, #tpu.memory_space<semaphore_mem>>) {add = true}
        %dma_wait3A_91 = arith.constant 0 : i32
        %dma_wait3A_92 = tpu.memref_slice %arg7[%mul3A_58, %dma_wait3A_91] : memref<40x128xi32, #tpu.memory_space<vmem>> -> memref<1x128xi32, #tpu.memory_space<vmem>>
        %dma_wait3A_93 = tpu.memref_squeeze %dma_wait3A_92 : memref<1x128xi32, #tpu.memory_space<vmem>> -> memref<128xi32, #tpu.memory_space<vmem>>
        %dma_wait3A_94 = arith.constant 0 : i32
        %dma_wait3A_95 = arith.constant 0 : i32
        %dma_wait3A_96 = tpu.memref_slice %arg10[%dma_wait3A_94, %dma_wait3A_95] : memref<10240x128xf32, #tpu.memory_space<vmem_shared>> -> memref<10240x128xf32, #tpu.memory_space<vmem_shared>>
        tpu.wait_indirect_dma semaphore(%run_scoped3A : memref<!tpu.dma_semaphore, #tpu.memory_space<semaphore_mem>>) src(%arg8 : memref<128x128xf32, #tpu.memory_space<vmem>>) dst(%dma_wait3A_96 : memref<10240x128xf32, #tpu.memory_space<vmem_shared>>)
        tpu.yield
      }) : () -> ()
      %add3A_72 = arith.constant 1 : i32
      %add3A_73 = arith.addi %mul3A_58, %add3A_72 : i32
      %dma_wait3A_74 = arith.constant 0 : i32
      %dma_wait3A_75 = tpu.memref_slice %arg6[%add3A_73, %dma_wait3A_74] : memref<40x128xi32, #tpu.memory_space<vmem>> -> memref<1x128xi32, #tpu.memory_space<vmem>>
      %dma_wait3A_76 = tpu.memref_squeeze %dma_wait3A_75 : memref<1x128xi32, #tpu.memory_space<vmem>> -> memref<128xi32, #tpu.memory_space<vmem>>
      %dma_wait3A_77 = arith.constant 0 : i32
      %dma_wait3A_78 = arith.constant 0 : i32
      %dma_wait3A_79 = tpu.memref_slice %arg2[%dma_wait3A_77, %dma_wait3A_78] : memref<10000x128xf32, #tpu.memory_space<hbm>> -> memref<10000x128xf32, #tpu.memory_space<hbm>>
      tpu.wait_indirect_dma semaphore(%arg12 : memref<!tpu.dma_semaphore, #tpu.memory_space<semaphore_mem>>) src(%dma_wait3A_79 : memref<10000x128xf32, #tpu.memory_space<hbm>>) dst(%arg9 : memref<128x128xf32, #tpu.memory_space<vmem>>)
      %lt3A = arith.constant 19 : i32
      %lt3A_80 = arith.cmpi slt, %scan3A_55, %lt3A : i32
      %convert_element_type3A = arith.extui %lt3A_80 : i1 to i32
      %cond3A = arith.constant 0 : i32
      %cond3A_81 = arith.cmpi ne, %convert_element_type3A, %cond3A : i32
      scf.if %cond3A_81 {
        %add3A_85 = arith.constant 2 : i32
        %add3A_86 = arith.addi %mul3A_58, %add3A_85 : i32
        %dma_start3A_87 = arith.constant 0 : i32
        %dma_start3A_88 = tpu.memref_slice %arg6[%add3A_86, %dma_start3A_87] : memref<40x128xi32, #tpu.memory_space<vmem>> -> memref<1x128xi32, #tpu.memory_space<vmem>>
        %dma_start3A_89 = tpu.memref_squeeze %dma_start3A_88 : memref<1x128xi32, #tpu.memory_space<vmem>> -> memref<128xi32, #tpu.memory_space<vmem>>
        %dma_start3A_90 = arith.constant 0 : i32
        %dma_start3A_91 = arith.constant 0 : i32
        %dma_start3A_92 = tpu.memref_slice %arg2[%dma_start3A_90, %dma_start3A_91] : memref<10000x128xf32, #tpu.memory_space<hbm>> -> memref<10000x128xf32, #tpu.memory_space<hbm>>
        tpu.enqueue_indirect_dma source(%dma_start3A_92 : memref<10000x128xf32, #tpu.memory_space<hbm>>) target(%arg8 : memref<128x128xf32, #tpu.memory_space<vmem>>) offsets(%dma_start3A_89 : memref<128xi32, #tpu.memory_space<vmem>>) semaphore(%arg11 : memref<!tpu.dma_semaphore, #tpu.memory_space<semaphore_mem>>)
      } else {
      }
      %add3A_82 = arith.constant 1 : i32
      %add3A_83 = arith.addi %mul3A_58, %add3A_82 : i32
      "tpu.region"() ({
        %run_scoped3A = tpu.sem_alloc : memref<!tpu.dma_semaphore, #tpu.memory_space<semaphore_mem>>
        %dma_start3A_85 = arith.constant 0 : i32
        %dma_start3A_86 = tpu.memref_slice %arg7[%add3A_83, %dma_start3A_85] : memref<40x128xi32, #tpu.memory_space<vmem>> -> memref<1x128xi32, #tpu.memory_space<vmem>>
        %dma_start3A_87 = tpu.memref_squeeze %dma_start3A_86 : memref<1x128xi32, #tpu.memory_space<vmem>> -> memref<128xi32, #tpu.memory_space<vmem>>
        %dma_start3A_88 = arith.constant 0 : i32
        %dma_start3A_89 = arith.constant 0 : i32
        %dma_start3A_90 = tpu.memref_slice %arg10[%dma_start3A_88, %dma_start3A_89] : memref<10240x128xf32, #tpu.memory_space<vmem_shared>> -> memref<10240x128xf32, #tpu.memory_space<vmem_shared>>
        tpu.enqueue_indirect_dma source(%arg9 : memref<128x128xf32, #tpu.memory_space<vmem>>) target(%dma_start3A_90 : memref<10240x128xf32, #tpu.memory_space<vmem_shared>>) offsets(%dma_start3A_87 : memref<128xi32, #tpu.memory_space<vmem>>) semaphore(%run_scoped3A : memref<!tpu.dma_semaphore, #tpu.memory_space<semaphore_mem>>) {add = true}
        %dma_wait3A_91 = arith.constant 0 : i32
        %dma_wait3A_92 = tpu.memref_slice %arg7[%add3A_83, %dma_wait3A_91] : memref<40x128xi32, #tpu.memory_space<vmem>> -> memref<1x128xi32, #tpu.memory_space<vmem>>
        %dma_wait3A_93 = tpu.memref_squeeze %dma_wait3A_92 : memref<1x128xi32, #tpu.memory_space<vmem>> -> memref<128xi32, #tpu.memory_space<vmem>>
        %dma_wait3A_94 = arith.constant 0 : i32
        %dma_wait3A_95 = arith.constant 0 : i32
        %dma_wait3A_96 = tpu.memref_slice %arg10[%dma_wait3A_94, %dma_wait3A_95] : memref<10240x128xf32, #tpu.memory_space<vmem_shared>> -> memref<10240x128xf32, #tpu.memory_space<vmem_shared>>
        tpu.wait_indirect_dma semaphore(%run_scoped3A : memref<!tpu.dma_semaphore, #tpu.memory_space<semaphore_mem>>) src(%arg9 : memref<128x128xf32, #tpu.memory_space<vmem>>) dst(%dma_wait3A_96 : memref<10240x128xf32, #tpu.memory_space<vmem_shared>>)
        tpu.yield
      }) : () -> ()
      %scan3A_84 = arith.constant 0 : i32
      scf.yield %scan3A_84 : i32
    }
    %scan3A_46 = arith.constant 20 : i32
    %barrier3A_47 = arith.constant 0 : index
    tpu.barrier barrier_id(%barrier3A_47)
    %scan3A_48 = arith.constant 0 : i32
    %scan3A_49 = arith.constant 0 : i32
    %scan3A_50 = arith.constant 5 : i32
    %scan3A_51 = arith.addi %scan3A_49, %scan3A_50 : i32
    %scan3A_52 = arith.constant 1 : i32
    %scan3A_53 = scf.for %scan3A_55 = %scan3A_49 to %scan3A_51 step %scan3A_52 iter_args(%scan3A_56 = %scan3A_48) -> (i32)  : i32 {
      %mul3A_57 = arith.constant 640 : i32
      %mul3A_58 = arith.muli %arg1, %mul3A_57 : i32
      %mul3A_59 = arith.constant 128 : i32
      %mul3A_60 = arith.muli %scan3A_55, %mul3A_59 : i32
      %add3A_61 = arith.addi %mul3A_58, %mul3A_60 : i32
      "tpu.region"() ({
        %run_scoped3A = tpu.sem_alloc : memref<!tpu.dma_semaphore, #tpu.memory_space<semaphore_mem>>
        %dma_start3A_63 = arith.constant 0 : i32
        %dma_start3A_64 = tpu.memref_slice %arg10[%add3A_61, %dma_start3A_63] : memref<10240x128xf32, #tpu.memory_space<vmem_shared>> -> memref<128x128xf32, #tpu.memory_space<vmem_shared>>
        %dma_start3A_65 = arith.constant 0 : i32
        %dma_start3A_66 = tpu.memref_slice %arg10[%add3A_61, %dma_start3A_65] : memref<10240x128xf32, #tpu.memory_space<vmem_shared>> -> memref<128x128xf32, #tpu.memory_space<vmem_shared>>
        tpu.enqueue_dma source(%dma_start3A_66 : memref<128x128xf32, #tpu.memory_space<vmem_shared>>) target(%arg8 : memref<128x128xf32, #tpu.memory_space<vmem>>) target_semaphore(%run_scoped3A : memref<!tpu.dma_semaphore, #tpu.memory_space<semaphore_mem>>)
        %dma_wait3A = arith.constant 0 : i32
        %dma_wait3A_67 = tpu.memref_slice %arg10[%add3A_61, %dma_wait3A] : memref<10240x128xf32, #tpu.memory_space<vmem_shared>> -> memref<128x128xf32, #tpu.memory_space<vmem_shared>>
        %dma_wait3A_68 = arith.constant 0 : i32
        %dma_wait3A_69 = tpu.memref_slice %arg10[%add3A_61, %dma_wait3A_68] : memref<10240x128xf32, #tpu.memory_space<vmem_shared>> -> memref<128x128xf32, #tpu.memory_space<vmem_shared>>
        tpu.wait_dma2 semaphore(%run_scoped3A : memref<!tpu.dma_semaphore, #tpu.memory_space<semaphore_mem>>) src(%dma_wait3A_69 : memref<128x128xf32, #tpu.memory_space<vmem_shared>>) dst(%arg8 : memref<128x128xf32, #tpu.memory_space<vmem>>)
        tpu.yield
      }) : () -> ()
      "tpu.region"() ({
        %run_scoped3A = tpu.sem_alloc : memref<!tpu.dma_semaphore, #tpu.memory_space<semaphore_mem>>
        %dma_start3A_63 = arith.constant 0 : i32
        %dma_start3A_64 = arith.constant 0 : i32
        %dma_start3A_65 = tpu.memref_slice %arg5[%arg0, %dma_start3A_63, %dma_start3A_64] : memref<2x10240x128xf32, #tpu.memory_space<hbm>> -> memref<1x10240x128xf32, #tpu.memory_space<hbm>>
        %dma_start3A_66 = tpu.memref_squeeze %dma_start3A_65 : memref<1x10240x128xf32, #tpu.memory_space<hbm>> -> memref<10240x128xf32, #tpu.memory_space<hbm>>
        %dma_start3A_67 = arith.constant 0 : i32
        %dma_start3A_68 = tpu.memref_slice %dma_start3A_66[%add3A_61, %dma_start3A_67] : memref<10240x128xf32, #tpu.memory_space<hbm>> -> memref<128x128xf32, #tpu.memory_space<hbm>>
        %dma_start3A_69 = arith.constant 0 : i32
        %dma_start3A_70 = arith.constant 0 : i32
        %dma_start3A_71 = tpu.memref_slice %arg5[%arg0, %dma_start3A_69, %dma_start3A_70] : memref<2x10240x128xf32, #tpu.memory_space<hbm>> -> memref<1x10240x128xf32, #tpu.memory_space<hbm>>
        %dma_start3A_72 = tpu.memref_squeeze %dma_start3A_71 : memref<1x10240x128xf32, #tpu.memory_space<hbm>> -> memref<10240x128xf32, #tpu.memory_space<hbm>>
        %dma_start3A_73 = arith.constant 0 : i32
        %dma_start3A_74 = tpu.memref_slice %dma_start3A_72[%add3A_61, %dma_start3A_73] : memref<10240x128xf32, #tpu.memory_space<hbm>> -> memref<128x128xf32, #tpu.memory_space<hbm>>
        tpu.enqueue_dma source(%arg8 : memref<128x128xf32, #tpu.memory_space<vmem>>) target(%dma_start3A_74 : memref<128x128xf32, #tpu.memory_space<hbm>>) target_semaphore(%run_scoped3A : memref<!tpu.dma_semaphore, #tpu.memory_space<semaphore_mem>>)
        %dma_wait3A = arith.constant 0 : i32
        %dma_wait3A_75 = arith.constant 0 : i32
        %dma_wait3A_76 = tpu.memref_slice %arg5[%arg0, %dma_wait3A, %dma_wait3A_75] : memref<2x10240x128xf32, #tpu.memory_space<hbm>> -> memref<1x10240x128xf32, #tpu.memory_space<hbm>>
        %dma_wait3A_77 = tpu.memref_squeeze %dma_wait3A_76 : memref<1x10240x128xf32, #tpu.memory_space<hbm>> -> memref<10240x128xf32, #tpu.memory_space<hbm>>
        %dma_wait3A_78 = arith.constant 0 : i32
        %dma_wait3A_79 = tpu.memref_slice %dma_wait3A_77[%add3A_61, %dma_wait3A_78] : memref<10240x128xf32, #tpu.memory_space<hbm>> -> memref<128x128xf32, #tpu.memory_space<hbm>>
        %dma_wait3A_80 = arith.constant 0 : i32
        %dma_wait3A_81 = arith.constant 0 : i32
        %dma_wait3A_82 = tpu.memref_slice %arg5[%arg0, %dma_wait3A_80, %dma_wait3A_81] : memref<2x10240x128xf32, #tpu.memory_space<hbm>> -> memref<1x10240x128xf32, #tpu.memory_space<hbm>>
        %dma_wait3A_83 = tpu.memref_squeeze %dma_wait3A_82 : memref<1x10240x128xf32, #tpu.memory_space<hbm>> -> memref<10240x128xf32, #tpu.memory_space<hbm>>
        %dma_wait3A_84 = arith.constant 0 : i32
        %dma_wait3A_85 = tpu.memref_slice %dma_wait3A_83[%add3A_61, %dma_wait3A_84] : memref<10240x128xf32, #tpu.memory_space<hbm>> -> memref<128x128xf32, #tpu.memory_space<hbm>>
        tpu.wait_dma2 semaphore(%run_scoped3A : memref<!tpu.dma_semaphore, #tpu.memory_space<semaphore_mem>>) src(%arg8 : memref<128x128xf32, #tpu.memory_space<vmem>>) dst(%dma_wait3A_85 : memref<128x128xf32, #tpu.memory_space<hbm>>)
        tpu.yield
      }) : () -> ()
      %scan3A_62 = arith.constant 0 : i32
      scf.yield %scan3A_62 : i32
    }
    %scan3A_54 = arith.constant 5 : i32
    return
  }
}

#map = affine_map<(d0, d1) -> (0, 0)>
#map1 = affine_map<(d0, d1) -> (0, 0, 0)>
module attributes {stable_mosaic.version = 14 : i64} {
  func.func @_agg_sc(%arg0: i32, %arg1: i32, %arg2: memref<10000x128xf32, #tpu.memory_space<hbm>>, %arg3: memref<2560x128xi32, #tpu.memory_space<hbm>>, %arg4: memref<2560x128xi32, #tpu.memory_space<hbm>>, %arg5: memref<2x10240x128xf32, #tpu.memory_space<hbm>>, %arg6: memref<40x128xi32, #tpu.memory_space<vmem>>, %arg7: memref<40x128xi32, #tpu.memory_space<vmem>>, %arg8: memref<128x128xf32, #tpu.memory_space<vmem>>, %arg9: memref<128x128xf32, #tpu.memory_space<vmem>>, %arg10: memref<10240x128xf32, #tpu.memory_space<vmem_shared>>, %arg11: memref<!tpu.dma_semaphore, #tpu.memory_space<semaphore_mem>>, %arg12: memref<!tpu.dma_semaphore, #tpu.memory_space<semaphore_mem>>) attributes {dimension_semantics = [#tpu.dimension_semantics<core_parallel>, #tpu.dimension_semantics<subcore_parallel>], iteration_bounds = array<i64: 2, 16>, scalar_prefetch = 0 : i64, scratch_operands = 7 : i64, tpu.core_type = #tpu.core_type<sc_vector_subcore>, window_params = [{transform_indices = #map}, {transform_indices = #map}, {transform_indices = #map}, {transform_indices = #map1}]} {
    %mul3A = arith.constant 2 : i32
    %mul3A_0 = arith.muli %arg1, %mul3A : i32
    %add3A = arith.addi %mul3A_0, %arg0 : i32
    %scan3A = arith.constant 0 : i32
    %scan3A_1 = arith.constant 0 : i32
    %scan3A_2 = arith.constant 128 : i32
    %scan3A_3 = arith.addi %scan3A_1, %scan3A_2 : i32
    %scan3A_4 = arith.constant 1 : i32
    %scan3A_5 = scf.for %scan3A_55 = %scan3A_1 to %scan3A_3 step %scan3A_4 iter_args(%scan3A_56 = %scan3A) -> (i32)  : i32 {
      %broadcast_in_dim3A = arith.constant 0.000000e+00 : f32
      %broadcast_in_dim3A_57 = vector.broadcast %broadcast_in_dim3A : f32 to vector<16xf32>
      %swap3A = arith.constant 0 : i32
      %swap3A_58 = tpu.memref_slice %arg8[%scan3A_55, %swap3A] : memref<128x128xf32, #tpu.memory_space<vmem>> -> memref<1x128xf32, #tpu.memory_space<vmem>>
      %swap3A_59 = tpu.memref_squeeze %swap3A_58 : memref<1x128xf32, #tpu.memory_space<vmem>> -> memref<128xf32, #tpu.memory_space<vmem>>
      %swap3A_60 = arith.constant 0 : index
      %swap3A_61 = tpu.vector_load %swap3A_59[%swap3A_60] {strides = array<i32>} : memref<128xf32, #tpu.memory_space<vmem>>, vector<16xf32>,
      %swap3A_62 = vector.shape_cast %swap3A_61 : vector<16xf32> to vector<16xf32>
      %swap3A_63 = vector.shape_cast %broadcast_in_dim3A_57 : vector<16xf32> to vector<16xf32>
      tpu.vector_store %swap3A_59[%swap3A_60], %swap3A_63 {strides = array<i32>} : memref<128xf32, #tpu.memory_space<vmem>>, vector<16xf32>,
      %broadcast_in_dim3A_64 = arith.constant 0.000000e+00 : f32
      %broadcast_in_dim3A_65 = vector.broadcast %broadcast_in_dim3A_64 : f32 to vector<16xf32>
      %swap3A_66 = arith.constant 0 : i32
      %swap3A_67 = tpu.memref_slice %arg8[%scan3A_55, %swap3A_66] : memref<128x128xf32, #tpu.memory_space<vmem>> -> memref<1x128xf32, #tpu.memory_space<vmem>>
      %swap3A_68 = tpu.memref_squeeze %swap3A_67 : memref<1x128xf32, #tpu.memory_space<vmem>> -> memref<128xf32, #tpu.memory_space<vmem>>
      %swap3A_69 = arith.constant 16 : index
      %swap3A_70 = tpu.vector_load %swap3A_68[%swap3A_69] {strides = array<i32>} : memref<128xf32, #tpu.memory_space<vmem>>, vector<16xf32>,
      %swap3A_71 = vector.shape_cast %swap3A_70 : vector<16xf32> to vector<16xf32>
      %swap3A_72 = vector.shape_cast %broadcast_in_dim3A_65 : vector<16xf32> to vector<16xf32>
      tpu.vector_store %swap3A_68[%swap3A_69], %swap3A_72 {strides = array<i32>} : memref<128xf32, #tpu.memory_space<vmem>>, vector<16xf32>,
      %broadcast_in_dim3A_73 = arith.constant 0.000000e+00 : f32
      %broadcast_in_dim3A_74 = vector.broadcast %broadcast_in_dim3A_73 : f32 to vector<16xf32>
      %swap3A_75 = arith.constant 0 : i32
      %swap3A_76 = tpu.memref_slice %arg8[%scan3A_55, %swap3A_75] : memref<128x128xf32, #tpu.memory_space<vmem>> -> memref<1x128xf32, #tpu.memory_space<vmem>>
      %swap3A_77 = tpu.memref_squeeze %swap3A_76 : memref<1x128xf32, #tpu.memory_space<vmem>> -> memref<128xf32, #tpu.memory_space<vmem>>
      %swap3A_78 = arith.constant 32 : index
      %swap3A_79 = tpu.vector_load %swap3A_77[%swap3A_78] {strides = array<i32>} : memref<128xf32, #tpu.memory_space<vmem>>, vector<16xf32>,
      %swap3A_80 = vector.shape_cast %swap3A_79 : vector<16xf32> to vector<16xf32>
      %swap3A_81 = vector.shape_cast %broadcast_in_dim3A_74 : vector<16xf32> to vector<16xf32>
      tpu.vector_store %swap3A_77[%swap3A_78], %swap3A_81 {strides = array<i32>} : memref<128xf32, #tpu.memory_space<vmem>>, vector<16xf32>,
      %broadcast_in_dim3A_82 = arith.constant 0.000000e+00 : f32
      %broadcast_in_dim3A_83 = vector.broadcast %broadcast_in_dim3A_82 : f32 to vector<16xf32>
      %swap3A_84 = arith.constant 0 : i32
      %swap3A_85 = tpu.memref_slice %arg8[%scan3A_55, %swap3A_84] : memref<128x128xf32, #tpu.memory_space<vmem>> -> memref<1x128xf32, #tpu.memory_space<vmem>>
      %swap3A_86 = tpu.memref_squeeze %swap3A_85 : memref<1x128xf32, #tpu.memory_space<vmem>> -> memref<128xf32, #tpu.memory_space<vmem>>
      %swap3A_87 = arith.constant 48 : index
      %swap3A_88 = tpu.vector_load %swap3A_86[%swap3A_87] {strides = array<i32>} : memref<128xf32, #tpu.memory_space<vmem>>, vector<16xf32>,
      %swap3A_89 = vector.shape_cast %swap3A_88 : vector<16xf32> to vector<16xf32>
      %swap3A_90 = vector.shape_cast %broadcast_in_dim3A_83 : vector<16xf32> to vector<16xf32>
      tpu.vector_store %swap3A_86[%swap3A_87], %swap3A_90 {strides = array<i32>} : memref<128xf32, #tpu.memory_space<vmem>>, vector<16xf32>,
      %broadcast_in_dim3A_91 = arith.constant 0.000000e+00 : f32
      %broadcast_in_dim3A_92 = vector.broadcast %broadcast_in_dim3A_91 : f32 to vector<16xf32>
      %swap3A_93 = arith.constant 0 : i32
      %swap3A_94 = tpu.memref_slice %arg8[%scan3A_55, %swap3A_93] : memref<128x128xf32, #tpu.memory_space<vmem>> -> memref<1x128xf32, #tpu.memory_space<vmem>>
      %swap3A_95 = tpu.memref_squeeze %swap3A_94 : memref<1x128xf32, #tpu.memory_space<vmem>> -> memref<128xf32, #tpu.memory_space<vmem>>
      %swap3A_96 = arith.constant 64 : index
      %swap3A_97 = tpu.vector_load %swap3A_95[%swap3A_96] {strides = array<i32>} : memref<128xf32, #tpu.memory_space<vmem>>, vector<16xf32>,
      %swap3A_98 = vector.shape_cast %swap3A_97 : vector<16xf32> to vector<16xf32>
      %swap3A_99 = vector.shape_cast %broadcast_in_dim3A_92 : vector<16xf32> to vector<16xf32>
      tpu.vector_store %swap3A_95[%swap3A_96], %swap3A_99 {strides = array<i32>} : memref<128xf32, #tpu.memory_space<vmem>>, vector<16xf32>,
      %broadcast_in_dim3A_100 = arith.constant 0.000000e+00 : f32
      %broadcast_in_dim3A_101 = vector.broadcast %broadcast_in_dim3A_100 : f32 to vector<16xf32>
      %swap3A_102 = arith.constant 0 : i32
      %swap3A_103 = tpu.memref_slice %arg8[%scan3A_55, %swap3A_102] : memref<128x128xf32, #tpu.memory_space<vmem>> -> memref<1x128xf32, #tpu.memory_space<vmem>>
      %swap3A_104 = tpu.memref_squeeze %swap3A_103 : memref<1x128xf32, #tpu.memory_space<vmem>> -> memref<128xf32, #tpu.memory_space<vmem>>
      %swap3A_105 = arith.constant 80 : index
      %swap3A_106 = tpu.vector_load %swap3A_104[%swap3A_105] {strides = array<i32>} : memref<128xf32, #tpu.memory_space<vmem>>, vector<16xf32>,
      %swap3A_107 = vector.shape_cast %swap3A_106 : vector<16xf32> to vector<16xf32>
      %swap3A_108 = vector.shape_cast %broadcast_in_dim3A_101 : vector<16xf32> to vector<16xf32>
      tpu.vector_store %swap3A_104[%swap3A_105], %swap3A_108 {strides = array<i32>} : memref<128xf32, #tpu.memory_space<vmem>>, vector<16xf32>,
      %broadcast_in_dim3A_109 = arith.constant 0.000000e+00 : f32
      %broadcast_in_dim3A_110 = vector.broadcast %broadcast_in_dim3A_109 : f32 to vector<16xf32>
      %swap3A_111 = arith.constant 0 : i32
      %swap3A_112 = tpu.memref_slice %arg8[%scan3A_55, %swap3A_111] : memref<128x128xf32, #tpu.memory_space<vmem>> -> memref<1x128xf32, #tpu.memory_space<vmem>>
      %swap3A_113 = tpu.memref_squeeze %swap3A_112 : memref<1x128xf32, #tpu.memory_space<vmem>> -> memref<128xf32, #tpu.memory_space<vmem>>
      %swap3A_114 = arith.constant 96 : index
      %swap3A_115 = tpu.vector_load %swap3A_113[%swap3A_114] {strides = array<i32>} : memref<128xf32, #tpu.memory_space<vmem>>, vector<16xf32>,
      %swap3A_116 = vector.shape_cast %swap3A_115 : vector<16xf32> to vector<16xf32>
      %swap3A_117 = vector.shape_cast %broadcast_in_dim3A_110 : vector<16xf32> to vector<16xf32>
      tpu.vector_store %swap3A_113[%swap3A_114], %swap3A_117 {strides = array<i32>} : memref<128xf32, #tpu.memory_space<vmem>>, vector<16xf32>,
      %broadcast_in_dim3A_118 = arith.constant 0.000000e+00 : f32
      %broadcast_in_dim3A_119 = vector.broadcast %broadcast_in_dim3A_118 : f32 to vector<16xf32>
      %swap3A_120 = arith.constant 0 : i32
      %swap3A_121 = tpu.memref_slice %arg8[%scan3A_55, %swap3A_120] : memref<128x128xf32, #tpu.memory_space<vmem>> -> memref<1x128xf32, #tpu.memory_space<vmem>>
      %swap3A_122 = tpu.memref_squeeze %swap3A_121 : memref<1x128xf32, #tpu.memory_space<vmem>> -> memref<128xf32, #tpu.memory_space<vmem>>
      %swap3A_123 = arith.constant 112 : index
      %swap3A_124 = tpu.vector_load %swap3A_122[%swap3A_123] {strides = array<i32>} : memref<128xf32, #tpu.memory_space<vmem>>, vector<16xf32>,
      %swap3A_125 = vector.shape_cast %swap3A_124 : vector<16xf32> to vector<16xf32>
      %swap3A_126 = vector.shape_cast %broadcast_in_dim3A_119 : vector<16xf32> to vector<16xf32>
      tpu.vector_store %swap3A_122[%swap3A_123], %swap3A_126 {strides = array<i32>} : memref<128xf32, #tpu.memory_space<vmem>>, vector<16xf32>,
      %scan3A_127 = arith.constant 0 : i32
      scf.yield %scan3A_127 : i32
    }
    %scan3A_6 = arith.constant 128 : i32
    %scan3A_7 = arith.constant 0 : i32
    %scan3A_8 = arith.constant 0 : i32
    %scan3A_9 = arith.constant 5 : i32
    %scan3A_10 = arith.addi %scan3A_8, %scan3A_9 : i32
    %scan3A_11 = arith.constant 1 : i32
    %scan3A_12 = scf.for %scan3A_55 = %scan3A_8 to %scan3A_10 step %scan3A_11 iter_args(%scan3A_56 = %scan3A_7) -> (i32)  : i32 {
      %mul3A_57 = arith.constant 640 : i32
      %mul3A_58 = arith.muli %arg1, %mul3A_57 : i32
      %mul3A_59 = arith.constant 128 : i32
      %mul3A_60 = arith.muli %scan3A_55, %mul3A_59 : i32
      %add3A_61 = arith.addi %mul3A_58, %mul3A_60 : i32
      "tpu.region"() ({
        %run_scoped3A = tpu.sem_alloc : memref<!tpu.dma_semaphore, #tpu.memory_space<semaphore_mem>>
        %dma_start3A_63 = arith.constant 0 : i32
        %dma_start3A_64 = tpu.memref_slice %arg10[%add3A_61, %dma_start3A_63] : memref<10240x128xf32, #tpu.memory_space<vmem_shared>> -> memref<128x128xf32, #tpu.memory_space<vmem_shared>>
        %dma_start3A_65 = arith.constant 0 : i32
        %dma_start3A_66 = tpu.memref_slice %arg10[%add3A_61, %dma_start3A_65] : memref<10240x128xf32, #tpu.memory_space<vmem_shared>> -> memref<128x128xf32, #tpu.memory_space<vmem_shared>>
        tpu.enqueue_dma source(%arg8 : memref<128x128xf32, #tpu.memory_space<vmem>>) target(%dma_start3A_66 : memref<128x128xf32, #tpu.memory_space<vmem_shared>>) target_semaphore(%run_scoped3A : memref<!tpu.dma_semaphore, #tpu.memory_space<semaphore_mem>>)
        %dma_wait3A = arith.constant 0 : i32
        %dma_wait3A_67 = tpu.memref_slice %arg10[%add3A_61, %dma_wait3A] : memref<10240x128xf32, #tpu.memory_space<vmem_shared>> -> memref<128x128xf32, #tpu.memory_space<vmem_shared>>
        %dma_wait3A_68 = arith.constant 0 : i32
        %dma_wait3A_69 = tpu.memref_slice %arg10[%add3A_61, %dma_wait3A_68] : memref<10240x128xf32, #tpu.memory_space<vmem_shared>> -> memref<128x128xf32, #tpu.memory_space<vmem_shared>>
        tpu.wait_dma2 semaphore(%run_scoped3A : memref<!tpu.dma_semaphore, #tpu.memory_space<semaphore_mem>>) src(%arg8 : memref<128x128xf32, #tpu.memory_space<vmem>>) dst(%dma_wait3A_69 : memref<128x128xf32, #tpu.memory_space<vmem_shared>>)
        tpu.yield
      }) : () -> ()
      %scan3A_62 = arith.constant 0 : i32
      scf.yield %scan3A_62 : i32
    }
    %scan3A_13 = arith.constant 5 : i32
    %barrier3A = arith.constant 0 : index
    tpu.barrier barrier_id(%barrier3A)
    %mul3A_14 = arith.constant 80 : i32
    %mul3A_15 = arith.muli %add3A, %mul3A_14 : i32
    %add3A_16 = arith.constant 0 : i32
    %add3A_17 = arith.addi %mul3A_15, %add3A_16 : i32
    "tpu.region"() ({
      %run_scoped3A = tpu.sem_alloc : memref<!tpu.dma_semaphore, #tpu.memory_space<semaphore_mem>>
      %dma_start3A_55 = arith.constant 0 : i32
      %dma_start3A_56 = tpu.memref_slice %arg3[%add3A_17, %dma_start3A_55] : memref<2560x128xi32, #tpu.memory_space<hbm>> -> memref<40x128xi32, #tpu.memory_space<hbm>>
      %dma_start3A_57 = arith.constant 0 : i32
      %dma_start3A_58 = tpu.memref_slice %arg3[%add3A_17, %dma_start3A_57] : memref<2560x128xi32, #tpu.memory_space<hbm>> -> memref<40x128xi32, #tpu.memory_space<hbm>>
      tpu.enqueue_dma source(%dma_start3A_58 : memref<40x128xi32, #tpu.memory_space<hbm>>) target(%arg6 : memref<40x128xi32, #tpu.memory_space<vmem>>) target_semaphore(%run_scoped3A : memref<!tpu.dma_semaphore, #tpu.memory_space<semaphore_mem>>)
      %dma_wait3A = arith.constant 0 : i32
      %dma_wait3A_59 = tpu.memref_slice %arg3[%add3A_17, %dma_wait3A] : memref<2560x128xi32, #tpu.memory_space<hbm>> -> memref<40x128xi32, #tpu.memory_space<hbm>>
      %dma_wait3A_60 = arith.constant 0 : i32
      %dma_wait3A_61 = tpu.memref_slice %arg3[%add3A_17, %dma_wait3A_60] : memref<2560x128xi32, #tpu.memory_space<hbm>> -> memref<40x128xi32, #tpu.memory_space<hbm>>
      tpu.wait_dma2 semaphore(%run_scoped3A : memref<!tpu.dma_semaphore, #tpu.memory_space<semaphore_mem>>) src(%dma_wait3A_61 : memref<40x128xi32, #tpu.memory_space<hbm>>) dst(%arg6 : memref<40x128xi32, #tpu.memory_space<vmem>>)
      tpu.yield
    }) : () -> ()
    "tpu.region"() ({
      %run_scoped3A = tpu.sem_alloc : memref<!tpu.dma_semaphore, #tpu.memory_space<semaphore_mem>>
      %dma_start3A_55 = arith.constant 0 : i32
      %dma_start3A_56 = tpu.memref_slice %arg4[%add3A_17, %dma_start3A_55] : memref<2560x128xi32, #tpu.memory_space<hbm>> -> memref<40x128xi32, #tpu.memory_space<hbm>>
      %dma_start3A_57 = arith.constant 0 : i32
      %dma_start3A_58 = tpu.memref_slice %arg4[%add3A_17, %dma_start3A_57] : memref<2560x128xi32, #tpu.memory_space<hbm>> -> memref<40x128xi32, #tpu.memory_space<hbm>>
      tpu.enqueue_dma source(%dma_start3A_58 : memref<40x128xi32, #tpu.memory_space<hbm>>) target(%arg7 : memref<40x128xi32, #tpu.memory_space<vmem>>) target_semaphore(%run_scoped3A : memref<!tpu.dma_semaphore, #tpu.memory_space<semaphore_mem>>)
      %dma_wait3A = arith.constant 0 : i32
      %dma_wait3A_59 = tpu.memref_slice %arg4[%add3A_17, %dma_wait3A] : memref<2560x128xi32, #tpu.memory_space<hbm>> -> memref<40x128xi32, #tpu.memory_space<hbm>>
      %dma_wait3A_60 = arith.constant 0 : i32
      %dma_wait3A_61 = tpu.memref_slice %arg4[%add3A_17, %dma_wait3A_60] : memref<2560x128xi32, #tpu.memory_space<hbm>> -> memref<40x128xi32, #tpu.memory_space<hbm>>
      tpu.wait_dma2 semaphore(%run_scoped3A : memref<!tpu.dma_semaphore, #tpu.memory_space<semaphore_mem>>) src(%dma_wait3A_61 : memref<40x128xi32, #tpu.memory_space<hbm>>) dst(%arg7 : memref<40x128xi32, #tpu.memory_space<vmem>>)
      tpu.yield
    }) : () -> ()
    %dma_start3A = arith.constant 0 : i32
    %dma_start3A_18 = arith.constant 0 : i32
    %dma_start3A_19 = tpu.memref_slice %arg6[%dma_start3A, %dma_start3A_18] : memref<40x128xi32, #tpu.memory_space<vmem>> -> memref<1x128xi32, #tpu.memory_space<vmem>>
    %dma_start3A_20 = tpu.memref_squeeze %dma_start3A_19 : memref<1x128xi32, #tpu.memory_space<vmem>> -> memref<128xi32, #tpu.memory_space<vmem>>
    %dma_start3A_21 = arith.constant 0 : i32
    %dma_start3A_22 = arith.constant 0 : i32
    %dma_start3A_23 = tpu.memref_slice %arg2[%dma_start3A_21, %dma_start3A_22] : memref<10000x128xf32, #tpu.memory_space<hbm>> -> memref<10000x128xf32, #tpu.memory_space<hbm>>
    tpu.enqueue_indirect_dma source(%dma_start3A_23 : memref<10000x128xf32, #tpu.memory_space<hbm>>) target(%arg8 : memref<128x128xf32, #tpu.memory_space<vmem>>) offsets(%dma_start3A_20 : memref<128xi32, #tpu.memory_space<vmem>>) semaphore(%arg11 : memref<!tpu.dma_semaphore, #tpu.memory_space<semaphore_mem>>)
    %scan3A_24 = arith.constant 0 : i32
    %scan3A_25 = arith.constant 0 : i32
    %scan3A_26 = arith.constant 20 : i32
    %scan3A_27 = arith.addi %scan3A_25, %scan3A_26 : i32
    %scan3A_28 = arith.constant 1 : i32
    %scan3A_29 = scf.for %scan3A_55 = %scan3A_25 to %scan3A_27 step %scan3A_28 iter_args(%scan3A_56 = %scan3A_24) -> (i32)  : i32 {
      %mul3A_57 = arith.constant 2 : i32
      %mul3A_58 = arith.muli %mul3A_57, %scan3A_55 : i32
      %dma_wait3A = arith.constant 0 : i32
      %dma_wait3A_59 = tpu.memref_slice %arg6[%mul3A_58, %dma_wait3A] : memref<40x128xi32, #tpu.memory_space<vmem>> -> memref<1x128xi32, #tpu.memory_space<vmem>>
      %dma_wait3A_60 = tpu.memref_squeeze %dma_wait3A_59 : memref<1x128xi32, #tpu.memory_space<vmem>> -> memref<128xi32, #tpu.memory_space<vmem>>
      %dma_wait3A_61 = arith.constant 0 : i32
      %dma_wait3A_62 = arith.constant 0 : i32
      %dma_wait3A_63 = tpu.memref_slice %arg2[%dma_wait3A_61, %dma_wait3A_62] : memref<10000x128xf32, #tpu.memory_space<hbm>> -> memref<10000x128xf32, #tpu.memory_space<hbm>>
      tpu.wait_indirect_dma semaphore(%arg11 : memref<!tpu.dma_semaphore, #tpu.memory_space<semaphore_mem>>) src(%dma_wait3A_63 : memref<10000x128xf32, #tpu.memory_space<hbm>>) dst(%arg8 : memref<128x128xf32, #tpu.memory_space<vmem>>)
      %add3A_64 = arith.constant 1 : i32
      %add3A_65 = arith.addi %mul3A_58, %add3A_64 : i32
      %dma_start3A_66 = arith.constant 0 : i32
      %dma_start3A_67 = tpu.memref_slice %arg6[%add3A_65, %dma_start3A_66] : memref<40x128xi32, #tpu.memory_space<vmem>> -> memref<1x128xi32, #tpu.memory_space<vmem>>
      %dma_start3A_68 = tpu.memref_squeeze %dma_start3A_67 : memref<1x128xi32, #tpu.memory_space<vmem>> -> memref<128xi32, #tpu.memory_space<vmem>>
      %dma_start3A_69 = arith.constant 0 : i32
      %dma_start3A_70 = arith.constant 0 : i32
      %dma_start3A_71 = tpu.memref_slice %arg2[%dma_start3A_69, %dma_start3A_70] : memref<10000x128xf32, #tpu.memory_space<hbm>> -> memref<10000x128xf32, #tpu.memory_space<hbm>>
      tpu.enqueue_indirect_dma source(%dma_start3A_71 : memref<10000x128xf32, #tpu.memory_space<hbm>>) target(%arg9 : memref<128x128xf32, #tpu.memory_space<vmem>>) offsets(%dma_start3A_68 : memref<128xi32, #tpu.memory_space<vmem>>) semaphore(%arg12 : memref<!tpu.dma_semaphore, #tpu.memory_space<semaphore_mem>>)
      "tpu.region"() ({
        %run_scoped3A = tpu.sem_alloc : memref<!tpu.dma_semaphore, #tpu.memory_space<semaphore_mem>>
        %dma_start3A_85 = arith.constant 0 : i32
        %dma_start3A_86 = tpu.memref_slice %arg7[%mul3A_58, %dma_start3A_85] : memref<40x128xi32, #tpu.memory_space<vmem>> -> memref<1x128xi32, #tpu.memory_space<vmem>>
        %dma_start3A_87 = tpu.memref_squeeze %dma_start3A_86 : memref<1x128xi32, #tpu.memory_space<vmem>> -> memref<128xi32, #tpu.memory_space<vmem>>
        %dma_start3A_88 = arith.constant 0 : i32
        %dma_start3A_89 = arith.constant 0 : i32
        %dma_start3A_90 = tpu.memref_slice %arg10[%dma_start3A_88, %dma_start3A_89] : memref<10240x128xf32, #tpu.memory_space<vmem_shared>> -> memref<10240x128xf32, #tpu.memory_space<vmem_shared>>
        tpu.enqueue_indirect_dma source(%arg8 : memref<128x128xf32, #tpu.memory_space<vmem>>) target(%dma_start3A_90 : memref<10240x128xf32, #tpu.memory_space<vmem_shared>>) offsets(%dma_start3A_87 : memref<128xi32, #tpu.memory_space<vmem>>) semaphore(%run_scoped3A : memref<!tpu.dma_semaphore, #tpu.memory_space<semaphore_mem>>) {add = true}
        %dma_wait3A_91 = arith.constant 0 : i32
        %dma_wait3A_92 = tpu.memref_slice %arg7[%mul3A_58, %dma_wait3A_91] : memref<40x128xi32, #tpu.memory_space<vmem>> -> memref<1x128xi32, #tpu.memory_space<vmem>>
        %dma_wait3A_93 = tpu.memref_squeeze %dma_wait3A_92 : memref<1x128xi32, #tpu.memory_space<vmem>> -> memref<128xi32, #tpu.memory_space<vmem>>
        %dma_wait3A_94 = arith.constant 0 : i32
        %dma_wait3A_95 = arith.constant 0 : i32
        %dma_wait3A_96 = tpu.memref_slice %arg10[%dma_wait3A_94, %dma_wait3A_95] : memref<10240x128xf32, #tpu.memory_space<vmem_shared>> -> memref<10240x128xf32, #tpu.memory_space<vmem_shared>>
        tpu.wait_indirect_dma semaphore(%run_scoped3A : memref<!tpu.dma_semaphore, #tpu.memory_space<semaphore_mem>>) src(%arg8 : memref<128x128xf32, #tpu.memory_space<vmem>>) dst(%dma_wait3A_96 : memref<10240x128xf32, #tpu.memory_space<vmem_shared>>)
        tpu.yield
      }) : () -> ()
      %add3A_72 = arith.constant 1 : i32
      %add3A_73 = arith.addi %mul3A_58, %add3A_72 : i32
      %dma_wait3A_74 = arith.constant 0 : i32
      %dma_wait3A_75 = tpu.memref_slice %arg6[%add3A_73, %dma_wait3A_74] : memref<40x128xi32, #tpu.memory_space<vmem>> -> memref<1x128xi32, #tpu.memory_space<vmem>>
      %dma_wait3A_76 = tpu.memref_squeeze %dma_wait3A_75 : memref<1x128xi32, #tpu.memory_space<vmem>> -> memref<128xi32, #tpu.memory_space<vmem>>
      %dma_wait3A_77 = arith.constant 0 : i32
      %dma_wait3A_78 = arith.constant 0 : i32
      %dma_wait3A_79 = tpu.memref_slice %arg2[%dma_wait3A_77, %dma_wait3A_78] : memref<10000x128xf32, #tpu.memory_space<hbm>> -> memref<10000x128xf32, #tpu.memory_space<hbm>>
      tpu.wait_indirect_dma semaphore(%arg12 : memref<!tpu.dma_semaphore, #tpu.memory_space<semaphore_mem>>) src(%dma_wait3A_79 : memref<10000x128xf32, #tpu.memory_space<hbm>>) dst(%arg9 : memref<128x128xf32, #tpu.memory_space<vmem>>)
      %lt3A = arith.constant 19 : i32
      %lt3A_80 = arith.cmpi slt, %scan3A_55, %lt3A : i32
      %convert_element_type3A = arith.extui %lt3A_80 : i1 to i32
      %cond3A = arith.constant 0 : i32
      %cond3A_81 = arith.cmpi ne, %convert_element_type3A, %cond3A : i32
      scf.if %cond3A_81 {
        %add3A_85 = arith.constant 2 : i32
        %add3A_86 = arith.addi %mul3A_58, %add3A_85 : i32
        %dma_start3A_87 = arith.constant 0 : i32
        %dma_start3A_88 = tpu.memref_slice %arg6[%add3A_86, %dma_start3A_87] : memref<40x128xi32, #tpu.memory_space<vmem>> -> memref<1x128xi32, #tpu.memory_space<vmem>>
        %dma_start3A_89 = tpu.memref_squeeze %dma_start3A_88 : memref<1x128xi32, #tpu.memory_space<vmem>> -> memref<128xi32, #tpu.memory_space<vmem>>
        %dma_start3A_90 = arith.constant 0 : i32
        %dma_start3A_91 = arith.constant 0 : i32
        %dma_start3A_92 = tpu.memref_slice %arg2[%dma_start3A_90, %dma_start3A_91] : memref<10000x128xf32, #tpu.memory_space<hbm>> -> memref<10000x128xf32, #tpu.memory_space<hbm>>
        tpu.enqueue_indirect_dma source(%dma_start3A_92 : memref<10000x128xf32, #tpu.memory_space<hbm>>) target(%arg8 : memref<128x128xf32, #tpu.memory_space<vmem>>) offsets(%dma_start3A_89 : memref<128xi32, #tpu.memory_space<vmem>>) semaphore(%arg11 : memref<!tpu.dma_semaphore, #tpu.memory_space<semaphore_mem>>)
      } else {
      }
      %add3A_82 = arith.constant 1 : i32
      %add3A_83 = arith.addi %mul3A_58, %add3A_82 : i32
      "tpu.region"() ({
        %run_scoped3A = tpu.sem_alloc : memref<!tpu.dma_semaphore, #tpu.memory_space<semaphore_mem>>
        %dma_start3A_85 = arith.constant 0 : i32
        %dma_start3A_86 = tpu.memref_slice %arg7[%add3A_83, %dma_start3A_85] : memref<40x128xi32, #tpu.memory_space<vmem>> -> memref<1x128xi32, #tpu.memory_space<vmem>>
        %dma_start3A_87 = tpu.memref_squeeze %dma_start3A_86 : memref<1x128xi32, #tpu.memory_space<vmem>> -> memref<128xi32, #tpu.memory_space<vmem>>
        %dma_start3A_88 = arith.constant 0 : i32
        %dma_start3A_89 = arith.constant 0 : i32
        %dma_start3A_90 = tpu.memref_slice %arg10[%dma_start3A_88, %dma_start3A_89] : memref<10240x128xf32, #tpu.memory_space<vmem_shared>> -> memref<10240x128xf32, #tpu.memory_space<vmem_shared>>
        tpu.enqueue_indirect_dma source(%arg9 : memref<128x128xf32, #tpu.memory_space<vmem>>) target(%dma_start3A_90 : memref<10240x128xf32, #tpu.memory_space<vmem_shared>>) offsets(%dma_start3A_87 : memref<128xi32, #tpu.memory_space<vmem>>) semaphore(%run_scoped3A : memref<!tpu.dma_semaphore, #tpu.memory_space<semaphore_mem>>) {add = true}
        %dma_wait3A_91 = arith.constant 0 : i32
        %dma_wait3A_92 = tpu.memref_slice %arg7[%add3A_83, %dma_wait3A_91] : memref<40x128xi32, #tpu.memory_space<vmem>> -> memref<1x128xi32, #tpu.memory_space<vmem>>
        %dma_wait3A_93 = tpu.memref_squeeze %dma_wait3A_92 : memref<1x128xi32, #tpu.memory_space<vmem>> -> memref<128xi32, #tpu.memory_space<vmem>>
        %dma_wait3A_94 = arith.constant 0 : i32
        %dma_wait3A_95 = arith.constant 0 : i32
        %dma_wait3A_96 = tpu.memref_slice %arg10[%dma_wait3A_94, %dma_wait3A_95] : memref<10240x128xf32, #tpu.memory_space<vmem_shared>> -> memref<10240x128xf32, #tpu.memory_space<vmem_shared>>
        tpu.wait_indirect_dma semaphore(%run_scoped3A : memref<!tpu.dma_semaphore, #tpu.memory_space<semaphore_mem>>) src(%arg9 : memref<128x128xf32, #tpu.memory_space<vmem>>) dst(%dma_wait3A_96 : memref<10240x128xf32, #tpu.memory_space<vmem_shared>>)
        tpu.yield
      }) : () -> ()
      %scan3A_84 = arith.constant 0 : i32
      scf.yield %scan3A_84 : i32
    }
    %scan3A_30 = arith.constant 20 : i32
    %add3A_31 = arith.constant 40 : i32
    %add3A_32 = arith.addi %mul3A_15, %add3A_31 : i32
    "tpu.region"() ({
      %run_scoped3A = tpu.sem_alloc : memref<!tpu.dma_semaphore, #tpu.memory_space<semaphore_mem>>
      %dma_start3A_55 = arith.constant 0 : i32
      %dma_start3A_56 = tpu.memref_slice %arg3[%add3A_32, %dma_start3A_55] : memref<2560x128xi32, #tpu.memory_space<hbm>> -> memref<40x128xi32, #tpu.memory_space<hbm>>
      %dma_start3A_57 = arith.constant 0 : i32
      %dma_start3A_58 = tpu.memref_slice %arg3[%add3A_32, %dma_start3A_57] : memref<2560x128xi32, #tpu.memory_space<hbm>> -> memref<40x128xi32, #tpu.memory_space<hbm>>
      tpu.enqueue_dma source(%dma_start3A_58 : memref<40x128xi32, #tpu.memory_space<hbm>>) target(%arg6 : memref<40x128xi32, #tpu.memory_space<vmem>>) target_semaphore(%run_scoped3A : memref<!tpu.dma_semaphore, #tpu.memory_space<semaphore_mem>>)
      %dma_wait3A = arith.constant 0 : i32
      %dma_wait3A_59 = tpu.memref_slice %arg3[%add3A_32, %dma_wait3A] : memref<2560x128xi32, #tpu.memory_space<hbm>> -> memref<40x128xi32, #tpu.memory_space<hbm>>
      %dma_wait3A_60 = arith.constant 0 : i32
      %dma_wait3A_61 = tpu.memref_slice %arg3[%add3A_32, %dma_wait3A_60] : memref<2560x128xi32, #tpu.memory_space<hbm>> -> memref<40x128xi32, #tpu.memory_space<hbm>>
      tpu.wait_dma2 semaphore(%run_scoped3A : memref<!tpu.dma_semaphore, #tpu.memory_space<semaphore_mem>>) src(%dma_wait3A_61 : memref<40x128xi32, #tpu.memory_space<hbm>>) dst(%arg6 : memref<40x128xi32, #tpu.memory_space<vmem>>)
      tpu.yield
    }) : () -> ()
    "tpu.region"() ({
      %run_scoped3A = tpu.sem_alloc : memref<!tpu.dma_semaphore, #tpu.memory_space<semaphore_mem>>
      %dma_start3A_55 = arith.constant 0 : i32
      %dma_start3A_56 = tpu.memref_slice %arg4[%add3A_32, %dma_start3A_55] : memref<2560x128xi32, #tpu.memory_space<hbm>> -> memref<40x128xi32, #tpu.memory_space<hbm>>
      %dma_start3A_57 = arith.constant 0 : i32
      %dma_start3A_58 = tpu.memref_slice %arg4[%add3A_32, %dma_start3A_57] : memref<2560x128xi32, #tpu.memory_space<hbm>> -> memref<40x128xi32, #tpu.memory_space<hbm>>
      tpu.enqueue_dma source(%dma_start3A_58 : memref<40x128xi32, #tpu.memory_space<hbm>>) target(%arg7 : memref<40x128xi32, #tpu.memory_space<vmem>>) target_semaphore(%run_scoped3A : memref<!tpu.dma_semaphore, #tpu.memory_space<semaphore_mem>>)
      %dma_wait3A = arith.constant 0 : i32
      %dma_wait3A_59 = tpu.memref_slice %arg4[%add3A_32, %dma_wait3A] : memref<2560x128xi32, #tpu.memory_space<hbm>> -> memref<40x128xi32, #tpu.memory_space<hbm>>
      %dma_wait3A_60 = arith.constant 0 : i32
      %dma_wait3A_61 = tpu.memref_slice %arg4[%add3A_32, %dma_wait3A_60] : memref<2560x128xi32, #tpu.memory_space<hbm>> -> memref<40x128xi32, #tpu.memory_space<hbm>>
      tpu.wait_dma2 semaphore(%run_scoped3A : memref<!tpu.dma_semaphore, #tpu.memory_space<semaphore_mem>>) src(%dma_wait3A_61 : memref<40x128xi32, #tpu.memory_space<hbm>>) dst(%arg7 : memref<40x128xi32, #tpu.memory_space<vmem>>)
      tpu.yield
    }) : () -> ()
    %dma_start3A_33 = arith.constant 0 : i32
    %dma_start3A_34 = arith.constant 0 : i32
    %dma_start3A_35 = tpu.memref_slice %arg6[%dma_start3A_33, %dma_start3A_34] : memref<40x128xi32, #tpu.memory_space<vmem>> -> memref<1x128xi32, #tpu.memory_space<vmem>>
    %dma_start3A_36 = tpu.memref_squeeze %dma_start3A_35 : memref<1x128xi32, #tpu.memory_space<vmem>> -> memref<128xi32, #tpu.memory_space<vmem>>
    %dma_start3A_37 = arith.constant 0 : i32
    %dma_start3A_38 = arith.constant 0 : i32
    %dma_start3A_39 = tpu.memref_slice %arg2[%dma_start3A_37, %dma_start3A_38] : memref<10000x128xf32, #tpu.memory_space<hbm>> -> memref<10000x128xf32, #tpu.memory_space<hbm>>
    tpu.enqueue_indirect_dma source(%dma_start3A_39 : memref<10000x128xf32, #tpu.memory_space<hbm>>) target(%arg8 : memref<128x128xf32, #tpu.memory_space<vmem>>) offsets(%dma_start3A_36 : memref<128xi32, #tpu.memory_space<vmem>>) semaphore(%arg11 : memref<!tpu.dma_semaphore, #tpu.memory_space<semaphore_mem>>)
    %scan3A_40 = arith.constant 0 : i32
    %scan3A_41 = arith.constant 0 : i32
    %scan3A_42 = arith.constant 20 : i32
    %scan3A_43 = arith.addi %scan3A_41, %scan3A_42 : i32
    %scan3A_44 = arith.constant 1 : i32
    %scan3A_45 = scf.for %scan3A_55 = %scan3A_41 to %scan3A_43 step %scan3A_44 iter_args(%scan3A_56 = %scan3A_40) -> (i32)  : i32 {
      %mul3A_57 = arith.constant 2 : i32
      %mul3A_58 = arith.muli %mul3A_57, %scan3A_55 : i32
      %dma_wait3A = arith.constant 0 : i32
      %dma_wait3A_59 = tpu.memref_slice %arg6[%mul3A_58, %dma_wait3A] : memref<40x128xi32, #tpu.memory_space<vmem>> -> memref<1x128xi32, #tpu.memory_space<vmem>>
      %dma_wait3A_60 = tpu.memref_squeeze %dma_wait3A_59 : memref<1x128xi32, #tpu.memory_space<vmem>> -> memref<128xi32, #tpu.memory_space<vmem>>
      %dma_wait3A_61 = arith.constant 0 : i32
      %dma_wait3A_62 = arith.constant 0 : i32
      %dma_wait3A_63 = tpu.memref_slice %arg2[%dma_wait3A_61, %dma_wait3A_62] : memref<10000x128xf32, #tpu.memory_space<hbm>> -> memref<10000x128xf32, #tpu.memory_space<hbm>>
      tpu.wait_indirect_dma semaphore(%arg11 : memref<!tpu.dma_semaphore, #tpu.memory_space<semaphore_mem>>) src(%dma_wait3A_63 : memref<10000x128xf32, #tpu.memory_space<hbm>>) dst(%arg8 : memref<128x128xf32, #tpu.memory_space<vmem>>)
      %add3A_64 = arith.constant 1 : i32
      %add3A_65 = arith.addi %mul3A_58, %add3A_64 : i32
      %dma_start3A_66 = arith.constant 0 : i32
      %dma_start3A_67 = tpu.memref_slice %arg6[%add3A_65, %dma_start3A_66] : memref<40x128xi32, #tpu.memory_space<vmem>> -> memref<1x128xi32, #tpu.memory_space<vmem>>
      %dma_start3A_68 = tpu.memref_squeeze %dma_start3A_67 : memref<1x128xi32, #tpu.memory_space<vmem>> -> memref<128xi32, #tpu.memory_space<vmem>>
      %dma_start3A_69 = arith.constant 0 : i32
      %dma_start3A_70 = arith.constant 0 : i32
      %dma_start3A_71 = tpu.memref_slice %arg2[%dma_start3A_69, %dma_start3A_70] : memref<10000x128xf32, #tpu.memory_space<hbm>> -> memref<10000x128xf32, #tpu.memory_space<hbm>>
      tpu.enqueue_indirect_dma source(%dma_start3A_71 : memref<10000x128xf32, #tpu.memory_space<hbm>>) target(%arg9 : memref<128x128xf32, #tpu.memory_space<vmem>>) offsets(%dma_start3A_68 : memref<128xi32, #tpu.memory_space<vmem>>) semaphore(%arg12 : memref<!tpu.dma_semaphore, #tpu.memory_space<semaphore_mem>>)
      "tpu.region"() ({
        %run_scoped3A = tpu.sem_alloc : memref<!tpu.dma_semaphore, #tpu.memory_space<semaphore_mem>>
        %dma_start3A_85 = arith.constant 0 : i32
        %dma_start3A_86 = tpu.memref_slice %arg7[%mul3A_58, %dma_start3A_85] : memref<40x128xi32, #tpu.memory_space<vmem>> -> memref<1x128xi32, #tpu.memory_space<vmem>>
        %dma_start3A_87 = tpu.memref_squeeze %dma_start3A_86 : memref<1x128xi32, #tpu.memory_space<vmem>> -> memref<128xi32, #tpu.memory_space<vmem>>
        %dma_start3A_88 = arith.constant 0 : i32
        %dma_start3A_89 = arith.constant 0 : i32
        %dma_start3A_90 = tpu.memref_slice %arg10[%dma_start3A_88, %dma_start3A_89] : memref<10240x128xf32, #tpu.memory_space<vmem_shared>> -> memref<10240x128xf32, #tpu.memory_space<vmem_shared>>
        tpu.enqueue_indirect_dma source(%arg8 : memref<128x128xf32, #tpu.memory_space<vmem>>) target(%dma_start3A_90 : memref<10240x128xf32, #tpu.memory_space<vmem_shared>>) offsets(%dma_start3A_87 : memref<128xi32, #tpu.memory_space<vmem>>) semaphore(%run_scoped3A : memref<!tpu.dma_semaphore, #tpu.memory_space<semaphore_mem>>) {add = true}
        %dma_wait3A_91 = arith.constant 0 : i32
        %dma_wait3A_92 = tpu.memref_slice %arg7[%mul3A_58, %dma_wait3A_91] : memref<40x128xi32, #tpu.memory_space<vmem>> -> memref<1x128xi32, #tpu.memory_space<vmem>>
        %dma_wait3A_93 = tpu.memref_squeeze %dma_wait3A_92 : memref<1x128xi32, #tpu.memory_space<vmem>> -> memref<128xi32, #tpu.memory_space<vmem>>
        %dma_wait3A_94 = arith.constant 0 : i32
        %dma_wait3A_95 = arith.constant 0 : i32
        %dma_wait3A_96 = tpu.memref_slice %arg10[%dma_wait3A_94, %dma_wait3A_95] : memref<10240x128xf32, #tpu.memory_space<vmem_shared>> -> memref<10240x128xf32, #tpu.memory_space<vmem_shared>>
        tpu.wait_indirect_dma semaphore(%run_scoped3A : memref<!tpu.dma_semaphore, #tpu.memory_space<semaphore_mem>>) src(%arg8 : memref<128x128xf32, #tpu.memory_space<vmem>>) dst(%dma_wait3A_96 : memref<10240x128xf32, #tpu.memory_space<vmem_shared>>)
        tpu.yield
      }) : () -> ()
      %add3A_72 = arith.constant 1 : i32
      %add3A_73 = arith.addi %mul3A_58, %add3A_72 : i32
      %dma_wait3A_74 = arith.constant 0 : i32
      %dma_wait3A_75 = tpu.memref_slice %arg6[%add3A_73, %dma_wait3A_74] : memref<40x128xi32, #tpu.memory_space<vmem>> -> memref<1x128xi32, #tpu.memory_space<vmem>>
      %dma_wait3A_76 = tpu.memref_squeeze %dma_wait3A_75 : memref<1x128xi32, #tpu.memory_space<vmem>> -> memref<128xi32, #tpu.memory_space<vmem>>
      %dma_wait3A_77 = arith.constant 0 : i32
      %dma_wait3A_78 = arith.constant 0 : i32
      %dma_wait3A_79 = tpu.memref_slice %arg2[%dma_wait3A_77, %dma_wait3A_78] : memref<10000x128xf32, #tpu.memory_space<hbm>> -> memref<10000x128xf32, #tpu.memory_space<hbm>>
      tpu.wait_indirect_dma semaphore(%arg12 : memref<!tpu.dma_semaphore, #tpu.memory_space<semaphore_mem>>) src(%dma_wait3A_79 : memref<10000x128xf32, #tpu.memory_space<hbm>>) dst(%arg9 : memref<128x128xf32, #tpu.memory_space<vmem>>)
      %lt3A = arith.constant 19 : i32
      %lt3A_80 = arith.cmpi slt, %scan3A_55, %lt3A : i32
      %convert_element_type3A = arith.extui %lt3A_80 : i1 to i32
      %cond3A = arith.constant 0 : i32
      %cond3A_81 = arith.cmpi ne, %convert_element_type3A, %cond3A : i32
      scf.if %cond3A_81 {
        %add3A_85 = arith.constant 2 : i32
        %add3A_86 = arith.addi %mul3A_58, %add3A_85 : i32
        %dma_start3A_87 = arith.constant 0 : i32
        %dma_start3A_88 = tpu.memref_slice %arg6[%add3A_86, %dma_start3A_87] : memref<40x128xi32, #tpu.memory_space<vmem>> -> memref<1x128xi32, #tpu.memory_space<vmem>>
        %dma_start3A_89 = tpu.memref_squeeze %dma_start3A_88 : memref<1x128xi32, #tpu.memory_space<vmem>> -> memref<128xi32, #tpu.memory_space<vmem>>
        %dma_start3A_90 = arith.constant 0 : i32
        %dma_start3A_91 = arith.constant 0 : i32
        %dma_start3A_92 = tpu.memref_slice %arg2[%dma_start3A_90, %dma_start3A_91] : memref<10000x128xf32, #tpu.memory_space<hbm>> -> memref<10000x128xf32, #tpu.memory_space<hbm>>
        tpu.enqueue_indirect_dma source(%dma_start3A_92 : memref<10000x128xf32, #tpu.memory_space<hbm>>) target(%arg8 : memref<128x128xf32, #tpu.memory_space<vmem>>) offsets(%dma_start3A_89 : memref<128xi32, #tpu.memory_space<vmem>>) semaphore(%arg11 : memref<!tpu.dma_semaphore, #tpu.memory_space<semaphore_mem>>)
      } else {
      }
      %add3A_82 = arith.constant 1 : i32
      %add3A_83 = arith.addi %mul3A_58, %add3A_82 : i32
      "tpu.region"() ({
        %run_scoped3A = tpu.sem_alloc : memref<!tpu.dma_semaphore, #tpu.memory_space<semaphore_mem>>
        %dma_start3A_85 = arith.constant 0 : i32
        %dma_start3A_86 = tpu.memref_slice %arg7[%add3A_83, %dma_start3A_85] : memref<40x128xi32, #tpu.memory_space<vmem>> -> memref<1x128xi32, #tpu.memory_space<vmem>>
        %dma_start3A_87 = tpu.memref_squeeze %dma_start3A_86 : memref<1x128xi32, #tpu.memory_space<vmem>> -> memref<128xi32, #tpu.memory_space<vmem>>
        %dma_start3A_88 = arith.constant 0 : i32
        %dma_start3A_89 = arith.constant 0 : i32
        %dma_start3A_90 = tpu.memref_slice %arg10[%dma_start3A_88, %dma_start3A_89] : memref<10240x128xf32, #tpu.memory_space<vmem_shared>> -> memref<10240x128xf32, #tpu.memory_space<vmem_shared>>
        tpu.enqueue_indirect_dma source(%arg9 : memref<128x128xf32, #tpu.memory_space<vmem>>) target(%dma_start3A_90 : memref<10240x128xf32, #tpu.memory_space<vmem_shared>>) offsets(%dma_start3A_87 : memref<128xi32, #tpu.memory_space<vmem>>) semaphore(%run_scoped3A : memref<!tpu.dma_semaphore, #tpu.memory_space<semaphore_mem>>) {add = true}
        %dma_wait3A_91 = arith.constant 0 : i32
        %dma_wait3A_92 = tpu.memref_slice %arg7[%add3A_83, %dma_wait3A_91] : memref<40x128xi32, #tpu.memory_space<vmem>> -> memref<1x128xi32, #tpu.memory_space<vmem>>
        %dma_wait3A_93 = tpu.memref_squeeze %dma_wait3A_92 : memref<1x128xi32, #tpu.memory_space<vmem>> -> memref<128xi32, #tpu.memory_space<vmem>>
        %dma_wait3A_94 = arith.constant 0 : i32
        %dma_wait3A_95 = arith.constant 0 : i32
        %dma_wait3A_96 = tpu.memref_slice %arg10[%dma_wait3A_94, %dma_wait3A_95] : memref<10240x128xf32, #tpu.memory_space<vmem_shared>> -> memref<10240x128xf32, #tpu.memory_space<vmem_shared>>
        tpu.wait_indirect_dma semaphore(%run_scoped3A : memref<!tpu.dma_semaphore, #tpu.memory_space<semaphore_mem>>) src(%arg9 : memref<128x128xf32, #tpu.memory_space<vmem>>) dst(%dma_wait3A_96 : memref<10240x128xf32, #tpu.memory_space<vmem_shared>>)
        tpu.yield
      }) : () -> ()
      %scan3A_84 = arith.constant 0 : i32
      scf.yield %scan3A_84 : i32
    }
    %scan3A_46 = arith.constant 20 : i32
    %barrier3A_47 = arith.constant 0 : index
    tpu.barrier barrier_id(%barrier3A_47)
    %scan3A_48 = arith.constant 0 : i32
    %scan3A_49 = arith.constant 0 : i32
    %scan3A_50 = arith.constant 5 : i32
    %scan3A_51 = arith.addi %scan3A_49, %scan3A_50 : i32
    %scan3A_52 = arith.constant 1 : i32
    %scan3A_53 = scf.for %scan3A_55 = %scan3A_49 to %scan3A_51 step %scan3A_52 iter_args(%scan3A_56 = %scan3A_48) -> (i32)  : i32 {
      %mul3A_57 = arith.constant 640 : i32
      %mul3A_58 = arith.muli %arg1, %mul3A_57 : i32
      %mul3A_59 = arith.constant 128 : i32
      %mul3A_60 = arith.muli %scan3A_55, %mul3A_59 : i32
      %add3A_61 = arith.addi %mul3A_58, %mul3A_60 : i32
      "tpu.region"() ({
        %run_scoped3A = tpu.sem_alloc : memref<!tpu.dma_semaphore, #tpu.memory_space<semaphore_mem>>
        %dma_start3A_63 = arith.constant 0 : i32
        %dma_start3A_64 = tpu.memref_slice %arg10[%add3A_61, %dma_start3A_63] : memref<10240x128xf32, #tpu.memory_space<vmem_shared>> -> memref<128x128xf32, #tpu.memory_space<vmem_shared>>
        %dma_start3A_65 = arith.constant 0 : i32
        %dma_start3A_66 = tpu.memref_slice %arg10[%add3A_61, %dma_start3A_65] : memref<10240x128xf32, #tpu.memory_space<vmem_shared>> -> memref<128x128xf32, #tpu.memory_space<vmem_shared>>
        tpu.enqueue_dma source(%dma_start3A_66 : memref<128x128xf32, #tpu.memory_space<vmem_shared>>) target(%arg8 : memref<128x128xf32, #tpu.memory_space<vmem>>) target_semaphore(%run_scoped3A : memref<!tpu.dma_semaphore, #tpu.memory_space<semaphore_mem>>)
        %dma_wait3A = arith.constant 0 : i32
        %dma_wait3A_67 = tpu.memref_slice %arg10[%add3A_61, %dma_wait3A] : memref<10240x128xf32, #tpu.memory_space<vmem_shared>> -> memref<128x128xf32, #tpu.memory_space<vmem_shared>>
        %dma_wait3A_68 = arith.constant 0 : i32
        %dma_wait3A_69 = tpu.memref_slice %arg10[%add3A_61, %dma_wait3A_68] : memref<10240x128xf32, #tpu.memory_space<vmem_shared>> -> memref<128x128xf32, #tpu.memory_space<vmem_shared>>
        tpu.wait_dma2 semaphore(%run_scoped3A : memref<!tpu.dma_semaphore, #tpu.memory_space<semaphore_mem>>) src(%dma_wait3A_69 : memref<128x128xf32, #tpu.memory_space<vmem_shared>>) dst(%arg8 : memref<128x128xf32, #tpu.memory_space<vmem>>)
        tpu.yield
      }) : () -> ()
      "tpu.region"() ({
        %run_scoped3A = tpu.sem_alloc : memref<!tpu.dma_semaphore, #tpu.memory_space<semaphore_mem>>
        %dma_start3A_63 = arith.constant 0 : i32
        %dma_start3A_64 = arith.constant 0 : i32
        %dma_start3A_65 = tpu.memref_slice %arg5[%arg0, %dma_start3A_63, %dma_start3A_64] : memref<2x10240x128xf32, #tpu.memory_space<hbm>> -> memref<1x10240x128xf32, #tpu.memory_space<hbm>>
        %dma_start3A_66 = tpu.memref_squeeze %dma_start3A_65 : memref<1x10240x128xf32, #tpu.memory_space<hbm>> -> memref<10240x128xf32, #tpu.memory_space<hbm>>
        %dma_start3A_67 = arith.constant 0 : i32
        %dma_start3A_68 = tpu.memref_slice %dma_start3A_66[%add3A_61, %dma_start3A_67] : memref<10240x128xf32, #tpu.memory_space<hbm>> -> memref<128x128xf32, #tpu.memory_space<hbm>>
        %dma_start3A_69 = arith.constant 0 : i32
        %dma_start3A_70 = arith.constant 0 : i32
        %dma_start3A_71 = tpu.memref_slice %arg5[%arg0, %dma_start3A_69, %dma_start3A_70] : memref<2x10240x128xf32, #tpu.memory_space<hbm>> -> memref<1x10240x128xf32, #tpu.memory_space<hbm>>
        %dma_start3A_72 = tpu.memref_squeeze %dma_start3A_71 : memref<1x10240x128xf32, #tpu.memory_space<hbm>> -> memref<10240x128xf32, #tpu.memory_space<hbm>>
        %dma_start3A_73 = arith.constant 0 : i32
        %dma_start3A_74 = tpu.memref_slice %dma_start3A_72[%add3A_61, %dma_start3A_73] : memref<10240x128xf32, #tpu.memory_space<hbm>> -> memref<128x128xf32, #tpu.memory_space<hbm>>
        tpu.enqueue_dma source(%arg8 : memref<128x128xf32, #tpu.memory_space<vmem>>) target(%dma_start3A_74 : memref<128x128xf32, #tpu.memory_space<hbm>>) target_semaphore(%run_scoped3A : memref<!tpu.dma_semaphore, #tpu.memory_space<semaphore_mem>>)
        %dma_wait3A = arith.constant 0 : i32
        %dma_wait3A_75 = arith.constant 0 : i32
        %dma_wait3A_76 = tpu.memref_slice %arg5[%arg0, %dma_wait3A, %dma_wait3A_75] : memref<2x10240x128xf32, #tpu.memory_space<hbm>> -> memref<1x10240x128xf32, #tpu.memory_space<hbm>>
        %dma_wait3A_77 = tpu.memref_squeeze %dma_wait3A_76 : memref<1x10240x128xf32, #tpu.memory_space<hbm>> -> memref<10240x128xf32, #tpu.memory_space<hbm>>
        %dma_wait3A_78 = arith.constant 0 : i32
        %dma_wait3A_79 = tpu.memref_slice %dma_wait3A_77[%add3A_61, %dma_wait3A_78] : memref<10240x128xf32, #tpu.memory_space<hbm>> -> memref<128x128xf32, #tpu.memory_space<hbm>>
        %dma_wait3A_80 = arith.constant 0 : i32
        %dma_wait3A_81 = arith.constant 0 : i32
        %dma_wait3A_82 = tpu.memref_slice %arg5[%arg0, %dma_wait3A_80, %dma_wait3A_81] : memref<2x10240x128xf32, #tpu.memory_space<hbm>> -> memref<1x10240x128xf32, #tpu.memory_space<hbm>>
        %dma_wait3A_83 = tpu.memref_squeeze %dma_wait3A_82 : memref<1x10240x128xf32, #tpu.memory_space<hbm>> -> memref<10240x128xf32, #tpu.memory_space<hbm>>
        %dma_wait3A_84 = arith.constant 0 : i32
        %dma_wait3A_85 = tpu.memref_slice %dma_wait3A_83[%add3A_61, %dma_wait3A_84] : memref<10240x128xf32, #tpu.memory_space<hbm>> -> memref<128x128xf32, #tpu.memory_space<hbm>>
        tpu.wait_dma2 semaphore(%run_scoped3A : memref<!tpu.dma_semaphore, #tpu.memory_space<semaphore_mem>>) src(%arg8 : memref<128x128xf32, #tpu.memory_space<vmem>>) dst(%dma_wait3A_85 : memref<128x128xf32, #tpu.memory_space<hbm>>)
        tpu.yield
      }) : () -> ()
      %scan3A_62 = arith.constant 0 : i32
      scf.yield %scan3A_62 : i32
    }
    %scan3A_54 = arith.constant 5 : i32
    return
  }
}

#map = affine_map<(d0, d1) -> (0, 0)>
#map1 = affine_map<(d0, d1) -> (0)>
module attributes {stable_mosaic.version = 14 : i64} {
  func.func @_pool_sc(%arg0: i32, %arg1: i32, %arg2: memref<10000x128xf32, #tpu.memory_space<hbm>>, %arg3: memref<10000xi32, #tpu.memory_space<hbm>>, %arg4: memref<32x8192xf32, #tpu.memory_space<hbm>>, %arg5: memref<32x8192xf32, #tpu.memory_space<hbm>>, %arg6: memref<32x128xf32, #tpu.memory_space<hbm>>, %arg7: memref<320x128xf32, #tpu.memory_space<vmem>>, %arg8: memref<336xi32, #tpu.memory_space<vmem>>, %arg9: memref<8192xf32, #tpu.memory_space<vmem>>, %arg10: memref<8192xf32, #tpu.memory_space<vmem>>, %arg11: memref<144xf32, #tpu.memory_space<vmem>>) attributes {dimension_semantics = [#tpu.dimension_semantics<core_parallel>, #tpu.dimension_semantics<subcore_parallel>], iteration_bounds = array<i64: 2, 16>, scalar_prefetch = 0 : i64, scratch_operands = 5 : i64, tpu.core_type = #tpu.core_type<sc_vector_subcore>, window_params = [{transform_indices = #map}, {transform_indices = #map1}, {transform_indices = #map}, {transform_indices = #map}, {transform_indices = #map}]} {
    %mul3A = arith.constant 2 : i32
    %mul3A_0 = arith.muli %arg1, %mul3A : i32
    %add3A = arith.addi %mul3A_0, %arg0 : i32
    %mul3A_1 = arith.constant 320 : i32
    %mul3A_2 = arith.muli %add3A, %mul3A_1 : i32
    %eq3A = arith.constant 31 : i32
    %eq3A_3 = arith.cmpi eq, %add3A, %eq3A : i32
    %jit3A = arith.constant 80 : i32
    %jit3A_4 = arith.constant 320 : i32
    %select_n3A = arith.select %eq3A_3, %jit3A, %jit3A_4 : i32
    %broadcast_in_dim3A = arith.constant 0xFF800000 : f32
    %broadcast_in_dim3A_5 = vector.broadcast %broadcast_in_dim3A : f32 to vector<16xf32>
    %scan3A = arith.constant 0 : i32
    %scan3A_6 = arith.constant 0 : i32
    %scan3A_7 = arith.constant 512 : i32
    %scan3A_8 = arith.addi %scan3A_6, %scan3A_7 : i32
    %scan3A_9 = arith.constant 4 : i32
    %scan3A_10 = scf.for %scan3A_64 = %scan3A_6 to %scan3A_8 step %scan3A_9 iter_args(%scan3A_65 = %scan3A) -> (i32)  : i32 {
      %mul3A_66 = arith.constant 16 : i32
      %mul3A_67 = arith.muli %scan3A_64, %mul3A_66 : i32
      %swap3A_68 = arith.index_cast %mul3A_67 : i32 to index
      %swap3A_69 = tpu.vector_load %arg9[%swap3A_68] {strides = array<i32>} : memref<8192xf32, #tpu.memory_space<vmem>>, vector<16xf32>,
      %swap3A_70 = vector.shape_cast %swap3A_69 : vector<16xf32> to vector<16xf32>
      %swap3A_71 = vector.shape_cast %broadcast_in_dim3A_5 : vector<16xf32> to vector<16xf32>
      tpu.vector_store %arg9[%swap3A_68], %swap3A_71 {strides = array<i32>} : memref<8192xf32, #tpu.memory_space<vmem>>, vector<16xf32>,
      %scan3A_72 = arith.constant 0 : i32
      %scan3A_73 = arith.constant 1 : i32
      %scan3A_74 = arith.addi %scan3A_64, %scan3A_73 : i32
      %mul3A_75 = arith.constant 16 : i32
      %mul3A_76 = arith.muli %scan3A_74, %mul3A_75 : i32
      %swap3A_77 = arith.index_cast %mul3A_76 : i32 to index
      %swap3A_78 = tpu.vector_load %arg9[%swap3A_77] {strides = array<i32>} : memref<8192xf32, #tpu.memory_space<vmem>>, vector<16xf32>,
      %swap3A_79 = vector.shape_cast %swap3A_78 : vector<16xf32> to vector<16xf32>
      %swap3A_80 = vector.shape_cast %broadcast_in_dim3A_5 : vector<16xf32> to vector<16xf32>
      tpu.vector_store %arg9[%swap3A_77], %swap3A_80 {strides = array<i32>} : memref<8192xf32, #tpu.memory_space<vmem>>, vector<16xf32>,
      %scan3A_81 = arith.constant 0 : i32
      %scan3A_82 = arith.constant 2 : i32
      %scan3A_83 = arith.addi %scan3A_64, %scan3A_82 : i32
      %mul3A_84 = arith.constant 16 : i32
      %mul3A_85 = arith.muli %scan3A_83, %mul3A_84 : i32
      %swap3A_86 = arith.index_cast %mul3A_85 : i32 to index
      %swap3A_87 = tpu.vector_load %arg9[%swap3A_86] {strides = array<i32>} : memref<8192xf32, #tpu.memory_space<vmem>>, vector<16xf32>,
      %swap3A_88 = vector.shape_cast %swap3A_87 : vector<16xf32> to vector<16xf32>
      %swap3A_89 = vector.shape_cast %broadcast_in_dim3A_5 : vector<16xf32> to vector<16xf32>
      tpu.vector_store %arg9[%swap3A_86], %swap3A_89 {strides = array<i32>} : memref<8192xf32, #tpu.memory_space<vmem>>, vector<16xf32>,
      %scan3A_90 = arith.constant 0 : i32
      %scan3A_91 = arith.constant 3 : i32
      %scan3A_92 = arith.addi %scan3A_64, %scan3A_91 : i32
      %mul3A_93 = arith.constant 16 : i32
      %mul3A_94 = arith.muli %scan3A_92, %mul3A_93 : i32
      %swap3A_95 = arith.index_cast %mul3A_94 : i32 to index
      %swap3A_96 = tpu.vector_load %arg9[%swap3A_95] {strides = array<i32>} : memref<8192xf32, #tpu.memory_space<vmem>>, vector<16xf32>,
      %swap3A_97 = vector.shape_cast %swap3A_96 : vector<16xf32> to vector<16xf32>
      %swap3A_98 = vector.shape_cast %broadcast_in_dim3A_5 : vector<16xf32> to vector<16xf32>
      tpu.vector_store %arg9[%swap3A_95], %swap3A_98 {strides = array<i32>} : memref<8192xf32, #tpu.memory_space<vmem>>, vector<16xf32>,
      %scan3A_99 = arith.constant 0 : i32
      scf.yield %scan3A_99 : i32
    }
    %scan3A_11 = arith.constant 512 : i32
    %broadcast_in_dim3A_12 = arith.constant 0.000000e+00 : f32
    %broadcast_in_dim3A_13 = vector.broadcast %broadcast_in_dim3A_12 : f32 to vector<16xf32>
    %scan3A_14 = arith.constant 0 : i32
    %scan3A_15 = arith.constant 0 : i32
    %scan3A_16 = arith.constant 512 : i32
    %scan3A_17 = arith.addi %scan3A_15, %scan3A_16 : i32
    %scan3A_18 = arith.constant 4 : i32
    %scan3A_19 = scf.for %scan3A_64 = %scan3A_15 to %scan3A_17 step %scan3A_18 iter_args(%scan3A_65 = %scan3A_14) -> (i32)  : i32 {
      %mul3A_66 = arith.constant 16 : i32
      %mul3A_67 = arith.muli %scan3A_64, %mul3A_66 : i32
      %swap3A_68 = arith.index_cast %mul3A_67 : i32 to index
      %swap3A_69 = tpu.vector_load %arg10[%swap3A_68] {strides = array<i32>} : memref<8192xf32, #tpu.memory_space<vmem>>, vector<16xf32>,
      %swap3A_70 = vector.shape_cast %swap3A_69 : vector<16xf32> to vector<16xf32>
      %swap3A_71 = vector.shape_cast %broadcast_in_dim3A_13 : vector<16xf32> to vector<16xf32>
      tpu.vector_store %arg10[%swap3A_68], %swap3A_71 {strides = array<i32>} : memref<8192xf32, #tpu.memory_space<vmem>>, vector<16xf32>,
      %scan3A_72 = arith.constant 0 : i32
      %scan3A_73 = arith.constant 1 : i32
      %scan3A_74 = arith.addi %scan3A_64, %scan3A_73 : i32
      %mul3A_75 = arith.constant 16 : i32
      %mul3A_76 = arith.muli %scan3A_74, %mul3A_75 : i32
      %swap3A_77 = arith.index_cast %mul3A_76 : i32 to index
      %swap3A_78 = tpu.vector_load %arg10[%swap3A_77] {strides = array<i32>} : memref<8192xf32, #tpu.memory_space<vmem>>, vector<16xf32>,
      %swap3A_79 = vector.shape_cast %swap3A_78 : vector<16xf32> to vector<16xf32>
      %swap3A_80 = vector.shape_cast %broadcast_in_dim3A_13 : vector<16xf32> to vector<16xf32>
      tpu.vector_store %arg10[%swap3A_77], %swap3A_80 {strides = array<i32>} : memref<8192xf32, #tpu.memory_space<vmem>>, vector<16xf32>,
      %scan3A_81 = arith.constant 0 : i32
      %scan3A_82 = arith.constant 2 : i32
      %scan3A_83 = arith.addi %scan3A_64, %scan3A_82 : i32
      %mul3A_84 = arith.constant 16 : i32
      %mul3A_85 = arith.muli %scan3A_83, %mul3A_84 : i32
      %swap3A_86 = arith.index_cast %mul3A_85 : i32 to index
      %swap3A_87 = tpu.vector_load %arg10[%swap3A_86] {strides = array<i32>} : memref<8192xf32, #tpu.memory_space<vmem>>, vector<16xf32>,
      %swap3A_88 = vector.shape_cast %swap3A_87 : vector<16xf32> to vector<16xf32>
      %swap3A_89 = vector.shape_cast %broadcast_in_dim3A_13 : vector<16xf32> to vector<16xf32>
      tpu.vector_store %arg10[%swap3A_86], %swap3A_89 {strides = array<i32>} : memref<8192xf32, #tpu.memory_space<vmem>>, vector<16xf32>,
      %scan3A_90 = arith.constant 0 : i32
      %scan3A_91 = arith.constant 3 : i32
      %scan3A_92 = arith.addi %scan3A_64, %scan3A_91 : i32
      %mul3A_93 = arith.constant 16 : i32
      %mul3A_94 = arith.muli %scan3A_92, %mul3A_93 : i32
      %swap3A_95 = arith.index_cast %mul3A_94 : i32 to index
      %swap3A_96 = tpu.vector_load %arg10[%swap3A_95] {strides = array<i32>} : memref<8192xf32, #tpu.memory_space<vmem>>, vector<16xf32>,
      %swap3A_97 = vector.shape_cast %swap3A_96 : vector<16xf32> to vector<16xf32>
      %swap3A_98 = vector.shape_cast %broadcast_in_dim3A_13 : vector<16xf32> to vector<16xf32>
      tpu.vector_store %arg10[%swap3A_95], %swap3A_98 {strides = array<i32>} : memref<8192xf32, #tpu.memory_space<vmem>>, vector<16xf32>,
      %scan3A_99 = arith.constant 0 : i32
      scf.yield %scan3A_99 : i32
    }
    %scan3A_20 = arith.constant 512 : i32
    %broadcast_in_dim3A_21 = arith.constant 0.000000e+00 : f32
    %broadcast_in_dim3A_22 = vector.broadcast %broadcast_in_dim3A_21 : f32 to vector<16xf32>
    %scan3A_23 = arith.constant 0 : i32
    %scan3A_24 = arith.constant 0 : i32
    %scan3A_25 = arith.constant 8 : i32
    %scan3A_26 = arith.addi %scan3A_24, %scan3A_25 : i32
    %scan3A_27 = arith.constant 4 : i32
    %scan3A_28 = scf.for %scan3A_64 = %scan3A_24 to %scan3A_26 step %scan3A_27 iter_args(%scan3A_65 = %scan3A_23) -> (i32)  : i32 {
      %mul3A_66 = arith.constant 16 : i32
      %mul3A_67 = arith.muli %scan3A_64, %mul3A_66 : i32
      %swap3A_68 = arith.index_cast %mul3A_67 : i32 to index
      %swap3A_69 = tpu.vector_load %arg11[%swap3A_68] {strides = array<i32>} : memref<144xf32, #tpu.memory_space<vmem>>, vector<16xf32>,
      %swap3A_70 = vector.shape_cast %swap3A_69 : vector<16xf32> to vector<16xf32>
      %swap3A_71 = vector.shape_cast %broadcast_in_dim3A_22 : vector<16xf32> to vector<16xf32>
      tpu.vector_store %arg11[%swap3A_68], %swap3A_71 {strides = array<i32>} : memref<144xf32, #tpu.memory_space<vmem>>, vector<16xf32>,
      %scan3A_72 = arith.constant 0 : i32
      %scan3A_73 = arith.constant 1 : i32
      %scan3A_74 = arith.addi %scan3A_64, %scan3A_73 : i32
      %mul3A_75 = arith.constant 16 : i32
      %mul3A_76 = arith.muli %scan3A_74, %mul3A_75 : i32
      %swap3A_77 = arith.index_cast %mul3A_76 : i32 to index
      %swap3A_78 = tpu.vector_load %arg11[%swap3A_77] {strides = array<i32>} : memref<144xf32, #tpu.memory_space<vmem>>, vector<16xf32>,
      %swap3A_79 = vector.shape_cast %swap3A_78 : vector<16xf32> to vector<16xf32>
      %swap3A_80 = vector.shape_cast %broadcast_in_dim3A_22 : vector<16xf32> to vector<16xf32>
      tpu.vector_store %arg11[%swap3A_77], %swap3A_80 {strides = array<i32>} : memref<144xf32, #tpu.memory_space<vmem>>, vector<16xf32>,
      %scan3A_81 = arith.constant 0 : i32
      %scan3A_82 = arith.constant 2 : i32
      %scan3A_83 = arith.addi %scan3A_64, %scan3A_82 : i32
      %mul3A_84 = arith.constant 16 : i32
      %mul3A_85 = arith.muli %scan3A_83, %mul3A_84 : i32
      %swap3A_86 = arith.index_cast %mul3A_85 : i32 to index
      %swap3A_87 = tpu.vector_load %arg11[%swap3A_86] {strides = array<i32>} : memref<144xf32, #tpu.memory_space<vmem>>, vector<16xf32>,
      %swap3A_88 = vector.shape_cast %swap3A_87 : vector<16xf32> to vector<16xf32>
      %swap3A_89 = vector.shape_cast %broadcast_in_dim3A_22 : vector<16xf32> to vector<16xf32>
      tpu.vector_store %arg11[%swap3A_86], %swap3A_89 {strides = array<i32>} : memref<144xf32, #tpu.memory_space<vmem>>, vector<16xf32>,
      %scan3A_90 = arith.constant 0 : i32
      %scan3A_91 = arith.constant 3 : i32
      %scan3A_92 = arith.addi %scan3A_64, %scan3A_91 : i32
      %mul3A_93 = arith.constant 16 : i32
      %mul3A_94 = arith.muli %scan3A_92, %mul3A_93 : i32
      %swap3A_95 = arith.index_cast %mul3A_94 : i32 to index
      %swap3A_96 = tpu.vector_load %arg11[%swap3A_95] {strides = array<i32>} : memref<144xf32, #tpu.memory_space<vmem>>, vector<16xf32>,
      %swap3A_97 = vector.shape_cast %swap3A_96 : vector<16xf32> to vector<16xf32>
      %swap3A_98 = vector.shape_cast %broadcast_in_dim3A_22 : vector<16xf32> to vector<16xf32>
      tpu.vector_store %arg11[%swap3A_95], %swap3A_98 {strides = array<i32>} : memref<144xf32, #tpu.memory_space<vmem>>, vector<16xf32>,
      %scan3A_99 = arith.constant 0 : i32
      scf.yield %scan3A_99 : i32
    }
    %scan3A_29 = arith.constant 8 : i32
    %scan3A_30 = arith.addi %scan3A_24, %scan3A_29 : i32
    %mul3A_31 = arith.constant 16 : i32
    %mul3A_32 = arith.muli %scan3A_30, %mul3A_31 : i32
    %swap3A = arith.index_cast %mul3A_32 : i32 to index
    %swap3A_33 = tpu.vector_load %arg11[%swap3A] {strides = array<i32>} : memref<144xf32, #tpu.memory_space<vmem>>, vector<16xf32>,
    %swap3A_34 = vector.shape_cast %swap3A_33 : vector<16xf32> to vector<16xf32>
    %swap3A_35 = vector.shape_cast %broadcast_in_dim3A_22 : vector<16xf32> to vector<16xf32>
    tpu.vector_store %arg11[%swap3A], %swap3A_35 {strides = array<i32>} : memref<144xf32, #tpu.memory_space<vmem>>, vector<16xf32>,
    %scan3A_36 = arith.constant 0 : i32
    %scan3A_37 = arith.constant 9 : i32
    %lt3A = arith.constant 31 : i32
    %lt3A_38 = arith.cmpi slt, %add3A, %lt3A : i32
    %convert_element_type3A = arith.extui %lt3A_38 : i1 to i32
    %cond3A = arith.constant 0 : i32
    %cond3A_39 = arith.cmpi ne, %convert_element_type3A, %cond3A : i32
    scf.if %cond3A_39 {
      "tpu.region"() ({
        %run_scoped3A = tpu.sem_alloc : memref<!tpu.dma_semaphore, #tpu.memory_space<semaphore_mem>>
        %dma_start3A = arith.constant 0 : i32
        %dma_start3A_64 = tpu.memref_slice %arg2[%mul3A_2, %dma_start3A] : memref<10000x128xf32, #tpu.memory_space<hbm>> -> memref<320x128xf32, #tpu.memory_space<hbm>>
        %dma_start3A_65 = arith.constant 0 : i32
        %dma_start3A_66 = tpu.memref_slice %arg2[%mul3A_2, %dma_start3A_65] : memref<10000x128xf32, #tpu.memory_space<hbm>> -> memref<320x128xf32, #tpu.memory_space<hbm>>
        tpu.enqueue_dma source(%dma_start3A_66 : memref<320x128xf32, #tpu.memory_space<hbm>>) target(%arg7 : memref<320x128xf32, #tpu.memory_space<vmem>>) target_semaphore(%run_scoped3A : memref<!tpu.dma_semaphore, #tpu.memory_space<semaphore_mem>>)
        %dma_wait3A = arith.constant 0 : i32
        %dma_wait3A_67 = tpu.memref_slice %arg2[%mul3A_2, %dma_wait3A] : memref<10000x128xf32, #tpu.memory_space<hbm>> -> memref<320x128xf32, #tpu.memory_space<hbm>>
        %dma_wait3A_68 = arith.constant 0 : i32
        %dma_wait3A_69 = tpu.memref_slice %arg2[%mul3A_2, %dma_wait3A_68] : memref<10000x128xf32, #tpu.memory_space<hbm>> -> memref<320x128xf32, #tpu.memory_space<hbm>>
        tpu.wait_dma2 semaphore(%run_scoped3A : memref<!tpu.dma_semaphore, #tpu.memory_space<semaphore_mem>>) src(%dma_wait3A_69 : memref<320x128xf32, #tpu.memory_space<hbm>>) dst(%arg7 : memref<320x128xf32, #tpu.memory_space<vmem>>)
        tpu.yield
      }) : () -> ()
      "tpu.region"() ({
        %run_scoped3A = tpu.sem_alloc : memref<!tpu.dma_semaphore, #tpu.memory_space<semaphore_mem>>
        %dma_start3A = arith.constant 0 : i32
        %dma_start3A_64 = tpu.memref_slice %arg8[%dma_start3A] : memref<336xi32, #tpu.memory_space<vmem>> -> memref<320xi32, #tpu.memory_space<vmem>>
        %dma_start3A_65 = tpu.memref_slice %arg3[%mul3A_2] : memref<10000xi32, #tpu.memory_space<hbm>> -> memref<320xi32, #tpu.memory_space<hbm>>
        %dma_start3A_66 = arith.constant 0 : i32
        %dma_start3A_67 = tpu.memref_slice %arg8[%dma_start3A_66] : memref<336xi32, #tpu.memory_space<vmem>> -> memref<320xi32, #tpu.memory_space<vmem>>
        %dma_start3A_68 = tpu.memref_slice %arg3[%mul3A_2] : memref<10000xi32, #tpu.memory_space<hbm>> -> memref<320xi32, #tpu.memory_space<hbm>>
        tpu.enqueue_dma source(%dma_start3A_68 : memref<320xi32, #tpu.memory_space<hbm>>) target(%dma_start3A_67 : memref<320xi32, #tpu.memory_space<vmem>>) target_semaphore(%run_scoped3A : memref<!tpu.dma_semaphore, #tpu.memory_space<semaphore_mem>>)
        %dma_wait3A = arith.constant 0 : i32
        %dma_wait3A_69 = tpu.memref_slice %arg8[%dma_wait3A] : memref<336xi32, #tpu.memory_space<vmem>> -> memref<320xi32, #tpu.memory_space<vmem>>
        %dma_wait3A_70 = tpu.memref_slice %arg3[%mul3A_2] : memref<10000xi32, #tpu.memory_space<hbm>> -> memref<320xi32, #tpu.memory_space<hbm>>
        %dma_wait3A_71 = arith.constant 0 : i32
        %dma_wait3A_72 = tpu.memref_slice %arg8[%dma_wait3A_71] : memref<336xi32, #tpu.memory_space<vmem>> -> memref<320xi32, #tpu.memory_space<vmem>>
        %dma_wait3A_73 = tpu.memref_slice %arg3[%mul3A_2] : memref<10000xi32, #tpu.memory_space<hbm>> -> memref<320xi32, #tpu.memory_space<hbm>>
        tpu.wait_dma2 semaphore(%run_scoped3A : memref<!tpu.dma_semaphore, #tpu.memory_space<semaphore_mem>>) src(%dma_wait3A_73 : memref<320xi32, #tpu.memory_space<hbm>>) dst(%dma_wait3A_72 : memref<320xi32, #tpu.memory_space<vmem>>)
        tpu.yield
      }) : () -> ()
    } else {
    }
    %eq3A_40 = arith.constant 31 : i32
    %eq3A_41 = arith.cmpi eq, %add3A, %eq3A_40 : i32
    %convert_element_type3A_42 = arith.extui %eq3A_41 : i1 to i32
    %cond3A_43 = arith.constant 0 : i32
    %cond3A_44 = arith.cmpi ne, %convert_element_type3A_42, %cond3A_43 : i32
    scf.if %cond3A_44 {
      "tpu.region"() ({
        %run_scoped3A = tpu.sem_alloc : memref<!tpu.dma_semaphore, #tpu.memory_space<semaphore_mem>>
        %dma_start3A = arith.constant 0 : i32
        %dma_start3A_64 = arith.constant 0 : i32
        %dma_start3A_65 = tpu.memref_slice %arg7[%dma_start3A, %dma_start3A_64] : memref<320x128xf32, #tpu.memory_space<vmem>> -> memref<80x128xf32, #tpu.memory_space<vmem>>
        %dma_start3A_66 = arith.constant 0 : i32
        %dma_start3A_67 = tpu.memref_slice %arg2[%mul3A_2, %dma_start3A_66] : memref<10000x128xf32, #tpu.memory_space<hbm>> -> memref<80x128xf32, #tpu.memory_space<hbm>>
        %dma_start3A_68 = arith.constant 0 : i32
        %dma_start3A_69 = arith.constant 0 : i32
        %dma_start3A_70 = tpu.memref_slice %arg7[%dma_start3A_68, %dma_start3A_69] : memref<320x128xf32, #tpu.memory_space<vmem>> -> memref<80x128xf32, #tpu.memory_space<vmem>>
        %dma_start3A_71 = arith.constant 0 : i32
        %dma_start3A_72 = tpu.memref_slice %arg2[%mul3A_2, %dma_start3A_71] : memref<10000x128xf32, #tpu.memory_space<hbm>> -> memref<80x128xf32, #tpu.memory_space<hbm>>
        tpu.enqueue_dma source(%dma_start3A_72 : memref<80x128xf32, #tpu.memory_space<hbm>>) target(%dma_start3A_70 : memref<80x128xf32, #tpu.memory_space<vmem>>) target_semaphore(%run_scoped3A : memref<!tpu.dma_semaphore, #tpu.memory_space<semaphore_mem>>)
        %dma_wait3A = arith.constant 0 : i32
        %dma_wait3A_73 = arith.constant 0 : i32
        %dma_wait3A_74 = tpu.memref_slice %arg7[%dma_wait3A, %dma_wait3A_73] : memref<320x128xf32, #tpu.memory_space<vmem>> -> memref<80x128xf32, #tpu.memory_space<vmem>>
        %dma_wait3A_75 = arith.constant 0 : i32
        %dma_wait3A_76 = tpu.memref_slice %arg2[%mul3A_2, %dma_wait3A_75] : memref<10000x128xf32, #tpu.memory_space<hbm>> -> memref<80x128xf32, #tpu.memory_space<hbm>>
        %dma_wait3A_77 = arith.constant 0 : i32
        %dma_wait3A_78 = arith.constant 0 : i32
        %dma_wait3A_79 = tpu.memref_slice %arg7[%dma_wait3A_77, %dma_wait3A_78] : memref<320x128xf32, #tpu.memory_space<vmem>> -> memref<80x128xf32, #tpu.memory_space<vmem>>
        %dma_wait3A_80 = arith.constant 0 : i32
        %dma_wait3A_81 = tpu.memref_slice %arg2[%mul3A_2, %dma_wait3A_80] : memref<10000x128xf32, #tpu.memory_space<hbm>> -> memref<80x128xf32, #tpu.memory_space<hbm>>
        tpu.wait_dma2 semaphore(%run_scoped3A : memref<!tpu.dma_semaphore, #tpu.memory_space<semaphore_mem>>) src(%dma_wait3A_81 : memref<80x128xf32, #tpu.memory_space<hbm>>) dst(%dma_wait3A_79 : memref<80x128xf32, #tpu.memory_space<vmem>>)
        tpu.yield
      }) : () -> ()
      "tpu.region"() ({
        %run_scoped3A = tpu.sem_alloc : memref<!tpu.dma_semaphore, #tpu.memory_space<semaphore_mem>>
        %dma_start3A = arith.constant 0 : i32
        %dma_start3A_64 = tpu.memref_slice %arg8[%dma_start3A] : memref<336xi32, #tpu.memory_space<vmem>> -> memref<80xi32, #tpu.memory_space<vmem>>
        %dma_start3A_65 = tpu.memref_slice %arg3[%mul3A_2] : memref<10000xi32, #tpu.memory_space<hbm>> -> memref<80xi32, #tpu.memory_space<hbm>>
        %dma_start3A_66 = arith.constant 0 : i32
        %dma_start3A_67 = tpu.memref_slice %arg8[%dma_start3A_66] : memref<336xi32, #tpu.memory_space<vmem>> -> memref<80xi32, #tpu.memory_space<vmem>>
        %dma_start3A_68 = tpu.memref_slice %arg3[%mul3A_2] : memref<10000xi32, #tpu.memory_space<hbm>> -> memref<80xi32, #tpu.memory_space<hbm>>
        tpu.enqueue_dma source(%dma_start3A_68 : memref<80xi32, #tpu.memory_space<hbm>>) target(%dma_start3A_67 : memref<80xi32, #tpu.memory_space<vmem>>) target_semaphore(%run_scoped3A : memref<!tpu.dma_semaphore, #tpu.memory_space<semaphore_mem>>)
        %dma_wait3A = arith.constant 0 : i32
        %dma_wait3A_69 = tpu.memref_slice %arg8[%dma_wait3A] : memref<336xi32, #tpu.memory_space<vmem>> -> memref<80xi32, #tpu.memory_space<vmem>>
        %dma_wait3A_70 = tpu.memref_slice %arg3[%mul3A_2] : memref<10000xi32, #tpu.memory_space<hbm>> -> memref<80xi32, #tpu.memory_space<hbm>>
        %dma_wait3A_71 = arith.constant 0 : i32
        %dma_wait3A_72 = tpu.memref_slice %arg8[%dma_wait3A_71] : memref<336xi32, #tpu.memory_space<vmem>> -> memref<80xi32, #tpu.memory_space<vmem>>
        %dma_wait3A_73 = tpu.memref_slice %arg3[%mul3A_2] : memref<10000xi32, #tpu.memory_space<hbm>> -> memref<80xi32, #tpu.memory_space<hbm>>
        tpu.wait_dma2 semaphore(%run_scoped3A : memref<!tpu.dma_semaphore, #tpu.memory_space<semaphore_mem>>) src(%dma_wait3A_73 : memref<80xi32, #tpu.memory_space<hbm>>) dst(%dma_wait3A_72 : memref<80xi32, #tpu.memory_space<vmem>>)
        tpu.yield
      }) : () -> ()
    } else {
    }
    %iota3A = tpu.iota {dimensions = array<i32: 0>} : vector<16xi32>
    %eq3A_45 = arith.constant 0 : i32
    %eq3A_46 = vector.broadcast %eq3A_45 : i32 to vector<16xi32>
    %eq3A_47 = arith.cmpi eq, %iota3A, %eq3A_46 : vector<16xi32>
    %jit3A_48 = arith.constant 1.000000e+00 : f32
    %jit3A_49 = arith.constant 0.000000e+00 : f32
    %broadcast_in_dim3A_50 = vector.broadcast %jit3A_48 : f32 to vector<16xf32>
    %broadcast_in_dim3A_51 = vector.broadcast %jit3A_49 : f32 to vector<16xf32>
    %select_n3A_52 = arith.select %eq3A_47, %broadcast_in_dim3A_50, %broadcast_in_dim3A_51 : vector<16xi1>, vector<16xf32>
    %while3A = arith.constant 0 : i32
    %while3A_53 = arith.constant 0 : i32
    %while3A_54 = arith.subi %select_n3A, %while3A : i32
    %while3A_55 = arith.addi %while3A, %while3A_54 : i32
    %while3A_56 = arith.constant 1 : i32
    %while3A_57 = arith.divsi %while3A_54, %while3A_56 : i32
    %while3A_58 = arith.muli %while3A_57, %while3A_56 : i32
    %while3A_59 = arith.addi %while3A, %while3A_58 : i32
    %while3A_60 = arith.constant 1 : i32
    %while3A_61 = scf.for %while3A_64 = %while3A to %while3A_59 step %while3A_60 iter_args(%while3A_65 = %while3A_53) -> (i32)  : i32 {
      %get3A = arith.index_cast %while3A_64 : i32 to index
      %get3A_66 = tpu.vector_load %arg8[%get3A] {strides = array<i32>} : memref<336xi32, #tpu.memory_space<vmem>>, vector<16xi32>,
      %get3A_67 = vector.shape_cast %get3A_66 : vector<16xi32> to vector<16xi32>
      %slice3A = vector.extract_strided_slice %get3A_67 {offsets = [0], sizes = [1], strides = [1]} : vector<16xi32> to vector<1xi32>
      %squeeze3A = vector.extract %slice3A[0] : i32 from vector<1xi32>
      %mul3A_68 = arith.constant 128 : i32
      %mul3A_69 = arith.muli %squeeze3A, %mul3A_68 : i32
      %get3A_70 = arith.index_cast %squeeze3A : i32 to index
      %get3A_71 = tpu.vector_load %arg11[%get3A_70] {strides = array<i32>} : memref<144xf32, #tpu.memory_space<vmem>>, vector<16xf32>,
      %get3A_72 = vector.shape_cast %get3A_71 : vector<16xf32> to vector<16xf32>
      %add3A_73 = arith.addf %get3A_72, %select_n3A_52 : vector<16xf32>
      %swap3A_74 = arith.index_cast %squeeze3A : i32 to index
      %swap3A_75 = tpu.vector_load %arg11[%swap3A_74] {strides = array<i32>} : memref<144xf32, #tpu.memory_space<vmem>>, vector<16xf32>,
      %swap3A_76 = vector.shape_cast %swap3A_75 : vector<16xf32> to vector<16xf32>
      %swap3A_77 = vector.shape_cast %add3A_73 : vector<16xf32> to vector<16xf32>
      tpu.vector_store %arg11[%swap3A_74], %swap3A_77 {strides = array<i32>} : memref<144xf32, #tpu.memory_space<vmem>>, vector<16xf32>,
      %get3A_78 = arith.index_cast %while3A_64 : i32 to index
      %get3A_79 = arith.constant 0 : index
      %get3A_80 = tpu.vector_load %arg7[%get3A_78, %get3A_79] {strides = array<i32>} : memref<320x128xf32, #tpu.memory_space<vmem>>, vector<1x16xf32>,
      %get3A_81 = vector.shape_cast %get3A_80 : vector<1x16xf32> to vector<16xf32>
      %add3A_82 = arith.constant 0 : i32
      %add3A_83 = arith.addi %mul3A_69, %add3A_82 : i32
      %get3A_84 = arith.index_cast %add3A_83 : i32 to index
      %get3A_85 = tpu.vector_load %arg9[%get3A_84] {strides = array<i32>} : memref<8192xf32, #tpu.memory_space<vmem>>, vector<16xf32>,
      %get3A_86 = vector.shape_cast %get3A_85 : vector<16xf32> to vector<16xf32>
      %max3A = arith.maximumf %get3A_86, %get3A_81 : vector<16xf32>
      %add3A_87 = arith.constant 0 : i32
      %add3A_88 = arith.addi %mul3A_69, %add3A_87 : i32
      %swap3A_89 = arith.index_cast %add3A_88 : i32 to index
      %swap3A_90 = tpu.vector_load %arg9[%swap3A_89] {strides = array<i32>} : memref<8192xf32, #tpu.memory_space<vmem>>, vector<16xf32>,
      %swap3A_91 = vector.shape_cast %swap3A_90 : vector<16xf32> to vector<16xf32>
      %swap3A_92 = vector.shape_cast %max3A : vector<16xf32> to vector<16xf32>
      tpu.vector_store %arg9[%swap3A_89], %swap3A_92 {strides = array<i32>} : memref<8192xf32, #tpu.memory_space<vmem>>, vector<16xf32>,
      %add3A_93 = arith.constant 0 : i32
      %add3A_94 = arith.addi %mul3A_69, %add3A_93 : i32
      %get3A_95 = arith.index_cast %add3A_94 : i32 to index
      %get3A_96 = tpu.vector_load %arg10[%get3A_95] {strides = array<i32>} : memref<8192xf32, #tpu.memory_space<vmem>>, vector<16xf32>,
      %get3A_97 = vector.shape_cast %get3A_96 : vector<16xf32> to vector<16xf32>
      %add3A_98 = arith.addf %get3A_97, %get3A_81 : vector<16xf32>
      %add3A_99 = arith.constant 0 : i32
      %add3A_100 = arith.addi %mul3A_69, %add3A_99 : i32
      %swap3A_101 = arith.index_cast %add3A_100 : i32 to index
      %swap3A_102 = tpu.vector_load %arg10[%swap3A_101] {strides = array<i32>} : memref<8192xf32, #tpu.memory_space<vmem>>, vector<16xf32>,
      %swap3A_103 = vector.shape_cast %swap3A_102 : vector<16xf32> to vector<16xf32>
      %swap3A_104 = vector.shape_cast %add3A_98 : vector<16xf32> to vector<16xf32>
      tpu.vector_store %arg10[%swap3A_101], %swap3A_104 {strides = array<i32>} : memref<8192xf32, #tpu.memory_space<vmem>>, vector<16xf32>,
      %get3A_105 = arith.index_cast %while3A_64 : i32 to index
      %get3A_106 = arith.constant 16 : index
      %get3A_107 = tpu.vector_load %arg7[%get3A_105, %get3A_106] {strides = array<i32>} : memref<320x128xf32, #tpu.memory_space<vmem>>, vector<1x16xf32>,
      %get3A_108 = vector.shape_cast %get3A_107 : vector<1x16xf32> to vector<16xf32>
      %add3A_109 = arith.constant 16 : i32
      %add3A_110 = arith.addi %mul3A_69, %add3A_109 : i32
      %get3A_111 = arith.index_cast %add3A_110 : i32 to index
      %get3A_112 = tpu.vector_load %arg9[%get3A_111] {strides = array<i32>} : memref<8192xf32, #tpu.memory_space<vmem>>, vector<16xf32>,
      %get3A_113 = vector.shape_cast %get3A_112 : vector<16xf32> to vector<16xf32>
      %max3A_114 = arith.maximumf %get3A_113, %get3A_108 : vector<16xf32>
      %add3A_115 = arith.constant 16 : i32
      %add3A_116 = arith.addi %mul3A_69, %add3A_115 : i32
      %swap3A_117 = arith.index_cast %add3A_116 : i32 to index
      %swap3A_118 = tpu.vector_load %arg9[%swap3A_117] {strides = array<i32>} : memref<8192xf32, #tpu.memory_space<vmem>>, vector<16xf32>,
      %swap3A_119 = vector.shape_cast %swap3A_118 : vector<16xf32> to vector<16xf32>
      %swap3A_120 = vector.shape_cast %max3A_114 : vector<16xf32> to vector<16xf32>
      tpu.vector_store %arg9[%swap3A_117], %swap3A_120 {strides = array<i32>} : memref<8192xf32, #tpu.memory_space<vmem>>, vector<16xf32>,
      %add3A_121 = arith.constant 16 : i32
      %add3A_122 = arith.addi %mul3A_69, %add3A_121 : i32
      %get3A_123 = arith.index_cast %add3A_122 : i32 to index
      %get3A_124 = tpu.vector_load %arg10[%get3A_123] {strides = array<i32>} : memref<8192xf32, #tpu.memory_space<vmem>>, vector<16xf32>,
      %get3A_125 = vector.shape_cast %get3A_124 : vector<16xf32> to vector<16xf32>
      %add3A_126 = arith.addf %get3A_125, %get3A_108 : vector<16xf32>
      %add3A_127 = arith.constant 16 : i32
      %add3A_128 = arith.addi %mul3A_69, %add3A_127 : i32
      %swap3A_129 = arith.index_cast %add3A_128 : i32 to index
      %swap3A_130 = tpu.vector_load %arg10[%swap3A_129] {strides = array<i32>} : memref<8192xf32, #tpu.memory_space<vmem>>, vector<16xf32>,
      %swap3A_131 = vector.shape_cast %swap3A_130 : vector<16xf32> to vector<16xf32>
      %swap3A_132 = vector.shape_cast %add3A_126 : vector<16xf32> to vector<16xf32>
      tpu.vector_store %arg10[%swap3A_129], %swap3A_132 {strides = array<i32>} : memref<8192xf32, #tpu.memory_space<vmem>>, vector<16xf32>,
      %get3A_133 = arith.index_cast %while3A_64 : i32 to index
      %get3A_134 = arith.constant 32 : index
      %get3A_135 = tpu.vector_load %arg7[%get3A_133, %get3A_134] {strides = array<i32>} : memref<320x128xf32, #tpu.memory_space<vmem>>, vector<1x16xf32>,
      %get3A_136 = vector.shape_cast %get3A_135 : vector<1x16xf32> to vector<16xf32>
      %add3A_137 = arith.constant 32 : i32
      %add3A_138 = arith.addi %mul3A_69, %add3A_137 : i32
      %get3A_139 = arith.index_cast %add3A_138 : i32 to index
      %get3A_140 = tpu.vector_load %arg9[%get3A_139] {strides = array<i32>} : memref<8192xf32, #tpu.memory_space<vmem>>, vector<16xf32>,
      %get3A_141 = vector.shape_cast %get3A_140 : vector<16xf32> to vector<16xf32>
      %max3A_142 = arith.maximumf %get3A_141, %get3A_136 : vector<16xf32>
      %add3A_143 = arith.constant 32 : i32
      %add3A_144 = arith.addi %mul3A_69, %add3A_143 : i32
      %swap3A_145 = arith.index_cast %add3A_144 : i32 to index
      %swap3A_146 = tpu.vector_load %arg9[%swap3A_145] {strides = array<i32>} : memref<8192xf32, #tpu.memory_space<vmem>>, vector<16xf32>,
      %swap3A_147 = vector.shape_cast %swap3A_146 : vector<16xf32> to vector<16xf32>
      %swap3A_148 = vector.shape_cast %max3A_142 : vector<16xf32> to vector<16xf32>
      tpu.vector_store %arg9[%swap3A_145], %swap3A_148 {strides = array<i32>} : memref<8192xf32, #tpu.memory_space<vmem>>, vector<16xf32>,
      %add3A_149 = arith.constant 32 : i32
      %add3A_150 = arith.addi %mul3A_69, %add3A_149 : i32
      %get3A_151 = arith.index_cast %add3A_150 : i32 to index
      %get3A_152 = tpu.vector_load %arg10[%get3A_151] {strides = array<i32>} : memref<8192xf32, #tpu.memory_space<vmem>>, vector<16xf32>,
      %get3A_153 = vector.shape_cast %get3A_152 : vector<16xf32> to vector<16xf32>
      %add3A_154 = arith.addf %get3A_153, %get3A_136 : vector<16xf32>
      %add3A_155 = arith.constant 32 : i32
      %add3A_156 = arith.addi %mul3A_69, %add3A_155 : i32
      %swap3A_157 = arith.index_cast %add3A_156 : i32 to index
      %swap3A_158 = tpu.vector_load %arg10[%swap3A_157] {strides = array<i32>} : memref<8192xf32, #tpu.memory_space<vmem>>, vector<16xf32>,
      %swap3A_159 = vector.shape_cast %swap3A_158 : vector<16xf32> to vector<16xf32>
      %swap3A_160 = vector.shape_cast %add3A_154 : vector<16xf32> to vector<16xf32>
      tpu.vector_store %arg10[%swap3A_157], %swap3A_160 {strides = array<i32>} : memref<8192xf32, #tpu.memory_space<vmem>>, vector<16xf32>,
      %get3A_161 = arith.index_cast %while3A_64 : i32 to index
      %get3A_162 = arith.constant 48 : index
      %get3A_163 = tpu.vector_load %arg7[%get3A_161, %get3A_162] {strides = array<i32>} : memref<320x128xf32, #tpu.memory_space<vmem>>, vector<1x16xf32>,
      %get3A_164 = vector.shape_cast %get3A_163 : vector<1x16xf32> to vector<16xf32>
      %add3A_165 = arith.constant 48 : i32
      %add3A_166 = arith.addi %mul3A_69, %add3A_165 : i32
      %get3A_167 = arith.index_cast %add3A_166 : i32 to index
      %get3A_168 = tpu.vector_load %arg9[%get3A_167] {strides = array<i32>} : memref<8192xf32, #tpu.memory_space<vmem>>, vector<16xf32>,
      %get3A_169 = vector.shape_cast %get3A_168 : vector<16xf32> to vector<16xf32>
      %max3A_170 = arith.maximumf %get3A_169, %get3A_164 : vector<16xf32>
      %add3A_171 = arith.constant 48 : i32
      %add3A_172 = arith.addi %mul3A_69, %add3A_171 : i32
      %swap3A_173 = arith.index_cast %add3A_172 : i32 to index
      %swap3A_174 = tpu.vector_load %arg9[%swap3A_173] {strides = array<i32>} : memref<8192xf32, #tpu.memory_space<vmem>>, vector<16xf32>,
      %swap3A_175 = vector.shape_cast %swap3A_174 : vector<16xf32> to vector<16xf32>
      %swap3A_176 = vector.shape_cast %max3A_170 : vector<16xf32> to vector<16xf32>
      tpu.vector_store %arg9[%swap3A_173], %swap3A_176 {strides = array<i32>} : memref<8192xf32, #tpu.memory_space<vmem>>, vector<16xf32>,
      %add3A_177 = arith.constant 48 : i32
      %add3A_178 = arith.addi %mul3A_69, %add3A_177 : i32
      %get3A_179 = arith.index_cast %add3A_178 : i32 to index
      %get3A_180 = tpu.vector_load %arg10[%get3A_179] {strides = array<i32>} : memref<8192xf32, #tpu.memory_space<vmem>>, vector<16xf32>,
      %get3A_181 = vector.shape_cast %get3A_180 : vector<16xf32> to vector<16xf32>
      %add3A_182 = arith.addf %get3A_181, %get3A_164 : vector<16xf32>
      %add3A_183 = arith.constant 48 : i32
      %add3A_184 = arith.addi %mul3A_69, %add3A_183 : i32
      %swap3A_185 = arith.index_cast %add3A_184 : i32 to index
      %swap3A_186 = tpu.vector_load %arg10[%swap3A_185] {strides = array<i32>} : memref<8192xf32, #tpu.memory_space<vmem>>, vector<16xf32>,
      %swap3A_187 = vector.shape_cast %swap3A_186 : vector<16xf32> to vector<16xf32>
      %swap3A_188 = vector.shape_cast %add3A_182 : vector<16xf32> to vector<16xf32>
      tpu.vector_store %arg10[%swap3A_185], %swap3A_188 {strides = array<i32>} : memref<8192xf32, #tpu.memory_space<vmem>>, vector<16xf32>,
      %get3A_189 = arith.index_cast %while3A_64 : i32 to index
      %get3A_190 = arith.constant 64 : index
      %get3A_191 = tpu.vector_load %arg7[%get3A_189, %get3A_190] {strides = array<i32>} : memref<320x128xf32, #tpu.memory_space<vmem>>, vector<1x16xf32>,
      %get3A_192 = vector.shape_cast %get3A_191 : vector<1x16xf32> to vector<16xf32>
      %add3A_193 = arith.constant 64 : i32
      %add3A_194 = arith.addi %mul3A_69, %add3A_193 : i32
      %get3A_195 = arith.index_cast %add3A_194 : i32 to index
      %get3A_196 = tpu.vector_load %arg9[%get3A_195] {strides = array<i32>} : memref<8192xf32, #tpu.memory_space<vmem>>, vector<16xf32>,
      %get3A_197 = vector.shape_cast %get3A_196 : vector<16xf32> to vector<16xf32>
      %max3A_198 = arith.maximumf %get3A_197, %get3A_192 : vector<16xf32>
      %add3A_199 = arith.constant 64 : i32
      %add3A_200 = arith.addi %mul3A_69, %add3A_199 : i32
      %swap3A_201 = arith.index_cast %add3A_200 : i32 to index
      %swap3A_202 = tpu.vector_load %arg9[%swap3A_201] {strides = array<i32>} : memref<8192xf32, #tpu.memory_space<vmem>>, vector<16xf32>,
      %swap3A_203 = vector.shape_cast %swap3A_202 : vector<16xf32> to vector<16xf32>
      %swap3A_204 = vector.shape_cast %max3A_198 : vector<16xf32> to vector<16xf32>
      tpu.vector_store %arg9[%swap3A_201], %swap3A_204 {strides = array<i32>} : memref<8192xf32, #tpu.memory_space<vmem>>, vector<16xf32>,
      %add3A_205 = arith.constant 64 : i32
      %add3A_206 = arith.addi %mul3A_69, %add3A_205 : i32
      %get3A_207 = arith.index_cast %add3A_206 : i32 to index
      %get3A_208 = tpu.vector_load %arg10[%get3A_207] {strides = array<i32>} : memref<8192xf32, #tpu.memory_space<vmem>>, vector<16xf32>,
      %get3A_209 = vector.shape_cast %get3A_208 : vector<16xf32> to vector<16xf32>
      %add3A_210 = arith.addf %get3A_209, %get3A_192 : vector<16xf32>
      %add3A_211 = arith.constant 64 : i32
      %add3A_212 = arith.addi %mul3A_69, %add3A_211 : i32
      %swap3A_213 = arith.index_cast %add3A_212 : i32 to index
      %swap3A_214 = tpu.vector_load %arg10[%swap3A_213] {strides = array<i32>} : memref<8192xf32, #tpu.memory_space<vmem>>, vector<16xf32>,
      %swap3A_215 = vector.shape_cast %swap3A_214 : vector<16xf32> to vector<16xf32>
      %swap3A_216 = vector.shape_cast %add3A_210 : vector<16xf32> to vector<16xf32>
      tpu.vector_store %arg10[%swap3A_213], %swap3A_216 {strides = array<i32>} : memref<8192xf32, #tpu.memory_space<vmem>>, vector<16xf32>,
      %get3A_217 = arith.index_cast %while3A_64 : i32 to index
      %get3A_218 = arith.constant 80 : index
      %get3A_219 = tpu.vector_load %arg7[%get3A_217, %get3A_218] {strides = array<i32>} : memref<320x128xf32, #tpu.memory_space<vmem>>, vector<1x16xf32>,
      %get3A_220 = vector.shape_cast %get3A_219 : vector<1x16xf32> to vector<16xf32>
      %add3A_221 = arith.constant 80 : i32
      %add3A_222 = arith.addi %mul3A_69, %add3A_221 : i32
      %get3A_223 = arith.index_cast %add3A_222 : i32 to index
      %get3A_224 = tpu.vector_load %arg9[%get3A_223] {strides = array<i32>} : memref<8192xf32, #tpu.memory_space<vmem>>, vector<16xf32>,
      %get3A_225 = vector.shape_cast %get3A_224 : vector<16xf32> to vector<16xf32>
      %max3A_226 = arith.maximumf %get3A_225, %get3A_220 : vector<16xf32>
      %add3A_227 = arith.constant 80 : i32
      %add3A_228 = arith.addi %mul3A_69, %add3A_227 : i32
      %swap3A_229 = arith.index_cast %add3A_228 : i32 to index
      %swap3A_230 = tpu.vector_load %arg9[%swap3A_229] {strides = array<i32>} : memref<8192xf32, #tpu.memory_space<vmem>>, vector<16xf32>,
      %swap3A_231 = vector.shape_cast %swap3A_230 : vector<16xf32> to vector<16xf32>
      %swap3A_232 = vector.shape_cast %max3A_226 : vector<16xf32> to vector<16xf32>
      tpu.vector_store %arg9[%swap3A_229], %swap3A_232 {strides = array<i32>} : memref<8192xf32, #tpu.memory_space<vmem>>, vector<16xf32>,
      %add3A_233 = arith.constant 80 : i32
      %add3A_234 = arith.addi %mul3A_69, %add3A_233 : i32
      %get3A_235 = arith.index_cast %add3A_234 : i32 to index
      %get3A_236 = tpu.vector_load %arg10[%get3A_235] {strides = array<i32>} : memref<8192xf32, #tpu.memory_space<vmem>>, vector<16xf32>,
      %get3A_237 = vector.shape_cast %get3A_236 : vector<16xf32> to vector<16xf32>
      %add3A_238 = arith.addf %get3A_237, %get3A_220 : vector<16xf32>
      %add3A_239 = arith.constant 80 : i32
      %add3A_240 = arith.addi %mul3A_69, %add3A_239 : i32
      %swap3A_241 = arith.index_cast %add3A_240 : i32 to index
      %swap3A_242 = tpu.vector_load %arg10[%swap3A_241] {strides = array<i32>} : memref<8192xf32, #tpu.memory_space<vmem>>, vector<16xf32>,
      %swap3A_243 = vector.shape_cast %swap3A_242 : vector<16xf32> to vector<16xf32>
      %swap3A_244 = vector.shape_cast %add3A_238 : vector<16xf32> to vector<16xf32>
      tpu.vector_store %arg10[%swap3A_241], %swap3A_244 {strides = array<i32>} : memref<8192xf32, #tpu.memory_space<vmem>>, vector<16xf32>,
      %get3A_245 = arith.index_cast %while3A_64 : i32 to index
      %get3A_246 = arith.constant 96 : index
      %get3A_247 = tpu.vector_load %arg7[%get3A_245, %get3A_246] {strides = array<i32>} : memref<320x128xf32, #tpu.memory_space<vmem>>, vector<1x16xf32>,
      %get3A_248 = vector.shape_cast %get3A_247 : vector<1x16xf32> to vector<16xf32>
      %add3A_249 = arith.constant 96 : i32
      %add3A_250 = arith.addi %mul3A_69, %add3A_249 : i32
      %get3A_251 = arith.index_cast %add3A_250 : i32 to index
      %get3A_252 = tpu.vector_load %arg9[%get3A_251] {strides = array<i32>} : memref<8192xf32, #tpu.memory_space<vmem>>, vector<16xf32>,
      %get3A_253 = vector.shape_cast %get3A_252 : vector<16xf32> to vector<16xf32>
      %max3A_254 = arith.maximumf %get3A_253, %get3A_248 : vector<16xf32>
      %add3A_255 = arith.constant 96 : i32
      %add3A_256 = arith.addi %mul3A_69, %add3A_255 : i32
      %swap3A_257 = arith.index_cast %add3A_256 : i32 to index
      %swap3A_258 = tpu.vector_load %arg9[%swap3A_257] {strides = array<i32>} : memref<8192xf32, #tpu.memory_space<vmem>>, vector<16xf32>,
      %swap3A_259 = vector.shape_cast %swap3A_258 : vector<16xf32> to vector<16xf32>
      %swap3A_260 = vector.shape_cast %max3A_254 : vector<16xf32> to vector<16xf32>
      tpu.vector_store %arg9[%swap3A_257], %swap3A_260 {strides = array<i32>} : memref<8192xf32, #tpu.memory_space<vmem>>, vector<16xf32>,
      %add3A_261 = arith.constant 96 : i32
      %add3A_262 = arith.addi %mul3A_69, %add3A_261 : i32
      %get3A_263 = arith.index_cast %add3A_262 : i32 to index
      %get3A_264 = tpu.vector_load %arg10[%get3A_263] {strides = array<i32>} : memref<8192xf32, #tpu.memory_space<vmem>>, vector<16xf32>,
      %get3A_265 = vector.shape_cast %get3A_264 : vector<16xf32> to vector<16xf32>
      %add3A_266 = arith.addf %get3A_265, %get3A_248 : vector<16xf32>
      %add3A_267 = arith.constant 96 : i32
      %add3A_268 = arith.addi %mul3A_69, %add3A_267 : i32
      %swap3A_269 = arith.index_cast %add3A_268 : i32 to index
      %swap3A_270 = tpu.vector_load %arg10[%swap3A_269] {strides = array<i32>} : memref<8192xf32, #tpu.memory_space<vmem>>, vector<16xf32>,
      %swap3A_271 = vector.shape_cast %swap3A_270 : vector<16xf32> to vector<16xf32>
      %swap3A_272 = vector.shape_cast %add3A_266 : vector<16xf32> to vector<16xf32>
      tpu.vector_store %arg10[%swap3A_269], %swap3A_272 {strides = array<i32>} : memref<8192xf32, #tpu.memory_space<vmem>>, vector<16xf32>,
      %get3A_273 = arith.index_cast %while3A_64 : i32 to index
      %get3A_274 = arith.constant 112 : index
      %get3A_275 = tpu.vector_load %arg7[%get3A_273, %get3A_274] {strides = array<i32>} : memref<320x128xf32, #tpu.memory_space<vmem>>, vector<1x16xf32>,
      %get3A_276 = vector.shape_cast %get3A_275 : vector<1x16xf32> to vector<16xf32>
      %add3A_277 = arith.constant 112 : i32
      %add3A_278 = arith.addi %mul3A_69, %add3A_277 : i32
      %get3A_279 = arith.index_cast %add3A_278 : i32 to index
      %get3A_280 = tpu.vector_load %arg9[%get3A_279] {strides = array<i32>} : memref<8192xf32, #tpu.memory_space<vmem>>, vector<16xf32>,
      %get3A_281 = vector.shape_cast %get3A_280 : vector<16xf32> to vector<16xf32>
      %max3A_282 = arith.maximumf %get3A_281, %get3A_276 : vector<16xf32>
      %add3A_283 = arith.constant 112 : i32
      %add3A_284 = arith.addi %mul3A_69, %add3A_283 : i32
      %swap3A_285 = arith.index_cast %add3A_284 : i32 to index
      %swap3A_286 = tpu.vector_load %arg9[%swap3A_285] {strides = array<i32>} : memref<8192xf32, #tpu.memory_space<vmem>>, vector<16xf32>,
      %swap3A_287 = vector.shape_cast %swap3A_286 : vector<16xf32> to vector<16xf32>
      %swap3A_288 = vector.shape_cast %max3A_282 : vector<16xf32> to vector<16xf32>
      tpu.vector_store %arg9[%swap3A_285], %swap3A_288 {strides = array<i32>} : memref<8192xf32, #tpu.memory_space<vmem>>, vector<16xf32>,
      %add3A_289 = arith.constant 112 : i32
      %add3A_290 = arith.addi %mul3A_69, %add3A_289 : i32
      %get3A_291 = arith.index_cast %add3A_290 : i32 to index
      %get3A_292 = tpu.vector_load %arg10[%get3A_291] {strides = array<i32>} : memref<8192xf32, #tpu.memory_space<vmem>>, vector<16xf32>,
      %get3A_293 = vector.shape_cast %get3A_292 : vector<16xf32> to vector<16xf32>
      %add3A_294 = arith.addf %get3A_293, %get3A_276 : vector<16xf32>
      %add3A_295 = arith.constant 112 : i32
      %add3A_296 = arith.addi %mul3A_69, %add3A_295 : i32
      %swap3A_297 = arith.index_cast %add3A_296 : i32 to index
      %swap3A_298 = tpu.vector_load %arg10[%swap3A_297] {strides = array<i32>} : memref<8192xf32, #tpu.memory_space<vmem>>, vector<16xf32>,
      %swap3A_299 = vector.shape_cast %swap3A_298 : vector<16xf32> to vector<16xf32>
      %swap3A_300 = vector.shape_cast %add3A_294 : vector<16xf32> to vector<16xf32>
      tpu.vector_store %arg10[%swap3A_297], %swap3A_300 {strides = array<i32>} : memref<8192xf32, #tpu.memory_space<vmem>>, vector<16xf32>,
      %while3A_301 = arith.constant 0 : i32
      scf.yield %while3A_301 : i32
    }
    %while3A_62 = arith.constant 1 : i32
    %while3A_63 = scf.for %while3A_64 = %while3A_59 to %while3A_55 step %while3A_62 iter_args(%while3A_65 = %while3A_61) -> (i32)  : i32 {
      %get3A = arith.index_cast %while3A_64 : i32 to index
      %get3A_66 = tpu.vector_load %arg8[%get3A] {strides = array<i32>} : memref<336xi32, #tpu.memory_space<vmem>>, vector<16xi32>,
      %get3A_67 = vector.shape_cast %get3A_66 : vector<16xi32> to vector<16xi32>
      %slice3A = vector.extract_strided_slice %get3A_67 {offsets = [0], sizes = [1], strides = [1]} : vector<16xi32> to vector<1xi32>
      %squeeze3A = vector.extract %slice3A[0] : i32 from vector<1xi32>
      %mul3A_68 = arith.constant 128 : i32
      %mul3A_69 = arith.muli %squeeze3A, %mul3A_68 : i32
      %get3A_70 = arith.index_cast %squeeze3A : i32 to index
      %get3A_71 = tpu.vector_load %arg11[%get3A_70] {strides = array<i32>} : memref<144xf32, #tpu.memory_space<vmem>>, vector<16xf32>,
      %get3A_72 = vector.shape_cast %get3A_71 : vector<16xf32> to vector<16xf32>
      %add3A_73 = arith.addf %get3A_72, %select_n3A_52 : vector<16xf32>
      %swap3A_74 = arith.index_cast %squeeze3A : i32 to index
      %swap3A_75 = tpu.vector_load %arg11[%swap3A_74] {strides = array<i32>} : memref<144xf32, #tpu.memory_space<vmem>>, vector<16xf32>,
      %swap3A_76 = vector.shape_cast %swap3A_75 : vector<16xf32> to vector<16xf32>
      %swap3A_77 = vector.shape_cast %add3A_73 : vector<16xf32> to vector<16xf32>
      tpu.vector_store %arg11[%swap3A_74], %swap3A_77 {strides = array<i32>} : memref<144xf32, #tpu.memory_space<vmem>>, vector<16xf32>,
      %get3A_78 = arith.index_cast %while3A_64 : i32 to index
      %get3A_79 = arith.constant 0 : index
      %get3A_80 = tpu.vector_load %arg7[%get3A_78, %get3A_79] {strides = array<i32>} : memref<320x128xf32, #tpu.memory_space<vmem>>, vector<1x16xf32>,
      %get3A_81 = vector.shape_cast %get3A_80 : vector<1x16xf32> to vector<16xf32>
      %add3A_82 = arith.constant 0 : i32
      %add3A_83 = arith.addi %mul3A_69, %add3A_82 : i32
      %get3A_84 = arith.index_cast %add3A_83 : i32 to index
      %get3A_85 = tpu.vector_load %arg9[%get3A_84] {strides = array<i32>} : memref<8192xf32, #tpu.memory_space<vmem>>, vector<16xf32>,
      %get3A_86 = vector.shape_cast %get3A_85 : vector<16xf32> to vector<16xf32>
      %max3A = arith.maximumf %get3A_86, %get3A_81 : vector<16xf32>
      %add3A_87 = arith.constant 0 : i32
      %add3A_88 = arith.addi %mul3A_69, %add3A_87 : i32
      %swap3A_89 = arith.index_cast %add3A_88 : i32 to index
      %swap3A_90 = tpu.vector_load %arg9[%swap3A_89] {strides = array<i32>} : memref<8192xf32, #tpu.memory_space<vmem>>, vector<16xf32>,
      %swap3A_91 = vector.shape_cast %swap3A_90 : vector<16xf32> to vector<16xf32>
      %swap3A_92 = vector.shape_cast %max3A : vector<16xf32> to vector<16xf32>
      tpu.vector_store %arg9[%swap3A_89], %swap3A_92 {strides = array<i32>} : memref<8192xf32, #tpu.memory_space<vmem>>, vector<16xf32>,
      %add3A_93 = arith.constant 0 : i32
      %add3A_94 = arith.addi %mul3A_69, %add3A_93 : i32
      %get3A_95 = arith.index_cast %add3A_94 : i32 to index
      %get3A_96 = tpu.vector_load %arg10[%get3A_95] {strides = array<i32>} : memref<8192xf32, #tpu.memory_space<vmem>>, vector<16xf32>,
      %get3A_97 = vector.shape_cast %get3A_96 : vector<16xf32> to vector<16xf32>
      %add3A_98 = arith.addf %get3A_97, %get3A_81 : vector<16xf32>
      %add3A_99 = arith.constant 0 : i32
      %add3A_100 = arith.addi %mul3A_69, %add3A_99 : i32
      %swap3A_101 = arith.index_cast %add3A_100 : i32 to index
      %swap3A_102 = tpu.vector_load %arg10[%swap3A_101] {strides = array<i32>} : memref<8192xf32, #tpu.memory_space<vmem>>, vector<16xf32>,
      %swap3A_103 = vector.shape_cast %swap3A_102 : vector<16xf32> to vector<16xf32>
      %swap3A_104 = vector.shape_cast %add3A_98 : vector<16xf32> to vector<16xf32>
      tpu.vector_store %arg10[%swap3A_101], %swap3A_104 {strides = array<i32>} : memref<8192xf32, #tpu.memory_space<vmem>>, vector<16xf32>,
      %get3A_105 = arith.index_cast %while3A_64 : i32 to index
      %get3A_106 = arith.constant 16 : index
      %get3A_107 = tpu.vector_load %arg7[%get3A_105, %get3A_106] {strides = array<i32>} : memref<320x128xf32, #tpu.memory_space<vmem>>, vector<1x16xf32>,
      %get3A_108 = vector.shape_cast %get3A_107 : vector<1x16xf32> to vector<16xf32>
      %add3A_109 = arith.constant 16 : i32
      %add3A_110 = arith.addi %mul3A_69, %add3A_109 : i32
      %get3A_111 = arith.index_cast %add3A_110 : i32 to index
      %get3A_112 = tpu.vector_load %arg9[%get3A_111] {strides = array<i32>} : memref<8192xf32, #tpu.memory_space<vmem>>, vector<16xf32>,
      %get3A_113 = vector.shape_cast %get3A_112 : vector<16xf32> to vector<16xf32>
      %max3A_114 = arith.maximumf %get3A_113, %get3A_108 : vector<16xf32>
      %add3A_115 = arith.constant 16 : i32
      %add3A_116 = arith.addi %mul3A_69, %add3A_115 : i32
      %swap3A_117 = arith.index_cast %add3A_116 : i32 to index
      %swap3A_118 = tpu.vector_load %arg9[%swap3A_117] {strides = array<i32>} : memref<8192xf32, #tpu.memory_space<vmem>>, vector<16xf32>,
      %swap3A_119 = vector.shape_cast %swap3A_118 : vector<16xf32> to vector<16xf32>
      %swap3A_120 = vector.shape_cast %max3A_114 : vector<16xf32> to vector<16xf32>
      tpu.vector_store %arg9[%swap3A_117], %swap3A_120 {strides = array<i32>} : memref<8192xf32, #tpu.memory_space<vmem>>, vector<16xf32>,
      %add3A_121 = arith.constant 16 : i32
      %add3A_122 = arith.addi %mul3A_69, %add3A_121 : i32
      %get3A_123 = arith.index_cast %add3A_122 : i32 to index
      %get3A_124 = tpu.vector_load %arg10[%get3A_123] {strides = array<i32>} : memref<8192xf32, #tpu.memory_space<vmem>>, vector<16xf32>,
      %get3A_125 = vector.shape_cast %get3A_124 : vector<16xf32> to vector<16xf32>
      %add3A_126 = arith.addf %get3A_125, %get3A_108 : vector<16xf32>
      %add3A_127 = arith.constant 16 : i32
      %add3A_128 = arith.addi %mul3A_69, %add3A_127 : i32
      %swap3A_129 = arith.index_cast %add3A_128 : i32 to index
      %swap3A_130 = tpu.vector_load %arg10[%swap3A_129] {strides = array<i32>} : memref<8192xf32, #tpu.memory_space<vmem>>, vector<16xf32>,
      %swap3A_131 = vector.shape_cast %swap3A_130 : vector<16xf32> to vector<16xf32>
      %swap3A_132 = vector.shape_cast %add3A_126 : vector<16xf32> to vector<16xf32>
      tpu.vector_store %arg10[%swap3A_129], %swap3A_132 {strides = array<i32>} : memref<8192xf32, #tpu.memory_space<vmem>>, vector<16xf32>,
      %get3A_133 = arith.index_cast %while3A_64 : i32 to index
      %get3A_134 = arith.constant 32 : index
      %get3A_135 = tpu.vector_load %arg7[%get3A_133, %get3A_134] {strides = array<i32>} : memref<320x128xf32, #tpu.memory_space<vmem>>, vector<1x16xf32>,
      %get3A_136 = vector.shape_cast %get3A_135 : vector<1x16xf32> to vector<16xf32>
      %add3A_137 = arith.constant 32 : i32
      %add3A_138 = arith.addi %mul3A_69, %add3A_137 : i32
      %get3A_139 = arith.index_cast %add3A_138 : i32 to index
      %get3A_140 = tpu.vector_load %arg9[%get3A_139] {strides = array<i32>} : memref<8192xf32, #tpu.memory_space<vmem>>, vector<16xf32>,
      %get3A_141 = vector.shape_cast %get3A_140 : vector<16xf32> to vector<16xf32>
      %max3A_142 = arith.maximumf %get3A_141, %get3A_136 : vector<16xf32>
      %add3A_143 = arith.constant 32 : i32
      %add3A_144 = arith.addi %mul3A_69, %add3A_143 : i32
      %swap3A_145 = arith.index_cast %add3A_144 : i32 to index
      %swap3A_146 = tpu.vector_load %arg9[%swap3A_145] {strides = array<i32>} : memref<8192xf32, #tpu.memory_space<vmem>>, vector<16xf32>,
      %swap3A_147 = vector.shape_cast %swap3A_146 : vector<16xf32> to vector<16xf32>
      %swap3A_148 = vector.shape_cast %max3A_142 : vector<16xf32> to vector<16xf32>
      tpu.vector_store %arg9[%swap3A_145], %swap3A_148 {strides = array<i32>} : memref<8192xf32, #tpu.memory_space<vmem>>, vector<16xf32>,
      %add3A_149 = arith.constant 32 : i32
      %add3A_150 = arith.addi %mul3A_69, %add3A_149 : i32
      %get3A_151 = arith.index_cast %add3A_150 : i32 to index
      %get3A_152 = tpu.vector_load %arg10[%get3A_151] {strides = array<i32>} : memref<8192xf32, #tpu.memory_space<vmem>>, vector<16xf32>,
      %get3A_153 = vector.shape_cast %get3A_152 : vector<16xf32> to vector<16xf32>
      %add3A_154 = arith.addf %get3A_153, %get3A_136 : vector<16xf32>
      %add3A_155 = arith.constant 32 : i32
      %add3A_156 = arith.addi %mul3A_69, %add3A_155 : i32
      %swap3A_157 = arith.index_cast %add3A_156 : i32 to index
      %swap3A_158 = tpu.vector_load %arg10[%swap3A_157] {strides = array<i32>} : memref<8192xf32, #tpu.memory_space<vmem>>, vector<16xf32>,
      %swap3A_159 = vector.shape_cast %swap3A_158 : vector<16xf32> to vector<16xf32>
      %swap3A_160 = vector.shape_cast %add3A_154 : vector<16xf32> to vector<16xf32>
      tpu.vector_store %arg10[%swap3A_157], %swap3A_160 {strides = array<i32>} : memref<8192xf32, #tpu.memory_space<vmem>>, vector<16xf32>,
      %get3A_161 = arith.index_cast %while3A_64 : i32 to index
      %get3A_162 = arith.constant 48 : index
      %get3A_163 = tpu.vector_load %arg7[%get3A_161, %get3A_162] {strides = array<i32>} : memref<320x128xf32, #tpu.memory_space<vmem>>, vector<1x16xf32>,
      %get3A_164 = vector.shape_cast %get3A_163 : vector<1x16xf32> to vector<16xf32>
      %add3A_165 = arith.constant 48 : i32
      %add3A_166 = arith.addi %mul3A_69, %add3A_165 : i32
      %get3A_167 = arith.index_cast %add3A_166 : i32 to index
      %get3A_168 = tpu.vector_load %arg9[%get3A_167] {strides = array<i32>} : memref<8192xf32, #tpu.memory_space<vmem>>, vector<16xf32>,
      %get3A_169 = vector.shape_cast %get3A_168 : vector<16xf32> to vector<16xf32>
      %max3A_170 = arith.maximumf %get3A_169, %get3A_164 : vector<16xf32>
      %add3A_171 = arith.constant 48 : i32
      %add3A_172 = arith.addi %mul3A_69, %add3A_171 : i32
      %swap3A_173 = arith.index_cast %add3A_172 : i32 to index
      %swap3A_174 = tpu.vector_load %arg9[%swap3A_173] {strides = array<i32>} : memref<8192xf32, #tpu.memory_space<vmem>>, vector<16xf32>,
      %swap3A_175 = vector.shape_cast %swap3A_174 : vector<16xf32> to vector<16xf32>
      %swap3A_176 = vector.shape_cast %max3A_170 : vector<16xf32> to vector<16xf32>
      tpu.vector_store %arg9[%swap3A_173], %swap3A_176 {strides = array<i32>} : memref<8192xf32, #tpu.memory_space<vmem>>, vector<16xf32>,
      %add3A_177 = arith.constant 48 : i32
      %add3A_178 = arith.addi %mul3A_69, %add3A_177 : i32
      %get3A_179 = arith.index_cast %add3A_178 : i32 to index
      %get3A_180 = tpu.vector_load %arg10[%get3A_179] {strides = array<i32>} : memref<8192xf32, #tpu.memory_space<vmem>>, vector<16xf32>,
      %get3A_181 = vector.shape_cast %get3A_180 : vector<16xf32> to vector<16xf32>
      %add3A_182 = arith.addf %get3A_181, %get3A_164 : vector<16xf32>
      %add3A_183 = arith.constant 48 : i32
      %add3A_184 = arith.addi %mul3A_69, %add3A_183 : i32
      %swap3A_185 = arith.index_cast %add3A_184 : i32 to index
      %swap3A_186 = tpu.vector_load %arg10[%swap3A_185] {strides = array<i32>} : memref<8192xf32, #tpu.memory_space<vmem>>, vector<16xf32>,
      %swap3A_187 = vector.shape_cast %swap3A_186 : vector<16xf32> to vector<16xf32>
      %swap3A_188 = vector.shape_cast %add3A_182 : vector<16xf32> to vector<16xf32>
      tpu.vector_store %arg10[%swap3A_185], %swap3A_188 {strides = array<i32>} : memref<8192xf32, #tpu.memory_space<vmem>>, vector<16xf32>,
      %get3A_189 = arith.index_cast %while3A_64 : i32 to index
      %get3A_190 = arith.constant 64 : index
      %get3A_191 = tpu.vector_load %arg7[%get3A_189, %get3A_190] {strides = array<i32>} : memref<320x128xf32, #tpu.memory_space<vmem>>, vector<1x16xf32>,
      %get3A_192 = vector.shape_cast %get3A_191 : vector<1x16xf32> to vector<16xf32>
      %add3A_193 = arith.constant 64 : i32
      %add3A_194 = arith.addi %mul3A_69, %add3A_193 : i32
      %get3A_195 = arith.index_cast %add3A_194 : i32 to index
      %get3A_196 = tpu.vector_load %arg9[%get3A_195] {strides = array<i32>} : memref<8192xf32, #tpu.memory_space<vmem>>, vector<16xf32>,
      %get3A_197 = vector.shape_cast %get3A_196 : vector<16xf32> to vector<16xf32>
      %max3A_198 = arith.maximumf %get3A_197, %get3A_192 : vector<16xf32>
      %add3A_199 = arith.constant 64 : i32
      %add3A_200 = arith.addi %mul3A_69, %add3A_199 : i32
      %swap3A_201 = arith.index_cast %add3A_200 : i32 to index
      %swap3A_202 = tpu.vector_load %arg9[%swap3A_201] {strides = array<i32>} : memref<8192xf32, #tpu.memory_space<vmem>>, vector<16xf32>,
      %swap3A_203 = vector.shape_cast %swap3A_202 : vector<16xf32> to vector<16xf32>
      %swap3A_204 = vector.shape_cast %max3A_198 : vector<16xf32> to vector<16xf32>
      tpu.vector_store %arg9[%swap3A_201], %swap3A_204 {strides = array<i32>} : memref<8192xf32, #tpu.memory_space<vmem>>, vector<16xf32>,
      %add3A_205 = arith.constant 64 : i32
      %add3A_206 = arith.addi %mul3A_69, %add3A_205 : i32
      %get3A_207 = arith.index_cast %add3A_206 : i32 to index
      %get3A_208 = tpu.vector_load %arg10[%get3A_207] {strides = array<i32>} : memref<8192xf32, #tpu.memory_space<vmem>>, vector<16xf32>,
      %get3A_209 = vector.shape_cast %get3A_208 : vector<16xf32> to vector<16xf32>
      %add3A_210 = arith.addf %get3A_209, %get3A_192 : vector<16xf32>
      %add3A_211 = arith.constant 64 : i32
      %add3A_212 = arith.addi %mul3A_69, %add3A_211 : i32
      %swap3A_213 = arith.index_cast %add3A_212 : i32 to index
      %swap3A_214 = tpu.vector_load %arg10[%swap3A_213] {strides = array<i32>} : memref<8192xf32, #tpu.memory_space<vmem>>, vector<16xf32>,
      %swap3A_215 = vector.shape_cast %swap3A_214 : vector<16xf32> to vector<16xf32>
      %swap3A_216 = vector.shape_cast %add3A_210 : vector<16xf32> to vector<16xf32>
      tpu.vector_store %arg10[%swap3A_213], %swap3A_216 {strides = array<i32>} : memref<8192xf32, #tpu.memory_space<vmem>>, vector<16xf32>,
      %get3A_217 = arith.index_cast %while3A_64 : i32 to index
      %get3A_218 = arith.constant 80 : index
      %get3A_219 = tpu.vector_load %arg7[%get3A_217, %get3A_218] {strides = array<i32>} : memref<320x128xf32, #tpu.memory_space<vmem>>, vector<1x16xf32>,
      %get3A_220 = vector.shape_cast %get3A_219 : vector<1x16xf32> to vector<16xf32>
      %add3A_221 = arith.constant 80 : i32
      %add3A_222 = arith.addi %mul3A_69, %add3A_221 : i32
      %get3A_223 = arith.index_cast %add3A_222 : i32 to index
      %get3A_224 = tpu.vector_load %arg9[%get3A_223] {strides = array<i32>} : memref<8192xf32, #tpu.memory_space<vmem>>, vector<16xf32>,
      %get3A_225 = vector.shape_cast %get3A_224 : vector<16xf32> to vector<16xf32>
      %max3A_226 = arith.maximumf %get3A_225, %get3A_220 : vector<16xf32>
      %add3A_227 = arith.constant 80 : i32
      %add3A_228 = arith.addi %mul3A_69, %add3A_227 : i32
      %swap3A_229 = arith.index_cast %add3A_228 : i32 to index
      %swap3A_230 = tpu.vector_load %arg9[%swap3A_229] {strides = array<i32>} : memref<8192xf32, #tpu.memory_space<vmem>>, vector<16xf32>,
      %swap3A_231 = vector.shape_cast %swap3A_230 : vector<16xf32> to vector<16xf32>
      %swap3A_232 = vector.shape_cast %max3A_226 : vector<16xf32> to vector<16xf32>
      tpu.vector_store %arg9[%swap3A_229], %swap3A_232 {strides = array<i32>} : memref<8192xf32, #tpu.memory_space<vmem>>, vector<16xf32>,
      %add3A_233 = arith.constant 80 : i32
      %add3A_234 = arith.addi %mul3A_69, %add3A_233 : i32
      %get3A_235 = arith.index_cast %add3A_234 : i32 to index
      %get3A_236 = tpu.vector_load %arg10[%get3A_235] {strides = array<i32>} : memref<8192xf32, #tpu.memory_space<vmem>>, vector<16xf32>,
      %get3A_237 = vector.shape_cast %get3A_236 : vector<16xf32> to vector<16xf32>
      %add3A_238 = arith.addf %get3A_237, %get3A_220 : vector<16xf32>
      %add3A_239 = arith.constant 80 : i32
      %add3A_240 = arith.addi %mul3A_69, %add3A_239 : i32
      %swap3A_241 = arith.index_cast %add3A_240 : i32 to index
      %swap3A_242 = tpu.vector_load %arg10[%swap3A_241] {strides = array<i32>} : memref<8192xf32, #tpu.memory_space<vmem>>, vector<16xf32>,
      %swap3A_243 = vector.shape_cast %swap3A_242 : vector<16xf32> to vector<16xf32>
      %swap3A_244 = vector.shape_cast %add3A_238 : vector<16xf32> to vector<16xf32>
      tpu.vector_store %arg10[%swap3A_241], %swap3A_244 {strides = array<i32>} : memref<8192xf32, #tpu.memory_space<vmem>>, vector<16xf32>,
      %get3A_245 = arith.index_cast %while3A_64 : i32 to index
      %get3A_246 = arith.constant 96 : index
      %get3A_247 = tpu.vector_load %arg7[%get3A_245, %get3A_246] {strides = array<i32>} : memref<320x128xf32, #tpu.memory_space<vmem>>, vector<1x16xf32>,
      %get3A_248 = vector.shape_cast %get3A_247 : vector<1x16xf32> to vector<16xf32>
      %add3A_249 = arith.constant 96 : i32
      %add3A_250 = arith.addi %mul3A_69, %add3A_249 : i32
      %get3A_251 = arith.index_cast %add3A_250 : i32 to index
      %get3A_252 = tpu.vector_load %arg9[%get3A_251] {strides = array<i32>} : memref<8192xf32, #tpu.memory_space<vmem>>, vector<16xf32>,
      %get3A_253 = vector.shape_cast %get3A_252 : vector<16xf32> to vector<16xf32>
      %max3A_254 = arith.maximumf %get3A_253, %get3A_248 : vector<16xf32>
      %add3A_255 = arith.constant 96 : i32
      %add3A_256 = arith.addi %mul3A_69, %add3A_255 : i32
      %swap3A_257 = arith.index_cast %add3A_256 : i32 to index
      %swap3A_258 = tpu.vector_load %arg9[%swap3A_257] {strides = array<i32>} : memref<8192xf32, #tpu.memory_space<vmem>>, vector<16xf32>,
      %swap3A_259 = vector.shape_cast %swap3A_258 : vector<16xf32> to vector<16xf32>
      %swap3A_260 = vector.shape_cast %max3A_254 : vector<16xf32> to vector<16xf32>
      tpu.vector_store %arg9[%swap3A_257], %swap3A_260 {strides = array<i32>} : memref<8192xf32, #tpu.memory_space<vmem>>, vector<16xf32>,
      %add3A_261 = arith.constant 96 : i32
      %add3A_262 = arith.addi %mul3A_69, %add3A_261 : i32
      %get3A_263 = arith.index_cast %add3A_262 : i32 to index
      %get3A_264 = tpu.vector_load %arg10[%get3A_263] {strides = array<i32>} : memref<8192xf32, #tpu.memory_space<vmem>>, vector<16xf32>,
      %get3A_265 = vector.shape_cast %get3A_264 : vector<16xf32> to vector<16xf32>
      %add3A_266 = arith.addf %get3A_265, %get3A_248 : vector<16xf32>
      %add3A_267 = arith.constant 96 : i32
      %add3A_268 = arith.addi %mul3A_69, %add3A_267 : i32
      %swap3A_269 = arith.index_cast %add3A_268 : i32 to index
      %swap3A_270 = tpu.vector_load %arg10[%swap3A_269] {strides = array<i32>} : memref<8192xf32, #tpu.memory_space<vmem>>, vector<16xf32>,
      %swap3A_271 = vector.shape_cast %swap3A_270 : vector<16xf32> to vector<16xf32>
      %swap3A_272 = vector.shape_cast %add3A_266 : vector<16xf32> to vector<16xf32>
      tpu.vector_store %arg10[%swap3A_269], %swap3A_272 {strides = array<i32>} : memref<8192xf32, #tpu.memory_space<vmem>>, vector<16xf32>,
      %get3A_273 = arith.index_cast %while3A_64 : i32 to index
      %get3A_274 = arith.constant 112 : index
      %get3A_275 = tpu.vector_load %arg7[%get3A_273, %get3A_274] {strides = array<i32>} : memref<320x128xf32, #tpu.memory_space<vmem>>, vector<1x16xf32>,
      %get3A_276 = vector.shape_cast %get3A_275 : vector<1x16xf32> to vector<16xf32>
      %add3A_277 = arith.constant 112 : i32
      %add3A_278 = arith.addi %mul3A_69, %add3A_277 : i32
      %get3A_279 = arith.index_cast %add3A_278 : i32 to index
      %get3A_280 = tpu.vector_load %arg9[%get3A_279] {strides = array<i32>} : memref<8192xf32, #tpu.memory_space<vmem>>, vector<16xf32>,
      %get3A_281 = vector.shape_cast %get3A_280 : vector<16xf32> to vector<16xf32>
      %max3A_282 = arith.maximumf %get3A_281, %get3A_276 : vector<16xf32>
      %add3A_283 = arith.constant 112 : i32
      %add3A_284 = arith.addi %mul3A_69, %add3A_283 : i32
      %swap3A_285 = arith.index_cast %add3A_284 : i32 to index
      %swap3A_286 = tpu.vector_load %arg9[%swap3A_285] {strides = array<i32>} : memref<8192xf32, #tpu.memory_space<vmem>>, vector<16xf32>,
      %swap3A_287 = vector.shape_cast %swap3A_286 : vector<16xf32> to vector<16xf32>
      %swap3A_288 = vector.shape_cast %max3A_282 : vector<16xf32> to vector<16xf32>
      tpu.vector_store %arg9[%swap3A_285], %swap3A_288 {strides = array<i32>} : memref<8192xf32, #tpu.memory_space<vmem>>, vector<16xf32>,
      %add3A_289 = arith.constant 112 : i32
      %add3A_290 = arith.addi %mul3A_69, %add3A_289 : i32
      %get3A_291 = arith.index_cast %add3A_290 : i32 to index
      %get3A_292 = tpu.vector_load %arg10[%get3A_291] {strides = array<i32>} : memref<8192xf32, #tpu.memory_space<vmem>>, vector<16xf32>,
      %get3A_293 = vector.shape_cast %get3A_292 : vector<16xf32> to vector<16xf32>
      %add3A_294 = arith.addf %get3A_293, %get3A_276 : vector<16xf32>
      %add3A_295 = arith.constant 112 : i32
      %add3A_296 = arith.addi %mul3A_69, %add3A_295 : i32
      %swap3A_297 = arith.index_cast %add3A_296 : i32 to index
      %swap3A_298 = tpu.vector_load %arg10[%swap3A_297] {strides = array<i32>} : memref<8192xf32, #tpu.memory_space<vmem>>, vector<16xf32>,
      %swap3A_299 = vector.shape_cast %swap3A_298 : vector<16xf32> to vector<16xf32>
      %swap3A_300 = vector.shape_cast %add3A_294 : vector<16xf32> to vector<16xf32>
      tpu.vector_store %arg10[%swap3A_297], %swap3A_300 {strides = array<i32>} : memref<8192xf32, #tpu.memory_space<vmem>>, vector<16xf32>,
      %while3A_301 = arith.constant 0 : i32
      scf.yield %while3A_301 : i32
    }
    "tpu.region"() ({
      %run_scoped3A = tpu.sem_alloc : memref<!tpu.dma_semaphore, #tpu.memory_space<semaphore_mem>>
      %dma_start3A = arith.constant 0 : i32
      %dma_start3A_64 = tpu.memref_slice %arg4[%add3A, %dma_start3A] : memref<32x8192xf32, #tpu.memory_space<hbm>> -> memref<1x8192xf32, #tpu.memory_space<hbm>>
      %dma_start3A_65 = tpu.memref_squeeze %dma_start3A_64 : memref<1x8192xf32, #tpu.memory_space<hbm>> -> memref<8192xf32, #tpu.memory_space<hbm>>
      %dma_start3A_66 = arith.constant 0 : i32
      %dma_start3A_67 = tpu.memref_slice %arg4[%add3A, %dma_start3A_66] : memref<32x8192xf32, #tpu.memory_space<hbm>> -> memref<1x8192xf32, #tpu.memory_space<hbm>>
      %dma_start3A_68 = tpu.memref_squeeze %dma_start3A_67 : memref<1x8192xf32, #tpu.memory_space<hbm>> -> memref<8192xf32, #tpu.memory_space<hbm>>
      tpu.enqueue_dma source(%arg9 : memref<8192xf32, #tpu.memory_space<vmem>>) target(%dma_start3A_68 : memref<8192xf32, #tpu.memory_space<hbm>>) target_semaphore(%run_scoped3A : memref<!tpu.dma_semaphore, #tpu.memory_space<semaphore_mem>>)
      %dma_wait3A = arith.constant 0 : i32
      %dma_wait3A_69 = tpu.memref_slice %arg4[%add3A, %dma_wait3A] : memref<32x8192xf32, #tpu.memory_space<hbm>> -> memref<1x8192xf32, #tpu.memory_space<hbm>>
      %dma_wait3A_70 = tpu.memref_squeeze %dma_wait3A_69 : memref<1x8192xf32, #tpu.memory_space<hbm>> -> memref<8192xf32, #tpu.memory_space<hbm>>
      %dma_wait3A_71 = arith.constant 0 : i32
      %dma_wait3A_72 = tpu.memref_slice %arg4[%add3A, %dma_wait3A_71] : memref<32x8192xf32, #tpu.memory_space<hbm>> -> memref<1x8192xf32, #tpu.memory_space<hbm>>
      %dma_wait3A_73 = tpu.memref_squeeze %dma_wait3A_72 : memref<1x8192xf32, #tpu.memory_space<hbm>> -> memref<8192xf32, #tpu.memory_space<hbm>>
      tpu.wait_dma2 semaphore(%run_scoped3A : memref<!tpu.dma_semaphore, #tpu.memory_space<semaphore_mem>>) src(%arg9 : memref<8192xf32, #tpu.memory_space<vmem>>) dst(%dma_wait3A_73 : memref<8192xf32, #tpu.memory_space<hbm>>)
      tpu.yield
    }) : () -> ()
    "tpu.region"() ({
      %run_scoped3A = tpu.sem_alloc : memref<!tpu.dma_semaphore, #tpu.memory_space<semaphore_mem>>
      %dma_start3A = arith.constant 0 : i32
      %dma_start3A_64 = tpu.memref_slice %arg5[%add3A, %dma_start3A] : memref<32x8192xf32, #tpu.memory_space<hbm>> -> memref<1x8192xf32, #tpu.memory_space<hbm>>
      %dma_start3A_65 = tpu.memref_squeeze %dma_start3A_64 : memref<1x8192xf32, #tpu.memory_space<hbm>> -> memref<8192xf32, #tpu.memory_space<hbm>>
      %dma_start3A_66 = arith.constant 0 : i32
      %dma_start3A_67 = tpu.memref_slice %arg5[%add3A, %dma_start3A_66] : memref<32x8192xf32, #tpu.memory_space<hbm>> -> memref<1x8192xf32, #tpu.memory_space<hbm>>
      %dma_start3A_68 = tpu.memref_squeeze %dma_start3A_67 : memref<1x8192xf32, #tpu.memory_space<hbm>> -> memref<8192xf32, #tpu.memory_space<hbm>>
      tpu.enqueue_dma source(%arg10 : memref<8192xf32, #tpu.memory_space<vmem>>) target(%dma_start3A_68 : memref<8192xf32, #tpu.memory_space<hbm>>) target_semaphore(%run_scoped3A : memref<!tpu.dma_semaphore, #tpu.memory_space<semaphore_mem>>)
      %dma_wait3A = arith.constant 0 : i32
      %dma_wait3A_69 = tpu.memref_slice %arg5[%add3A, %dma_wait3A] : memref<32x8192xf32, #tpu.memory_space<hbm>> -> memref<1x8192xf32, #tpu.memory_space<hbm>>
      %dma_wait3A_70 = tpu.memref_squeeze %dma_wait3A_69 : memref<1x8192xf32, #tpu.memory_space<hbm>> -> memref<8192xf32, #tpu.memory_space<hbm>>
      %dma_wait3A_71 = arith.constant 0 : i32
      %dma_wait3A_72 = tpu.memref_slice %arg5[%add3A, %dma_wait3A_71] : memref<32x8192xf32, #tpu.memory_space<hbm>> -> memref<1x8192xf32, #tpu.memory_space<hbm>>
      %dma_wait3A_73 = tpu.memref_squeeze %dma_wait3A_72 : memref<1x8192xf32, #tpu.memory_space<hbm>> -> memref<8192xf32, #tpu.memory_space<hbm>>
      tpu.wait_dma2 semaphore(%run_scoped3A : memref<!tpu.dma_semaphore, #tpu.memory_space<semaphore_mem>>) src(%arg10 : memref<8192xf32, #tpu.memory_space<vmem>>) dst(%dma_wait3A_73 : memref<8192xf32, #tpu.memory_space<hbm>>)
      tpu.yield
    }) : () -> ()
    "tpu.region"() ({
      %run_scoped3A = tpu.sem_alloc : memref<!tpu.dma_semaphore, #tpu.memory_space<semaphore_mem>>
      %dma_start3A = arith.constant 0 : i32
      %dma_start3A_64 = tpu.memref_slice %arg11[%dma_start3A] : memref<144xf32, #tpu.memory_space<vmem>> -> memref<128xf32, #tpu.memory_space<vmem>>
      %dma_start3A_65 = arith.constant 0 : i32
      %dma_start3A_66 = tpu.memref_slice %arg6[%add3A, %dma_start3A_65] : memref<32x128xf32, #tpu.memory_space<hbm>> -> memref<1x128xf32, #tpu.memory_space<hbm>>
      %dma_start3A_67 = tpu.memref_squeeze %dma_start3A_66 : memref<1x128xf32, #tpu.memory_space<hbm>> -> memref<128xf32, #tpu.memory_space<hbm>>
      %dma_start3A_68 = arith.constant 0 : i32
      %dma_start3A_69 = tpu.memref_slice %arg6[%add3A, %dma_start3A_68] : memref<32x128xf32, #tpu.memory_space<hbm>> -> memref<1x128xf32, #tpu.memory_space<hbm>>
      %dma_start3A_70 = tpu.memref_squeeze %dma_start3A_69 : memref<1x128xf32, #tpu.memory_space<hbm>> -> memref<128xf32, #tpu.memory_space<hbm>>
      %dma_start3A_71 = arith.constant 0 : i32
      %dma_start3A_72 = tpu.memref_slice %arg11[%dma_start3A_71] : memref<144xf32, #tpu.memory_space<vmem>> -> memref<128xf32, #tpu.memory_space<vmem>>
      tpu.enqueue_dma source(%dma_start3A_72 : memref<128xf32, #tpu.memory_space<vmem>>) target(%dma_start3A_70 : memref<128xf32, #tpu.memory_space<hbm>>) target_semaphore(%run_scoped3A : memref<!tpu.dma_semaphore, #tpu.memory_space<semaphore_mem>>)
      %dma_wait3A = arith.constant 0 : i32
      %dma_wait3A_73 = tpu.memref_slice %arg11[%dma_wait3A] : memref<144xf32, #tpu.memory_space<vmem>> -> memref<128xf32, #tpu.memory_space<vmem>>
      %dma_wait3A_74 = arith.constant 0 : i32
      %dma_wait3A_75 = tpu.memref_slice %arg6[%add3A, %dma_wait3A_74] : memref<32x128xf32, #tpu.memory_space<hbm>> -> memref<1x128xf32, #tpu.memory_space<hbm>>
      %dma_wait3A_76 = tpu.memref_squeeze %dma_wait3A_75 : memref<1x128xf32, #tpu.memory_space<hbm>> -> memref<128xf32, #tpu.memory_space<hbm>>
      %dma_wait3A_77 = arith.constant 0 : i32
      %dma_wait3A_78 = tpu.memref_slice %arg6[%add3A, %dma_wait3A_77] : memref<32x128xf32, #tpu.memory_space<hbm>> -> memref<1x128xf32, #tpu.memory_space<hbm>>
      %dma_wait3A_79 = tpu.memref_squeeze %dma_wait3A_78 : memref<1x128xf32, #tpu.memory_space<hbm>> -> memref<128xf32, #tpu.memory_space<hbm>>
      %dma_wait3A_80 = arith.constant 0 : i32
      %dma_wait3A_81 = tpu.memref_slice %arg11[%dma_wait3A_80] : memref<144xf32, #tpu.memory_space<vmem>> -> memref<128xf32, #tpu.memory_space<vmem>>
      tpu.wait_dma2 semaphore(%run_scoped3A : memref<!tpu.dma_semaphore, #tpu.memory_space<semaphore_mem>>) src(%dma_wait3A_81 : memref<128xf32, #tpu.memory_space<vmem>>) dst(%dma_wait3A_79 : memref<128xf32, #tpu.memory_space<hbm>>)
      tpu.yield
    }) : () -> ()
    return
  }
}

#map = affine_map<(d0, d1) -> (0, 0)>
#map1 = affine_map<(d0, d1) -> (0, 0, 0)>
module attributes {stable_mosaic.version = 14 : i64} {
  func.func @_agg_sc(%arg0: i32, %arg1: i32, %arg2: memref<10000x128xf32, #tpu.memory_space<hbm>>, %arg3: memref<2560x128xi32, #tpu.memory_space<hbm>>, %arg4: memref<2560x128xi32, #tpu.memory_space<hbm>>, %arg5: memref<2x10240x128xf32, #tpu.memory_space<hbm>>, %arg6: memref<40x128xi32, #tpu.memory_space<vmem>>, %arg7: memref<40x128xi32, #tpu.memory_space<vmem>>, %arg8: memref<128x128xf32, #tpu.memory_space<vmem>>, %arg9: memref<128x128xf32, #tpu.memory_space<vmem>>, %arg10: memref<10240x128xf32, #tpu.memory_space<vmem_shared>>, %arg11: memref<!tpu.dma_semaphore, #tpu.memory_space<semaphore_mem>>, %arg12: memref<!tpu.dma_semaphore, #tpu.memory_space<semaphore_mem>>) attributes {dimension_semantics = [#tpu.dimension_semantics<core_parallel>, #tpu.dimension_semantics<subcore_parallel>], iteration_bounds = array<i64: 2, 16>, scalar_prefetch = 0 : i64, scratch_operands = 7 : i64, tpu.core_type = #tpu.core_type<sc_vector_subcore>, window_params = [{transform_indices = #map}, {transform_indices = #map}, {transform_indices = #map}, {transform_indices = #map1}]} {
    %mul3A = arith.constant 2 : i32
    %mul3A_0 = arith.muli %arg1, %mul3A : i32
    %add3A = arith.addi %mul3A_0, %arg0 : i32
    %scan3A = arith.constant 0 : i32
    %scan3A_1 = arith.constant 0 : i32
    %scan3A_2 = arith.constant 128 : i32
    %scan3A_3 = arith.addi %scan3A_1, %scan3A_2 : i32
    %scan3A_4 = arith.constant 1 : i32
    %scan3A_5 = scf.for %scan3A_55 = %scan3A_1 to %scan3A_3 step %scan3A_4 iter_args(%scan3A_56 = %scan3A) -> (i32)  : i32 {
      %broadcast_in_dim3A = arith.constant 0.000000e+00 : f32
      %broadcast_in_dim3A_57 = vector.broadcast %broadcast_in_dim3A : f32 to vector<16xf32>
      %swap3A = arith.constant 0 : i32
      %swap3A_58 = tpu.memref_slice %arg8[%scan3A_55, %swap3A] : memref<128x128xf32, #tpu.memory_space<vmem>> -> memref<1x128xf32, #tpu.memory_space<vmem>>
      %swap3A_59 = tpu.memref_squeeze %swap3A_58 : memref<1x128xf32, #tpu.memory_space<vmem>> -> memref<128xf32, #tpu.memory_space<vmem>>
      %swap3A_60 = arith.constant 0 : index
      %swap3A_61 = tpu.vector_load %swap3A_59[%swap3A_60] {strides = array<i32>} : memref<128xf32, #tpu.memory_space<vmem>>, vector<16xf32>,
      %swap3A_62 = vector.shape_cast %swap3A_61 : vector<16xf32> to vector<16xf32>
      %swap3A_63 = vector.shape_cast %broadcast_in_dim3A_57 : vector<16xf32> to vector<16xf32>
      tpu.vector_store %swap3A_59[%swap3A_60], %swap3A_63 {strides = array<i32>} : memref<128xf32, #tpu.memory_space<vmem>>, vector<16xf32>,
      %broadcast_in_dim3A_64 = arith.constant 0.000000e+00 : f32
      %broadcast_in_dim3A_65 = vector.broadcast %broadcast_in_dim3A_64 : f32 to vector<16xf32>
      %swap3A_66 = arith.constant 0 : i32
      %swap3A_67 = tpu.memref_slice %arg8[%scan3A_55, %swap3A_66] : memref<128x128xf32, #tpu.memory_space<vmem>> -> memref<1x128xf32, #tpu.memory_space<vmem>>
      %swap3A_68 = tpu.memref_squeeze %swap3A_67 : memref<1x128xf32, #tpu.memory_space<vmem>> -> memref<128xf32, #tpu.memory_space<vmem>>
      %swap3A_69 = arith.constant 16 : index
      %swap3A_70 = tpu.vector_load %swap3A_68[%swap3A_69] {strides = array<i32>} : memref<128xf32, #tpu.memory_space<vmem>>, vector<16xf32>,
      %swap3A_71 = vector.shape_cast %swap3A_70 : vector<16xf32> to vector<16xf32>
      %swap3A_72 = vector.shape_cast %broadcast_in_dim3A_65 : vector<16xf32> to vector<16xf32>
      tpu.vector_store %swap3A_68[%swap3A_69], %swap3A_72 {strides = array<i32>} : memref<128xf32, #tpu.memory_space<vmem>>, vector<16xf32>,
      %broadcast_in_dim3A_73 = arith.constant 0.000000e+00 : f32
      %broadcast_in_dim3A_74 = vector.broadcast %broadcast_in_dim3A_73 : f32 to vector<16xf32>
      %swap3A_75 = arith.constant 0 : i32
      %swap3A_76 = tpu.memref_slice %arg8[%scan3A_55, %swap3A_75] : memref<128x128xf32, #tpu.memory_space<vmem>> -> memref<1x128xf32, #tpu.memory_space<vmem>>
      %swap3A_77 = tpu.memref_squeeze %swap3A_76 : memref<1x128xf32, #tpu.memory_space<vmem>> -> memref<128xf32, #tpu.memory_space<vmem>>
      %swap3A_78 = arith.constant 32 : index
      %swap3A_79 = tpu.vector_load %swap3A_77[%swap3A_78] {strides = array<i32>} : memref<128xf32, #tpu.memory_space<vmem>>, vector<16xf32>,
      %swap3A_80 = vector.shape_cast %swap3A_79 : vector<16xf32> to vector<16xf32>
      %swap3A_81 = vector.shape_cast %broadcast_in_dim3A_74 : vector<16xf32> to vector<16xf32>
      tpu.vector_store %swap3A_77[%swap3A_78], %swap3A_81 {strides = array<i32>} : memref<128xf32, #tpu.memory_space<vmem>>, vector<16xf32>,
      %broadcast_in_dim3A_82 = arith.constant 0.000000e+00 : f32
      %broadcast_in_dim3A_83 = vector.broadcast %broadcast_in_dim3A_82 : f32 to vector<16xf32>
      %swap3A_84 = arith.constant 0 : i32
      %swap3A_85 = tpu.memref_slice %arg8[%scan3A_55, %swap3A_84] : memref<128x128xf32, #tpu.memory_space<vmem>> -> memref<1x128xf32, #tpu.memory_space<vmem>>
      %swap3A_86 = tpu.memref_squeeze %swap3A_85 : memref<1x128xf32, #tpu.memory_space<vmem>> -> memref<128xf32, #tpu.memory_space<vmem>>
      %swap3A_87 = arith.constant 48 : index
      %swap3A_88 = tpu.vector_load %swap3A_86[%swap3A_87] {strides = array<i32>} : memref<128xf32, #tpu.memory_space<vmem>>, vector<16xf32>,
      %swap3A_89 = vector.shape_cast %swap3A_88 : vector<16xf32> to vector<16xf32>
      %swap3A_90 = vector.shape_cast %broadcast_in_dim3A_83 : vector<16xf32> to vector<16xf32>
      tpu.vector_store %swap3A_86[%swap3A_87], %swap3A_90 {strides = array<i32>} : memref<128xf32, #tpu.memory_space<vmem>>, vector<16xf32>,
      %broadcast_in_dim3A_91 = arith.constant 0.000000e+00 : f32
      %broadcast_in_dim3A_92 = vector.broadcast %broadcast_in_dim3A_91 : f32 to vector<16xf32>
      %swap3A_93 = arith.constant 0 : i32
      %swap3A_94 = tpu.memref_slice %arg8[%scan3A_55, %swap3A_93] : memref<128x128xf32, #tpu.memory_space<vmem>> -> memref<1x128xf32, #tpu.memory_space<vmem>>
      %swap3A_95 = tpu.memref_squeeze %swap3A_94 : memref<1x128xf32, #tpu.memory_space<vmem>> -> memref<128xf32, #tpu.memory_space<vmem>>
      %swap3A_96 = arith.constant 64 : index
      %swap3A_97 = tpu.vector_load %swap3A_95[%swap3A_96] {strides = array<i32>} : memref<128xf32, #tpu.memory_space<vmem>>, vector<16xf32>,
      %swap3A_98 = vector.shape_cast %swap3A_97 : vector<16xf32> to vector<16xf32>
      %swap3A_99 = vector.shape_cast %broadcast_in_dim3A_92 : vector<16xf32> to vector<16xf32>
      tpu.vector_store %swap3A_95[%swap3A_96], %swap3A_99 {strides = array<i32>} : memref<128xf32, #tpu.memory_space<vmem>>, vector<16xf32>,
      %broadcast_in_dim3A_100 = arith.constant 0.000000e+00 : f32
      %broadcast_in_dim3A_101 = vector.broadcast %broadcast_in_dim3A_100 : f32 to vector<16xf32>
      %swap3A_102 = arith.constant 0 : i32
      %swap3A_103 = tpu.memref_slice %arg8[%scan3A_55, %swap3A_102] : memref<128x128xf32, #tpu.memory_space<vmem>> -> memref<1x128xf32, #tpu.memory_space<vmem>>
      %swap3A_104 = tpu.memref_squeeze %swap3A_103 : memref<1x128xf32, #tpu.memory_space<vmem>> -> memref<128xf32, #tpu.memory_space<vmem>>
      %swap3A_105 = arith.constant 80 : index
      %swap3A_106 = tpu.vector_load %swap3A_104[%swap3A_105] {strides = array<i32>} : memref<128xf32, #tpu.memory_space<vmem>>, vector<16xf32>,
      %swap3A_107 = vector.shape_cast %swap3A_106 : vector<16xf32> to vector<16xf32>
      %swap3A_108 = vector.shape_cast %broadcast_in_dim3A_101 : vector<16xf32> to vector<16xf32>
      tpu.vector_store %swap3A_104[%swap3A_105], %swap3A_108 {strides = array<i32>} : memref<128xf32, #tpu.memory_space<vmem>>, vector<16xf32>,
      %broadcast_in_dim3A_109 = arith.constant 0.000000e+00 : f32
      %broadcast_in_dim3A_110 = vector.broadcast %broadcast_in_dim3A_109 : f32 to vector<16xf32>
      %swap3A_111 = arith.constant 0 : i32
      %swap3A_112 = tpu.memref_slice %arg8[%scan3A_55, %swap3A_111] : memref<128x128xf32, #tpu.memory_space<vmem>> -> memref<1x128xf32, #tpu.memory_space<vmem>>
      %swap3A_113 = tpu.memref_squeeze %swap3A_112 : memref<1x128xf32, #tpu.memory_space<vmem>> -> memref<128xf32, #tpu.memory_space<vmem>>
      %swap3A_114 = arith.constant 96 : index
      %swap3A_115 = tpu.vector_load %swap3A_113[%swap3A_114] {strides = array<i32>} : memref<128xf32, #tpu.memory_space<vmem>>, vector<16xf32>,
      %swap3A_116 = vector.shape_cast %swap3A_115 : vector<16xf32> to vector<16xf32>
      %swap3A_117 = vector.shape_cast %broadcast_in_dim3A_110 : vector<16xf32> to vector<16xf32>
      tpu.vector_store %swap3A_113[%swap3A_114], %swap3A_117 {strides = array<i32>} : memref<128xf32, #tpu.memory_space<vmem>>, vector<16xf32>,
      %broadcast_in_dim3A_118 = arith.constant 0.000000e+00 : f32
      %broadcast_in_dim3A_119 = vector.broadcast %broadcast_in_dim3A_118 : f32 to vector<16xf32>
      %swap3A_120 = arith.constant 0 : i32
      %swap3A_121 = tpu.memref_slice %arg8[%scan3A_55, %swap3A_120] : memref<128x128xf32, #tpu.memory_space<vmem>> -> memref<1x128xf32, #tpu.memory_space<vmem>>
      %swap3A_122 = tpu.memref_squeeze %swap3A_121 : memref<1x128xf32, #tpu.memory_space<vmem>> -> memref<128xf32, #tpu.memory_space<vmem>>
      %swap3A_123 = arith.constant 112 : index
      %swap3A_124 = tpu.vector_load %swap3A_122[%swap3A_123] {strides = array<i32>} : memref<128xf32, #tpu.memory_space<vmem>>, vector<16xf32>,
      %swap3A_125 = vector.shape_cast %swap3A_124 : vector<16xf32> to vector<16xf32>
      %swap3A_126 = vector.shape_cast %broadcast_in_dim3A_119 : vector<16xf32> to vector<16xf32>
      tpu.vector_store %swap3A_122[%swap3A_123], %swap3A_126 {strides = array<i32>} : memref<128xf32, #tpu.memory_space<vmem>>, vector<16xf32>,
      %scan3A_127 = arith.constant 0 : i32
      scf.yield %scan3A_127 : i32
    }
    %scan3A_6 = arith.constant 128 : i32
    %scan3A_7 = arith.constant 0 : i32
    %scan3A_8 = arith.constant 0 : i32
    %scan3A_9 = arith.constant 5 : i32
    %scan3A_10 = arith.addi %scan3A_8, %scan3A_9 : i32
    %scan3A_11 = arith.constant 1 : i32
    %scan3A_12 = scf.for %scan3A_55 = %scan3A_8 to %scan3A_10 step %scan3A_11 iter_args(%scan3A_56 = %scan3A_7) -> (i32)  : i32 {
      %mul3A_57 = arith.constant 640 : i32
      %mul3A_58 = arith.muli %arg1, %mul3A_57 : i32
      %mul3A_59 = arith.constant 128 : i32
      %mul3A_60 = arith.muli %scan3A_55, %mul3A_59 : i32
      %add3A_61 = arith.addi %mul3A_58, %mul3A_60 : i32
      "tpu.region"() ({
        %run_scoped3A = tpu.sem_alloc : memref<!tpu.dma_semaphore, #tpu.memory_space<semaphore_mem>>
        %dma_start3A_63 = arith.constant 0 : i32
        %dma_start3A_64 = tpu.memref_slice %arg10[%add3A_61, %dma_start3A_63] : memref<10240x128xf32, #tpu.memory_space<vmem_shared>> -> memref<128x128xf32, #tpu.memory_space<vmem_shared>>
        %dma_start3A_65 = arith.constant 0 : i32
        %dma_start3A_66 = tpu.memref_slice %arg10[%add3A_61, %dma_start3A_65] : memref<10240x128xf32, #tpu.memory_space<vmem_shared>> -> memref<128x128xf32, #tpu.memory_space<vmem_shared>>
        tpu.enqueue_dma source(%arg8 : memref<128x128xf32, #tpu.memory_space<vmem>>) target(%dma_start3A_66 : memref<128x128xf32, #tpu.memory_space<vmem_shared>>) target_semaphore(%run_scoped3A : memref<!tpu.dma_semaphore, #tpu.memory_space<semaphore_mem>>)
        %dma_wait3A = arith.constant 0 : i32
        %dma_wait3A_67 = tpu.memref_slice %arg10[%add3A_61, %dma_wait3A] : memref<10240x128xf32, #tpu.memory_space<vmem_shared>> -> memref<128x128xf32, #tpu.memory_space<vmem_shared>>
        %dma_wait3A_68 = arith.constant 0 : i32
        %dma_wait3A_69 = tpu.memref_slice %arg10[%add3A_61, %dma_wait3A_68] : memref<10240x128xf32, #tpu.memory_space<vmem_shared>> -> memref<128x128xf32, #tpu.memory_space<vmem_shared>>
        tpu.wait_dma2 semaphore(%run_scoped3A : memref<!tpu.dma_semaphore, #tpu.memory_space<semaphore_mem>>) src(%arg8 : memref<128x128xf32, #tpu.memory_space<vmem>>) dst(%dma_wait3A_69 : memref<128x128xf32, #tpu.memory_space<vmem_shared>>)
        tpu.yield
      }) : () -> ()
      %scan3A_62 = arith.constant 0 : i32
      scf.yield %scan3A_62 : i32
    }
    %scan3A_13 = arith.constant 5 : i32
    %barrier3A = arith.constant 0 : index
    tpu.barrier barrier_id(%barrier3A)
    %mul3A_14 = arith.constant 80 : i32
    %mul3A_15 = arith.muli %add3A, %mul3A_14 : i32
    %add3A_16 = arith.constant 0 : i32
    %add3A_17 = arith.addi %mul3A_15, %add3A_16 : i32
    "tpu.region"() ({
      %run_scoped3A = tpu.sem_alloc : memref<!tpu.dma_semaphore, #tpu.memory_space<semaphore_mem>>
      %dma_start3A_55 = arith.constant 0 : i32
      %dma_start3A_56 = tpu.memref_slice %arg3[%add3A_17, %dma_start3A_55] : memref<2560x128xi32, #tpu.memory_space<hbm>> -> memref<40x128xi32, #tpu.memory_space<hbm>>
      %dma_start3A_57 = arith.constant 0 : i32
      %dma_start3A_58 = tpu.memref_slice %arg3[%add3A_17, %dma_start3A_57] : memref<2560x128xi32, #tpu.memory_space<hbm>> -> memref<40x128xi32, #tpu.memory_space<hbm>>
      tpu.enqueue_dma source(%dma_start3A_58 : memref<40x128xi32, #tpu.memory_space<hbm>>) target(%arg6 : memref<40x128xi32, #tpu.memory_space<vmem>>) target_semaphore(%run_scoped3A : memref<!tpu.dma_semaphore, #tpu.memory_space<semaphore_mem>>)
      %dma_wait3A = arith.constant 0 : i32
      %dma_wait3A_59 = tpu.memref_slice %arg3[%add3A_17, %dma_wait3A] : memref<2560x128xi32, #tpu.memory_space<hbm>> -> memref<40x128xi32, #tpu.memory_space<hbm>>
      %dma_wait3A_60 = arith.constant 0 : i32
      %dma_wait3A_61 = tpu.memref_slice %arg3[%add3A_17, %dma_wait3A_60] : memref<2560x128xi32, #tpu.memory_space<hbm>> -> memref<40x128xi32, #tpu.memory_space<hbm>>
      tpu.wait_dma2 semaphore(%run_scoped3A : memref<!tpu.dma_semaphore, #tpu.memory_space<semaphore_mem>>) src(%dma_wait3A_61 : memref<40x128xi32, #tpu.memory_space<hbm>>) dst(%arg6 : memref<40x128xi32, #tpu.memory_space<vmem>>)
      tpu.yield
    }) : () -> ()
    "tpu.region"() ({
      %run_scoped3A = tpu.sem_alloc : memref<!tpu.dma_semaphore, #tpu.memory_space<semaphore_mem>>
      %dma_start3A_55 = arith.constant 0 : i32
      %dma_start3A_56 = tpu.memref_slice %arg4[%add3A_17, %dma_start3A_55] : memref<2560x128xi32, #tpu.memory_space<hbm>> -> memref<40x128xi32, #tpu.memory_space<hbm>>
      %dma_start3A_57 = arith.constant 0 : i32
      %dma_start3A_58 = tpu.memref_slice %arg4[%add3A_17, %dma_start3A_57] : memref<2560x128xi32, #tpu.memory_space<hbm>> -> memref<40x128xi32, #tpu.memory_space<hbm>>
      tpu.enqueue_dma source(%dma_start3A_58 : memref<40x128xi32, #tpu.memory_space<hbm>>) target(%arg7 : memref<40x128xi32, #tpu.memory_space<vmem>>) target_semaphore(%run_scoped3A : memref<!tpu.dma_semaphore, #tpu.memory_space<semaphore_mem>>)
      %dma_wait3A = arith.constant 0 : i32
      %dma_wait3A_59 = tpu.memref_slice %arg4[%add3A_17, %dma_wait3A] : memref<2560x128xi32, #tpu.memory_space<hbm>> -> memref<40x128xi32, #tpu.memory_space<hbm>>
      %dma_wait3A_60 = arith.constant 0 : i32
      %dma_wait3A_61 = tpu.memref_slice %arg4[%add3A_17, %dma_wait3A_60] : memref<2560x128xi32, #tpu.memory_space<hbm>> -> memref<40x128xi32, #tpu.memory_space<hbm>>
      tpu.wait_dma2 semaphore(%run_scoped3A : memref<!tpu.dma_semaphore, #tpu.memory_space<semaphore_mem>>) src(%dma_wait3A_61 : memref<40x128xi32, #tpu.memory_space<hbm>>) dst(%arg7 : memref<40x128xi32, #tpu.memory_space<vmem>>)
      tpu.yield
    }) : () -> ()
    %dma_start3A = arith.constant 0 : i32
    %dma_start3A_18 = arith.constant 0 : i32
    %dma_start3A_19 = tpu.memref_slice %arg6[%dma_start3A, %dma_start3A_18] : memref<40x128xi32, #tpu.memory_space<vmem>> -> memref<1x128xi32, #tpu.memory_space<vmem>>
    %dma_start3A_20 = tpu.memref_squeeze %dma_start3A_19 : memref<1x128xi32, #tpu.memory_space<vmem>> -> memref<128xi32, #tpu.memory_space<vmem>>
    %dma_start3A_21 = arith.constant 0 : i32
    %dma_start3A_22 = arith.constant 0 : i32
    %dma_start3A_23 = tpu.memref_slice %arg2[%dma_start3A_21, %dma_start3A_22] : memref<10000x128xf32, #tpu.memory_space<hbm>> -> memref<10000x128xf32, #tpu.memory_space<hbm>>
    tpu.enqueue_indirect_dma source(%dma_start3A_23 : memref<10000x128xf32, #tpu.memory_space<hbm>>) target(%arg8 : memref<128x128xf32, #tpu.memory_space<vmem>>) offsets(%dma_start3A_20 : memref<128xi32, #tpu.memory_space<vmem>>) semaphore(%arg11 : memref<!tpu.dma_semaphore, #tpu.memory_space<semaphore_mem>>)
    %scan3A_24 = arith.constant 0 : i32
    %scan3A_25 = arith.constant 0 : i32
    %scan3A_26 = arith.constant 20 : i32
    %scan3A_27 = arith.addi %scan3A_25, %scan3A_26 : i32
    %scan3A_28 = arith.constant 1 : i32
    %scan3A_29 = scf.for %scan3A_55 = %scan3A_25 to %scan3A_27 step %scan3A_28 iter_args(%scan3A_56 = %scan3A_24) -> (i32)  : i32 {
      %mul3A_57 = arith.constant 2 : i32
      %mul3A_58 = arith.muli %mul3A_57, %scan3A_55 : i32
      %dma_wait3A = arith.constant 0 : i32
      %dma_wait3A_59 = tpu.memref_slice %arg6[%mul3A_58, %dma_wait3A] : memref<40x128xi32, #tpu.memory_space<vmem>> -> memref<1x128xi32, #tpu.memory_space<vmem>>
      %dma_wait3A_60 = tpu.memref_squeeze %dma_wait3A_59 : memref<1x128xi32, #tpu.memory_space<vmem>> -> memref<128xi32, #tpu.memory_space<vmem>>
      %dma_wait3A_61 = arith.constant 0 : i32
      %dma_wait3A_62 = arith.constant 0 : i32
      %dma_wait3A_63 = tpu.memref_slice %arg2[%dma_wait3A_61, %dma_wait3A_62] : memref<10000x128xf32, #tpu.memory_space<hbm>> -> memref<10000x128xf32, #tpu.memory_space<hbm>>
      tpu.wait_indirect_dma semaphore(%arg11 : memref<!tpu.dma_semaphore, #tpu.memory_space<semaphore_mem>>) src(%dma_wait3A_63 : memref<10000x128xf32, #tpu.memory_space<hbm>>) dst(%arg8 : memref<128x128xf32, #tpu.memory_space<vmem>>)
      %add3A_64 = arith.constant 1 : i32
      %add3A_65 = arith.addi %mul3A_58, %add3A_64 : i32
      %dma_start3A_66 = arith.constant 0 : i32
      %dma_start3A_67 = tpu.memref_slice %arg6[%add3A_65, %dma_start3A_66] : memref<40x128xi32, #tpu.memory_space<vmem>> -> memref<1x128xi32, #tpu.memory_space<vmem>>
      %dma_start3A_68 = tpu.memref_squeeze %dma_start3A_67 : memref<1x128xi32, #tpu.memory_space<vmem>> -> memref<128xi32, #tpu.memory_space<vmem>>
      %dma_start3A_69 = arith.constant 0 : i32
      %dma_start3A_70 = arith.constant 0 : i32
      %dma_start3A_71 = tpu.memref_slice %arg2[%dma_start3A_69, %dma_start3A_70] : memref<10000x128xf32, #tpu.memory_space<hbm>> -> memref<10000x128xf32, #tpu.memory_space<hbm>>
      tpu.enqueue_indirect_dma source(%dma_start3A_71 : memref<10000x128xf32, #tpu.memory_space<hbm>>) target(%arg9 : memref<128x128xf32, #tpu.memory_space<vmem>>) offsets(%dma_start3A_68 : memref<128xi32, #tpu.memory_space<vmem>>) semaphore(%arg12 : memref<!tpu.dma_semaphore, #tpu.memory_space<semaphore_mem>>)
      "tpu.region"() ({
        %run_scoped3A = tpu.sem_alloc : memref<!tpu.dma_semaphore, #tpu.memory_space<semaphore_mem>>
        %dma_start3A_85 = arith.constant 0 : i32
        %dma_start3A_86 = tpu.memref_slice %arg7[%mul3A_58, %dma_start3A_85] : memref<40x128xi32, #tpu.memory_space<vmem>> -> memref<1x128xi32, #tpu.memory_space<vmem>>
        %dma_start3A_87 = tpu.memref_squeeze %dma_start3A_86 : memref<1x128xi32, #tpu.memory_space<vmem>> -> memref<128xi32, #tpu.memory_space<vmem>>
        %dma_start3A_88 = arith.constant 0 : i32
        %dma_start3A_89 = arith.constant 0 : i32
        %dma_start3A_90 = tpu.memref_slice %arg10[%dma_start3A_88, %dma_start3A_89] : memref<10240x128xf32, #tpu.memory_space<vmem_shared>> -> memref<10240x128xf32, #tpu.memory_space<vmem_shared>>
        tpu.enqueue_indirect_dma source(%arg8 : memref<128x128xf32, #tpu.memory_space<vmem>>) target(%dma_start3A_90 : memref<10240x128xf32, #tpu.memory_space<vmem_shared>>) offsets(%dma_start3A_87 : memref<128xi32, #tpu.memory_space<vmem>>) semaphore(%run_scoped3A : memref<!tpu.dma_semaphore, #tpu.memory_space<semaphore_mem>>) {add = true}
        %dma_wait3A_91 = arith.constant 0 : i32
        %dma_wait3A_92 = tpu.memref_slice %arg7[%mul3A_58, %dma_wait3A_91] : memref<40x128xi32, #tpu.memory_space<vmem>> -> memref<1x128xi32, #tpu.memory_space<vmem>>
        %dma_wait3A_93 = tpu.memref_squeeze %dma_wait3A_92 : memref<1x128xi32, #tpu.memory_space<vmem>> -> memref<128xi32, #tpu.memory_space<vmem>>
        %dma_wait3A_94 = arith.constant 0 : i32
        %dma_wait3A_95 = arith.constant 0 : i32
        %dma_wait3A_96 = tpu.memref_slice %arg10[%dma_wait3A_94, %dma_wait3A_95] : memref<10240x128xf32, #tpu.memory_space<vmem_shared>> -> memref<10240x128xf32, #tpu.memory_space<vmem_shared>>
        tpu.wait_indirect_dma semaphore(%run_scoped3A : memref<!tpu.dma_semaphore, #tpu.memory_space<semaphore_mem>>) src(%arg8 : memref<128x128xf32, #tpu.memory_space<vmem>>) dst(%dma_wait3A_96 : memref<10240x128xf32, #tpu.memory_space<vmem_shared>>)
        tpu.yield
      }) : () -> ()
      %add3A_72 = arith.constant 1 : i32
      %add3A_73 = arith.addi %mul3A_58, %add3A_72 : i32
      %dma_wait3A_74 = arith.constant 0 : i32
      %dma_wait3A_75 = tpu.memref_slice %arg6[%add3A_73, %dma_wait3A_74] : memref<40x128xi32, #tpu.memory_space<vmem>> -> memref<1x128xi32, #tpu.memory_space<vmem>>
      %dma_wait3A_76 = tpu.memref_squeeze %dma_wait3A_75 : memref<1x128xi32, #tpu.memory_space<vmem>> -> memref<128xi32, #tpu.memory_space<vmem>>
      %dma_wait3A_77 = arith.constant 0 : i32
      %dma_wait3A_78 = arith.constant 0 : i32
      %dma_wait3A_79 = tpu.memref_slice %arg2[%dma_wait3A_77, %dma_wait3A_78] : memref<10000x128xf32, #tpu.memory_space<hbm>> -> memref<10000x128xf32, #tpu.memory_space<hbm>>
      tpu.wait_indirect_dma semaphore(%arg12 : memref<!tpu.dma_semaphore, #tpu.memory_space<semaphore_mem>>) src(%dma_wait3A_79 : memref<10000x128xf32, #tpu.memory_space<hbm>>) dst(%arg9 : memref<128x128xf32, #tpu.memory_space<vmem>>)
      %lt3A = arith.constant 19 : i32
      %lt3A_80 = arith.cmpi slt, %scan3A_55, %lt3A : i32
      %convert_element_type3A = arith.extui %lt3A_80 : i1 to i32
      %cond3A = arith.constant 0 : i32
      %cond3A_81 = arith.cmpi ne, %convert_element_type3A, %cond3A : i32
      scf.if %cond3A_81 {
        %add3A_85 = arith.constant 2 : i32
        %add3A_86 = arith.addi %mul3A_58, %add3A_85 : i32
        %dma_start3A_87 = arith.constant 0 : i32
        %dma_start3A_88 = tpu.memref_slice %arg6[%add3A_86, %dma_start3A_87] : memref<40x128xi32, #tpu.memory_space<vmem>> -> memref<1x128xi32, #tpu.memory_space<vmem>>
        %dma_start3A_89 = tpu.memref_squeeze %dma_start3A_88 : memref<1x128xi32, #tpu.memory_space<vmem>> -> memref<128xi32, #tpu.memory_space<vmem>>
        %dma_start3A_90 = arith.constant 0 : i32
        %dma_start3A_91 = arith.constant 0 : i32
        %dma_start3A_92 = tpu.memref_slice %arg2[%dma_start3A_90, %dma_start3A_91] : memref<10000x128xf32, #tpu.memory_space<hbm>> -> memref<10000x128xf32, #tpu.memory_space<hbm>>
        tpu.enqueue_indirect_dma source(%dma_start3A_92 : memref<10000x128xf32, #tpu.memory_space<hbm>>) target(%arg8 : memref<128x128xf32, #tpu.memory_space<vmem>>) offsets(%dma_start3A_89 : memref<128xi32, #tpu.memory_space<vmem>>) semaphore(%arg11 : memref<!tpu.dma_semaphore, #tpu.memory_space<semaphore_mem>>)
      } else {
      }
      %add3A_82 = arith.constant 1 : i32
      %add3A_83 = arith.addi %mul3A_58, %add3A_82 : i32
      "tpu.region"() ({
        %run_scoped3A = tpu.sem_alloc : memref<!tpu.dma_semaphore, #tpu.memory_space<semaphore_mem>>
        %dma_start3A_85 = arith.constant 0 : i32
        %dma_start3A_86 = tpu.memref_slice %arg7[%add3A_83, %dma_start3A_85] : memref<40x128xi32, #tpu.memory_space<vmem>> -> memref<1x128xi32, #tpu.memory_space<vmem>>
        %dma_start3A_87 = tpu.memref_squeeze %dma_start3A_86 : memref<1x128xi32, #tpu.memory_space<vmem>> -> memref<128xi32, #tpu.memory_space<vmem>>
        %dma_start3A_88 = arith.constant 0 : i32
        %dma_start3A_89 = arith.constant 0 : i32
        %dma_start3A_90 = tpu.memref_slice %arg10[%dma_start3A_88, %dma_start3A_89] : memref<10240x128xf32, #tpu.memory_space<vmem_shared>> -> memref<10240x128xf32, #tpu.memory_space<vmem_shared>>
        tpu.enqueue_indirect_dma source(%arg9 : memref<128x128xf32, #tpu.memory_space<vmem>>) target(%dma_start3A_90 : memref<10240x128xf32, #tpu.memory_space<vmem_shared>>) offsets(%dma_start3A_87 : memref<128xi32, #tpu.memory_space<vmem>>) semaphore(%run_scoped3A : memref<!tpu.dma_semaphore, #tpu.memory_space<semaphore_mem>>) {add = true}
        %dma_wait3A_91 = arith.constant 0 : i32
        %dma_wait3A_92 = tpu.memref_slice %arg7[%add3A_83, %dma_wait3A_91] : memref<40x128xi32, #tpu.memory_space<vmem>> -> memref<1x128xi32, #tpu.memory_space<vmem>>
        %dma_wait3A_93 = tpu.memref_squeeze %dma_wait3A_92 : memref<1x128xi32, #tpu.memory_space<vmem>> -> memref<128xi32, #tpu.memory_space<vmem>>
        %dma_wait3A_94 = arith.constant 0 : i32
        %dma_wait3A_95 = arith.constant 0 : i32
        %dma_wait3A_96 = tpu.memref_slice %arg10[%dma_wait3A_94, %dma_wait3A_95] : memref<10240x128xf32, #tpu.memory_space<vmem_shared>> -> memref<10240x128xf32, #tpu.memory_space<vmem_shared>>
        tpu.wait_indirect_dma semaphore(%run_scoped3A : memref<!tpu.dma_semaphore, #tpu.memory_space<semaphore_mem>>) src(%arg9 : memref<128x128xf32, #tpu.memory_space<vmem>>) dst(%dma_wait3A_96 : memref<10240x128xf32, #tpu.memory_space<vmem_shared>>)
        tpu.yield
      }) : () -> ()
      %scan3A_84 = arith.constant 0 : i32
      scf.yield %scan3A_84 : i32
    }
    %scan3A_30 = arith.constant 20 : i32
    %add3A_31 = arith.constant 40 : i32
    %add3A_32 = arith.addi %mul3A_15, %add3A_31 : i32
    "tpu.region"() ({
      %run_scoped3A = tpu.sem_alloc : memref<!tpu.dma_semaphore, #tpu.memory_space<semaphore_mem>>
      %dma_start3A_55 = arith.constant 0 : i32
      %dma_start3A_56 = tpu.memref_slice %arg3[%add3A_32, %dma_start3A_55] : memref<2560x128xi32, #tpu.memory_space<hbm>> -> memref<40x128xi32, #tpu.memory_space<hbm>>
      %dma_start3A_57 = arith.constant 0 : i32
      %dma_start3A_58 = tpu.memref_slice %arg3[%add3A_32, %dma_start3A_57] : memref<2560x128xi32, #tpu.memory_space<hbm>> -> memref<40x128xi32, #tpu.memory_space<hbm>>
      tpu.enqueue_dma source(%dma_start3A_58 : memref<40x128xi32, #tpu.memory_space<hbm>>) target(%arg6 : memref<40x128xi32, #tpu.memory_space<vmem>>) target_semaphore(%run_scoped3A : memref<!tpu.dma_semaphore, #tpu.memory_space<semaphore_mem>>)
      %dma_wait3A = arith.constant 0 : i32
      %dma_wait3A_59 = tpu.memref_slice %arg3[%add3A_32, %dma_wait3A] : memref<2560x128xi32, #tpu.memory_space<hbm>> -> memref<40x128xi32, #tpu.memory_space<hbm>>
      %dma_wait3A_60 = arith.constant 0 : i32
      %dma_wait3A_61 = tpu.memref_slice %arg3[%add3A_32, %dma_wait3A_60] : memref<2560x128xi32, #tpu.memory_space<hbm>> -> memref<40x128xi32, #tpu.memory_space<hbm>>
      tpu.wait_dma2 semaphore(%run_scoped3A : memref<!tpu.dma_semaphore, #tpu.memory_space<semaphore_mem>>) src(%dma_wait3A_61 : memref<40x128xi32, #tpu.memory_space<hbm>>) dst(%arg6 : memref<40x128xi32, #tpu.memory_space<vmem>>)
      tpu.yield
    }) : () -> ()
    "tpu.region"() ({
      %run_scoped3A = tpu.sem_alloc : memref<!tpu.dma_semaphore, #tpu.memory_space<semaphore_mem>>
      %dma_start3A_55 = arith.constant 0 : i32
      %dma_start3A_56 = tpu.memref_slice %arg4[%add3A_32, %dma_start3A_55] : memref<2560x128xi32, #tpu.memory_space<hbm>> -> memref<40x128xi32, #tpu.memory_space<hbm>>
      %dma_start3A_57 = arith.constant 0 : i32
      %dma_start3A_58 = tpu.memref_slice %arg4[%add3A_32, %dma_start3A_57] : memref<2560x128xi32, #tpu.memory_space<hbm>> -> memref<40x128xi32, #tpu.memory_space<hbm>>
      tpu.enqueue_dma source(%dma_start3A_58 : memref<40x128xi32, #tpu.memory_space<hbm>>) target(%arg7 : memref<40x128xi32, #tpu.memory_space<vmem>>) target_semaphore(%run_scoped3A : memref<!tpu.dma_semaphore, #tpu.memory_space<semaphore_mem>>)
      %dma_wait3A = arith.constant 0 : i32
      %dma_wait3A_59 = tpu.memref_slice %arg4[%add3A_32, %dma_wait3A] : memref<2560x128xi32, #tpu.memory_space<hbm>> -> memref<40x128xi32, #tpu.memory_space<hbm>>
      %dma_wait3A_60 = arith.constant 0 : i32
      %dma_wait3A_61 = tpu.memref_slice %arg4[%add3A_32, %dma_wait3A_60] : memref<2560x128xi32, #tpu.memory_space<hbm>> -> memref<40x128xi32, #tpu.memory_space<hbm>>
      tpu.wait_dma2 semaphore(%run_scoped3A : memref<!tpu.dma_semaphore, #tpu.memory_space<semaphore_mem>>) src(%dma_wait3A_61 : memref<40x128xi32, #tpu.memory_space<hbm>>) dst(%arg7 : memref<40x128xi32, #tpu.memory_space<vmem>>)
      tpu.yield
    }) : () -> ()
    %dma_start3A_33 = arith.constant 0 : i32
    %dma_start3A_34 = arith.constant 0 : i32
    %dma_start3A_35 = tpu.memref_slice %arg6[%dma_start3A_33, %dma_start3A_34] : memref<40x128xi32, #tpu.memory_space<vmem>> -> memref<1x128xi32, #tpu.memory_space<vmem>>
    %dma_start3A_36 = tpu.memref_squeeze %dma_start3A_35 : memref<1x128xi32, #tpu.memory_space<vmem>> -> memref<128xi32, #tpu.memory_space<vmem>>
    %dma_start3A_37 = arith.constant 0 : i32
    %dma_start3A_38 = arith.constant 0 : i32
    %dma_start3A_39 = tpu.memref_slice %arg2[%dma_start3A_37, %dma_start3A_38] : memref<10000x128xf32, #tpu.memory_space<hbm>> -> memref<10000x128xf32, #tpu.memory_space<hbm>>
    tpu.enqueue_indirect_dma source(%dma_start3A_39 : memref<10000x128xf32, #tpu.memory_space<hbm>>) target(%arg8 : memref<128x128xf32, #tpu.memory_space<vmem>>) offsets(%dma_start3A_36 : memref<128xi32, #tpu.memory_space<vmem>>) semaphore(%arg11 : memref<!tpu.dma_semaphore, #tpu.memory_space<semaphore_mem>>)
    %scan3A_40 = arith.constant 0 : i32
    %scan3A_41 = arith.constant 0 : i32
    %scan3A_42 = arith.constant 20 : i32
    %scan3A_43 = arith.addi %scan3A_41, %scan3A_42 : i32
    %scan3A_44 = arith.constant 1 : i32
    %scan3A_45 = scf.for %scan3A_55 = %scan3A_41 to %scan3A_43 step %scan3A_44 iter_args(%scan3A_56 = %scan3A_40) -> (i32)  : i32 {
      %mul3A_57 = arith.constant 2 : i32
      %mul3A_58 = arith.muli %mul3A_57, %scan3A_55 : i32
      %dma_wait3A = arith.constant 0 : i32
      %dma_wait3A_59 = tpu.memref_slice %arg6[%mul3A_58, %dma_wait3A] : memref<40x128xi32, #tpu.memory_space<vmem>> -> memref<1x128xi32, #tpu.memory_space<vmem>>
      %dma_wait3A_60 = tpu.memref_squeeze %dma_wait3A_59 : memref<1x128xi32, #tpu.memory_space<vmem>> -> memref<128xi32, #tpu.memory_space<vmem>>
      %dma_wait3A_61 = arith.constant 0 : i32
      %dma_wait3A_62 = arith.constant 0 : i32
      %dma_wait3A_63 = tpu.memref_slice %arg2[%dma_wait3A_61, %dma_wait3A_62] : memref<10000x128xf32, #tpu.memory_space<hbm>> -> memref<10000x128xf32, #tpu.memory_space<hbm>>
      tpu.wait_indirect_dma semaphore(%arg11 : memref<!tpu.dma_semaphore, #tpu.memory_space<semaphore_mem>>) src(%dma_wait3A_63 : memref<10000x128xf32, #tpu.memory_space<hbm>>) dst(%arg8 : memref<128x128xf32, #tpu.memory_space<vmem>>)
      %add3A_64 = arith.constant 1 : i32
      %add3A_65 = arith.addi %mul3A_58, %add3A_64 : i32
      %dma_start3A_66 = arith.constant 0 : i32
      %dma_start3A_67 = tpu.memref_slice %arg6[%add3A_65, %dma_start3A_66] : memref<40x128xi32, #tpu.memory_space<vmem>> -> memref<1x128xi32, #tpu.memory_space<vmem>>
      %dma_start3A_68 = tpu.memref_squeeze %dma_start3A_67 : memref<1x128xi32, #tpu.memory_space<vmem>> -> memref<128xi32, #tpu.memory_space<vmem>>
      %dma_start3A_69 = arith.constant 0 : i32
      %dma_start3A_70 = arith.constant 0 : i32
      %dma_start3A_71 = tpu.memref_slice %arg2[%dma_start3A_69, %dma_start3A_70] : memref<10000x128xf32, #tpu.memory_space<hbm>> -> memref<10000x128xf32, #tpu.memory_space<hbm>>
      tpu.enqueue_indirect_dma source(%dma_start3A_71 : memref<10000x128xf32, #tpu.memory_space<hbm>>) target(%arg9 : memref<128x128xf32, #tpu.memory_space<vmem>>) offsets(%dma_start3A_68 : memref<128xi32, #tpu.memory_space<vmem>>) semaphore(%arg12 : memref<!tpu.dma_semaphore, #tpu.memory_space<semaphore_mem>>)
      "tpu.region"() ({
        %run_scoped3A = tpu.sem_alloc : memref<!tpu.dma_semaphore, #tpu.memory_space<semaphore_mem>>
        %dma_start3A_85 = arith.constant 0 : i32
        %dma_start3A_86 = tpu.memref_slice %arg7[%mul3A_58, %dma_start3A_85] : memref<40x128xi32, #tpu.memory_space<vmem>> -> memref<1x128xi32, #tpu.memory_space<vmem>>
        %dma_start3A_87 = tpu.memref_squeeze %dma_start3A_86 : memref<1x128xi32, #tpu.memory_space<vmem>> -> memref<128xi32, #tpu.memory_space<vmem>>
        %dma_start3A_88 = arith.constant 0 : i32
        %dma_start3A_89 = arith.constant 0 : i32
        %dma_start3A_90 = tpu.memref_slice %arg10[%dma_start3A_88, %dma_start3A_89] : memref<10240x128xf32, #tpu.memory_space<vmem_shared>> -> memref<10240x128xf32, #tpu.memory_space<vmem_shared>>
        tpu.enqueue_indirect_dma source(%arg8 : memref<128x128xf32, #tpu.memory_space<vmem>>) target(%dma_start3A_90 : memref<10240x128xf32, #tpu.memory_space<vmem_shared>>) offsets(%dma_start3A_87 : memref<128xi32, #tpu.memory_space<vmem>>) semaphore(%run_scoped3A : memref<!tpu.dma_semaphore, #tpu.memory_space<semaphore_mem>>) {add = true}
        %dma_wait3A_91 = arith.constant 0 : i32
        %dma_wait3A_92 = tpu.memref_slice %arg7[%mul3A_58, %dma_wait3A_91] : memref<40x128xi32, #tpu.memory_space<vmem>> -> memref<1x128xi32, #tpu.memory_space<vmem>>
        %dma_wait3A_93 = tpu.memref_squeeze %dma_wait3A_92 : memref<1x128xi32, #tpu.memory_space<vmem>> -> memref<128xi32, #tpu.memory_space<vmem>>
        %dma_wait3A_94 = arith.constant 0 : i32
        %dma_wait3A_95 = arith.constant 0 : i32
        %dma_wait3A_96 = tpu.memref_slice %arg10[%dma_wait3A_94, %dma_wait3A_95] : memref<10240x128xf32, #tpu.memory_space<vmem_shared>> -> memref<10240x128xf32, #tpu.memory_space<vmem_shared>>
        tpu.wait_indirect_dma semaphore(%run_scoped3A : memref<!tpu.dma_semaphore, #tpu.memory_space<semaphore_mem>>) src(%arg8 : memref<128x128xf32, #tpu.memory_space<vmem>>) dst(%dma_wait3A_96 : memref<10240x128xf32, #tpu.memory_space<vmem_shared>>)
        tpu.yield
      }) : () -> ()
      %add3A_72 = arith.constant 1 : i32
      %add3A_73 = arith.addi %mul3A_58, %add3A_72 : i32
      %dma_wait3A_74 = arith.constant 0 : i32
      %dma_wait3A_75 = tpu.memref_slice %arg6[%add3A_73, %dma_wait3A_74] : memref<40x128xi32, #tpu.memory_space<vmem>> -> memref<1x128xi32, #tpu.memory_space<vmem>>
      %dma_wait3A_76 = tpu.memref_squeeze %dma_wait3A_75 : memref<1x128xi32, #tpu.memory_space<vmem>> -> memref<128xi32, #tpu.memory_space<vmem>>
      %dma_wait3A_77 = arith.constant 0 : i32
      %dma_wait3A_78 = arith.constant 0 : i32
      %dma_wait3A_79 = tpu.memref_slice %arg2[%dma_wait3A_77, %dma_wait3A_78] : memref<10000x128xf32, #tpu.memory_space<hbm>> -> memref<10000x128xf32, #tpu.memory_space<hbm>>
      tpu.wait_indirect_dma semaphore(%arg12 : memref<!tpu.dma_semaphore, #tpu.memory_space<semaphore_mem>>) src(%dma_wait3A_79 : memref<10000x128xf32, #tpu.memory_space<hbm>>) dst(%arg9 : memref<128x128xf32, #tpu.memory_space<vmem>>)
      %lt3A = arith.constant 19 : i32
      %lt3A_80 = arith.cmpi slt, %scan3A_55, %lt3A : i32
      %convert_element_type3A = arith.extui %lt3A_80 : i1 to i32
      %cond3A = arith.constant 0 : i32
      %cond3A_81 = arith.cmpi ne, %convert_element_type3A, %cond3A : i32
      scf.if %cond3A_81 {
        %add3A_85 = arith.constant 2 : i32
        %add3A_86 = arith.addi %mul3A_58, %add3A_85 : i32
        %dma_start3A_87 = arith.constant 0 : i32
        %dma_start3A_88 = tpu.memref_slice %arg6[%add3A_86, %dma_start3A_87] : memref<40x128xi32, #tpu.memory_space<vmem>> -> memref<1x128xi32, #tpu.memory_space<vmem>>
        %dma_start3A_89 = tpu.memref_squeeze %dma_start3A_88 : memref<1x128xi32, #tpu.memory_space<vmem>> -> memref<128xi32, #tpu.memory_space<vmem>>
        %dma_start3A_90 = arith.constant 0 : i32
        %dma_start3A_91 = arith.constant 0 : i32
        %dma_start3A_92 = tpu.memref_slice %arg2[%dma_start3A_90, %dma_start3A_91] : memref<10000x128xf32, #tpu.memory_space<hbm>> -> memref<10000x128xf32, #tpu.memory_space<hbm>>
        tpu.enqueue_indirect_dma source(%dma_start3A_92 : memref<10000x128xf32, #tpu.memory_space<hbm>>) target(%arg8 : memref<128x128xf32, #tpu.memory_space<vmem>>) offsets(%dma_start3A_89 : memref<128xi32, #tpu.memory_space<vmem>>) semaphore(%arg11 : memref<!tpu.dma_semaphore, #tpu.memory_space<semaphore_mem>>)
      } else {
      }
      %add3A_82 = arith.constant 1 : i32
      %add3A_83 = arith.addi %mul3A_58, %add3A_82 : i32
      "tpu.region"() ({
        %run_scoped3A = tpu.sem_alloc : memref<!tpu.dma_semaphore, #tpu.memory_space<semaphore_mem>>
        %dma_start3A_85 = arith.constant 0 : i32
        %dma_start3A_86 = tpu.memref_slice %arg7[%add3A_83, %dma_start3A_85] : memref<40x128xi32, #tpu.memory_space<vmem>> -> memref<1x128xi32, #tpu.memory_space<vmem>>
        %dma_start3A_87 = tpu.memref_squeeze %dma_start3A_86 : memref<1x128xi32, #tpu.memory_space<vmem>> -> memref<128xi32, #tpu.memory_space<vmem>>
        %dma_start3A_88 = arith.constant 0 : i32
        %dma_start3A_89 = arith.constant 0 : i32
        %dma_start3A_90 = tpu.memref_slice %arg10[%dma_start3A_88, %dma_start3A_89] : memref<10240x128xf32, #tpu.memory_space<vmem_shared>> -> memref<10240x128xf32, #tpu.memory_space<vmem_shared>>
        tpu.enqueue_indirect_dma source(%arg9 : memref<128x128xf32, #tpu.memory_space<vmem>>) target(%dma_start3A_90 : memref<10240x128xf32, #tpu.memory_space<vmem_shared>>) offsets(%dma_start3A_87 : memref<128xi32, #tpu.memory_space<vmem>>) semaphore(%run_scoped3A : memref<!tpu.dma_semaphore, #tpu.memory_space<semaphore_mem>>) {add = true}
        %dma_wait3A_91 = arith.constant 0 : i32
        %dma_wait3A_92 = tpu.memref_slice %arg7[%add3A_83, %dma_wait3A_91] : memref<40x128xi32, #tpu.memory_space<vmem>> -> memref<1x128xi32, #tpu.memory_space<vmem>>
        %dma_wait3A_93 = tpu.memref_squeeze %dma_wait3A_92 : memref<1x128xi32, #tpu.memory_space<vmem>> -> memref<128xi32, #tpu.memory_space<vmem>>
        %dma_wait3A_94 = arith.constant 0 : i32
        %dma_wait3A_95 = arith.constant 0 : i32
        %dma_wait3A_96 = tpu.memref_slice %arg10[%dma_wait3A_94, %dma_wait3A_95] : memref<10240x128xf32, #tpu.memory_space<vmem_shared>> -> memref<10240x128xf32, #tpu.memory_space<vmem_shared>>
        tpu.wait_indirect_dma semaphore(%run_scoped3A : memref<!tpu.dma_semaphore, #tpu.memory_space<semaphore_mem>>) src(%arg9 : memref<128x128xf32, #tpu.memory_space<vmem>>) dst(%dma_wait3A_96 : memref<10240x128xf32, #tpu.memory_space<vmem_shared>>)
        tpu.yield
      }) : () -> ()
      %scan3A_84 = arith.constant 0 : i32
      scf.yield %scan3A_84 : i32
    }
    %scan3A_46 = arith.constant 20 : i32
    %barrier3A_47 = arith.constant 0 : index
    tpu.barrier barrier_id(%barrier3A_47)
    %scan3A_48 = arith.constant 0 : i32
    %scan3A_49 = arith.constant 0 : i32
    %scan3A_50 = arith.constant 5 : i32
    %scan3A_51 = arith.addi %scan3A_49, %scan3A_50 : i32
    %scan3A_52 = arith.constant 1 : i32
    %scan3A_53 = scf.for %scan3A_55 = %scan3A_49 to %scan3A_51 step %scan3A_52 iter_args(%scan3A_56 = %scan3A_48) -> (i32)  : i32 {
      %mul3A_57 = arith.constant 640 : i32
      %mul3A_58 = arith.muli %arg1, %mul3A_57 : i32
      %mul3A_59 = arith.constant 128 : i32
      %mul3A_60 = arith.muli %scan3A_55, %mul3A_59 : i32
      %add3A_61 = arith.addi %mul3A_58, %mul3A_60 : i32
      "tpu.region"() ({
        %run_scoped3A = tpu.sem_alloc : memref<!tpu.dma_semaphore, #tpu.memory_space<semaphore_mem>>
        %dma_start3A_63 = arith.constant 0 : i32
        %dma_start3A_64 = tpu.memref_slice %arg10[%add3A_61, %dma_start3A_63] : memref<10240x128xf32, #tpu.memory_space<vmem_shared>> -> memref<128x128xf32, #tpu.memory_space<vmem_shared>>
        %dma_start3A_65 = arith.constant 0 : i32
        %dma_start3A_66 = tpu.memref_slice %arg10[%add3A_61, %dma_start3A_65] : memref<10240x128xf32, #tpu.memory_space<vmem_shared>> -> memref<128x128xf32, #tpu.memory_space<vmem_shared>>
        tpu.enqueue_dma source(%dma_start3A_66 : memref<128x128xf32, #tpu.memory_space<vmem_shared>>) target(%arg8 : memref<128x128xf32, #tpu.memory_space<vmem>>) target_semaphore(%run_scoped3A : memref<!tpu.dma_semaphore, #tpu.memory_space<semaphore_mem>>)
        %dma_wait3A = arith.constant 0 : i32
        %dma_wait3A_67 = tpu.memref_slice %arg10[%add3A_61, %dma_wait3A] : memref<10240x128xf32, #tpu.memory_space<vmem_shared>> -> memref<128x128xf32, #tpu.memory_space<vmem_shared>>
        %dma_wait3A_68 = arith.constant 0 : i32
        %dma_wait3A_69 = tpu.memref_slice %arg10[%add3A_61, %dma_wait3A_68] : memref<10240x128xf32, #tpu.memory_space<vmem_shared>> -> memref<128x128xf32, #tpu.memory_space<vmem_shared>>
        tpu.wait_dma2 semaphore(%run_scoped3A : memref<!tpu.dma_semaphore, #tpu.memory_space<semaphore_mem>>) src(%dma_wait3A_69 : memref<128x128xf32, #tpu.memory_space<vmem_shared>>) dst(%arg8 : memref<128x128xf32, #tpu.memory_space<vmem>>)
        tpu.yield
      }) : () -> ()
      "tpu.region"() ({
        %run_scoped3A = tpu.sem_alloc : memref<!tpu.dma_semaphore, #tpu.memory_space<semaphore_mem>>
        %dma_start3A_63 = arith.constant 0 : i32
        %dma_start3A_64 = arith.constant 0 : i32
        %dma_start3A_65 = tpu.memref_slice %arg5[%arg0, %dma_start3A_63, %dma_start3A_64] : memref<2x10240x128xf32, #tpu.memory_space<hbm>> -> memref<1x10240x128xf32, #tpu.memory_space<hbm>>
        %dma_start3A_66 = tpu.memref_squeeze %dma_start3A_65 : memref<1x10240x128xf32, #tpu.memory_space<hbm>> -> memref<10240x128xf32, #tpu.memory_space<hbm>>
        %dma_start3A_67 = arith.constant 0 : i32
        %dma_start3A_68 = tpu.memref_slice %dma_start3A_66[%add3A_61, %dma_start3A_67] : memref<10240x128xf32, #tpu.memory_space<hbm>> -> memref<128x128xf32, #tpu.memory_space<hbm>>
        %dma_start3A_69 = arith.constant 0 : i32
        %dma_start3A_70 = arith.constant 0 : i32
        %dma_start3A_71 = tpu.memref_slice %arg5[%arg0, %dma_start3A_69, %dma_start3A_70] : memref<2x10240x128xf32, #tpu.memory_space<hbm>> -> memref<1x10240x128xf32, #tpu.memory_space<hbm>>
        %dma_start3A_72 = tpu.memref_squeeze %dma_start3A_71 : memref<1x10240x128xf32, #tpu.memory_space<hbm>> -> memref<10240x128xf32, #tpu.memory_space<hbm>>
        %dma_start3A_73 = arith.constant 0 : i32
        %dma_start3A_74 = tpu.memref_slice %dma_start3A_72[%add3A_61, %dma_start3A_73] : memref<10240x128xf32, #tpu.memory_space<hbm>> -> memref<128x128xf32, #tpu.memory_space<hbm>>
        tpu.enqueue_dma source(%arg8 : memref<128x128xf32, #tpu.memory_space<vmem>>) target(%dma_start3A_74 : memref<128x128xf32, #tpu.memory_space<hbm>>) target_semaphore(%run_scoped3A : memref<!tpu.dma_semaphore, #tpu.memory_space<semaphore_mem>>)
        %dma_wait3A = arith.constant 0 : i32
        %dma_wait3A_75 = arith.constant 0 : i32
        %dma_wait3A_76 = tpu.memref_slice %arg5[%arg0, %dma_wait3A, %dma_wait3A_75] : memref<2x10240x128xf32, #tpu.memory_space<hbm>> -> memref<1x10240x128xf32, #tpu.memory_space<hbm>>
        %dma_wait3A_77 = tpu.memref_squeeze %dma_wait3A_76 : memref<1x10240x128xf32, #tpu.memory_space<hbm>> -> memref<10240x128xf32, #tpu.memory_space<hbm>>
        %dma_wait3A_78 = arith.constant 0 : i32
        %dma_wait3A_79 = tpu.memref_slice %dma_wait3A_77[%add3A_61, %dma_wait3A_78] : memref<10240x128xf32, #tpu.memory_space<hbm>> -> memref<128x128xf32, #tpu.memory_space<hbm>>
        %dma_wait3A_80 = arith.constant 0 : i32
        %dma_wait3A_81 = arith.constant 0 : i32
        %dma_wait3A_82 = tpu.memref_slice %arg5[%arg0, %dma_wait3A_80, %dma_wait3A_81] : memref<2x10240x128xf32, #tpu.memory_space<hbm>> -> memref<1x10240x128xf32, #tpu.memory_space<hbm>>
        %dma_wait3A_83 = tpu.memref_squeeze %dma_wait3A_82 : memref<1x10240x128xf32, #tpu.memory_space<hbm>> -> memref<10240x128xf32, #tpu.memory_space<hbm>>
        %dma_wait3A_84 = arith.constant 0 : i32
        %dma_wait3A_85 = tpu.memref_slice %dma_wait3A_83[%add3A_61, %dma_wait3A_84] : memref<10240x128xf32, #tpu.memory_space<hbm>> -> memref<128x128xf32, #tpu.memory_space<hbm>>
        tpu.wait_dma2 semaphore(%run_scoped3A : memref<!tpu.dma_semaphore, #tpu.memory_space<semaphore_mem>>) src(%arg8 : memref<128x128xf32, #tpu.memory_space<vmem>>) dst(%dma_wait3A_85 : memref<128x128xf32, #tpu.memory_space<hbm>>)
        tpu.yield
      }) : () -> ()
      %scan3A_62 = arith.constant 0 : i32
      scf.yield %scan3A_62 : i32
    }
    %scan3A_54 = arith.constant 5 : i32
    return
  }
}

module attributes {stable_mosaic.version = 14 : i64} {
  func.func @body(%arg0: i32, %arg1: memref<2000x128xf32, #tpu.memory_space<vmem>>, %arg2: memref<2x2000x128xf32, #tpu.memory_space<vmem>>, %arg3: memref<128x128xf32, #tpu.memory_space<vmem>>, %arg4: memref<1x128xf32, #tpu.memory_space<vmem>>, %arg5: memref<2000x128xf32, #tpu.memory_space<vmem>>) attributes {dimension_semantics = [#tpu.dimension_semantics<arbitrary>], iteration_bounds = array<i64: 5>, scalar_prefetch = 0 : i64, scratch_operands = 0 : i64, tpu.core_type = #tpu.core_type<tc>, window_params = [{transform_indices = @transform_0, window_bounds = array<i64: 2000, 128>}, {transform_indices = @transform_1, window_bounds = array<i64: 2, 2000, 128>}, {pipeline_mode = #tpu.pipeline_mode<synchronous>, transform_indices = @transform_2, window_bounds = array<i64: 128, 128>}, {pipeline_mode = #tpu.pipeline_mode<synchronous>, transform_indices = @transform_3, window_bounds = array<i64: 1, 128>}, {transform_indices = @transform_4, window_bounds = array<i64: 2000, 128>}]} {
    %get3A = arith.constant 0 : index
    %get3A_0 = arith.constant 0 : index
    %get3A_1 = vector.load %arg1[%get3A, %get3A_0] : memref<2000x128xf32, #tpu.memory_space<vmem>>, vector<2000x128xf32>
    %get3A_2 = arith.constant 0 : index
    %get3A_3 = arith.constant 0 : index
    %get3A_4 = arith.constant 0 : index
    %get3A_5 = vector.load %arg2[%get3A_2, %get3A_3, %get3A_4] : memref<2x2000x128xf32, #tpu.memory_space<vmem>>, vector<1x2000x128xf32>
    %get3A_6 = vector.shape_cast %get3A_5 : vector<1x2000x128xf32> to vector<2000x128xf32>
    %add3A = arith.addf %get3A_1, %get3A_6 : vector<2000x128xf32>
    %get3A_7 = arith.constant 1 : index
    %get3A_8 = arith.constant 0 : index
    %get3A_9 = arith.constant 0 : index
    %get3A_10 = vector.load %arg2[%get3A_7, %get3A_8, %get3A_9] : memref<2x2000x128xf32, #tpu.memory_space<vmem>>, vector<1x2000x128xf32>
    %get3A_11 = vector.shape_cast %get3A_10 : vector<1x2000x128xf32> to vector<2000x128xf32>
    %add3A_12 = arith.addf %add3A, %get3A_11 : vector<2000x128xf32>
    %get3A_13 = arith.constant 0 : index
    %get3A_14 = arith.constant 0 : index
    %get3A_15 = vector.load %arg3[%get3A_13, %get3A_14] : memref<128x128xf32, #tpu.memory_space<vmem>>, vector<128x128xf32>
    %dot_general3A = arith.constant dense<0.000000e+00> : vector<2000x128xf32>
    %dot_general3A_16 = tpu.matmul %add3A_12, %get3A_15, %dot_general3A {dimension_numbers = #tpu.dot_dimension_numbers<[1], [0], [0], [1], [0, 0, 1, 1], [], []>, transpose_lhs_hint = false} : vector<2000x128xf32>, vector<128x128xf32>, vector<2000x128xf32> -> vector<2000x128xf32>
    %get3A_17 = arith.constant 0 : index
    %get3A_18 = arith.constant 0 : index
    %get3A_19 = vector.load %arg4[%get3A_17, %get3A_18] : memref<1x128xf32, #tpu.memory_space<vmem>>, vector<1x128xf32>
    %add3A_20 = vector.broadcast %get3A_19 : vector<1x128xf32> to vector<2000x128xf32>
    %add3A_21 = arith.addf %dot_general3A_16, %add3A_20 : vector<2000x128xf32>
    %max3A = arith.constant 0.000000e+00 : f32
    %max3A_22 = vector.broadcast %max3A : f32 to vector<2000x128xf32>
    %max3A_23 = arith.maximumf %add3A_21, %max3A_22 : vector<2000x128xf32>
    %swap3A = arith.constant 0 : index
    %swap3A_24 = arith.constant 0 : index
    %swap3A_25 = vector.load %arg5[%swap3A, %swap3A_24] : memref<2000x128xf32, #tpu.memory_space<vmem>>, vector<2000x128xf32>
    tpu.vector_store %arg5[%swap3A, %swap3A_24], %max3A_23 {strides = array<i32>} : memref<2000x128xf32, #tpu.memory_space<vmem>>, vector<2000x128xf32>,
    return
  }
  func.func @transform_0(%arg0: i32) -> (i32, i32) {
    %c0_i32 = arith.constant 0 : i32
    %c0_i32_0 = arith.constant 0 : i32
    return %arg0, %c0_i32 : i32, i32
  }
  func.func @transform_1(%arg0: i32) -> (i32, i32, i32) {
    %c0_i32 = arith.constant 0 : i32
    %c0_i32_0 = arith.constant 0 : i32
    %c0_i32_1 = arith.constant 0 : i32
    return %c0_i32, %arg0, %c0_i32_0 : i32, i32, i32
  }
  func.func @transform_2(%arg0: i32) -> (i32, i32) {
    %c0_i32 = arith.constant 0 : i32
    %c0_i32_0 = arith.constant 0 : i32
    %c0_i32_1 = arith.constant 0 : i32
    return %c0_i32, %c0_i32_0 : i32, i32
  }
  func.func @transform_3(%arg0: i32) -> (i32, i32) {
    %c0_i32 = arith.constant 0 : i32
    %c0_i32_0 = arith.constant 0 : i32
    %c0_i32_1 = arith.constant 0 : i32
    return %c0_i32, %c0_i32_0 : i32, i32
  }
  func.func @transform_4(%arg0: i32) -> (i32, i32) {
    %c0_i32 = arith.constant 0 : i32
    %c0_i32_0 = arith.constant 0 : i32
    return %arg0, %c0_i32 : i32, i32
  }
}

module attributes {stable_mosaic.version = 14 : i64} {
  func.func @body(%arg0: memref<32x64x128xf32, #tpu.memory_space<vmem>>, %arg1: memref<32x64x128xf32, #tpu.memory_space<vmem>>, %arg2: memref<32x64x1xf32, #tpu.memory_space<vmem>>, %arg3: memref<256x256xf32, #tpu.memory_space<vmem>>, %arg4: memref<1x256xf32, #tpu.memory_space<vmem>>, %arg5: memref<256x128xf32, #tpu.memory_space<vmem>>, %arg6: memref<1x128xf32, #tpu.memory_space<vmem>>, %arg7: memref<128x1xf32, #tpu.memory_space<vmem>>, %arg8: memref<1x1xf32, #tpu.memory_space<vmem>>, %arg9: memref<64x1xf32, #tpu.memory_space<vmem>>) attributes {dimension_semantics = [], scalar_prefetch = 0 : i64, scratch_operands = 0 : i64, tpu.core_type = #tpu.core_type<tc>} {
    %get3A = arith.constant 0 : index
    %get3A_0 = arith.constant 0 : index
    %get3A_1 = arith.constant 0 : index
    %get3A_2 = vector.load %arg0[%get3A, %get3A_0, %get3A_1] : memref<32x64x128xf32, #tpu.memory_space<vmem>>, vector<1x64x128xf32>
    %get3A_3 = vector.shape_cast %get3A_2 : vector<1x64x128xf32> to vector<64x128xf32>
    %get3A_4 = arith.constant 0 : index
    %get3A_5 = arith.constant 0 : index
    %get3A_6 = arith.constant 0 : index
    %get3A_7 = vector.load %arg1[%get3A_4, %get3A_5, %get3A_6] : memref<32x64x128xf32, #tpu.memory_space<vmem>>, vector<1x64x128xf32>
    %get3A_8 = vector.shape_cast %get3A_7 : vector<1x64x128xf32> to vector<64x128xf32>
    %get3A_9 = arith.constant 0 : index
    %get3A_10 = arith.constant 0 : index
    %get3A_11 = arith.constant 0 : index
    %get3A_12 = vector.load %arg2[%get3A_9, %get3A_10, %get3A_11] : memref<32x64x1xf32, #tpu.memory_space<vmem>>, vector<1x64x1xf32>
    %get3A_13 = vector.shape_cast %get3A_12 : vector<1x64x1xf32> to vector<64x1xf32>
    %get3A_14 = arith.constant 1 : index
    %get3A_15 = arith.constant 0 : index
    %get3A_16 = arith.constant 0 : index
    %get3A_17 = vector.load %arg0[%get3A_14, %get3A_15, %get3A_16] : memref<32x64x128xf32, #tpu.memory_space<vmem>>, vector<1x64x128xf32>
    %get3A_18 = vector.shape_cast %get3A_17 : vector<1x64x128xf32> to vector<64x128xf32>
    %max3A = arith.maximumf %get3A_3, %get3A_18 : vector<64x128xf32>
    %get3A_19 = arith.constant 1 : index
    %get3A_20 = arith.constant 0 : index
    %get3A_21 = arith.constant 0 : index
    %get3A_22 = vector.load %arg1[%get3A_19, %get3A_20, %get3A_21] : memref<32x64x128xf32, #tpu.memory_space<vmem>>, vector<1x64x128xf32>
    %get3A_23 = vector.shape_cast %get3A_22 : vector<1x64x128xf32> to vector<64x128xf32>
    %add3A = arith.addf %get3A_8, %get3A_23 : vector<64x128xf32>
    %get3A_24 = arith.constant 1 : index
    %get3A_25 = arith.constant 0 : index
    %get3A_26 = arith.constant 0 : index
    %get3A_27 = vector.load %arg2[%get3A_24, %get3A_25, %get3A_26] : memref<32x64x1xf32, #tpu.memory_space<vmem>>, vector<1x64x1xf32>
    %get3A_28 = vector.shape_cast %get3A_27 : vector<1x64x1xf32> to vector<64x1xf32>
    %add3A_29 = arith.addf %get3A_13, %get3A_28 : vector<64x1xf32>
    %get3A_30 = arith.constant 2 : index
    %get3A_31 = arith.constant 0 : index
    %get3A_32 = arith.constant 0 : index
    %get3A_33 = vector.load %arg0[%get3A_30, %get3A_31, %get3A_32] : memref<32x64x128xf32, #tpu.memory_space<vmem>>, vector<1x64x128xf32>
    %get3A_34 = vector.shape_cast %get3A_33 : vector<1x64x128xf32> to vector<64x128xf32>
    %max3A_35 = arith.maximumf %max3A, %get3A_34 : vector<64x128xf32>
    %get3A_36 = arith.constant 2 : index
    %get3A_37 = arith.constant 0 : index
    %get3A_38 = arith.constant 0 : index
    %get3A_39 = vector.load %arg1[%get3A_36, %get3A_37, %get3A_38] : memref<32x64x128xf32, #tpu.memory_space<vmem>>, vector<1x64x128xf32>
    %get3A_40 = vector.shape_cast %get3A_39 : vector<1x64x128xf32> to vector<64x128xf32>
    %add3A_41 = arith.addf %add3A, %get3A_40 : vector<64x128xf32>
    %get3A_42 = arith.constant 2 : index
    %get3A_43 = arith.constant 0 : index
    %get3A_44 = arith.constant 0 : index
    %get3A_45 = vector.load %arg2[%get3A_42, %get3A_43, %get3A_44] : memref<32x64x1xf32, #tpu.memory_space<vmem>>, vector<1x64x1xf32>
    %get3A_46 = vector.shape_cast %get3A_45 : vector<1x64x1xf32> to vector<64x1xf32>
    %add3A_47 = arith.addf %add3A_29, %get3A_46 : vector<64x1xf32>
    %get3A_48 = arith.constant 3 : index
    %get3A_49 = arith.constant 0 : index
    %get3A_50 = arith.constant 0 : index
    %get3A_51 = vector.load %arg0[%get3A_48, %get3A_49, %get3A_50] : memref<32x64x128xf32, #tpu.memory_space<vmem>>, vector<1x64x128xf32>
    %get3A_52 = vector.shape_cast %get3A_51 : vector<1x64x128xf32> to vector<64x128xf32>
    %max3A_53 = arith.maximumf %max3A_35, %get3A_52 : vector<64x128xf32>
    %get3A_54 = arith.constant 3 : index
    %get3A_55 = arith.constant 0 : index
    %get3A_56 = arith.constant 0 : index
    %get3A_57 = vector.load %arg1[%get3A_54, %get3A_55, %get3A_56] : memref<32x64x128xf32, #tpu.memory_space<vmem>>, vector<1x64x128xf32>
    %get3A_58 = vector.shape_cast %get3A_57 : vector<1x64x128xf32> to vector<64x128xf32>
    %add3A_59 = arith.addf %add3A_41, %get3A_58 : vector<64x128xf32>
    %get3A_60 = arith.constant 3 : index
    %get3A_61 = arith.constant 0 : index
    %get3A_62 = arith.constant 0 : index
    %get3A_63 = vector.load %arg2[%get3A_60, %get3A_61, %get3A_62] : memref<32x64x1xf32, #tpu.memory_space<vmem>>, vector<1x64x1xf32>
    %get3A_64 = vector.shape_cast %get3A_63 : vector<1x64x1xf32> to vector<64x1xf32>
    %add3A_65 = arith.addf %add3A_47, %get3A_64 : vector<64x1xf32>
    %get3A_66 = arith.constant 4 : index
    %get3A_67 = arith.constant 0 : index
    %get3A_68 = arith.constant 0 : index
    %get3A_69 = vector.load %arg0[%get3A_66, %get3A_67, %get3A_68] : memref<32x64x128xf32, #tpu.memory_space<vmem>>, vector<1x64x128xf32>
    %get3A_70 = vector.shape_cast %get3A_69 : vector<1x64x128xf32> to vector<64x128xf32>
    %max3A_71 = arith.maximumf %max3A_53, %get3A_70 : vector<64x128xf32>
    %get3A_72 = arith.constant 4 : index
    %get3A_73 = arith.constant 0 : index
    %get3A_74 = arith.constant 0 : index
    %get3A_75 = vector.load %arg1[%get3A_72, %get3A_73, %get3A_74] : memref<32x64x128xf32, #tpu.memory_space<vmem>>, vector<1x64x128xf32>
    %get3A_76 = vector.shape_cast %get3A_75 : vector<1x64x128xf32> to vector<64x128xf32>
    %add3A_77 = arith.addf %add3A_59, %get3A_76 : vector<64x128xf32>
    %get3A_78 = arith.constant 4 : index
    %get3A_79 = arith.constant 0 : index
    %get3A_80 = arith.constant 0 : index
    %get3A_81 = vector.load %arg2[%get3A_78, %get3A_79, %get3A_80] : memref<32x64x1xf32, #tpu.memory_space<vmem>>, vector<1x64x1xf32>
    %get3A_82 = vector.shape_cast %get3A_81 : vector<1x64x1xf32> to vector<64x1xf32>
    %add3A_83 = arith.addf %add3A_65, %get3A_82 : vector<64x1xf32>
    %get3A_84 = arith.constant 5 : index
    %get3A_85 = arith.constant 0 : index
    %get3A_86 = arith.constant 0 : index
    %get3A_87 = vector.load %arg0[%get3A_84, %get3A_85, %get3A_86] : memref<32x64x128xf32, #tpu.memory_space<vmem>>, vector<1x64x128xf32>
    %get3A_88 = vector.shape_cast %get3A_87 : vector<1x64x128xf32> to vector<64x128xf32>
    %max3A_89 = arith.maximumf %max3A_71, %get3A_88 : vector<64x128xf32>
    %get3A_90 = arith.constant 5 : index
    %get3A_91 = arith.constant 0 : index
    %get3A_92 = arith.constant 0 : index
    %get3A_93 = vector.load %arg1[%get3A_90, %get3A_91, %get3A_92] : memref<32x64x128xf32, #tpu.memory_space<vmem>>, vector<1x64x128xf32>
    %get3A_94 = vector.shape_cast %get3A_93 : vector<1x64x128xf32> to vector<64x128xf32>
    %add3A_95 = arith.addf %add3A_77, %get3A_94 : vector<64x128xf32>
    %get3A_96 = arith.constant 5 : index
    %get3A_97 = arith.constant 0 : index
    %get3A_98 = arith.constant 0 : index
    %get3A_99 = vector.load %arg2[%get3A_96, %get3A_97, %get3A_98] : memref<32x64x1xf32, #tpu.memory_space<vmem>>, vector<1x64x1xf32>
    %get3A_100 = vector.shape_cast %get3A_99 : vector<1x64x1xf32> to vector<64x1xf32>
    %add3A_101 = arith.addf %add3A_83, %get3A_100 : vector<64x1xf32>
    %get3A_102 = arith.constant 6 : index
    %get3A_103 = arith.constant 0 : index
    %get3A_104 = arith.constant 0 : index
    %get3A_105 = vector.load %arg0[%get3A_102, %get3A_103, %get3A_104] : memref<32x64x128xf32, #tpu.memory_space<vmem>>, vector<1x64x128xf32>
    %get3A_106 = vector.shape_cast %get3A_105 : vector<1x64x128xf32> to vector<64x128xf32>
    %max3A_107 = arith.maximumf %max3A_89, %get3A_106 : vector<64x128xf32>
    %get3A_108 = arith.constant 6 : index
    %get3A_109 = arith.constant 0 : index
    %get3A_110 = arith.constant 0 : index
    %get3A_111 = vector.load %arg1[%get3A_108, %get3A_109, %get3A_110] : memref<32x64x128xf32, #tpu.memory_space<vmem>>, vector<1x64x128xf32>
    %get3A_112 = vector.shape_cast %get3A_111 : vector<1x64x128xf32> to vector<64x128xf32>
    %add3A_113 = arith.addf %add3A_95, %get3A_112 : vector<64x128xf32>
    %get3A_114 = arith.constant 6 : index
    %get3A_115 = arith.constant 0 : index
    %get3A_116 = arith.constant 0 : index
    %get3A_117 = vector.load %arg2[%get3A_114, %get3A_115, %get3A_116] : memref<32x64x1xf32, #tpu.memory_space<vmem>>, vector<1x64x1xf32>
    %get3A_118 = vector.shape_cast %get3A_117 : vector<1x64x1xf32> to vector<64x1xf32>
    %add3A_119 = arith.addf %add3A_101, %get3A_118 : vector<64x1xf32>
    %get3A_120 = arith.constant 7 : index
    %get3A_121 = arith.constant 0 : index
    %get3A_122 = arith.constant 0 : index
    %get3A_123 = vector.load %arg0[%get3A_120, %get3A_121, %get3A_122] : memref<32x64x128xf32, #tpu.memory_space<vmem>>, vector<1x64x128xf32>
    %get3A_124 = vector.shape_cast %get3A_123 : vector<1x64x128xf32> to vector<64x128xf32>
    %max3A_125 = arith.maximumf %max3A_107, %get3A_124 : vector<64x128xf32>
    %get3A_126 = arith.constant 7 : index
    %get3A_127 = arith.constant 0 : index
    %get3A_128 = arith.constant 0 : index
    %get3A_129 = vector.load %arg1[%get3A_126, %get3A_127, %get3A_128] : memref<32x64x128xf32, #tpu.memory_space<vmem>>, vector<1x64x128xf32>
    %get3A_130 = vector.shape_cast %get3A_129 : vector<1x64x128xf32> to vector<64x128xf32>
    %add3A_131 = arith.addf %add3A_113, %get3A_130 : vector<64x128xf32>
    %get3A_132 = arith.constant 7 : index
    %get3A_133 = arith.constant 0 : index
    %get3A_134 = arith.constant 0 : index
    %get3A_135 = vector.load %arg2[%get3A_132, %get3A_133, %get3A_134] : memref<32x64x1xf32, #tpu.memory_space<vmem>>, vector<1x64x1xf32>
    %get3A_136 = vector.shape_cast %get3A_135 : vector<1x64x1xf32> to vector<64x1xf32>
    %add3A_137 = arith.addf %add3A_119, %get3A_136 : vector<64x1xf32>
    %get3A_138 = arith.constant 8 : index
    %get3A_139 = arith.constant 0 : index
    %get3A_140 = arith.constant 0 : index
    %get3A_141 = vector.load %arg0[%get3A_138, %get3A_139, %get3A_140] : memref<32x64x128xf32, #tpu.memory_space<vmem>>, vector<1x64x128xf32>
    %get3A_142 = vector.shape_cast %get3A_141 : vector<1x64x128xf32> to vector<64x128xf32>
    %max3A_143 = arith.maximumf %max3A_125, %get3A_142 : vector<64x128xf32>
    %get3A_144 = arith.constant 8 : index
    %get3A_145 = arith.constant 0 : index
    %get3A_146 = arith.constant 0 : index
    %get3A_147 = vector.load %arg1[%get3A_144, %get3A_145, %get3A_146] : memref<32x64x128xf32, #tpu.memory_space<vmem>>, vector<1x64x128xf32>
    %get3A_148 = vector.shape_cast %get3A_147 : vector<1x64x128xf32> to vector<64x128xf32>
    %add3A_149 = arith.addf %add3A_131, %get3A_148 : vector<64x128xf32>
    %get3A_150 = arith.constant 8 : index
    %get3A_151 = arith.constant 0 : index
    %get3A_152 = arith.constant 0 : index
    %get3A_153 = vector.load %arg2[%get3A_150, %get3A_151, %get3A_152] : memref<32x64x1xf32, #tpu.memory_space<vmem>>, vector<1x64x1xf32>
    %get3A_154 = vector.shape_cast %get3A_153 : vector<1x64x1xf32> to vector<64x1xf32>
    %add3A_155 = arith.addf %add3A_137, %get3A_154 : vector<64x1xf32>
    %get3A_156 = arith.constant 9 : index
    %get3A_157 = arith.constant 0 : index
    %get3A_158 = arith.constant 0 : index
    %get3A_159 = vector.load %arg0[%get3A_156, %get3A_157, %get3A_158] : memref<32x64x128xf32, #tpu.memory_space<vmem>>, vector<1x64x128xf32>
    %get3A_160 = vector.shape_cast %get3A_159 : vector<1x64x128xf32> to vector<64x128xf32>
    %max3A_161 = arith.maximumf %max3A_143, %get3A_160 : vector<64x128xf32>
    %get3A_162 = arith.constant 9 : index
    %get3A_163 = arith.constant 0 : index
    %get3A_164 = arith.constant 0 : index
    %get3A_165 = vector.load %arg1[%get3A_162, %get3A_163, %get3A_164] : memref<32x64x128xf32, #tpu.memory_space<vmem>>, vector<1x64x128xf32>
    %get3A_166 = vector.shape_cast %get3A_165 : vector<1x64x128xf32> to vector<64x128xf32>
    %add3A_167 = arith.addf %add3A_149, %get3A_166 : vector<64x128xf32>
    %get3A_168 = arith.constant 9 : index
    %get3A_169 = arith.constant 0 : index
    %get3A_170 = arith.constant 0 : index
    %get3A_171 = vector.load %arg2[%get3A_168, %get3A_169, %get3A_170] : memref<32x64x1xf32, #tpu.memory_space<vmem>>, vector<1x64x1xf32>
    %get3A_172 = vector.shape_cast %get3A_171 : vector<1x64x1xf32> to vector<64x1xf32>
    %add3A_173 = arith.addf %add3A_155, %get3A_172 : vector<64x1xf32>
    %get3A_174 = arith.constant 10 : index
    %get3A_175 = arith.constant 0 : index
    %get3A_176 = arith.constant 0 : index
    %get3A_177 = vector.load %arg0[%get3A_174, %get3A_175, %get3A_176] : memref<32x64x128xf32, #tpu.memory_space<vmem>>, vector<1x64x128xf32>
    %get3A_178 = vector.shape_cast %get3A_177 : vector<1x64x128xf32> to vector<64x128xf32>
    %max3A_179 = arith.maximumf %max3A_161, %get3A_178 : vector<64x128xf32>
    %get3A_180 = arith.constant 10 : index
    %get3A_181 = arith.constant 0 : index
    %get3A_182 = arith.constant 0 : index
    %get3A_183 = vector.load %arg1[%get3A_180, %get3A_181, %get3A_182] : memref<32x64x128xf32, #tpu.memory_space<vmem>>, vector<1x64x128xf32>
    %get3A_184 = vector.shape_cast %get3A_183 : vector<1x64x128xf32> to vector<64x128xf32>
    %add3A_185 = arith.addf %add3A_167, %get3A_184 : vector<64x128xf32>
    %get3A_186 = arith.constant 10 : index
    %get3A_187 = arith.constant 0 : index
    %get3A_188 = arith.constant 0 : index
    %get3A_189 = vector.load %arg2[%get3A_186, %get3A_187, %get3A_188] : memref<32x64x1xf32, #tpu.memory_space<vmem>>, vector<1x64x1xf32>
    %get3A_190 = vector.shape_cast %get3A_189 : vector<1x64x1xf32> to vector<64x1xf32>
    %add3A_191 = arith.addf %add3A_173, %get3A_190 : vector<64x1xf32>
    %get3A_192 = arith.constant 11 : index
    %get3A_193 = arith.constant 0 : index
    %get3A_194 = arith.constant 0 : index
    %get3A_195 = vector.load %arg0[%get3A_192, %get3A_193, %get3A_194] : memref<32x64x128xf32, #tpu.memory_space<vmem>>, vector<1x64x128xf32>
    %get3A_196 = vector.shape_cast %get3A_195 : vector<1x64x128xf32> to vector<64x128xf32>
    %max3A_197 = arith.maximumf %max3A_179, %get3A_196 : vector<64x128xf32>
    %get3A_198 = arith.constant 11 : index
    %get3A_199 = arith.constant 0 : index
    %get3A_200 = arith.constant 0 : index
    %get3A_201 = vector.load %arg1[%get3A_198, %get3A_199, %get3A_200] : memref<32x64x128xf32, #tpu.memory_space<vmem>>, vector<1x64x128xf32>
    %get3A_202 = vector.shape_cast %get3A_201 : vector<1x64x128xf32> to vector<64x128xf32>
    %add3A_203 = arith.addf %add3A_185, %get3A_202 : vector<64x128xf32>
    %get3A_204 = arith.constant 11 : index
    %get3A_205 = arith.constant 0 : index
    %get3A_206 = arith.constant 0 : index
    %get3A_207 = vector.load %arg2[%get3A_204, %get3A_205, %get3A_206] : memref<32x64x1xf32, #tpu.memory_space<vmem>>, vector<1x64x1xf32>
    %get3A_208 = vector.shape_cast %get3A_207 : vector<1x64x1xf32> to vector<64x1xf32>
    %add3A_209 = arith.addf %add3A_191, %get3A_208 : vector<64x1xf32>
    %get3A_210 = arith.constant 12 : index
    %get3A_211 = arith.constant 0 : index
    %get3A_212 = arith.constant 0 : index
    %get3A_213 = vector.load %arg0[%get3A_210, %get3A_211, %get3A_212] : memref<32x64x128xf32, #tpu.memory_space<vmem>>, vector<1x64x128xf32>
    %get3A_214 = vector.shape_cast %get3A_213 : vector<1x64x128xf32> to vector<64x128xf32>
    %max3A_215 = arith.maximumf %max3A_197, %get3A_214 : vector<64x128xf32>
    %get3A_216 = arith.constant 12 : index
    %get3A_217 = arith.constant 0 : index
    %get3A_218 = arith.constant 0 : index
    %get3A_219 = vector.load %arg1[%get3A_216, %get3A_217, %get3A_218] : memref<32x64x128xf32, #tpu.memory_space<vmem>>, vector<1x64x128xf32>
    %get3A_220 = vector.shape_cast %get3A_219 : vector<1x64x128xf32> to vector<64x128xf32>
    %add3A_221 = arith.addf %add3A_203, %get3A_220 : vector<64x128xf32>
    %get3A_222 = arith.constant 12 : index
    %get3A_223 = arith.constant 0 : index
    %get3A_224 = arith.constant 0 : index
    %get3A_225 = vector.load %arg2[%get3A_222, %get3A_223, %get3A_224] : memref<32x64x1xf32, #tpu.memory_space<vmem>>, vector<1x64x1xf32>
    %get3A_226 = vector.shape_cast %get3A_225 : vector<1x64x1xf32> to vector<64x1xf32>
    %add3A_227 = arith.addf %add3A_209, %get3A_226 : vector<64x1xf32>
    %get3A_228 = arith.constant 13 : index
    %get3A_229 = arith.constant 0 : index
    %get3A_230 = arith.constant 0 : index
    %get3A_231 = vector.load %arg0[%get3A_228, %get3A_229, %get3A_230] : memref<32x64x128xf32, #tpu.memory_space<vmem>>, vector<1x64x128xf32>
    %get3A_232 = vector.shape_cast %get3A_231 : vector<1x64x128xf32> to vector<64x128xf32>
    %max3A_233 = arith.maximumf %max3A_215, %get3A_232 : vector<64x128xf32>
    %get3A_234 = arith.constant 13 : index
    %get3A_235 = arith.constant 0 : index
    %get3A_236 = arith.constant 0 : index
    %get3A_237 = vector.load %arg1[%get3A_234, %get3A_235, %get3A_236] : memref<32x64x128xf32, #tpu.memory_space<vmem>>, vector<1x64x128xf32>
    %get3A_238 = vector.shape_cast %get3A_237 : vector<1x64x128xf32> to vector<64x128xf32>
    %add3A_239 = arith.addf %add3A_221, %get3A_238 : vector<64x128xf32>
    %get3A_240 = arith.constant 13 : index
    %get3A_241 = arith.constant 0 : index
    %get3A_242 = arith.constant 0 : index
    %get3A_243 = vector.load %arg2[%get3A_240, %get3A_241, %get3A_242] : memref<32x64x1xf32, #tpu.memory_space<vmem>>, vector<1x64x1xf32>
    %get3A_244 = vector.shape_cast %get3A_243 : vector<1x64x1xf32> to vector<64x1xf32>
    %add3A_245 = arith.addf %add3A_227, %get3A_244 : vector<64x1xf32>
    %get3A_246 = arith.constant 14 : index
    %get3A_247 = arith.constant 0 : index
    %get3A_248 = arith.constant 0 : index
    %get3A_249 = vector.load %arg0[%get3A_246, %get3A_247, %get3A_248] : memref<32x64x128xf32, #tpu.memory_space<vmem>>, vector<1x64x128xf32>
    %get3A_250 = vector.shape_cast %get3A_249 : vector<1x64x128xf32> to vector<64x128xf32>
    %max3A_251 = arith.maximumf %max3A_233, %get3A_250 : vector<64x128xf32>
    %get3A_252 = arith.constant 14 : index
    %get3A_253 = arith.constant 0 : index
    %get3A_254 = arith.constant 0 : index
    %get3A_255 = vector.load %arg1[%get3A_252, %get3A_253, %get3A_254] : memref<32x64x128xf32, #tpu.memory_space<vmem>>, vector<1x64x128xf32>
    %get3A_256 = vector.shape_cast %get3A_255 : vector<1x64x128xf32> to vector<64x128xf32>
    %add3A_257 = arith.addf %add3A_239, %get3A_256 : vector<64x128xf32>
    %get3A_258 = arith.constant 14 : index
    %get3A_259 = arith.constant 0 : index
    %get3A_260 = arith.constant 0 : index
    %get3A_261 = vector.load %arg2[%get3A_258, %get3A_259, %get3A_260] : memref<32x64x1xf32, #tpu.memory_space<vmem>>, vector<1x64x1xf32>
    %get3A_262 = vector.shape_cast %get3A_261 : vector<1x64x1xf32> to vector<64x1xf32>
    %add3A_263 = arith.addf %add3A_245, %get3A_262 : vector<64x1xf32>
    %get3A_264 = arith.constant 15 : index
    %get3A_265 = arith.constant 0 : index
    %get3A_266 = arith.constant 0 : index
    %get3A_267 = vector.load %arg0[%get3A_264, %get3A_265, %get3A_266] : memref<32x64x128xf32, #tpu.memory_space<vmem>>, vector<1x64x128xf32>
    %get3A_268 = vector.shape_cast %get3A_267 : vector<1x64x128xf32> to vector<64x128xf32>
    %max3A_269 = arith.maximumf %max3A_251, %get3A_268 : vector<64x128xf32>
    %get3A_270 = arith.constant 15 : index
    %get3A_271 = arith.constant 0 : index
    %get3A_272 = arith.constant 0 : index
    %get3A_273 = vector.load %arg1[%get3A_270, %get3A_271, %get3A_272] : memref<32x64x128xf32, #tpu.memory_space<vmem>>, vector<1x64x128xf32>
    %get3A_274 = vector.shape_cast %get3A_273 : vector<1x64x128xf32> to vector<64x128xf32>
    %add3A_275 = arith.addf %add3A_257, %get3A_274 : vector<64x128xf32>
    %get3A_276 = arith.constant 15 : index
    %get3A_277 = arith.constant 0 : index
    %get3A_278 = arith.constant 0 : index
    %get3A_279 = vector.load %arg2[%get3A_276, %get3A_277, %get3A_278] : memref<32x64x1xf32, #tpu.memory_space<vmem>>, vector<1x64x1xf32>
    %get3A_280 = vector.shape_cast %get3A_279 : vector<1x64x1xf32> to vector<64x1xf32>
    %add3A_281 = arith.addf %add3A_263, %get3A_280 : vector<64x1xf32>
    %get3A_282 = arith.constant 16 : index
    %get3A_283 = arith.constant 0 : index
    %get3A_284 = arith.constant 0 : index
    %get3A_285 = vector.load %arg0[%get3A_282, %get3A_283, %get3A_284] : memref<32x64x128xf32, #tpu.memory_space<vmem>>, vector<1x64x128xf32>
    %get3A_286 = vector.shape_cast %get3A_285 : vector<1x64x128xf32> to vector<64x128xf32>
    %max3A_287 = arith.maximumf %max3A_269, %get3A_286 : vector<64x128xf32>
    %get3A_288 = arith.constant 16 : index
    %get3A_289 = arith.constant 0 : index
    %get3A_290 = arith.constant 0 : index
    %get3A_291 = vector.load %arg1[%get3A_288, %get3A_289, %get3A_290] : memref<32x64x128xf32, #tpu.memory_space<vmem>>, vector<1x64x128xf32>
    %get3A_292 = vector.shape_cast %get3A_291 : vector<1x64x128xf32> to vector<64x128xf32>
    %add3A_293 = arith.addf %add3A_275, %get3A_292 : vector<64x128xf32>
    %get3A_294 = arith.constant 16 : index
    %get3A_295 = arith.constant 0 : index
    %get3A_296 = arith.constant 0 : index
    %get3A_297 = vector.load %arg2[%get3A_294, %get3A_295, %get3A_296] : memref<32x64x1xf32, #tpu.memory_space<vmem>>, vector<1x64x1xf32>
    %get3A_298 = vector.shape_cast %get3A_297 : vector<1x64x1xf32> to vector<64x1xf32>
    %add3A_299 = arith.addf %add3A_281, %get3A_298 : vector<64x1xf32>
    %get3A_300 = arith.constant 17 : index
    %get3A_301 = arith.constant 0 : index
    %get3A_302 = arith.constant 0 : index
    %get3A_303 = vector.load %arg0[%get3A_300, %get3A_301, %get3A_302] : memref<32x64x128xf32, #tpu.memory_space<vmem>>, vector<1x64x128xf32>
    %get3A_304 = vector.shape_cast %get3A_303 : vector<1x64x128xf32> to vector<64x128xf32>
    %max3A_305 = arith.maximumf %max3A_287, %get3A_304 : vector<64x128xf32>
    %get3A_306 = arith.constant 17 : index
    %get3A_307 = arith.constant 0 : index
    %get3A_308 = arith.constant 0 : index
    %get3A_309 = vector.load %arg1[%get3A_306, %get3A_307, %get3A_308] : memref<32x64x128xf32, #tpu.memory_space<vmem>>, vector<1x64x128xf32>
    %get3A_310 = vector.shape_cast %get3A_309 : vector<1x64x128xf32> to vector<64x128xf32>
    %add3A_311 = arith.addf %add3A_293, %get3A_310 : vector<64x128xf32>
    %get3A_312 = arith.constant 17 : index
    %get3A_313 = arith.constant 0 : index
    %get3A_314 = arith.constant 0 : index
    %get3A_315 = vector.load %arg2[%get3A_312, %get3A_313, %get3A_314] : memref<32x64x1xf32, #tpu.memory_space<vmem>>, vector<1x64x1xf32>
    %get3A_316 = vector.shape_cast %get3A_315 : vector<1x64x1xf32> to vector<64x1xf32>
    %add3A_317 = arith.addf %add3A_299, %get3A_316 : vector<64x1xf32>
    %get3A_318 = arith.constant 18 : index
    %get3A_319 = arith.constant 0 : index
    %get3A_320 = arith.constant 0 : index
    %get3A_321 = vector.load %arg0[%get3A_318, %get3A_319, %get3A_320] : memref<32x64x128xf32, #tpu.memory_space<vmem>>, vector<1x64x128xf32>
    %get3A_322 = vector.shape_cast %get3A_321 : vector<1x64x128xf32> to vector<64x128xf32>
    %max3A_323 = arith.maximumf %max3A_305, %get3A_322 : vector<64x128xf32>
    %get3A_324 = arith.constant 18 : index
    %get3A_325 = arith.constant 0 : index
    %get3A_326 = arith.constant 0 : index
    %get3A_327 = vector.load %arg1[%get3A_324, %get3A_325, %get3A_326] : memref<32x64x128xf32, #tpu.memory_space<vmem>>, vector<1x64x128xf32>
    %get3A_328 = vector.shape_cast %get3A_327 : vector<1x64x128xf32> to vector<64x128xf32>
    %add3A_329 = arith.addf %add3A_311, %get3A_328 : vector<64x128xf32>
    %get3A_330 = arith.constant 18 : index
    %get3A_331 = arith.constant 0 : index
    %get3A_332 = arith.constant 0 : index
    %get3A_333 = vector.load %arg2[%get3A_330, %get3A_331, %get3A_332] : memref<32x64x1xf32, #tpu.memory_space<vmem>>, vector<1x64x1xf32>
    %get3A_334 = vector.shape_cast %get3A_333 : vector<1x64x1xf32> to vector<64x1xf32>
    %add3A_335 = arith.addf %add3A_317, %get3A_334 : vector<64x1xf32>
    %get3A_336 = arith.constant 19 : index
    %get3A_337 = arith.constant 0 : index
    %get3A_338 = arith.constant 0 : index
    %get3A_339 = vector.load %arg0[%get3A_336, %get3A_337, %get3A_338] : memref<32x64x128xf32, #tpu.memory_space<vmem>>, vector<1x64x128xf32>
    %get3A_340 = vector.shape_cast %get3A_339 : vector<1x64x128xf32> to vector<64x128xf32>
    %max3A_341 = arith.maximumf %max3A_323, %get3A_340 : vector<64x128xf32>
    %get3A_342 = arith.constant 19 : index
    %get3A_343 = arith.constant 0 : index
    %get3A_344 = arith.constant 0 : index
    %get3A_345 = vector.load %arg1[%get3A_342, %get3A_343, %get3A_344] : memref<32x64x128xf32, #tpu.memory_space<vmem>>, vector<1x64x128xf32>
    %get3A_346 = vector.shape_cast %get3A_345 : vector<1x64x128xf32> to vector<64x128xf32>
    %add3A_347 = arith.addf %add3A_329, %get3A_346 : vector<64x128xf32>
    %get3A_348 = arith.constant 19 : index
    %get3A_349 = arith.constant 0 : index
    %get3A_350 = arith.constant 0 : index
    %get3A_351 = vector.load %arg2[%get3A_348, %get3A_349, %get3A_350] : memref<32x64x1xf32, #tpu.memory_space<vmem>>, vector<1x64x1xf32>
    %get3A_352 = vector.shape_cast %get3A_351 : vector<1x64x1xf32> to vector<64x1xf32>
    %add3A_353 = arith.addf %add3A_335, %get3A_352 : vector<64x1xf32>
    %get3A_354 = arith.constant 20 : index
    %get3A_355 = arith.constant 0 : index
    %get3A_356 = arith.constant 0 : index
    %get3A_357 = vector.load %arg0[%get3A_354, %get3A_355, %get3A_356] : memref<32x64x128xf32, #tpu.memory_space<vmem>>, vector<1x64x128xf32>
    %get3A_358 = vector.shape_cast %get3A_357 : vector<1x64x128xf32> to vector<64x128xf32>
    %max3A_359 = arith.maximumf %max3A_341, %get3A_358 : vector<64x128xf32>
    %get3A_360 = arith.constant 20 : index
    %get3A_361 = arith.constant 0 : index
    %get3A_362 = arith.constant 0 : index
    %get3A_363 = vector.load %arg1[%get3A_360, %get3A_361, %get3A_362] : memref<32x64x128xf32, #tpu.memory_space<vmem>>, vector<1x64x128xf32>
    %get3A_364 = vector.shape_cast %get3A_363 : vector<1x64x128xf32> to vector<64x128xf32>
    %add3A_365 = arith.addf %add3A_347, %get3A_364 : vector<64x128xf32>
    %get3A_366 = arith.constant 20 : index
    %get3A_367 = arith.constant 0 : index
    %get3A_368 = arith.constant 0 : index
    %get3A_369 = vector.load %arg2[%get3A_366, %get3A_367, %get3A_368] : memref<32x64x1xf32, #tpu.memory_space<vmem>>, vector<1x64x1xf32>
    %get3A_370 = vector.shape_cast %get3A_369 : vector<1x64x1xf32> to vector<64x1xf32>
    %add3A_371 = arith.addf %add3A_353, %get3A_370 : vector<64x1xf32>
    %get3A_372 = arith.constant 21 : index
    %get3A_373 = arith.constant 0 : index
    %get3A_374 = arith.constant 0 : index
    %get3A_375 = vector.load %arg0[%get3A_372, %get3A_373, %get3A_374] : memref<32x64x128xf32, #tpu.memory_space<vmem>>, vector<1x64x128xf32>
    %get3A_376 = vector.shape_cast %get3A_375 : vector<1x64x128xf32> to vector<64x128xf32>
    %max3A_377 = arith.maximumf %max3A_359, %get3A_376 : vector<64x128xf32>
    %get3A_378 = arith.constant 21 : index
    %get3A_379 = arith.constant 0 : index
    %get3A_380 = arith.constant 0 : index
    %get3A_381 = vector.load %arg1[%get3A_378, %get3A_379, %get3A_380] : memref<32x64x128xf32, #tpu.memory_space<vmem>>, vector<1x64x128xf32>
    %get3A_382 = vector.shape_cast %get3A_381 : vector<1x64x128xf32> to vector<64x128xf32>
    %add3A_383 = arith.addf %add3A_365, %get3A_382 : vector<64x128xf32>
    %get3A_384 = arith.constant 21 : index
    %get3A_385 = arith.constant 0 : index
    %get3A_386 = arith.constant 0 : index
    %get3A_387 = vector.load %arg2[%get3A_384, %get3A_385, %get3A_386] : memref<32x64x1xf32, #tpu.memory_space<vmem>>, vector<1x64x1xf32>
    %get3A_388 = vector.shape_cast %get3A_387 : vector<1x64x1xf32> to vector<64x1xf32>
    %add3A_389 = arith.addf %add3A_371, %get3A_388 : vector<64x1xf32>
    %get3A_390 = arith.constant 22 : index
    %get3A_391 = arith.constant 0 : index
    %get3A_392 = arith.constant 0 : index
    %get3A_393 = vector.load %arg0[%get3A_390, %get3A_391, %get3A_392] : memref<32x64x128xf32, #tpu.memory_space<vmem>>, vector<1x64x128xf32>
    %get3A_394 = vector.shape_cast %get3A_393 : vector<1x64x128xf32> to vector<64x128xf32>
    %max3A_395 = arith.maximumf %max3A_377, %get3A_394 : vector<64x128xf32>
    %get3A_396 = arith.constant 22 : index
    %get3A_397 = arith.constant 0 : index
    %get3A_398 = arith.constant 0 : index
    %get3A_399 = vector.load %arg1[%get3A_396, %get3A_397, %get3A_398] : memref<32x64x128xf32, #tpu.memory_space<vmem>>, vector<1x64x128xf32>
    %get3A_400 = vector.shape_cast %get3A_399 : vector<1x64x128xf32> to vector<64x128xf32>
    %add3A_401 = arith.addf %add3A_383, %get3A_400 : vector<64x128xf32>
    %get3A_402 = arith.constant 22 : index
    %get3A_403 = arith.constant 0 : index
    %get3A_404 = arith.constant 0 : index
    %get3A_405 = vector.load %arg2[%get3A_402, %get3A_403, %get3A_404] : memref<32x64x1xf32, #tpu.memory_space<vmem>>, vector<1x64x1xf32>
    %get3A_406 = vector.shape_cast %get3A_405 : vector<1x64x1xf32> to vector<64x1xf32>
    %add3A_407 = arith.addf %add3A_389, %get3A_406 : vector<64x1xf32>
    %get3A_408 = arith.constant 23 : index
    %get3A_409 = arith.constant 0 : index
    %get3A_410 = arith.constant 0 : index
    %get3A_411 = vector.load %arg0[%get3A_408, %get3A_409, %get3A_410] : memref<32x64x128xf32, #tpu.memory_space<vmem>>, vector<1x64x128xf32>
    %get3A_412 = vector.shape_cast %get3A_411 : vector<1x64x128xf32> to vector<64x128xf32>
    %max3A_413 = arith.maximumf %max3A_395, %get3A_412 : vector<64x128xf32>
    %get3A_414 = arith.constant 23 : index
    %get3A_415 = arith.constant 0 : index
    %get3A_416 = arith.constant 0 : index
    %get3A_417 = vector.load %arg1[%get3A_414, %get3A_415, %get3A_416] : memref<32x64x128xf32, #tpu.memory_space<vmem>>, vector<1x64x128xf32>
    %get3A_418 = vector.shape_cast %get3A_417 : vector<1x64x128xf32> to vector<64x128xf32>
    %add3A_419 = arith.addf %add3A_401, %get3A_418 : vector<64x128xf32>
    %get3A_420 = arith.constant 23 : index
    %get3A_421 = arith.constant 0 : index
    %get3A_422 = arith.constant 0 : index
    %get3A_423 = vector.load %arg2[%get3A_420, %get3A_421, %get3A_422] : memref<32x64x1xf32, #tpu.memory_space<vmem>>, vector<1x64x1xf32>
    %get3A_424 = vector.shape_cast %get3A_423 : vector<1x64x1xf32> to vector<64x1xf32>
    %add3A_425 = arith.addf %add3A_407, %get3A_424 : vector<64x1xf32>
    %get3A_426 = arith.constant 24 : index
    %get3A_427 = arith.constant 0 : index
    %get3A_428 = arith.constant 0 : index
    %get3A_429 = vector.load %arg0[%get3A_426, %get3A_427, %get3A_428] : memref<32x64x128xf32, #tpu.memory_space<vmem>>, vector<1x64x128xf32>
    %get3A_430 = vector.shape_cast %get3A_429 : vector<1x64x128xf32> to vector<64x128xf32>
    %max3A_431 = arith.maximumf %max3A_413, %get3A_430 : vector<64x128xf32>
    %get3A_432 = arith.constant 24 : index
    %get3A_433 = arith.constant 0 : index
    %get3A_434 = arith.constant 0 : index
    %get3A_435 = vector.load %arg1[%get3A_432, %get3A_433, %get3A_434] : memref<32x64x128xf32, #tpu.memory_space<vmem>>, vector<1x64x128xf32>
    %get3A_436 = vector.shape_cast %get3A_435 : vector<1x64x128xf32> to vector<64x128xf32>
    %add3A_437 = arith.addf %add3A_419, %get3A_436 : vector<64x128xf32>
    %get3A_438 = arith.constant 24 : index
    %get3A_439 = arith.constant 0 : index
    %get3A_440 = arith.constant 0 : index
    %get3A_441 = vector.load %arg2[%get3A_438, %get3A_439, %get3A_440] : memref<32x64x1xf32, #tpu.memory_space<vmem>>, vector<1x64x1xf32>
    %get3A_442 = vector.shape_cast %get3A_441 : vector<1x64x1xf32> to vector<64x1xf32>
    %add3A_443 = arith.addf %add3A_425, %get3A_442 : vector<64x1xf32>
    %get3A_444 = arith.constant 25 : index
    %get3A_445 = arith.constant 0 : index
    %get3A_446 = arith.constant 0 : index
    %get3A_447 = vector.load %arg0[%get3A_444, %get3A_445, %get3A_446] : memref<32x64x128xf32, #tpu.memory_space<vmem>>, vector<1x64x128xf32>
    %get3A_448 = vector.shape_cast %get3A_447 : vector<1x64x128xf32> to vector<64x128xf32>
    %max3A_449 = arith.maximumf %max3A_431, %get3A_448 : vector<64x128xf32>
    %get3A_450 = arith.constant 25 : index
    %get3A_451 = arith.constant 0 : index
    %get3A_452 = arith.constant 0 : index
    %get3A_453 = vector.load %arg1[%get3A_450, %get3A_451, %get3A_452] : memref<32x64x128xf32, #tpu.memory_space<vmem>>, vector<1x64x128xf32>
    %get3A_454 = vector.shape_cast %get3A_453 : vector<1x64x128xf32> to vector<64x128xf32>
    %add3A_455 = arith.addf %add3A_437, %get3A_454 : vector<64x128xf32>
    %get3A_456 = arith.constant 25 : index
    %get3A_457 = arith.constant 0 : index
    %get3A_458 = arith.constant 0 : index
    %get3A_459 = vector.load %arg2[%get3A_456, %get3A_457, %get3A_458] : memref<32x64x1xf32, #tpu.memory_space<vmem>>, vector<1x64x1xf32>
    %get3A_460 = vector.shape_cast %get3A_459 : vector<1x64x1xf32> to vector<64x1xf32>
    %add3A_461 = arith.addf %add3A_443, %get3A_460 : vector<64x1xf32>
    %get3A_462 = arith.constant 26 : index
    %get3A_463 = arith.constant 0 : index
    %get3A_464 = arith.constant 0 : index
    %get3A_465 = vector.load %arg0[%get3A_462, %get3A_463, %get3A_464] : memref<32x64x128xf32, #tpu.memory_space<vmem>>, vector<1x64x128xf32>
    %get3A_466 = vector.shape_cast %get3A_465 : vector<1x64x128xf32> to vector<64x128xf32>
    %max3A_467 = arith.maximumf %max3A_449, %get3A_466 : vector<64x128xf32>
    %get3A_468 = arith.constant 26 : index
    %get3A_469 = arith.constant 0 : index
    %get3A_470 = arith.constant 0 : index
    %get3A_471 = vector.load %arg1[%get3A_468, %get3A_469, %get3A_470] : memref<32x64x128xf32, #tpu.memory_space<vmem>>, vector<1x64x128xf32>
    %get3A_472 = vector.shape_cast %get3A_471 : vector<1x64x128xf32> to vector<64x128xf32>
    %add3A_473 = arith.addf %add3A_455, %get3A_472 : vector<64x128xf32>
    %get3A_474 = arith.constant 26 : index
    %get3A_475 = arith.constant 0 : index
    %get3A_476 = arith.constant 0 : index
    %get3A_477 = vector.load %arg2[%get3A_474, %get3A_475, %get3A_476] : memref<32x64x1xf32, #tpu.memory_space<vmem>>, vector<1x64x1xf32>
    %get3A_478 = vector.shape_cast %get3A_477 : vector<1x64x1xf32> to vector<64x1xf32>
    %add3A_479 = arith.addf %add3A_461, %get3A_478 : vector<64x1xf32>
    %get3A_480 = arith.constant 27 : index
    %get3A_481 = arith.constant 0 : index
    %get3A_482 = arith.constant 0 : index
    %get3A_483 = vector.load %arg0[%get3A_480, %get3A_481, %get3A_482] : memref<32x64x128xf32, #tpu.memory_space<vmem>>, vector<1x64x128xf32>
    %get3A_484 = vector.shape_cast %get3A_483 : vector<1x64x128xf32> to vector<64x128xf32>
    %max3A_485 = arith.maximumf %max3A_467, %get3A_484 : vector<64x128xf32>
    %get3A_486 = arith.constant 27 : index
    %get3A_487 = arith.constant 0 : index
    %get3A_488 = arith.constant 0 : index
    %get3A_489 = vector.load %arg1[%get3A_486, %get3A_487, %get3A_488] : memref<32x64x128xf32, #tpu.memory_space<vmem>>, vector<1x64x128xf32>
    %get3A_490 = vector.shape_cast %get3A_489 : vector<1x64x128xf32> to vector<64x128xf32>
    %add3A_491 = arith.addf %add3A_473, %get3A_490 : vector<64x128xf32>
    %get3A_492 = arith.constant 27 : index
    %get3A_493 = arith.constant 0 : index
    %get3A_494 = arith.constant 0 : index
    %get3A_495 = vector.load %arg2[%get3A_492, %get3A_493, %get3A_494] : memref<32x64x1xf32, #tpu.memory_space<vmem>>, vector<1x64x1xf32>
    %get3A_496 = vector.shape_cast %get3A_495 : vector<1x64x1xf32> to vector<64x1xf32>
    %add3A_497 = arith.addf %add3A_479, %get3A_496 : vector<64x1xf32>
    %get3A_498 = arith.constant 28 : index
    %get3A_499 = arith.constant 0 : index
    %get3A_500 = arith.constant 0 : index
    %get3A_501 = vector.load %arg0[%get3A_498, %get3A_499, %get3A_500] : memref<32x64x128xf32, #tpu.memory_space<vmem>>, vector<1x64x128xf32>
    %get3A_502 = vector.shape_cast %get3A_501 : vector<1x64x128xf32> to vector<64x128xf32>
    %max3A_503 = arith.maximumf %max3A_485, %get3A_502 : vector<64x128xf32>
    %get3A_504 = arith.constant 28 : index
    %get3A_505 = arith.constant 0 : index
    %get3A_506 = arith.constant 0 : index
    %get3A_507 = vector.load %arg1[%get3A_504, %get3A_505, %get3A_506] : memref<32x64x128xf32, #tpu.memory_space<vmem>>, vector<1x64x128xf32>
    %get3A_508 = vector.shape_cast %get3A_507 : vector<1x64x128xf32> to vector<64x128xf32>
    %add3A_509 = arith.addf %add3A_491, %get3A_508 : vector<64x128xf32>
    %get3A_510 = arith.constant 28 : index
    %get3A_511 = arith.constant 0 : index
    %get3A_512 = arith.constant 0 : index
    %get3A_513 = vector.load %arg2[%get3A_510, %get3A_511, %get3A_512] : memref<32x64x1xf32, #tpu.memory_space<vmem>>, vector<1x64x1xf32>
    %get3A_514 = vector.shape_cast %get3A_513 : vector<1x64x1xf32> to vector<64x1xf32>
    %add3A_515 = arith.addf %add3A_497, %get3A_514 : vector<64x1xf32>
    %get3A_516 = arith.constant 29 : index
    %get3A_517 = arith.constant 0 : index
    %get3A_518 = arith.constant 0 : index
    %get3A_519 = vector.load %arg0[%get3A_516, %get3A_517, %get3A_518] : memref<32x64x128xf32, #tpu.memory_space<vmem>>, vector<1x64x128xf32>
    %get3A_520 = vector.shape_cast %get3A_519 : vector<1x64x128xf32> to vector<64x128xf32>
    %max3A_521 = arith.maximumf %max3A_503, %get3A_520 : vector<64x128xf32>
    %get3A_522 = arith.constant 29 : index
    %get3A_523 = arith.constant 0 : index
    %get3A_524 = arith.constant 0 : index
    %get3A_525 = vector.load %arg1[%get3A_522, %get3A_523, %get3A_524] : memref<32x64x128xf32, #tpu.memory_space<vmem>>, vector<1x64x128xf32>
    %get3A_526 = vector.shape_cast %get3A_525 : vector<1x64x128xf32> to vector<64x128xf32>
    %add3A_527 = arith.addf %add3A_509, %get3A_526 : vector<64x128xf32>
    %get3A_528 = arith.constant 29 : index
    %get3A_529 = arith.constant 0 : index
    %get3A_530 = arith.constant 0 : index
    %get3A_531 = vector.load %arg2[%get3A_528, %get3A_529, %get3A_530] : memref<32x64x1xf32, #tpu.memory_space<vmem>>, vector<1x64x1xf32>
    %get3A_532 = vector.shape_cast %get3A_531 : vector<1x64x1xf32> to vector<64x1xf32>
    %add3A_533 = arith.addf %add3A_515, %get3A_532 : vector<64x1xf32>
    %get3A_534 = arith.constant 30 : index
    %get3A_535 = arith.constant 0 : index
    %get3A_536 = arith.constant 0 : index
    %get3A_537 = vector.load %arg0[%get3A_534, %get3A_535, %get3A_536] : memref<32x64x128xf32, #tpu.memory_space<vmem>>, vector<1x64x128xf32>
    %get3A_538 = vector.shape_cast %get3A_537 : vector<1x64x128xf32> to vector<64x128xf32>
    %max3A_539 = arith.maximumf %max3A_521, %get3A_538 : vector<64x128xf32>
    %get3A_540 = arith.constant 30 : index
    %get3A_541 = arith.constant 0 : index
    %get3A_542 = arith.constant 0 : index
    %get3A_543 = vector.load %arg1[%get3A_540, %get3A_541, %get3A_542] : memref<32x64x128xf32, #tpu.memory_space<vmem>>, vector<1x64x128xf32>
    %get3A_544 = vector.shape_cast %get3A_543 : vector<1x64x128xf32> to vector<64x128xf32>
    %add3A_545 = arith.addf %add3A_527, %get3A_544 : vector<64x128xf32>
    %get3A_546 = arith.constant 30 : index
    %get3A_547 = arith.constant 0 : index
    %get3A_548 = arith.constant 0 : index
    %get3A_549 = vector.load %arg2[%get3A_546, %get3A_547, %get3A_548] : memref<32x64x1xf32, #tpu.memory_space<vmem>>, vector<1x64x1xf32>
    %get3A_550 = vector.shape_cast %get3A_549 : vector<1x64x1xf32> to vector<64x1xf32>
    %add3A_551 = arith.addf %add3A_533, %get3A_550 : vector<64x1xf32>
    %get3A_552 = arith.constant 31 : index
    %get3A_553 = arith.constant 0 : index
    %get3A_554 = arith.constant 0 : index
    %get3A_555 = vector.load %arg0[%get3A_552, %get3A_553, %get3A_554] : memref<32x64x128xf32, #tpu.memory_space<vmem>>, vector<1x64x128xf32>
    %get3A_556 = vector.shape_cast %get3A_555 : vector<1x64x128xf32> to vector<64x128xf32>
    %max3A_557 = arith.maximumf %max3A_539, %get3A_556 : vector<64x128xf32>
    %get3A_558 = arith.constant 31 : index
    %get3A_559 = arith.constant 0 : index
    %get3A_560 = arith.constant 0 : index
    %get3A_561 = vector.load %arg1[%get3A_558, %get3A_559, %get3A_560] : memref<32x64x128xf32, #tpu.memory_space<vmem>>, vector<1x64x128xf32>
    %get3A_562 = vector.shape_cast %get3A_561 : vector<1x64x128xf32> to vector<64x128xf32>
    %add3A_563 = arith.addf %add3A_545, %get3A_562 : vector<64x128xf32>
    %get3A_564 = arith.constant 31 : index
    %get3A_565 = arith.constant 0 : index
    %get3A_566 = arith.constant 0 : index
    %get3A_567 = vector.load %arg2[%get3A_564, %get3A_565, %get3A_566] : memref<32x64x1xf32, #tpu.memory_space<vmem>>, vector<1x64x1xf32>
    %get3A_568 = vector.shape_cast %get3A_567 : vector<1x64x1xf32> to vector<64x1xf32>
    %add3A_569 = arith.addf %add3A_551, %get3A_568 : vector<64x1xf32>
    %gt3A = arith.constant -1.000000e+30 : f32
    %gt3A_570 = vector.broadcast %gt3A : f32 to vector<64x128xf32>
    %gt3A_571 = arith.cmpf ogt, %max3A_557, %gt3A_570 : vector<64x128xf32>
    %jit3A = arith.constant 0.000000e+00 : f32
    %broadcast_in_dim3A = vector.broadcast %jit3A : f32 to vector<64x128xf32>
    %select_n3A = arith.select %gt3A_571, %max3A_557, %broadcast_in_dim3A : vector<64x128xi1>, vector<64x128xf32>
    %max3A_572 = arith.constant 1.000000e+00 : f32
    %max3A_573 = vector.broadcast %max3A_572 : f32 to vector<64x1xf32>
    %max3A_574 = arith.maximumf %add3A_569, %max3A_573 : vector<64x1xf32>
    %div3A = vector.broadcast %max3A_574 : vector<64x1xf32> to vector<64x128xf32>
    %div3A_575 = arith.divf %add3A_563, %div3A : vector<64x128xf32>
    %concatenate3A = tpu.concatenate %select_n3A, %div3A_575 in 1 : vector<64x128xf32>, vector<64x128xf32> -> vector<64x256xf32>
    %get3A_576 = arith.constant 0 : index
    %get3A_577 = arith.constant 0 : index
    %get3A_578 = vector.load %arg3[%get3A_576, %get3A_577] : memref<256x256xf32, #tpu.memory_space<vmem>>, vector<256x256xf32>
    %dot_general3A = arith.constant dense<0.000000e+00> : vector<64x256xf32>
    %dot_general3A_579 = tpu.matmul %concatenate3A, %get3A_578, %dot_general3A {dimension_numbers = #tpu.dot_dimension_numbers<[1], [0], [0], [1], [0, 0, 1, 1], [], []>, transpose_lhs_hint = false} : vector<64x256xf32>, vector<256x256xf32>, vector<64x256xf32> -> vector<64x256xf32>
    %get3A_580 = arith.constant 0 : index
    %get3A_581 = arith.constant 0 : index
    %get3A_582 = vector.load %arg4[%get3A_580, %get3A_581] : memref<1x256xf32, #tpu.memory_space<vmem>>, vector<1x256xf32>
    %add3A_583 = vector.broadcast %get3A_582 : vector<1x256xf32> to vector<64x256xf32>
    %add3A_584 = arith.addf %dot_general3A_579, %add3A_583 : vector<64x256xf32>
    %max3A_585 = arith.constant 0.000000e+00 : f32
    %max3A_586 = vector.broadcast %max3A_585 : f32 to vector<64x256xf32>
    %max3A_587 = arith.maximumf %add3A_584, %max3A_586 : vector<64x256xf32>
    %get3A_588 = arith.constant 0 : index
    %get3A_589 = arith.constant 0 : index
    %get3A_590 = vector.load %arg5[%get3A_588, %get3A_589] : memref<256x128xf32, #tpu.memory_space<vmem>>, vector<256x128xf32>
    %dot_general3A_591 = arith.constant dense<0.000000e+00> : vector<64x128xf32>
    %dot_general3A_592 = tpu.matmul %max3A_587, %get3A_590, %dot_general3A_591 {dimension_numbers = #tpu.dot_dimension_numbers<[1], [0], [0], [1], [0, 0, 1, 1], [], []>, transpose_lhs_hint = false} : vector<64x256xf32>, vector<256x128xf32>, vector<64x128xf32> -> vector<64x128xf32>
    %get3A_593 = arith.constant 0 : index
    %get3A_594 = arith.constant 0 : index
    %get3A_595 = vector.load %arg6[%get3A_593, %get3A_594] : memref<1x128xf32, #tpu.memory_space<vmem>>, vector<1x128xf32>
    %add3A_596 = vector.broadcast %get3A_595 : vector<1x128xf32> to vector<64x128xf32>
    %add3A_597 = arith.addf %dot_general3A_592, %add3A_596 : vector<64x128xf32>
    %max3A_598 = arith.constant 0.000000e+00 : f32
    %max3A_599 = vector.broadcast %max3A_598 : f32 to vector<64x128xf32>
    %max3A_600 = arith.maximumf %add3A_597, %max3A_599 : vector<64x128xf32>
    %get3A_601 = arith.constant 0 : index
    %get3A_602 = arith.constant 0 : index
    %get3A_603 = vector.load %arg7[%get3A_601, %get3A_602] : memref<128x1xf32, #tpu.memory_space<vmem>>, vector<128x1xf32>
    %dot_general3A_604 = arith.constant dense<0.000000e+00> : vector<64x1xf32>
    %dot_general3A_605 = tpu.matmul %max3A_600, %get3A_603, %dot_general3A_604 {dimension_numbers = #tpu.dot_dimension_numbers<[1], [0], [0], [1], [0, 0, 1, 1], [], []>, transpose_lhs_hint = false} : vector<64x128xf32>, vector<128x1xf32>, vector<64x1xf32> -> vector<64x1xf32>
    %get3A_606 = arith.constant 0 : index
    %get3A_607 = arith.constant 0 : index
    %get3A_608 = vector.load %arg8[%get3A_606, %get3A_607] : memref<1x1xf32, #tpu.memory_space<vmem>>, vector<1x1xf32>
    %add3A_609 = vector.broadcast %get3A_608 : vector<1x1xf32> to vector<64x1xf32>
    %add3A_610 = arith.addf %dot_general3A_605, %add3A_609 : vector<64x1xf32>
    %swap3A = arith.constant 0 : index
    %swap3A_611 = arith.constant 0 : index
    %swap3A_612 = vector.load %arg9[%swap3A, %swap3A_611] : memref<64x1xf32, #tpu.memory_space<vmem>>, vector<64x1xf32>
    tpu.vector_store %arg9[%swap3A, %swap3A_611], %add3A_610 {strides = array<i32>} : memref<64x1xf32, #tpu.memory_space<vmem>>, vector<64x1xf32>,
    return
  }
}

</mosaic_0001>

<sc_bundles>
// kernel: kernel.10.cloned.1.call-start
scs
__scs_entry_jumppad:
0x0: {  	(pc) =	sbr.rel $0x88, $3  }
0x1: {  	(tag) =	ssettag $0x0;
	lr =	simm.s32 $0x1  }
0x2: {  	[smem:$0x3F92] =	sst lr;
	_ =	strace $0xD0000000  }
0x3: {  	_ = 	snop  }
0x4: {  	_ = 	snop  }
0x5: {  	_ = 	snop  }
0x6: {  	_ = 	snop  }
0x7: {  	_ = 	snop  }
__scs_overlays_trampoline_lowered:
0x8: {  	[smem:$0x3FA1] =	sst s0  }
0x9: {  	[smem:$0x3FA2] =	sst s1  }
0xa: {  	[smem:$0x3FA3] =	sst s2  }
0xb: {  	[smem:$0x3FA4] =	sst s3  }
0xc: {  	[smem:$0x3FA5] =	sst s4  }
0xd: {  	[smem:$0x3FA6] =	sst s5  }
0xe: {  	[smem:$0x3FA7] =	sst s6  }
0xf: {  	[smem:$0x3FA8] =	sst s7  }
0x10: {  	[smem:$0x3FA9] =	sst s8  }
0x11: {  	[smem:$0x3FAA] =	sst s9;
	s0 =	simm.s32 @!p0 $0x0  }
0x12: {  	s1 =	sld [smem:$0x3F90];
	s0 =	simm.s32 @p0 $0x1  }
0x13: {  	[smem:$0x3FAB] =	sst s0;
	s0 =	simm.s32 @!p1 $0x0  }
0x14: {  	s2 =	sld [smem:$0x3F8F];
	s0 =	simm.s32 @p1 $0x1  }
0x15: {  	[smem:$0x3FAC] =	sst s0;
	s0 =	simm.s32 @!p2 $0x0  }
0x16: {  	s3 =	sld [smem:$0x3FDB];
	s0 =	simm.s32 @p2 $0x1  }
0x17: {  	s4 =	simm.s32 $0x1BF5;
	[smem:$0x3FAE] =	sst s0  }
0x18: {  	s0 =	sld [smem:$0x3F91];
	_ =	swait.ge [sflag:s4], $0x0  }
0x19: {  	s7 =	sld [smem:$0x3F92]  }
0x1a: {  	s8 =	sadd.s32 $0xFFFFE003, lr  }
0x1b: {  	s9 =	sadd.s32 $0xFFFFFEF7, lr;
	s5 =	simm.s32 $0xFFFFFFFF;
	p2 =	slt.u32 s8, $0xFFFFF086  }
0x1c: {  	p1 =	slt.u32 s9, $0xF7A;
	s5 =	simm.s32 @!p2 $0x0  }
0x1d: {  	s5 =	simm.s32 @p1 $0x1;
	p0 =	seq.s32 s7, s2  }
0x1e: {  	s7 =	smul.u32 @!p0 $0xF7A, s2;
	p2 =	seq.s32 @!p0 s5, $0x0  }
0x1f: {  	s9 =	smul.u32 $0xF7A, s1;
	s8 =	simm.s32 @!p0 $0x1BF5;
	p2 =	por !p2, p0  }
0x20: {  	[sflag:s8] =	ssyncset.s32 @!p0 $0xFFFFF086;
	s6 =	sadd.s32 @!p0 s3, s7;
	s7 =	simm.s32 @!p0 $0x108  }
0x21: {  	s3 =	sadd.s32 s3, s9;
	s6 =	sadd.s32 @!p0 $0x88, s6;
	s7 =	simm.s32 @p2 $0x1082  }
0x22: {  	[simem:s7], [sflag:s8] =	dma.local @!p0 [hbm:s6], $0xF7A  }
0x23: {  	s9 =	sor.u32 $0xD0000000, s2;
	s6 =	simm.s32 $0x108;
	_ =	swait.ge @!p0 [sflag:s8], $0x0  }
0x24: {  	s3 =	sadd.s32 $0x88, s3;
	s6 =	simm.s32 @!p1 $0x1082;
	[sflag:s4] =	ssyncset.s32 $0xFFFFF086  }
0x25: {  	[simem:s6], [sflag:s4] =	dma.local [hbm:s3], $0xF7A  }
0x26: {  	[smem:$0x3F92] =	sst s1;
	(tag) =	ssettag s2;
	_ =	strace s9  }
0x27: {  	s1 =	sld [smem:$0x3FA2]  }
0x28: {  	s2 =	sld [smem:$0x3FA3]  }
0x29: {  	s4 =	sld [smem:$0x3FA5]  }
0x2a: {  	p0 =	seq.s32 s5, $0x0;
	s5 =	sld [smem:$0x3FA6]  }
0x2b: {  	s6 =	sld [smem:$0x3FA7]  }
0x2c: {  	s7 =	sld [smem:$0x3FA8]  }
0x2d: {  	s3 =	simm.s32 $0x108;
	s8 =	sld [smem:$0x3FA9]  }
0x2e: {  	s3 =	simm.s32 @!p0 $0x1082;
	s9 =	sld [smem:$0x3FAA]  }
0x2f: {  	lr =	sadd.s32 s0, s3;
	s0 =	sld [smem:$0x3FA1]  }
0x30: {  	s3 =	sld [smem:$0x3FA4]  }
0x31: {  	[smem:$0x3FAD] =	sst s10  }
0x32: {  	s10 =	sld [smem:$0x3FAB];
	_ =	sdelay $0x3  }
0x33: {  	p0 =	seq.s32 s10, $0x1;
	s10 =	sld [smem:$0x3FAD];
	_ =	sdelay $0x3  }
0x34: {  	[smem:$0x3FAD] =	sst s10  }
0x35: {  	s10 =	sld [smem:$0x3FAC];
	_ =	sdelay $0x3  }
0x36: {  	p1 =	seq.s32 s10, $0x1;
	s10 =	sld [smem:$0x3FAD];
	_ =	sdelay $0x3  }
0x37: {  	[smem:$0x3FAD] =	sst s10  }
0x38: {  	s10 =	sld [smem:$0x3FAE]  }
0x39: {  	_ = 	snop;
	(pc) =	sbr.ind lr, $3  }
0x3a: {  	_ = 	snop  }
0x3b: {  	_ = 	snop  }
0x3c: {  	p2 =	seq.s32 s10, $0x1;
	s10 =	sld [smem:$0x3FAD]  }
0x3d: {  	_ =	shalt  }
0x3e: {  	_ =	shalt  }
0x3f: {  	_ =	shalt  }
0x40: {  	_ =	shalt  }
0x41: {  	_ =	shalt  }
0x42: {  	_ =	shalt  }
0x43: {  	_ =	shalt  }
0x44: {  	_ =	shalt  }
0x45: {  	_ =	shalt  }
0x46: {  	_ =	shalt  }
0x47: {  	_ =	shalt  }
0x48: {  	_ =	shalt  }
0x49: {  	_ =	shalt  }
0x4a: {  	_ =	shalt  }
0x4b: {  	_ =	shalt  }
0x4c: {  	_ =	shalt  }
0x4d: {  	_ =	shalt  }
0x4e: {  	_ =	shalt  }
0x4f: {  	_ =	shalt  }
0x50: {  	_ =	shalt  }
0x51: {  	_ =	shalt  }
0x52: {  	_ =	shalt  }
0x53: {  	_ =	shalt  }
0x54: {  	_ =	shalt  }
0x55: {  	_ =	shalt  }
0x56: {  	_ =	shalt  }
0x57: {  	_ =	shalt  }
0x58: {  	_ =	shalt  }
0x59: {  	_ =	shalt  }
0x5a: {  	_ =	shalt  }
0x5b: {  	_ =	shalt  }
0x5c: {  	_ =	shalt  }
0x5d: {  	_ =	shalt  }
0x5e: {  	_ =	shalt  }
0x5f: {  	_ =	shalt  }
0x60: {  	_ =	shalt  }
0x61: {  	_ =	shalt  }
0x62: {  	_ =	shalt  }
0x63: {  	_ =	shalt  }
0x64: {  	_ =	shalt  }
0x65: {  	_ =	shalt  }
0x66: {  	_ =	shalt  }
0x67: {  	_ =	shalt  }
0x68: {  	_ =	shalt  }
0x69: {  	_ =	shalt  }
0x6a: {  	_ =	shalt  }
0x6b: {  	_ =	shalt  }
0x6c: {  	_ =	shalt  }
0x6d: {  	_ =	shalt  }
0x6e: {  	_ =	shalt  }
0x6f: {  	_ =	shalt  }
0x70: {  	_ =	shalt  }
0x71: {  	_ =	shalt  }
0x72: {  	_ =	shalt  }
0x73: {  	_ =	shalt  }
0x74: {  	_ =	shalt  }
0x75: {  	_ =	shalt  }
0x76: {  	_ =	shalt  }
0x77: {  	_ =	shalt  }
0x78: {  	_ =	shalt  }
0x79: {  	_ =	shalt  }
0x7a: {  	_ =	shalt  }
0x7b: {  	_ =	shalt  }
0x7c: {  	_ =	shalt  }
0x7d: {  	_ =	shalt  }
0x7e: {  	_ =	shalt  }
0x7f: {  	_ =	shalt  }
0x80: {  	_ =	shalt  }
0x81: {  	_ =	shalt  }
0x82: {  	_ =	shalt  }
0x83: {  	_ =	shalt  }
0x84: {  	_ =	shalt  }
0x85: {  	_ =	shalt  }
0x86: {  	_ =	shalt  }
0x87: {  	_ =	shalt  }
.Lfunc_end0:
.L_simem_size_0:
called_computation_lowered:
.L_overlay_start_0:
0x88: {  	s2 =	sld [smem:$0x3FD9]  }
0x89: {  	s3 =	sld [smem:$0x3FFE];
	_ =	sdelay $0x1  }
0x8a: {  	s1 =	srdreg.scid  }
0x8b: {  	s0 =	sand.u32 $0x1, s1  }
0x8c: {  	s17 =	sshll.u32 s0, $0xA;
	s2 =	sadd.s32 s3, s2  }
0x8d: {  	s2 =	sadd.s32 s2, s17  }
0x8e: {  	[smem:$0x3FB9] =	sst s2  }
0x8f: {  	_ = 	snop  }
0x90: {  	s2 =	sld [smem:$0x3FC9];
	(tm) =	ssettm $0x1  }
0x91: {  	s18 =	sld [smem:$0x3FFB];
	_ =	sdelay $0x3  }
0x92: {  	_ =	strace s18  }
0x93: {  	s3 =	sld [smem:$0x3FFC];
	_ =	sdelay $0x3  }
0x94: {  	_ =	strace s3  }
0x95: {  	s3 =	sld [smem:$0x3FFD];
	_ =	sdelay $0x3  }
0x96: {  	_ =	strace s3  }
0x97: {  	_ =	strace $0x8FFFFFFF  }
0x98: {  	s19 =	sld [smem:$0x3FDB];
	_ =	sdelay $0x1  }
0x99: {  	s4 =	simm.s32 $_scs_section_size  }
0x9a: {  	s5 =	simm.s32 $_size__tile_overlayer_lowered;
	s6 =	simm.s32 $_tile_overlayer_lowered  }
0x9b: {  	s22 =	simm.s32 $0x1BFF;
	s21 =	sshll.u32 s6, $0x1;
	s3 =	sadd.s32 s4, s19  }
0x9c: {  	s7 =	simm.s32 $0x0;
	s20 =	sshll.u32 s5, $0x1;
	s5 =	sadd.s32 s21, s3  }
0x9d: {  	[timem:s7], [sflag:s22] =	dma.local [hbm:s5], s20  }
0x9e: {  	_ =	swait.ge [sflag:s22], s20  }
0x9f: {  	s4 =	ssub.s32 $0x0, s20;
	[sflag:s22] =	ssyncset.done $0x0  }
0xa0: {  	[sflag:s22] =	ssyncadd.s32 s4;
	_ =	sdelay $0x1  }
0xa1: {  	s23 =	simm.s32 $0x1B8B  }
0xa2: {  	_ =	swait.ge [sflag:s23], $0x1  }
0xa3: {  	[sflag:s23] =	ssyncset.done $0x0  }
0xa4: {  	s25 =	simm.s32 $0x1B8E;
	s24 =	sld [smem:$0x3FFE];
	[sflag:s23] =	ssyncadd.s32 $0xFFFFFFFF  }
0xa5: {  	s26 =	simm.s32 $execute0_lowered;
	[smem:$0x3FD2] =	sst s25  }
0xa6: {  	s5 =	sshll.u32 s26, $0x1;
	_ =	strace $0x80000046;
	[dreg:$0x1] =	wrdreg $0xFFFFFFFF  }
0xa7: {  	s28 =	simm.s32 $_size_execute0_lowered;
	s3 =	sadd.s32 s3, s5;
	[dreg:$0x0] =	wrdreg $0x0  }
0xa8: {  	s5 =	sshll.u32 s28, $0x1;
	[dreg:$0x2] =	wrdreg s3  }
0xa9: {  	[dreg:$0x3] =	wrdreg s5  }
0xaa: {  	[dreg:$0x4] =	wrdreg $0xC0  }
0xab: {  	_ =	task [dreg:s7], $0x5FFFF  }
0xac: {  	[dreg:$0x1] =	wrdreg $0xFFFFFFFF  }
0xad: {  	[dreg:$0x0] =	wrdreg $0x60  }
0xae: {  	[dreg:$0x2] =	wrdreg s2  }
0xaf: {  	[dreg:$0x3] =	wrdreg s24  }
0xb0: {  	[dreg:$0x4] =	wrdreg $0xA8000  }
0xb1: {  	[dreg:$0x5] =	wrdreg $0x9  }
0xb2: {  	_ =	task.clear_ibuf [dreg:s7], $0x6FFFF;
	_ =	strace $0x90000046  }
0xb3: {  	s29 =	simm.s32 $0x9;
	_ =	strace $0x80000048  }
0xb4: {  	_ =	swait.ge [sflag:s29], $0x1  }
0xb5: {  	[sflag:s29] =	ssyncadd.s32 $0xFFFFFFFF  }
0xb6: {  	_ =	strace $0x90000048  }
0xb7: {  	_ =	sfence  }
0xb8: {  	s30 =	sld [smem:$0x0];
	_ =	sdelay $0x2  }
0xb9: {  	s31 =	sshll.u32 s1, $0xD;
	s1 =	sshrl.u32 s1, $0x2  }
0xba: {  	s3 =	sand.u32 $0x4000, s31;
	s1 =	sadd.s32 s1, s30  }
0xbb: {  	s0 =	sor.u32 s3, s0;
	s1 =	sshll.u32 s1, $0x11  }
0xbc: {  	s0 =	sor.u32 s1, s0  }
0xbd: {  	s0 =	sadd.s32 $0x8F2B, s0  }
0xbe: {  	[sflag:s0] =	ssyncadd.remote.s32 $0x1  }
0xbf: {  	_ =	sfence.sel $0xFFFF  }
0xc0: {  	[dreg:$0x0] =	wrdreg $0xFFFFFFFF;
	(pc) =	sbr.abs _section_cstart, $3  }
0xc1: {  	[dreg:$0x1] =	wrdreg $0xFFFFFFFF  }
0xc2: {  	_ =	task.clear_ibuf [dreg:s7], $0x2FFFF;
	_ =	strace $0x9FFFFFFF  }
0xc3: {  	(tm) =	ssettm $0x7FFFFFFF  }
tec
execute0_lowered:
.L_overlay_start_1:
0x0: {  	(tag) =	ssettag $0x1  }
0x1: {  	s1 =	rddreg [dreg:$0x0]  }
0x2: {  	s0 =	rddreg [dreg:$0x1]  }
0x3: {  	s2 =	rddreg [dreg:$0x2];
	s3 =	simm.s32 $0x0;
	s4 =	srdreg.scid  }
0x4: {  	s15 =	stileid.u32;
	s28 =	simm.s32 $0x80;
	s29 =	simm.s32 $0x1  }
0x5: {  	s30 =	simm.s32 $0x6800;
	s31 =	simm.s32 $0x2;
	s9 =	smul.u32 $0x50000, s15  }
0x6: {  	[smem:$0x7FF] =	sst s3;
	s4 =	sand.u32 $0x1, s4;
	s20 =	smul.u32 $0x280, s15  }
0x7: {  	s6 =	sadd.s32 $0x4000, s0;
	s7 =	sshll.u32 s15, $0x1;
	s24 =	smul.u32 $0x2800, s15  }
0x8: {  	s8 =	sadd.s32 $0xE000, s0;
	s5 =	smul.u32 $0x28000, s4;
	s7 =	sor.u32 s4, s7  }
0x9: {  	_ =	strace $0x80000047;
	s4 =	ssub.s32 $0x2, s4;
	s10 =	smul.u32 $0x2800, s7  }
0xa: {  	s14 =	sshrl.u32 s4, $0x1;
	s9 =	sshrl.u32 s9, $0x2;
	s7 =	smul.u32 $0x500, s7  }
0xb: {  	s21 =	sadd.s32 $0x80, s20;
	s23 =	sadd.s32 $0x100, s20;
	s26 =	sadd.s32 $0x180, s20  }
0xc: {  	s0 =	sadd.s32 s5, s0;
	s4 =	ssub.s32 s4, s14;
	s5 =	sadd.s32 s9, s2  }
0xd: {  	s22 =	sshll.u32 s21, $0x7;
	s25 =	sshll.u32 s23, $0x7;
	s16 =	sshrl.u32 s10, $0x3  }
0xe: {  	s17 =	sadd.s32 s6, s7;
	s7 =	sadd.s32 s8, s7;
	s0 =	sadd.s32 $0x18000, s0  }
0xf: {  	s4 =	smax.u32 s4, $0x1;
	s11 =	sadd.s32 $0x4000, s5;
	s12 =	sadd.s32 $0x8000, s5  }
0x10: {  	s13 =	sadd.s32 $0xC000, s5;
	s14 =	sadd.s32 $0x10000, s5;
	[dreg:$0x4] =	wrdreg s17  }
0x11: {  	s15 =	sadd.s32 s22, s2;
	[dreg:$0x5] =	wrdreg s7;
	s18 =	sadd.s32 $0x280, s16  }
0x12: {  	[dreg:$0x8] =	wrdreg s4;
	s4 =	sshll.u32 s21, $0x4;
	s16 =	sadd.s32 s25, s2  }
0x13: {  	s17 =	sshll.u32 s26, $0x7;
	s7 =	sshll.u32 s26, $0x4;
	s25 =	simm.s32 $0x3  }
0x14: {  	s26 =	simm.s32 $0x1400;
	s6 =	sadd.s32 s6, s18;
	s19 =	sadd.s32 s8, s18  }
0x15: {  	s8 =	sshll.u32 s23, $0x4;
	s17 =	sadd.s32 s17, s2;
	s21 =	sadd.s32 s4, s0  }
0x16: {  	s23 =	sadd.s32 s7, s0;
	s4 =	simm.s32 $0x2700;
	[dreg:$0x6] =	wrdreg s6  }
0x17: {  	s7 =	simm.s32 $0x0;
	[dreg:$0x7] =	wrdreg s19;
	s6 =	sadd.s32 $0x200, s20  }
0x18: {  	s19 =	simm.s32 $0x2800;
	s20 =	sadd.s32 s24, s0;
	s18 =	sshll.u32 s6, $0x7  }
0x19: {  	s22 =	sadd.s32 s8, s0;
	s6 =	sshll.u32 s6, $0x4;
	s18 =	sadd.s32 s18, s2  }
0x1a: {  	v0 =	vimm.f32 $0.0e+00;
	s24 =	sadd.s32 s6, s0;
	s0 =	simm.s32 $0x1380;
	s6 =	simm.s32 $0x2780  }
.LBB2_1:
0x1b: {  	s8 =	simm.s32 $0x0;
	s9 =	simm.s32 $0x200  }
.LBB2_2:
0x1c: {  	p0 =	sne.s32 s9, $0xFE00;
	[tilespmem:s8+$0x2870] =	vst v0  }
0x1d: {  	[tilespmem:s8+$0x2800] =	vst v0  }
0x1e: {  	[tilespmem:s8+$0x2810] =	vst v0  }
.Ltmp0:
0x1f: {  	[tilespmem:s8+$0x2820] =	vst v0;
	(pc) =	sbr.rel @p0 .LBB2_2-.Ltmp0, $4  }
0x20: {  	[tilespmem:s8+$0x2830] =	vst v0  }
0x21: {  	[tilespmem:s8+$0x2840] =	vst v0  }
0x22: {  	[tilespmem:s8+$0x2850] =	vst v0  }
0x23: {  	[tilespmem:s8+$0x2860] =	vst v0;
	s8 =	sshra.s32 s9, $0x2;
	s9 =	sadd.s32 $0x200, s9  }
0x24: {  	[tilespmem:s8+$0x2870] =	vst v0  }
0x25: {  	[tilespmem:s8+$0x2800] =	vst v0  }
0x26: {  	[tilespmem:s8+$0x2810] =	vst v0  }
0x27: {  	[tilespmem:s8+$0x2820] =	vst v0  }
0x28: {  	[tilespmem:s8+$0x2830] =	vst v0  }
0x29: {  	[tilespmem:s8+$0x2840] =	vst v0  }
0x2a: {  	[tilespmem:s8+$0x2850] =	vst v0  }
0x2b: {  	[tilespmem:s8+$0x2860] =	vst v0  }
0x2c: {  	[spmem:s5] =	stream.linear.scatter [tilespmem:s19], [sflag:$0x3], $0x4000, $0x38;
	[tilespmem:$0x1E800] =	vst v63  }
0x2d: {  	_ =	swait.ge [sflag:s25], $0x4000  }
0x2e: {  	[sflag:s25] =	ssyncset.done $0x0  }
0x2f: {  	[sflag:s25] =	ssyncadd.s32 $0xFFFFC000  }
0x30: {  	[spmem:s11] =	stream.linear.scatter [tilespmem:s19], [sflag:$0x3], $0x4000, $0x38;
	[tilespmem:$0x1E800] =	vst v63  }
0x31: {  	_ =	swait.ge [sflag:s25], $0x4000  }
0x32: {  	[sflag:s25] =	ssyncset.done $0x0  }
0x33: {  	[sflag:s25] =	ssyncadd.s32 $0xFFFFC000  }
0x34: {  	[spmem:s12] =	stream.linear.scatter [tilespmem:s19], [sflag:$0x3], $0x4000, $0x38;
	[tilespmem:$0x1E800] =	vst v63  }
0x35: {  	_ =	swait.ge [sflag:s25], $0x4000  }
0x36: {  	[sflag:s25] =	ssyncset.done $0x0  }
0x37: {  	[sflag:s25] =	ssyncadd.s32 $0xFFFFC000  }
0x38: {  	[spmem:s13] =	stream.linear.scatter [tilespmem:s19], [sflag:$0x3], $0x4000, $0x38;
	[tilespmem:$0x1E800] =	vst v63  }
0x39: {  	_ =	swait.ge [sflag:s25], $0x4000  }
0x3a: {  	[sflag:s25] =	ssyncset.done $0x0  }
0x3b: {  	[sflag:s25] =	ssyncadd.s32 $0xFFFFC000  }
0x3c: {  	[spmem:s14] =	stream.linear.scatter [tilespmem:s19], [sflag:$0x3], $0x4000, $0x38;
	[tilespmem:$0x1E800] =	vst v63  }
0x3d: {  	_ =	swait.ge [sflag:s25], $0x4000  }
0x3e: {  	[sflag:s25] =	ssyncset.done $0x0  }
0x3f: {  	[sflag:s25] =	ssyncadd.s32 $0xFFFFC000  }
0x40: {  	[bflag:$0x0] =	sbarrier.arrive $0xFFFF  }
0x41: {  	s8 =	simm.s32 $0x0;
	s9 =	rddreg [dreg:$0x4]  }
0x42: {  	[tilespmem:s8], [sflag:$0x3] =	stream.linear.gather [hbm4b:s9+s8], $0x1400, $0x38;
	[tilespmem:$0x1E800] =	vst v63  }
0x43: {  	_ =	swait.ge [sflag:s25], $0x1400  }
0x44: {  	[sflag:s25] =	ssyncset.done $0x0  }
0x45: {  	s10 =	rddreg [dreg:$0x5];
	[sflag:s25] =	ssyncadd.s32 $0xFFFFEC00  }
0x46: {  	[tilespmem:s26], [sflag:$0x3] =	stream.linear.gather [hbm4b:s10+s8], $0x1400, $0x38;
	[tilespmem:$0x1E800] =	vst v63  }
0x47: {  	_ =	swait.ge [sflag:s25], $0x1400  }
0x48: {  	[sflag:s25] =	ssyncset.done $0x0  }
0x49: {  	[sflag:s25] =	ssyncadd.s32 $0xFFFFEC00  }
0x4a: {  	[tilespmem:s19], [sflag:$0x1] =	stream.indirect.gather [hbm4b:s1+s28], $0x80, s8, s28, $0xb8;
	[tilespmem:$0x1E800] =	vst v63  }
0x4b: {  	_ =	swait.ge [sflag:s29], $0x4000  }
0x4c: {  	[sflag:s29] =	ssyncset.done $0x0  }
0x4d: {  	s9 =	simm.s32 $0x80;
	[sflag:s29] =	ssyncadd.s32 $0xFFFFC000  }
0x4e: {  	[tilespmem:s30], [sflag:$0x2] =	stream.indirect.gather [hbm4b:s1+s28], $0x80, s9, s28, $0xb8;
	[tilespmem:$0x1E800] =	vst v63  }
0x4f: {  	s10 =	simm.s32 $0x1400  }
0x50: {  	[spmem:s2] =	stream.indirect.scatter.add.f32 [tilespmem:s19], [sflag:$0x3], $0x80, s10, s28, $0xb8;
	[tilespmem:$0x1E800] =	vst v63  }
0x51: {  	_ =	swait.ge [sflag:s25], $0x4000  }
0x52: {  	[sflag:s25] =	ssyncset.done $0x0  }
0x53: {  	[sflag:s25] =	ssyncadd.s32 $0xFFFFC000  }
0x54: {  	_ =	swait.ge [sflag:s31], $0x4000  }
0x55: {  	[sflag:s31] =	ssyncset.done $0x0  }
0x56: {  	s9 =	simm.s32 $0x100;
	[sflag:s31] =	ssyncadd.s32 $0xFFFFC000  }
0x57: {  	[tilespmem:s19], [sflag:$0x1] =	stream.indirect.gather [hbm4b:s1+s28], $0x80, s9, s28, $0xb8;
	[tilespmem:$0x1E800] =	vst v63  }
0x58: {  	s10 =	simm.s32 $0x1480  }
0x59: {  	[spmem:s2] =	stream.indirect.scatter.add.f32 [tilespmem:s30], [sflag:$0x3], $0x80, s10, s28, $0xb8;
	[tilespmem:$0x1E800] =	vst v63  }
0x5a: {  	_ =	swait.ge [sflag:s25], $0x4000  }
0x5b: {  	s8 =	simm.s32 $0x400;
	[sflag:s25] =	ssyncset.done $0x0  }
.LBB2_4:
0x5c: {  	p0 =	sne.s32 s8, $0x4800  }
0x5d: {  	[sflag:s25] =	ssyncadd.s32 $0xFFFFC000;
	s9 =	smov.u32 s8;
	s8 =	sadd.s32 $0x400, s8  }
0x5e: {  	_ = 	snop  }
0x5f: {  	_ =	swait.ge [sflag:s29], $0x4000  }
0x60: {  	s9 =	sshra.s32 s9, $0x2;
	[sflag:s29] =	ssyncset.done $0x0  }
0x61: {  	s10 =	sadd.s32 $0x80, s9;
	[sflag:s29] =	ssyncadd.s32 $0xFFFFC000  }
0x62: {  	[tilespmem:s30], [sflag:$0x2] =	stream.indirect.gather [hbm4b:s1+s28], $0x80, s10, s28, $0xb8;
	[tilespmem:$0x1E800] =	vst v63  }
0x63: {  	s10 =	sadd.s32 $0x1400, s9  }
0x64: {  	[spmem:s2] =	stream.indirect.scatter.add.f32 [tilespmem:s19], [sflag:$0x3], $0x80, s10, s28, $0xb8;
	[tilespmem:$0x1E800] =	vst v63  }
0x65: {  	_ =	swait.ge [sflag:s25], $0x4000  }
0x66: {  	[sflag:s25] =	ssyncset.done $0x0  }
0x67: {  	[sflag:s25] =	ssyncadd.s32 $0xFFFFC000  }
0x68: {  	_ =	swait.ge [sflag:s31], $0x4000  }
0x69: {  	[sflag:s31] =	ssyncset.done $0x0  }
0x6a: {  	s10 =	sadd.s32 $0x100, s9;
	[sflag:s31] =	ssyncadd.s32 $0xFFFFC000  }
0x6b: {  	[tilespmem:s19], [sflag:$0x1] =	stream.indirect.gather [hbm4b:s1+s28], $0x80, s10, s28, $0xb8;
	[tilespmem:$0x1E800] =	vst v63  }
.Ltmp1:
0x6c: {  	_ = 	snop;
	(pc) =	sbr.rel @p0 .LBB2_4-.Ltmp1, $4  }
0x6d: {  	s9 =	sadd.s32 $0x1480, s9  }
0x6e: {  	[spmem:s2] =	stream.indirect.scatter.add.f32 [tilespmem:s30], [sflag:$0x3], $0x80, s9, s28, $0xb8;
	[tilespmem:$0x1E800] =	vst v63  }
0x6f: {  	_ =	swait.ge [sflag:s25], $0x4000  }
0x70: {  	[sflag:s25] =	ssyncset.done $0x0  }
0x71: {  	[sflag:s25] =	ssyncadd.s32 $0xFFFFC000  }
0x72: {  	_ =	swait.ge [sflag:s29], $0x4000  }
0x73: {  	[sflag:s29] =	ssyncset.done $0x0  }
0x74: {  	[sflag:s29] =	ssyncadd.s32 $0xFFFFC000  }
0x75: {  	[tilespmem:s30], [sflag:$0x2] =	stream.indirect.gather [hbm4b:s1+s28], $0x80, s0, s28, $0xb8;
	[tilespmem:$0x1E800] =	vst v63  }
0x76: {  	_ = 	snop  }
0x77: {  	[spmem:s2] =	stream.indirect.scatter.add.f32 [tilespmem:s19], [sflag:$0x3], $0x80, s4, s28, $0xb8;
	[tilespmem:$0x1E800] =	vst v63  }
0x78: {  	_ =	swait.ge [sflag:s25], $0x4000  }
0x79: {  	[sflag:s25] =	ssyncset.done $0x0  }
0x7a: {  	[sflag:s25] =	ssyncadd.s32 $0xFFFFC000  }
0x7b: {  	_ =	swait.ge [sflag:s31], $0x4000  }
0x7c: {  	[sflag:s31] =	ssyncset.done $0x0  }
0x7d: {  	[sflag:s31] =	ssyncadd.s32 $0xFFFFC000  }
0x7e: {  	[spmem:s2] =	stream.indirect.scatter.add.f32 [tilespmem:s30], [sflag:$0x3], $0x80, s6, s28, $0xb8;
	[tilespmem:$0x1E800] =	vst v63  }
0x7f: {  	_ =	swait.ge [sflag:s25], $0x4000  }
0x80: {  	[sflag:s25] =	ssyncset.done $0x0  }
0x81: {  	s8 =	simm.s32 $0x0;
	s9 =	rddreg [dreg:$0x6];
	[sflag:s25] =	ssyncadd.s32 $0xFFFFC000  }
0x82: {  	[tilespmem:s8], [sflag:$0x3] =	stream.linear.gather [hbm4b:s9+s8], $0x1400, $0x38;
	[tilespmem:$0x1E800] =	vst v63  }
0x83: {  	_ =	swait.ge [sflag:s25], $0x1400  }
0x84: {  	[sflag:s25] =	ssyncset.done $0x0  }
0x85: {  	s10 =	rddreg [dreg:$0x7];
	[sflag:s25] =	ssyncadd.s32 $0xFFFFEC00  }
0x86: {  	[tilespmem:s26], [sflag:$0x3] =	stream.linear.gather [hbm4b:s10+s8], $0x1400, $0x38;
	[tilespmem:$0x1E800] =	vst v63  }
0x87: {  	_ =	swait.ge [sflag:s25], $0x1400  }
0x88: {  	[sflag:s25] =	ssyncset.done $0x0  }
0x89: {  	[sflag:s25] =	ssyncadd.s32 $0xFFFFEC00  }
0x8a: {  	[tilespmem:s19], [sflag:$0x1] =	stream.indirect.gather [hbm4b:s1+s28], $0x80, s8, s28, $0xb8;
	[tilespmem:$0x1E800] =	vst v63  }
0x8b: {  	_ =	swait.ge [sflag:s29], $0x4000  }
0x8c: {  	[sflag:s29] =	ssyncset.done $0x0  }
0x8d: {  	s9 =	simm.s32 $0x80;
	[sflag:s29] =	ssyncadd.s32 $0xFFFFC000  }
0x8e: {  	[tilespmem:s30], [sflag:$0x2] =	stream.indirect.gather [hbm4b:s1+s28], $0x80, s9, s28, $0xb8;
	[tilespmem:$0x1E800] =	vst v63  }
0x8f: {  	s10 =	simm.s32 $0x1400  }
0x90: {  	[spmem:s2] =	stream.indirect.scatter.add.f32 [tilespmem:s19], [sflag:$0x3], $0x80, s10, s28, $0xb8;
	[tilespmem:$0x1E800] =	vst v63  }
0x91: {  	_ =	swait.ge [sflag:s25], $0x4000  }
0x92: {  	[sflag:s25] =	ssyncset.done $0x0  }
0x93: {  	[sflag:s25] =	ssyncadd.s32 $0xFFFFC000  }
0x94: {  	_ =	swait.ge [sflag:s31], $0x4000  }
0x95: {  	[sflag:s31] =	ssyncset.done $0x0  }
0x96: {  	s9 =	simm.s32 $0x100;
	[sflag:s31] =	ssyncadd.s32 $0xFFFFC000  }
0x97: {  	[tilespmem:s19], [sflag:$0x1] =	stream.indirect.gather [hbm4b:s1+s28], $0x80, s9, s28, $0xb8;
	[tilespmem:$0x1E800] =	vst v63  }
0x98: {  	s10 =	simm.s32 $0x1480  }
0x99: {  	[spmem:s2] =	stream.indirect.scatter.add.f32 [tilespmem:s30], [sflag:$0x3], $0x80, s10, s28, $0xb8;
	[tilespmem:$0x1E800] =	vst v63  }
0x9a: {  	_ =	swait.ge [sflag:s25], $0x4000  }
0x9b: {  	s8 =	simm.s32 $0x400;
	[sflag:s25] =	ssyncset.done $0x0  }
.LBB2_6:
0x9c: {  	p0 =	sne.s32 s8, $0x4800  }
0x9d: {  	[sflag:s25] =	ssyncadd.s32 $0xFFFFC000;
	s9 =	smov.u32 s8;
	s8 =	sadd.s32 $0x400, s8  }
0x9e: {  	_ = 	snop  }
0x9f: {  	_ =	swait.ge [sflag:s29], $0x4000  }
0xa0: {  	s9 =	sshra.s32 s9, $0x2;
	[sflag:s29] =	ssyncset.done $0x0  }
0xa1: {  	s10 =	sadd.s32 $0x80, s9;
	[sflag:s29] =	ssyncadd.s32 $0xFFFFC000  }
0xa2: {  	[tilespmem:s30], [sflag:$0x2] =	stream.indirect.gather [hbm4b:s1+s28], $0x80, s10, s28, $0xb8;
	[tilespmem:$0x1E800] =	vst v63  }
0xa3: {  	s10 =	sadd.s32 $0x1400, s9  }
0xa4: {  	[spmem:s2] =	stream.indirect.scatter.add.f32 [tilespmem:s19], [sflag:$0x3], $0x80, s10, s28, $0xb8;
	[tilespmem:$0x1E800] =	vst v63  }
0xa5: {  	_ =	swait.ge [sflag:s25], $0x4000  }
0xa6: {  	[sflag:s25] =	ssyncset.done $0x0  }
0xa7: {  	[sflag:s25] =	ssyncadd.s32 $0xFFFFC000  }
0xa8: {  	_ =	swait.ge [sflag:s31], $0x4000  }
0xa9: {  	[sflag:s31] =	ssyncset.done $0x0  }
0xaa: {  	s10 =	sadd.s32 $0x100, s9;
	[sflag:s31] =	ssyncadd.s32 $0xFFFFC000  }
0xab: {  	[tilespmem:s19], [sflag:$0x1] =	stream.indirect.gather [hbm4b:s1+s28], $0x80, s10, s28, $0xb8;
	[tilespmem:$0x1E800] =	vst v63  }
.Ltmp2:
0xac: {  	_ = 	snop;
	(pc) =	sbr.rel @p0 .LBB2_6-.Ltmp2, $4  }
0xad: {  	s9 =	sadd.s32 $0x1480, s9  }
0xae: {  	[spmem:s2] =	stream.indirect.scatter.add.f32 [tilespmem:s30], [sflag:$0x3], $0x80, s9, s28, $0xb8;
	[tilespmem:$0x1E800] =	vst v63  }
0xaf: {  	_ =	swait.ge [sflag:s25], $0x4000  }
0xb0: {  	[sflag:s25] =	ssyncset.done $0x0  }
0xb1: {  	[sflag:s25] =	ssyncadd.s32 $0xFFFFC000  }
0xb2: {  	_ =	swait.ge [sflag:s29], $0x4000  }
0xb3: {  	[sflag:s29] =	ssyncset.done $0x0  }
0xb4: {  	[sflag:s29] =	ssyncadd.s32 $0xFFFFC000  }
0xb5: {  	[tilespmem:s30], [sflag:$0x2] =	stream.indirect.gather [hbm4b:s1+s28], $0x80, s0, s28, $0xb8;
	[tilespmem:$0x1E800] =	vst v63  }
0xb6: {  	_ = 	snop  }
0xb7: {  	[spmem:s2] =	stream.indirect.scatter.add.f32 [tilespmem:s19], [sflag:$0x3], $0x80, s4, s28, $0xb8;
	[tilespmem:$0x1E800] =	vst v63  }
0xb8: {  	_ =	swait.ge [sflag:s25], $0x4000  }
0xb9: {  	[sflag:s25] =	ssyncset.done $0x0  }
0xba: {  	[sflag:s25] =	ssyncadd.s32 $0xFFFFC000  }
0xbb: {  	_ =	swait.ge [sflag:s31], $0x4000  }
0xbc: {  	[sflag:s31] =	ssyncset.done $0x0  }
0xbd: {  	[sflag:s31] =	ssyncadd.s32 $0xFFFFC000  }
0xbe: {  	[spmem:s2] =	stream.indirect.scatter.add.f32 [tilespmem:s30], [sflag:$0x3], $0x80, s6, s28, $0xb8;
	[tilespmem:$0x1E800] =	vst v63  }
0xbf: {  	_ =	swait.ge [sflag:s25], $0x4000  }
0xc0: {  	[sflag:s25] =	ssyncset.done $0x0  }
0xc1: {  	[sflag:s25] =	ssyncadd.s32 $0xFFFFC000  }
0xc2: {  	[bflag:$0x0] =	sbarrier.arrive $0xFFFF  }
0xc3: {  	[tilespmem:s19], [sflag:$0x3] =	stream.linear.gather [spmem:s5], $0x4000, $0x38;
	[tilespmem:$0x1E800] =	vst v63  }
0xc4: {  	_ =	swait.ge [sflag:s25], $0x4000  }
0xc5: {  	[sflag:s25] =	ssyncset.done $0x0  }
0xc6: {  	[sflag:s25] =	ssyncadd.s32 $0xFFFFC000  }
0xc7: {  	[hbm4b:s20+s3] =	stream.linear.scatter [tilespmem:s19], [sflag:$0x3], $0x4000, $0x38;
	[tilespmem:$0x1E800] =	vst v63  }
0xc8: {  	_ =	swait.ge [sflag:s25], $0x4000  }
0xc9: {  	[sflag:s25] =	ssyncset.done $0x0  }
0xca: {  	[sflag:s25] =	ssyncadd.s32 $0xFFFFC000  }
0xcb: {  	[tilespmem:s19], [sflag:$0x3] =	stream.linear.gather [spmem:s15], $0x4000, $0x38;
	[tilespmem:$0x1E800] =	vst v63  }
0xcc: {  	_ =	swait.ge [sflag:s25], $0x4000  }
0xcd: {  	[sflag:s25] =	ssyncset.done $0x0  }
0xce: {  	[sflag:s25] =	ssyncadd.s32 $0xFFFFC000  }
0xcf: {  	[hbm4b:s21+s3] =	stream.linear.scatter [tilespmem:s19], [sflag:$0x3], $0x4000, $0x38;
	[tilespmem:$0x1E800] =	vst v63  }
0xd0: {  	_ =	swait.ge [sflag:s25], $0x4000  }
0xd1: {  	[sflag:s25] =	ssyncset.done $0x0  }
0xd2: {  	[sflag:s25] =	ssyncadd.s32 $0xFFFFC000  }
0xd3: {  	[tilespmem:s19], [sflag:$0x3] =	stream.linear.gather [spmem:s16], $0x4000, $0x38;
	[tilespmem:$0x1E800] =	vst v63  }
0xd4: {  	_ =	swait.ge [sflag:s25], $0x4000  }
0xd5: {  	[sflag:s25] =	ssyncset.done $0x0  }
0xd6: {  	[sflag:s25] =	ssyncadd.s32 $0xFFFFC000  }
0xd7: {  	[hbm4b:s22+s3] =	stream.linear.scatter [tilespmem:s19], [sflag:$0x3], $0x4000, $0x38;
	[tilespmem:$0x1E800] =	vst v63  }
0xd8: {  	_ =	swait.ge [sflag:s25], $0x4000  }
0xd9: {  	[sflag:s25] =	ssyncset.done $0x0  }
0xda: {  	[sflag:s25] =	ssyncadd.s32 $0xFFFFC000  }
0xdb: {  	[tilespmem:s19], [sflag:$0x3] =	stream.linear.gather [spmem:s17], $0x4000, $0x38;
	[tilespmem:$0x1E800] =	vst v63  }
0xdc: {  	_ =	swait.ge [sflag:s25], $0x4000  }
0xdd: {  	[sflag:s25] =	ssyncset.done $0x0  }
0xde: {  	[sflag:s25] =	ssyncadd.s32 $0xFFFFC000  }
0xdf: {  	[hbm4b:s23+s3] =	stream.linear.scatter [tilespmem:s19], [sflag:$0x3], $0x4000, $0x38;
	[tilespmem:$0x1E800] =	vst v63  }
0xe0: {  	_ =	swait.ge [sflag:s25], $0x4000  }
0xe1: {  	[sflag:s25] =	ssyncset.done $0x0  }
0xe2: {  	[sflag:s25] =	ssyncadd.s32 $0xFFFFC000  }
0xe3: {  	[tilespmem:s19], [sflag:$0x3] =	stream.linear.gather [spmem:s18], $0x4000, $0x38;
	[tilespmem:$0x1E800] =	vst v63  }
0xe4: {  	_ =	swait.ge [sflag:s25], $0x4000  }
0xe5: {  	[sflag:s25] =	ssyncset.done $0x0  }
0xe6: {  	[sflag:s25] =	ssyncadd.s32 $0xFFFFC000  }
0xe7: {  	[hbm4b:s24+s3] =	stream.linear.scatter [tilespmem:s19], [sflag:$0x3], $0x4000, $0x38;
	[tilespmem:$0x1E800] =	vst v63  }
0xe8: {  	_ =	swait.ge [sflag:s25], $0x4000  }
0xe9: {  	s7 =	sadd.s32 $0x1, s7;
	s8 =	rddreg [dreg:$0x8]  }
0xea: {  	p0 =	sne.s32 s7, s8  }
.Ltmp3:
0xeb: {  	_ = 	snop;
	(pc) =	sbr.rel @p0 .LBB2_1-.Ltmp3, $3  }
0xec: {  	_ =	sdelay $0x1  }
0xed: {  	[sflag:s25] =	ssyncset.done $0x0  }
0xee: {  	[sflag:s25] =	ssyncadd.s32 $0xFFFFC000  }
0xef: {  	_ =	sfence.sel $0x180000  }
0xf0: {  	[bflag:$0x0] =	sbarrier.arrive $0xFFFF  }
0xf1: {  	_ =	strace $0x90000047  }
0xf2: {  	s0 =	stileid.u32;
	[bflag:$0x2] =	sbarrier.arrive $0xFFFF  }
0xf3: {  	p0 =	sne.s32 s0, $0x0;
	s0 =	rddreg [dreg:$0x3]  }
0xf4: {  	s0 =	sadd.s32 @!p0 $0x100000, s0  }
0xf5: {  	[sflag:s0] =	ssyncadd.tile.s32 @!p0 $0x1;
	_ =	shalt  }
.Lfunc_end2:
_tile_overlayer_lowered:
.L_overlay_start_2:
0xf6: {  	(tag) =	ssettag $0x2  }
0xf7: {  	s0 =	rddreg [dreg:$0x0];
	s2 =	stileid.u32  }
0xf8: {  	s1 =	rddreg [dreg:$0x1];
	p0 =	sne.s32 s2, $0x0  }
0xf9: {  	s3 =	rddreg [dreg:$0x2];
	[bflag:$0x3] =	sbarrier.arrive $0xFFFF;
	s2 =	simm.s32 @!p0 $0x1C03  }
0xfa: {  	[timem:s3], [sflag:s2] =	dma.local @!p0 [hbm:s0], s1  }
0xfb: {  	s0 =	simm.s32 @!p0 $0x3  }
0xfc: {  	_ =	swait.ge @!p0 [sflag:s0], s1  }
0xfd: {  	s1 =	ssub.s32 @!p0 $0x0, s1;
	[sflag:s0] =	ssyncset.done @!p0 $0x0  }
0xfe: {  	[sflag:s0] =	ssyncadd.s32 @!p0 s1  }
0xff: {  	[bflag:$0x3] =	sbarrier.arrive $0xFFFF  }
0x100: {  	_ =	shalt  }

// kernel: kernel.13.cloned.1.call-start
scs
__scs_entry_jumppad:
0x0: {  	(pc) =	sbr.rel $0x88, $3  }
0x1: {  	(tag) =	ssettag $0x0;
	lr =	simm.s32 $0x1  }
0x2: {  	[smem:$0x3F92] =	sst lr;
	_ =	strace $0xD0000000  }
0x3: {  	_ = 	snop  }
0x4: {  	_ = 	snop  }
0x5: {  	_ = 	snop  }
0x6: {  	_ = 	snop  }
0x7: {  	_ = 	snop  }
__scs_overlays_trampoline_lowered:
0x8: {  	[smem:$0x3FA1] =	sst s0  }
0x9: {  	[smem:$0x3FA2] =	sst s1  }
0xa: {  	[smem:$0x3FA3] =	sst s2  }
0xb: {  	[smem:$0x3FA4] =	sst s3  }
0xc: {  	[smem:$0x3FA5] =	sst s4  }
0xd: {  	[smem:$0x3FA6] =	sst s5  }
0xe: {  	[smem:$0x3FA7] =	sst s6  }
0xf: {  	[smem:$0x3FA8] =	sst s7  }
0x10: {  	[smem:$0x3FA9] =	sst s8  }
0x11: {  	[smem:$0x3FAA] =	sst s9;
	s0 =	simm.s32 @!p0 $0x0  }
0x12: {  	s1 =	sld [smem:$0x3F90];
	s0 =	simm.s32 @p0 $0x1  }
0x13: {  	[smem:$0x3FAB] =	sst s0;
	s0 =	simm.s32 @!p1 $0x0  }
0x14: {  	s2 =	sld [smem:$0x3F8F];
	s0 =	simm.s32 @p1 $0x1  }
0x15: {  	[smem:$0x3FAC] =	sst s0;
	s0 =	simm.s32 @!p2 $0x0  }
0x16: {  	s3 =	sld [smem:$0x3FDB];
	s0 =	simm.s32 @p2 $0x1  }
0x17: {  	s4 =	simm.s32 $0x1BF5;
	[smem:$0x3FAE] =	sst s0  }
0x18: {  	s0 =	sld [smem:$0x3F91];
	_ =	swait.ge [sflag:s4], $0x0  }
0x19: {  	s7 =	sld [smem:$0x3F92]  }
0x1a: {  	s8 =	sadd.s32 $0xFFFFE003, lr  }
0x1b: {  	s9 =	sadd.s32 $0xFFFFFEF7, lr;
	s5 =	simm.s32 $0xFFFFFFFF;
	p2 =	slt.u32 s8, $0xFFFFF086  }
0x1c: {  	p1 =	slt.u32 s9, $0xF7A;
	s5 =	simm.s32 @!p2 $0x0  }
0x1d: {  	s5 =	simm.s32 @p1 $0x1;
	p0 =	seq.s32 s7, s2  }
0x1e: {  	s7 =	smul.u32 @!p0 $0xF7A, s2;
	p2 =	seq.s32 @!p0 s5, $0x0  }
0x1f: {  	s9 =	smul.u32 $0xF7A, s1;
	s8 =	simm.s32 @!p0 $0x1BF5;
	p2 =	por !p2, p0  }
0x20: {  	[sflag:s8] =	ssyncset.s32 @!p0 $0xFFFFF086;
	s6 =	sadd.s32 @!p0 s3, s7;
	s7 =	simm.s32 @!p0 $0x108  }
0x21: {  	s3 =	sadd.s32 s3, s9;
	s6 =	sadd.s32 @!p0 $0x88, s6;
	s7 =	simm.s32 @p2 $0x1082  }
0x22: {  	[simem:s7], [sflag:s8] =	dma.local @!p0 [hbm:s6], $0xF7A  }
0x23: {  	s9 =	sor.u32 $0xD0000000, s2;
	s6 =	simm.s32 $0x108;
	_ =	swait.ge @!p0 [sflag:s8], $0x0  }
0x24: {  	s3 =	sadd.s32 $0x88, s3;
	s6 =	simm.s32 @!p1 $0x1082;
	[sflag:s4] =	ssyncset.s32 $0xFFFFF086  }
0x25: {  	[simem:s6], [sflag:s4] =	dma.local [hbm:s3], $0xF7A  }
0x26: {  	[smem:$0x3F92] =	sst s1;
	(tag) =	ssettag s2;
	_ =	strace s9  }
0x27: {  	s1 =	sld [smem:$0x3FA2]  }
0x28: {  	s2 =	sld [smem:$0x3FA3]  }
0x29: {  	s4 =	sld [smem:$0x3FA5]  }
0x2a: {  	p0 =	seq.s32 s5, $0x0;
	s5 =	sld [smem:$0x3FA6]  }
0x2b: {  	s6 =	sld [smem:$0x3FA7]  }
0x2c: {  	s7 =	sld [smem:$0x3FA8]  }
0x2d: {  	s3 =	simm.s32 $0x108;
	s8 =	sld [smem:$0x3FA9]  }
0x2e: {  	s3 =	simm.s32 @!p0 $0x1082;
	s9 =	sld [smem:$0x3FAA]  }
0x2f: {  	lr =	sadd.s32 s0, s3;
	s0 =	sld [smem:$0x3FA1]  }
0x30: {  	s3 =	sld [smem:$0x3FA4]  }
0x31: {  	[smem:$0x3FAD] =	sst s10  }
0x32: {  	s10 =	sld [smem:$0x3FAB];
	_ =	sdelay $0x3  }
0x33: {  	p0 =	seq.s32 s10, $0x1;
	s10 =	sld [smem:$0x3FAD];
	_ =	sdelay $0x3  }
0x34: {  	[smem:$0x3FAD] =	sst s10  }
0x35: {  	s10 =	sld [smem:$0x3FAC];
	_ =	sdelay $0x3  }
0x36: {  	p1 =	seq.s32 s10, $0x1;
	s10 =	sld [smem:$0x3FAD];
	_ =	sdelay $0x3  }
0x37: {  	[smem:$0x3FAD] =	sst s10  }
0x38: {  	s10 =	sld [smem:$0x3FAE]  }
0x39: {  	_ = 	snop;
	(pc) =	sbr.ind lr, $3  }
0x3a: {  	_ = 	snop  }
0x3b: {  	_ = 	snop  }
0x3c: {  	p2 =	seq.s32 s10, $0x1;
	s10 =	sld [smem:$0x3FAD]  }
0x3d: {  	_ =	shalt  }
0x3e: {  	_ =	shalt  }
0x3f: {  	_ =	shalt  }
0x40: {  	_ =	shalt  }
0x41: {  	_ =	shalt  }
0x42: {  	_ =	shalt  }
0x43: {  	_ =	shalt  }
0x44: {  	_ =	shalt  }
0x45: {  	_ =	shalt  }
0x46: {  	_ =	shalt  }
0x47: {  	_ =	shalt  }
0x48: {  	_ =	shalt  }
0x49: {  	_ =	shalt  }
0x4a: {  	_ =	shalt  }
0x4b: {  	_ =	shalt  }
0x4c: {  	_ =	shalt  }
0x4d: {  	_ =	shalt  }
0x4e: {  	_ =	shalt  }
0x4f: {  	_ =	shalt  }
0x50: {  	_ =	shalt  }
0x51: {  	_ =	shalt  }
0x52: {  	_ =	shalt  }
0x53: {  	_ =	shalt  }
0x54: {  	_ =	shalt  }
0x55: {  	_ =	shalt  }
0x56: {  	_ =	shalt  }
0x57: {  	_ =	shalt  }
0x58: {  	_ =	shalt  }
0x59: {  	_ =	shalt  }
0x5a: {  	_ =	shalt  }
0x5b: {  	_ =	shalt  }
0x5c: {  	_ =	shalt  }
0x5d: {  	_ =	shalt  }
0x5e: {  	_ =	shalt  }
0x5f: {  	_ =	shalt  }
0x60: {  	_ =	shalt  }
0x61: {  	_ =	shalt  }
0x62: {  	_ =	shalt  }
0x63: {  	_ =	shalt  }
0x64: {  	_ =	shalt  }
0x65: {  	_ =	shalt  }
0x66: {  	_ =	shalt  }
0x67: {  	_ =	shalt  }
0x68: {  	_ =	shalt  }
0x69: {  	_ =	shalt  }
0x6a: {  	_ =	shalt  }
0x6b: {  	_ =	shalt  }
0x6c: {  	_ =	shalt  }
0x6d: {  	_ =	shalt  }
0x6e: {  	_ =	shalt  }
0x6f: {  	_ =	shalt  }
0x70: {  	_ =	shalt  }
0x71: {  	_ =	shalt  }
0x72: {  	_ =	shalt  }
0x73: {  	_ =	shalt  }
0x74: {  	_ =	shalt  }
0x75: {  	_ =	shalt  }
0x76: {  	_ =	shalt  }
0x77: {  	_ =	shalt  }
0x78: {  	_ =	shalt  }
0x79: {  	_ =	shalt  }
0x7a: {  	_ =	shalt  }
0x7b: {  	_ =	shalt  }
0x7c: {  	_ =	shalt  }
0x7d: {  	_ =	shalt  }
0x7e: {  	_ =	shalt  }
0x7f: {  	_ =	shalt  }
0x80: {  	_ =	shalt  }
0x81: {  	_ =	shalt  }
0x82: {  	_ =	shalt  }
0x83: {  	_ =	shalt  }
0x84: {  	_ =	shalt  }
0x85: {  	_ =	shalt  }
0x86: {  	_ =	shalt  }
0x87: {  	_ =	shalt  }
.Lfunc_end0:
.L_simem_size_0:
called_computation.1_lowered:
.L_overlay_start_0:
0x88: {  	s2 =	sld [smem:$0x3FD9]  }
0x89: {  	s3 =	sld [smem:$0x3FFE];
	_ =	sdelay $0x1  }
0x8a: {  	s1 =	srdreg.scid  }
0x8b: {  	s0 =	sand.u32 $0x1, s1  }
0x8c: {  	s16 =	sshll.u32 s0, $0xA;
	s2 =	sadd.s32 s3, s2  }
0x8d: {  	s2 =	sadd.s32 s2, s16  }
0x8e: {  	[smem:$0x3FB9] =	sst s2  }
0x8f: {  	_ = 	snop  }
0x90: {  	(tm) =	ssettm $0x1  }
0x91: {  	s17 =	sld [smem:$0x3FFB];
	_ =	sdelay $0x3  }
0x92: {  	_ =	strace s17  }
0x93: {  	s2 =	sld [smem:$0x3FFC];
	_ =	sdelay $0x3  }
0x94: {  	_ =	strace s2  }
0x95: {  	s2 =	sld [smem:$0x3FFD];
	_ =	sdelay $0x3  }
0x96: {  	_ =	strace s2  }
0x97: {  	_ =	strace $0x8FFFFFFF  }
0x98: {  	s18 =	sld [smem:$0x3FDB];
	_ =	sdelay $0x1  }
0x99: {  	s19 =	simm.s32 $_scs_section_size  }
0x9a: {  	s4 =	simm.s32 $_size__tile_overlayer_lowered;
	s5 =	simm.s32 $_tile_overlayer_lowered  }
0x9b: {  	s22 =	simm.s32 $0x1BFF;
	s21 =	sshll.u32 s5, $0x1;
	s2 =	sadd.s32 s19, s18  }
0x9c: {  	s6 =	simm.s32 $0x0;
	s20 =	sshll.u32 s4, $0x1;
	s4 =	sadd.s32 s21, s2  }
0x9d: {  	[timem:s6], [sflag:s22] =	dma.local [hbm:s4], s20  }
0x9e: {  	_ =	swait.ge [sflag:s22], s20  }
0x9f: {  	s3 =	ssub.s32 $0x0, s20;
	[sflag:s22] =	ssyncset.done $0x0  }
0xa0: {  	[sflag:s22] =	ssyncadd.s32 s3;
	_ =	sdelay $0x1  }
0xa1: {  	s23 =	simm.s32 $0x1B8B  }
0xa2: {  	_ =	swait.ge [sflag:s23], $0x1  }
0xa3: {  	[sflag:s23] =	ssyncset.done $0x0  }
0xa4: {  	s25 =	simm.s32 $0x1B8E;
	s24 =	sld [smem:$0x3FFE];
	[sflag:s23] =	ssyncadd.s32 $0xFFFFFFFF  }
0xa5: {  	s26 =	simm.s32 $execute0_lowered;
	[smem:$0x3FD2] =	sst s25  }
0xa6: {  	s4 =	sshll.u32 s26, $0x1;
	_ =	strace $0x80000049;
	[dreg:$0x1] =	wrdreg $0xFFFFFFFF  }
0xa7: {  	s28 =	simm.s32 $_size_execute0_lowered;
	s2 =	sadd.s32 s2, s4;
	[dreg:$0x0] =	wrdreg $0x0  }
0xa8: {  	s4 =	sshll.u32 s28, $0x1;
	[dreg:$0x2] =	wrdreg s2  }
0xa9: {  	[dreg:$0x3] =	wrdreg s4  }
0xaa: {  	[dreg:$0x4] =	wrdreg $0xC0  }
0xab: {  	_ =	task [dreg:s6], $0x5FFFF  }
0xac: {  	[dreg:$0x1] =	wrdreg $0xFFFFFFFF  }
0xad: {  	[dreg:$0x0] =	wrdreg $0x60  }
0xae: {  	[dreg:$0x2] =	wrdreg s24  }
0xaf: {  	[dreg:$0x3] =	wrdreg $0xA8000  }
0xb0: {  	[dreg:$0x4] =	wrdreg $0x9  }
0xb1: {  	_ =	task.clear_ibuf [dreg:s6], $0x5FFFF;
	_ =	strace $0x90000049  }
0xb2: {  	s29 =	simm.s32 $0x9;
	_ =	strace $0x8000004B  }
0xb3: {  	_ =	swait.ge [sflag:s29], $0x1  }
0xb4: {  	[sflag:s29] =	ssyncadd.s32 $0xFFFFFFFF  }
0xb5: {  	_ =	strace $0x9000004B  }
0xb6: {  	_ =	sfence  }
0xb7: {  	s30 =	sld [smem:$0x0];
	_ =	sdelay $0x2  }
0xb8: {  	s31 =	sshll.u32 s1, $0xD;
	s1 =	sshrl.u32 s1, $0x2  }
0xb9: {  	s3 =	sand.u32 $0x4000, s31;
	s1 =	sadd.s32 s1, s30  }
0xba: {  	s0 =	sor.u32 s3, s0;
	s1 =	sshll.u32 s1, $0x11  }
0xbb: {  	s0 =	sor.u32 s1, s0  }
0xbc: {  	s0 =	sadd.s32 $0x8F2B, s0  }
0xbd: {  	[sflag:s0] =	ssyncadd.remote.s32 $0x1  }
0xbe: {  	_ =	sfence.sel $0xFFFF  }
0xbf: {  	[dreg:$0x0] =	wrdreg $0xFFFFFFFF;
	(pc) =	sbr.abs _section_cstart, $3  }
0xc0: {  	[dreg:$0x1] =	wrdreg $0xFFFFFFFF  }
0xc1: {  	_ =	task.clear_ibuf [dreg:s6], $0x2FFFF;
	_ =	strace $0x9FFFFFFF  }
0xc2: {  	(tm) =	ssettm $0x7FFFFFFF  }
0xc3: {  	_ =	shalt  }
tec
execute0_lowered:
.L_overlay_start_1:
0x0: {  	(tag) =	ssettag $0x1  }
0x1: {  	s0 =	rddreg [dreg:$0x0]  }
0x2: {  	s1 =	rddreg [dreg:$0x1]  }
0x3: {  	s2 =	simm.s32 $0x0;
	s3 =	srdreg.scid;
	s15 =	stileid.u32  }
0x4: {  	s28 =	simm.s32 $0x80;
	s29 =	simm.s32 $0x1;
	s30 =	simm.s32 $0x6800  }
0x5: {  	s31 =	simm.s32 $0x2;
	[smem:$0x7FF] =	sst s2;
	s9 =	smul.u32 $0x50000, s15  }
0x6: {  	s4 =	sadd.s32 $0x18000, s0;
	s3 =	sand.u32 $0x1, s3;
	s20 =	smul.u32 $0x280, s15  }
0x7: {  	s6 =	sadd.s32 $0x4000, s0;
	s7 =	sshll.u32 s15, $0x1;
	s24 =	smul.u32 $0x2800, s15  }
0x8: {  	s8 =	sadd.s32 $0xE000, s0;
	s5 =	smul.u32 $0x28000, s3;
	s7 =	sor.u32 s3, s7  }
0x9: {  	_ =	strace $0x8000004A;
	s3 =	ssub.s32 $0x2, s3;
	s10 =	smul.u32 $0x2800, s7  }
0xa: {  	s14 =	sshrl.u32 s3, $0x1;
	s9 =	sshrl.u32 s9, $0x2;
	s7 =	smul.u32 $0x500, s7  }
0xb: {  	s21 =	sadd.s32 $0x80, s20;
	s23 =	sadd.s32 $0x100, s20;
	s26 =	sadd.s32 $0x180, s20  }
0xc: {  	s0 =	sadd.s32 s5, s0;
	s3 =	ssub.s32 s3, s14;
	s5 =	sadd.s32 s9, s1  }
0xd: {  	s22 =	sshll.u32 s21, $0x7;
	s25 =	sshll.u32 s23, $0x7;
	s16 =	sshrl.u32 s10, $0x3  }
0xe: {  	s17 =	sadd.s32 s6, s7;
	s7 =	sadd.s32 s8, s7;
	s0 =	sadd.s32 $0x3F200, s0  }
0xf: {  	s3 =	smax.u32 s3, $0x1;
	s11 =	sadd.s32 $0x4000, s5;
	s12 =	sadd.s32 $0x8000, s5  }
0x10: {  	s13 =	sadd.s32 $0xC000, s5;
	s14 =	sadd.s32 $0x10000, s5;
	[dreg:$0x3] =	wrdreg s17  }
0x11: {  	s15 =	sadd.s32 s22, s1;
	[dreg:$0x4] =	wrdreg s7;
	s18 =	sadd.s32 $0x280, s16  }
0x12: {  	[dreg:$0x7] =	wrdreg s3;
	s3 =	sshll.u32 s21, $0x4;
	s16 =	sadd.s32 s25, s1  }
0x13: {  	s17 =	sshll.u32 s26, $0x7;
	s7 =	sshll.u32 s26, $0x4;
	s25 =	simm.s32 $0x3  }
0x14: {  	s26 =	simm.s32 $0x1400;
	s6 =	sadd.s32 s6, s18;
	s19 =	sadd.s32 s8, s18  }
0x15: {  	s8 =	sshll.u32 s23, $0x4;
	s17 =	sadd.s32 s17, s1;
	s21 =	sadd.s32 s3, s0  }
0x16: {  	s23 =	sadd.s32 s7, s0;
	s3 =	simm.s32 $0x2700;
	[dreg:$0x5] =	wrdreg s6  }
0x17: {  	s7 =	simm.s32 $0x0;
	[dreg:$0x6] =	wrdreg s19;
	s6 =	sadd.s32 $0x200, s20  }
0x18: {  	s19 =	simm.s32 $0x2800;
	s20 =	sadd.s32 s24, s0;
	s18 =	sshll.u32 s6, $0x7  }
0x19: {  	s22 =	sadd.s32 s8, s0;
	s6 =	sshll.u32 s6, $0x4;
	s18 =	sadd.s32 s18, s1  }
0x1a: {  	v0 =	vimm.f32 $0.0e+00;
	s24 =	sadd.s32 s6, s0;
	s0 =	simm.s32 $0x1380;
	s6 =	simm.s32 $0x2780  }
.LBB2_1:
0x1b: {  	s8 =	simm.s32 $0x0;
	s9 =	simm.s32 $0x200  }
.LBB2_2:
0x1c: {  	p0 =	sne.s32 s9, $0xFE00;
	[tilespmem:s8+$0x2870] =	vst v0  }
0x1d: {  	[tilespmem:s8+$0x2800] =	vst v0  }
0x1e: {  	[tilespmem:s8+$0x2810] =	vst v0  }
.Ltmp0:
0x1f: {  	[tilespmem:s8+$0x2820] =	vst v0;
	(pc) =	sbr.rel @p0 .LBB2_2-.Ltmp0, $4  }
0x20: {  	[tilespmem:s8+$0x2830] =	vst v0  }
0x21: {  	[tilespmem:s8+$0x2840] =	vst v0  }
0x22: {  	[tilespmem:s8+$0x2850] =	vst v0  }
0x23: {  	[tilespmem:s8+$0x2860] =	vst v0;
	s8 =	sshra.s32 s9, $0x2;
	s9 =	sadd.s32 $0x200, s9  }
0x24: {  	[tilespmem:s8+$0x2870] =	vst v0  }
0x25: {  	[tilespmem:s8+$0x2800] =	vst v0  }
0x26: {  	[tilespmem:s8+$0x2810] =	vst v0  }
0x27: {  	[tilespmem:s8+$0x2820] =	vst v0  }
0x28: {  	[tilespmem:s8+$0x2830] =	vst v0  }
0x29: {  	[tilespmem:s8+$0x2840] =	vst v0  }
0x2a: {  	[tilespmem:s8+$0x2850] =	vst v0  }
0x2b: {  	[tilespmem:s8+$0x2860] =	vst v0  }
0x2c: {  	[spmem:s5] =	stream.linear.scatter [tilespmem:s19], [sflag:$0x3], $0x4000, $0x38;
	[tilespmem:$0x1E800] =	vst v63  }
0x2d: {  	_ =	swait.ge [sflag:s25], $0x4000  }
0x2e: {  	[sflag:s25] =	ssyncset.done $0x0  }
0x2f: {  	[sflag:s25] =	ssyncadd.s32 $0xFFFFC000  }
0x30: {  	[spmem:s11] =	stream.linear.scatter [tilespmem:s19], [sflag:$0x3], $0x4000, $0x38;
	[tilespmem:$0x1E800] =	vst v63  }
0x31: {  	_ =	swait.ge [sflag:s25], $0x4000  }
0x32: {  	[sflag:s25] =	ssyncset.done $0x0  }
0x33: {  	[sflag:s25] =	ssyncadd.s32 $0xFFFFC000  }
0x34: {  	[spmem:s12] =	stream.linear.scatter [tilespmem:s19], [sflag:$0x3], $0x4000, $0x38;
	[tilespmem:$0x1E800] =	vst v63  }
0x35: {  	_ =	swait.ge [sflag:s25], $0x4000  }
0x36: {  	[sflag:s25] =	ssyncset.done $0x0  }
0x37: {  	[sflag:s25] =	ssyncadd.s32 $0xFFFFC000  }
0x38: {  	[spmem:s13] =	stream.linear.scatter [tilespmem:s19], [sflag:$0x3], $0x4000, $0x38;
	[tilespmem:$0x1E800] =	vst v63  }
0x39: {  	_ =	swait.ge [sflag:s25], $0x4000  }
0x3a: {  	[sflag:s25] =	ssyncset.done $0x0  }
0x3b: {  	[sflag:s25] =	ssyncadd.s32 $0xFFFFC000  }
0x3c: {  	[spmem:s14] =	stream.linear.scatter [tilespmem:s19], [sflag:$0x3], $0x4000, $0x38;
	[tilespmem:$0x1E800] =	vst v63  }
0x3d: {  	_ =	swait.ge [sflag:s25], $0x4000  }
0x3e: {  	[sflag:s25] =	ssyncset.done $0x0  }
0x3f: {  	[sflag:s25] =	ssyncadd.s32 $0xFFFFC000  }
0x40: {  	[bflag:$0x0] =	sbarrier.arrive $0xFFFF  }
0x41: {  	s8 =	simm.s32 $0x0;
	s9 =	rddreg [dreg:$0x3]  }
0x42: {  	[tilespmem:s8], [sflag:$0x3] =	stream.linear.gather [hbm4b:s9+s8], $0x1400, $0x38;
	[tilespmem:$0x1E800] =	vst v63  }
0x43: {  	_ =	swait.ge [sflag:s25], $0x1400  }
0x44: {  	[sflag:s25] =	ssyncset.done $0x0  }
0x45: {  	s10 =	rddreg [dreg:$0x4];
	[sflag:s25] =	ssyncadd.s32 $0xFFFFEC00  }
0x46: {  	[tilespmem:s26], [sflag:$0x3] =	stream.linear.gather [hbm4b:s10+s8], $0x1400, $0x38;
	[tilespmem:$0x1E800] =	vst v63  }
0x47: {  	_ =	swait.ge [sflag:s25], $0x1400  }
0x48: {  	[sflag:s25] =	ssyncset.done $0x0  }
0x49: {  	[sflag:s25] =	ssyncadd.s32 $0xFFFFEC00  }
0x4a: {  	[tilespmem:s19], [sflag:$0x1] =	stream.indirect.gather [hbm4b:s4+s28], $0x80, s8, s28, $0xb8;
	[tilespmem:$0x1E800] =	vst v63  }
0x4b: {  	_ =	swait.ge [sflag:s29], $0x4000  }
0x4c: {  	[sflag:s29] =	ssyncset.done $0x0  }
0x4d: {  	s9 =	simm.s32 $0x80;
	[sflag:s29] =	ssyncadd.s32 $0xFFFFC000  }
0x4e: {  	[tilespmem:s30], [sflag:$0x2] =	stream.indirect.gather [hbm4b:s4+s28], $0x80, s9, s28, $0xb8;
	[tilespmem:$0x1E800] =	vst v63  }
0x4f: {  	s10 =	simm.s32 $0x1400  }
0x50: {  	[spmem:s1] =	stream.indirect.scatter.add.f32 [tilespmem:s19], [sflag:$0x3], $0x80, s10, s28, $0xb8;
	[tilespmem:$0x1E800] =	vst v63  }
0x51: {  	_ =	swait.ge [sflag:s25], $0x4000  }
0x52: {  	[sflag:s25] =	ssyncset.done $0x0  }
0x53: {  	[sflag:s25] =	ssyncadd.s32 $0xFFFFC000  }
0x54: {  	_ =	swait.ge [sflag:s31], $0x4000  }
0x55: {  	[sflag:s31] =	ssyncset.done $0x0  }
0x56: {  	s9 =	simm.s32 $0x100;
	[sflag:s31] =	ssyncadd.s32 $0xFFFFC000  }
0x57: {  	[tilespmem:s19], [sflag:$0x1] =	stream.indirect.gather [hbm4b:s4+s28], $0x80, s9, s28, $0xb8;
	[tilespmem:$0x1E800] =	vst v63  }
0x58: {  	s10 =	simm.s32 $0x1480  }
0x59: {  	[spmem:s1] =	stream.indirect.scatter.add.f32 [tilespmem:s30], [sflag:$0x3], $0x80, s10, s28, $0xb8;
	[tilespmem:$0x1E800] =	vst v63  }
0x5a: {  	_ =	swait.ge [sflag:s25], $0x4000  }
0x5b: {  	s8 =	simm.s32 $0x400;
	[sflag:s25] =	ssyncset.done $0x0  }
.LBB2_4:
0x5c: {  	p0 =	sne.s32 s8, $0x4800  }
0x5d: {  	[sflag:s25] =	ssyncadd.s32 $0xFFFFC000;
	s9 =	smov.u32 s8;
	s8 =	sadd.s32 $0x400, s8  }
0x5e: {  	_ = 	snop  }
0x5f: {  	_ =	swait.ge [sflag:s29], $0x4000  }
0x60: {  	s9 =	sshra.s32 s9, $0x2;
	[sflag:s29] =	ssyncset.done $0x0  }
0x61: {  	s10 =	sadd.s32 $0x80, s9;
	[sflag:s29] =	ssyncadd.s32 $0xFFFFC000  }
0x62: {  	[tilespmem:s30], [sflag:$0x2] =	stream.indirect.gather [hbm4b:s4+s28], $0x80, s10, s28, $0xb8;
	[tilespmem:$0x1E800] =	vst v63  }
0x63: {  	s10 =	sadd.s32 $0x1400, s9  }
0x64: {  	[spmem:s1] =	stream.indirect.scatter.add.f32 [tilespmem:s19], [sflag:$0x3], $0x80, s10, s28, $0xb8;
	[tilespmem:$0x1E800] =	vst v63  }
0x65: {  	_ =	swait.ge [sflag:s25], $0x4000  }
0x66: {  	[sflag:s25] =	ssyncset.done $0x0  }
0x67: {  	[sflag:s25] =	ssyncadd.s32 $0xFFFFC000  }
0x68: {  	_ =	swait.ge [sflag:s31], $0x4000  }
0x69: {  	[sflag:s31] =	ssyncset.done $0x0  }
0x6a: {  	s10 =	sadd.s32 $0x100, s9;
	[sflag:s31] =	ssyncadd.s32 $0xFFFFC000  }
0x6b: {  	[tilespmem:s19], [sflag:$0x1] =	stream.indirect.gather [hbm4b:s4+s28], $0x80, s10, s28, $0xb8;
	[tilespmem:$0x1E800] =	vst v63  }
.Ltmp1:
0x6c: {  	_ = 	snop;
	(pc) =	sbr.rel @p0 .LBB2_4-.Ltmp1, $4  }
0x6d: {  	s9 =	sadd.s32 $0x1480, s9  }
0x6e: {  	[spmem:s1] =	stream.indirect.scatter.add.f32 [tilespmem:s30], [sflag:$0x3], $0x80, s9, s28, $0xb8;
	[tilespmem:$0x1E800] =	vst v63  }
0x6f: {  	_ =	swait.ge [sflag:s25], $0x4000  }
0x70: {  	[sflag:s25] =	ssyncset.done $0x0  }
0x71: {  	[sflag:s25] =	ssyncadd.s32 $0xFFFFC000  }
0x72: {  	_ =	swait.ge [sflag:s29], $0x4000  }
0x73: {  	[sflag:s29] =	ssyncset.done $0x0  }
0x74: {  	[sflag:s29] =	ssyncadd.s32 $0xFFFFC000  }
0x75: {  	[tilespmem:s30], [sflag:$0x2] =	stream.indirect.gather [hbm4b:s4+s28], $0x80, s0, s28, $0xb8;
	[tilespmem:$0x1E800] =	vst v63  }
0x76: {  	_ = 	snop  }
0x77: {  	[spmem:s1] =	stream.indirect.scatter.add.f32 [tilespmem:s19], [sflag:$0x3], $0x80, s3, s28, $0xb8;
	[tilespmem:$0x1E800] =	vst v63  }
0x78: {  	_ =	swait.ge [sflag:s25], $0x4000  }
0x79: {  	[sflag:s25] =	ssyncset.done $0x0  }
0x7a: {  	[sflag:s25] =	ssyncadd.s32 $0xFFFFC000  }
0x7b: {  	_ =	swait.ge [sflag:s31], $0x4000  }
0x7c: {  	[sflag:s31] =	ssyncset.done $0x0  }
0x7d: {  	[sflag:s31] =	ssyncadd.s32 $0xFFFFC000  }
0x7e: {  	[spmem:s1] =	stream.indirect.scatter.add.f32 [tilespmem:s30], [sflag:$0x3], $0x80, s6, s28, $0xb8;
	[tilespmem:$0x1E800] =	vst v63  }
0x7f: {  	_ =	swait.ge [sflag:s25], $0x4000  }
0x80: {  	[sflag:s25] =	ssyncset.done $0x0  }
0x81: {  	s8 =	simm.s32 $0x0;
	s9 =	rddreg [dreg:$0x5];
	[sflag:s25] =	ssyncadd.s32 $0xFFFFC000  }
0x82: {  	[tilespmem:s8], [sflag:$0x3] =	stream.linear.gather [hbm4b:s9+s8], $0x1400, $0x38;
	[tilespmem:$0x1E800] =	vst v63  }
0x83: {  	_ =	swait.ge [sflag:s25], $0x1400  }
0x84: {  	[sflag:s25] =	ssyncset.done $0x0  }
0x85: {  	s10 =	rddreg [dreg:$0x6];
	[sflag:s25] =	ssyncadd.s32 $0xFFFFEC00  }
0x86: {  	[tilespmem:s26], [sflag:$0x3] =	stream.linear.gather [hbm4b:s10+s8], $0x1400, $0x38;
	[tilespmem:$0x1E800] =	vst v63  }
0x87: {  	_ =	swait.ge [sflag:s25], $0x1400  }
0x88: {  	[sflag:s25] =	ssyncset.done $0x0  }
0x89: {  	[sflag:s25] =	ssyncadd.s32 $0xFFFFEC00  }
0x8a: {  	[tilespmem:s19], [sflag:$0x1] =	stream.indirect.gather [hbm4b:s4+s28], $0x80, s8, s28, $0xb8;
	[tilespmem:$0x1E800] =	vst v63  }
0x8b: {  	_ =	swait.ge [sflag:s29], $0x4000  }
0x8c: {  	[sflag:s29] =	ssyncset.done $0x0  }
0x8d: {  	s9 =	simm.s32 $0x80;
	[sflag:s29] =	ssyncadd.s32 $0xFFFFC000  }
0x8e: {  	[tilespmem:s30], [sflag:$0x2] =	stream.indirect.gather [hbm4b:s4+s28], $0x80, s9, s28, $0xb8;
	[tilespmem:$0x1E800] =	vst v63  }
0x8f: {  	s10 =	simm.s32 $0x1400  }
0x90: {  	[spmem:s1] =	stream.indirect.scatter.add.f32 [tilespmem:s19], [sflag:$0x3], $0x80, s10, s28, $0xb8;
	[tilespmem:$0x1E800] =	vst v63  }
0x91: {  	_ =	swait.ge [sflag:s25], $0x4000  }
0x92: {  	[sflag:s25] =	ssyncset.done $0x0  }
0x93: {  	[sflag:s25] =	ssyncadd.s32 $0xFFFFC000  }
0x94: {  	_ =	swait.ge [sflag:s31], $0x4000  }
0x95: {  	[sflag:s31] =	ssyncset.done $0x0  }
0x96: {  	s9 =	simm.s32 $0x100;
	[sflag:s31] =	ssyncadd.s32 $0xFFFFC000  }
0x97: {  	[tilespmem:s19], [sflag:$0x1] =	stream.indirect.gather [hbm4b:s4+s28], $0x80, s9, s28, $0xb8;
	[tilespmem:$0x1E800] =	vst v63  }
0x98: {  	s10 =	simm.s32 $0x1480  }
0x99: {  	[spmem:s1] =	stream.indirect.scatter.add.f32 [tilespmem:s30], [sflag:$0x3], $0x80, s10, s28, $0xb8;
	[tilespmem:$0x1E800] =	vst v63  }
0x9a: {  	_ =	swait.ge [sflag:s25], $0x4000  }
0x9b: {  	s8 =	simm.s32 $0x400;
	[sflag:s25] =	ssyncset.done $0x0  }
.LBB2_6:
0x9c: {  	p0 =	sne.s32 s8, $0x4800  }
0x9d: {  	[sflag:s25] =	ssyncadd.s32 $0xFFFFC000;
	s9 =	smov.u32 s8;
	s8 =	sadd.s32 $0x400, s8  }
0x9e: {  	_ = 	snop  }
0x9f: {  	_ =	swait.ge [sflag:s29], $0x4000  }
0xa0: {  	s9 =	sshra.s32 s9, $0x2;
	[sflag:s29] =	ssyncset.done $0x0  }
0xa1: {  	s10 =	sadd.s32 $0x80, s9;
	[sflag:s29] =	ssyncadd.s32 $0xFFFFC000  }
0xa2: {  	[tilespmem:s30], [sflag:$0x2] =	stream.indirect.gather [hbm4b:s4+s28], $0x80, s10, s28, $0xb8;
	[tilespmem:$0x1E800] =	vst v63  }
0xa3: {  	s10 =	sadd.s32 $0x1400, s9  }
0xa4: {  	[spmem:s1] =	stream.indirect.scatter.add.f32 [tilespmem:s19], [sflag:$0x3], $0x80, s10, s28, $0xb8;
	[tilespmem:$0x1E800] =	vst v63  }
0xa5: {  	_ =	swait.ge [sflag:s25], $0x4000  }
0xa6: {  	[sflag:s25] =	ssyncset.done $0x0  }
0xa7: {  	[sflag:s25] =	ssyncadd.s32 $0xFFFFC000  }
0xa8: {  	_ =	swait.ge [sflag:s31], $0x4000  }
0xa9: {  	[sflag:s31] =	ssyncset.done $0x0  }
0xaa: {  	s10 =	sadd.s32 $0x100, s9;
	[sflag:s31] =	ssyncadd.s32 $0xFFFFC000  }
0xab: {  	[tilespmem:s19], [sflag:$0x1] =	stream.indirect.gather [hbm4b:s4+s28], $0x80, s10, s28, $0xb8;
	[tilespmem:$0x1E800] =	vst v63  }
.Ltmp2:
0xac: {  	_ = 	snop;
	(pc) =	sbr.rel @p0 .LBB2_6-.Ltmp2, $4  }
0xad: {  	s9 =	sadd.s32 $0x1480, s9  }
0xae: {  	[spmem:s1] =	stream.indirect.scatter.add.f32 [tilespmem:s30], [sflag:$0x3], $0x80, s9, s28, $0xb8;
	[tilespmem:$0x1E800] =	vst v63  }
0xaf: {  	_ =	swait.ge [sflag:s25], $0x4000  }
0xb0: {  	[sflag:s25] =	ssyncset.done $0x0  }
0xb1: {  	[sflag:s25] =	ssyncadd.s32 $0xFFFFC000  }
0xb2: {  	_ =	swait.ge [sflag:s29], $0x4000  }
0xb3: {  	[sflag:s29] =	ssyncset.done $0x0  }
0xb4: {  	[sflag:s29] =	ssyncadd.s32 $0xFFFFC000  }
0xb5: {  	[tilespmem:s30], [sflag:$0x2] =	stream.indirect.gather [hbm4b:s4+s28], $0x80, s0, s28, $0xb8;
	[tilespmem:$0x1E800] =	vst v63  }
0xb6: {  	_ = 	snop  }
0xb7: {  	[spmem:s1] =	stream.indirect.scatter.add.f32 [tilespmem:s19], [sflag:$0x3], $0x80, s3, s28, $0xb8;
	[tilespmem:$0x1E800] =	vst v63  }
0xb8: {  	_ =	swait.ge [sflag:s25], $0x4000  }
0xb9: {  	[sflag:s25] =	ssyncset.done $0x0  }
0xba: {  	[sflag:s25] =	ssyncadd.s32 $0xFFFFC000  }
0xbb: {  	_ =	swait.ge [sflag:s31], $0x4000  }
0xbc: {  	[sflag:s31] =	ssyncset.done $0x0  }
0xbd: {  	[sflag:s31] =	ssyncadd.s32 $0xFFFFC000  }
0xbe: {  	[spmem:s1] =	stream.indirect.scatter.add.f32 [tilespmem:s30], [sflag:$0x3], $0x80, s6, s28, $0xb8;
	[tilespmem:$0x1E800] =	vst v63  }
0xbf: {  	_ =	swait.ge [sflag:s25], $0x4000  }
0xc0: {  	[sflag:s25] =	ssyncset.done $0x0  }
0xc1: {  	[sflag:s25] =	ssyncadd.s32 $0xFFFFC000  }
0xc2: {  	[bflag:$0x0] =	sbarrier.arrive $0xFFFF  }
0xc3: {  	[tilespmem:s19], [sflag:$0x3] =	stream.linear.gather [spmem:s5], $0x4000, $0x38;
	[tilespmem:$0x1E800] =	vst v63  }
0xc4: {  	_ =	swait.ge [sflag:s25], $0x4000  }
0xc5: {  	[sflag:s25] =	ssyncset.done $0x0  }
0xc6: {  	[sflag:s25] =	ssyncadd.s32 $0xFFFFC000  }
0xc7: {  	[hbm4b:s20+s2] =	stream.linear.scatter [tilespmem:s19], [sflag:$0x3], $0x4000, $0x38;
	[tilespmem:$0x1E800] =	vst v63  }
0xc8: {  	_ =	swait.ge [sflag:s25], $0x4000  }
0xc9: {  	[sflag:s25] =	ssyncset.done $0x0  }
0xca: {  	[sflag:s25] =	ssyncadd.s32 $0xFFFFC000  }
0xcb: {  	[tilespmem:s19], [sflag:$0x3] =	stream.linear.gather [spmem:s15], $0x4000, $0x38;
	[tilespmem:$0x1E800] =	vst v63  }
0xcc: {  	_ =	swait.ge [sflag:s25], $0x4000  }
0xcd: {  	[sflag:s25] =	ssyncset.done $0x0  }
0xce: {  	[sflag:s25] =	ssyncadd.s32 $0xFFFFC000  }
0xcf: {  	[hbm4b:s21+s2] =	stream.linear.scatter [tilespmem:s19], [sflag:$0x3], $0x4000, $0x38;
	[tilespmem:$0x1E800] =	vst v63  }
0xd0: {  	_ =	swait.ge [sflag:s25], $0x4000  }
0xd1: {  	[sflag:s25] =	ssyncset.done $0x0  }
0xd2: {  	[sflag:s25] =	ssyncadd.s32 $0xFFFFC000  }
0xd3: {  	[tilespmem:s19], [sflag:$0x3] =	stream.linear.gather [spmem:s16], $0x4000, $0x38;
	[tilespmem:$0x1E800] =	vst v63  }
0xd4: {  	_ =	swait.ge [sflag:s25], $0x4000  }
0xd5: {  	[sflag:s25] =	ssyncset.done $0x0  }
0xd6: {  	[sflag:s25] =	ssyncadd.s32 $0xFFFFC000  }
0xd7: {  	[hbm4b:s22+s2] =	stream.linear.scatter [tilespmem:s19], [sflag:$0x3], $0x4000, $0x38;
	[tilespmem:$0x1E800] =	vst v63  }
0xd8: {  	_ =	swait.ge [sflag:s25], $0x4000  }
0xd9: {  	[sflag:s25] =	ssyncset.done $0x0  }
0xda: {  	[sflag:s25] =	ssyncadd.s32 $0xFFFFC000  }
0xdb: {  	[tilespmem:s19], [sflag:$0x3] =	stream.linear.gather [spmem:s17], $0x4000, $0x38;
	[tilespmem:$0x1E800] =	vst v63  }
0xdc: {  	_ =	swait.ge [sflag:s25], $0x4000  }
0xdd: {  	[sflag:s25] =	ssyncset.done $0x0  }
0xde: {  	[sflag:s25] =	ssyncadd.s32 $0xFFFFC000  }
0xdf: {  	[hbm4b:s23+s2] =	stream.linear.scatter [tilespmem:s19], [sflag:$0x3], $0x4000, $0x38;
	[tilespmem:$0x1E800] =	vst v63  }
0xe0: {  	_ =	swait.ge [sflag:s25], $0x4000  }
0xe1: {  	[sflag:s25] =	ssyncset.done $0x0  }
0xe2: {  	[sflag:s25] =	ssyncadd.s32 $0xFFFFC000  }
0xe3: {  	[tilespmem:s19], [sflag:$0x3] =	stream.linear.gather [spmem:s18], $0x4000, $0x38;
	[tilespmem:$0x1E800] =	vst v63  }
0xe4: {  	_ =	swait.ge [sflag:s25], $0x4000  }
0xe5: {  	[sflag:s25] =	ssyncset.done $0x0  }
0xe6: {  	[sflag:s25] =	ssyncadd.s32 $0xFFFFC000  }
0xe7: {  	[hbm4b:s24+s2] =	stream.linear.scatter [tilespmem:s19], [sflag:$0x3], $0x4000, $0x38;
	[tilespmem:$0x1E800] =	vst v63  }
0xe8: {  	_ =	swait.ge [sflag:s25], $0x4000  }
0xe9: {  	s7 =	sadd.s32 $0x1, s7;
	s8 =	rddreg [dreg:$0x7]  }
0xea: {  	p0 =	sne.s32 s7, s8  }
.Ltmp3:
0xeb: {  	_ = 	snop;
	(pc) =	sbr.rel @p0 .LBB2_1-.Ltmp3, $3  }
0xec: {  	_ =	sdelay $0x1  }
0xed: {  	[sflag:s25] =	ssyncset.done $0x0  }
0xee: {  	[sflag:s25] =	ssyncadd.s32 $0xFFFFC000  }
0xef: {  	_ =	sfence.sel $0x180000  }
0xf0: {  	[bflag:$0x0] =	sbarrier.arrive $0xFFFF  }
0xf1: {  	_ =	strace $0x9000004A  }
0xf2: {  	s0 =	stileid.u32;
	[bflag:$0x2] =	sbarrier.arrive $0xFFFF  }
0xf3: {  	p0 =	sne.s32 s0, $0x0;
	s0 =	rddreg [dreg:$0x2]  }
0xf4: {  	s0 =	sadd.s32 @!p0 $0x100000, s0  }
0xf5: {  	[sflag:s0] =	ssyncadd.tile.s32 @!p0 $0x1;
	_ =	shalt  }
.Lfunc_end2:
_tile_overlayer_lowered:
.L_overlay_start_2:
0xf6: {  	(tag) =	ssettag $0x2  }
0xf7: {  	s0 =	rddreg [dreg:$0x0];
	s2 =	stileid.u32  }
0xf8: {  	s1 =	rddreg [dreg:$0x1];
	p0 =	sne.s32 s2, $0x0  }
0xf9: {  	s3 =	rddreg [dreg:$0x2];
	[bflag:$0x3] =	sbarrier.arrive $0xFFFF;
	s2 =	simm.s32 @!p0 $0x1C03  }
0xfa: {  	[timem:s3], [sflag:s2] =	dma.local @!p0 [hbm:s0], s1  }
0xfb: {  	s0 =	simm.s32 @!p0 $0x3  }
0xfc: {  	_ =	swait.ge @!p0 [sflag:s0], s1  }
0xfd: {  	s1 =	ssub.s32 @!p0 $0x0, s1;
	[sflag:s0] =	ssyncset.done @!p0 $0x0  }
0xfe: {  	[sflag:s0] =	ssyncadd.s32 @!p0 s1  }
0xff: {  	[bflag:$0x3] =	sbarrier.arrive $0xFFFF  }
0x100: {  	_ =	shalt  }

// kernel: kernel.16.cloned.1.call-start
scs
__scs_entry_jumppad:
0x0: {  	(pc) =	sbr.rel $0x88, $3  }
0x1: {  	(tag) =	ssettag $0x0;
	lr =	simm.s32 $0x1  }
0x2: {  	[smem:$0x3F92] =	sst lr;
	_ =	strace $0xD0000000  }
0x3: {  	_ = 	snop  }
0x4: {  	_ = 	snop  }
0x5: {  	_ = 	snop  }
0x6: {  	_ = 	snop  }
0x7: {  	_ = 	snop  }
__scs_overlays_trampoline_lowered:
0x8: {  	[smem:$0x3FA1] =	sst s0  }
0x9: {  	[smem:$0x3FA2] =	sst s1  }
0xa: {  	[smem:$0x3FA3] =	sst s2  }
0xb: {  	[smem:$0x3FA4] =	sst s3  }
0xc: {  	[smem:$0x3FA5] =	sst s4  }
0xd: {  	[smem:$0x3FA6] =	sst s5  }
0xe: {  	[smem:$0x3FA7] =	sst s6  }
0xf: {  	[smem:$0x3FA8] =	sst s7  }
0x10: {  	[smem:$0x3FA9] =	sst s8  }
0x11: {  	[smem:$0x3FAA] =	sst s9;
	s0 =	simm.s32 @!p0 $0x0  }
0x12: {  	s1 =	sld [smem:$0x3F90];
	s0 =	simm.s32 @p0 $0x1  }
0x13: {  	[smem:$0x3FAB] =	sst s0;
	s0 =	simm.s32 @!p1 $0x0  }
0x14: {  	s2 =	sld [smem:$0x3F8F];
	s0 =	simm.s32 @p1 $0x1  }
0x15: {  	[smem:$0x3FAC] =	sst s0;
	s0 =	simm.s32 @!p2 $0x0  }
0x16: {  	s3 =	sld [smem:$0x3FDB];
	s0 =	simm.s32 @p2 $0x1  }
0x17: {  	s4 =	simm.s32 $0x1BF5;
	[smem:$0x3FAE] =	sst s0  }
0x18: {  	s0 =	sld [smem:$0x3F91];
	_ =	swait.ge [sflag:s4], $0x0  }
0x19: {  	s7 =	sld [smem:$0x3F92]  }
0x1a: {  	s8 =	sadd.s32 $0xFFFFE003, lr  }
0x1b: {  	s9 =	sadd.s32 $0xFFFFFEF7, lr;
	s5 =	simm.s32 $0xFFFFFFFF;
	p2 =	slt.u32 s8, $0xFFFFF086  }
0x1c: {  	p1 =	slt.u32 s9, $0xF7A;
	s5 =	simm.s32 @!p2 $0x0  }
0x1d: {  	s5 =	simm.s32 @p1 $0x1;
	p0 =	seq.s32 s7, s2  }
0x1e: {  	s7 =	smul.u32 @!p0 $0xF7A, s2;
	p2 =	seq.s32 @!p0 s5, $0x0  }
0x1f: {  	s9 =	smul.u32 $0xF7A, s1;
	s8 =	simm.s32 @!p0 $0x1BF5;
	p2 =	por !p2, p0  }
0x20: {  	[sflag:s8] =	ssyncset.s32 @!p0 $0xFFFFF086;
	s6 =	sadd.s32 @!p0 s3, s7;
	s7 =	simm.s32 @!p0 $0x108  }
0x21: {  	s3 =	sadd.s32 s3, s9;
	s6 =	sadd.s32 @!p0 $0x88, s6;
	s7 =	simm.s32 @p2 $0x1082  }
0x22: {  	[simem:s7], [sflag:s8] =	dma.local @!p0 [hbm:s6], $0xF7A  }
0x23: {  	s9 =	sor.u32 $0xD0000000, s2;
	s6 =	simm.s32 $0x108;
	_ =	swait.ge @!p0 [sflag:s8], $0x0  }
0x24: {  	s3 =	sadd.s32 $0x88, s3;
	s6 =	simm.s32 @!p1 $0x1082;
	[sflag:s4] =	ssyncset.s32 $0xFFFFF086  }
0x25: {  	[simem:s6], [sflag:s4] =	dma.local [hbm:s3], $0xF7A  }
0x26: {  	[smem:$0x3F92] =	sst s1;
	(tag) =	ssettag s2;
	_ =	strace s9  }
0x27: {  	s1 =	sld [smem:$0x3FA2]  }
0x28: {  	s2 =	sld [smem:$0x3FA3]  }
0x29: {  	s4 =	sld [smem:$0x3FA5]  }
0x2a: {  	p0 =	seq.s32 s5, $0x0;
	s5 =	sld [smem:$0x3FA6]  }
0x2b: {  	s6 =	sld [smem:$0x3FA7]  }
0x2c: {  	s7 =	sld [smem:$0x3FA8]  }
0x2d: {  	s3 =	simm.s32 $0x108;
	s8 =	sld [smem:$0x3FA9]  }
0x2e: {  	s3 =	simm.s32 @!p0 $0x1082;
	s9 =	sld [smem:$0x3FAA]  }
0x2f: {  	lr =	sadd.s32 s0, s3;
	s0 =	sld [smem:$0x3FA1]  }
0x30: {  	s3 =	sld [smem:$0x3FA4]  }
0x31: {  	[smem:$0x3FAD] =	sst s10  }
0x32: {  	s10 =	sld [smem:$0x3FAB];
	_ =	sdelay $0x3  }
0x33: {  	p0 =	seq.s32 s10, $0x1;
	s10 =	sld [smem:$0x3FAD];
	_ =	sdelay $0x3  }
0x34: {  	[smem:$0x3FAD] =	sst s10  }
0x35: {  	s10 =	sld [smem:$0x3FAC];
	_ =	sdelay $0x3  }
0x36: {  	p1 =	seq.s32 s10, $0x1;
	s10 =	sld [smem:$0x3FAD];
	_ =	sdelay $0x3  }
0x37: {  	[smem:$0x3FAD] =	sst s10  }
0x38: {  	s10 =	sld [smem:$0x3FAE]  }
0x39: {  	_ = 	snop;
	(pc) =	sbr.ind lr, $3  }
0x3a: {  	_ = 	snop  }
0x3b: {  	_ = 	snop  }
0x3c: {  	p2 =	seq.s32 s10, $0x1;
	s10 =	sld [smem:$0x3FAD]  }
0x3d: {  	_ =	shalt  }
0x3e: {  	_ =	shalt  }
0x3f: {  	_ =	shalt  }
0x40: {  	_ =	shalt  }
0x41: {  	_ =	shalt  }
0x42: {  	_ =	shalt  }
0x43: {  	_ =	shalt  }
0x44: {  	_ =	shalt  }
0x45: {  	_ =	shalt  }
0x46: {  	_ =	shalt  }
0x47: {  	_ =	shalt  }
0x48: {  	_ =	shalt  }
0x49: {  	_ =	shalt  }
0x4a: {  	_ =	shalt  }
0x4b: {  	_ =	shalt  }
0x4c: {  	_ =	shalt  }
0x4d: {  	_ =	shalt  }
0x4e: {  	_ =	shalt  }
0x4f: {  	_ =	shalt  }
0x50: {  	_ =	shalt  }
0x51: {  	_ =	shalt  }
0x52: {  	_ =	shalt  }
0x53: {  	_ =	shalt  }
0x54: {  	_ =	shalt  }
0x55: {  	_ =	shalt  }
0x56: {  	_ =	shalt  }
0x57: {  	_ =	shalt  }
0x58: {  	_ =	shalt  }
0x59: {  	_ =	shalt  }
0x5a: {  	_ =	shalt  }
0x5b: {  	_ =	shalt  }
0x5c: {  	_ =	shalt  }
0x5d: {  	_ =	shalt  }
0x5e: {  	_ =	shalt  }
0x5f: {  	_ =	shalt  }
0x60: {  	_ =	shalt  }
0x61: {  	_ =	shalt  }
0x62: {  	_ =	shalt  }
0x63: {  	_ =	shalt  }
0x64: {  	_ =	shalt  }
0x65: {  	_ =	shalt  }
0x66: {  	_ =	shalt  }
0x67: {  	_ =	shalt  }
0x68: {  	_ =	shalt  }
0x69: {  	_ =	shalt  }
0x6a: {  	_ =	shalt  }
0x6b: {  	_ =	shalt  }
0x6c: {  	_ =	shalt  }
0x6d: {  	_ =	shalt  }
0x6e: {  	_ =	shalt  }
0x6f: {  	_ =	shalt  }
0x70: {  	_ =	shalt  }
0x71: {  	_ =	shalt  }
0x72: {  	_ =	shalt  }
0x73: {  	_ =	shalt  }
0x74: {  	_ =	shalt  }
0x75: {  	_ =	shalt  }
0x76: {  	_ =	shalt  }
0x77: {  	_ =	shalt  }
0x78: {  	_ =	shalt  }
0x79: {  	_ =	shalt  }
0x7a: {  	_ =	shalt  }
0x7b: {  	_ =	shalt  }
0x7c: {  	_ =	shalt  }
0x7d: {  	_ =	shalt  }
0x7e: {  	_ =	shalt  }
0x7f: {  	_ =	shalt  }
0x80: {  	_ =	shalt  }
0x81: {  	_ =	shalt  }
0x82: {  	_ =	shalt  }
0x83: {  	_ =	shalt  }
0x84: {  	_ =	shalt  }
0x85: {  	_ =	shalt  }
0x86: {  	_ =	shalt  }
0x87: {  	_ =	shalt  }
.Lfunc_end0:
.L_simem_size_0:
called_computation.2_lowered:
.L_overlay_start_0:
0x88: {  	s2 =	sld [smem:$0x3FD9]  }
0x89: {  	s3 =	sld [smem:$0x3FFE];
	_ =	sdelay $0x1  }
0x8a: {  	s1 =	srdreg.scid  }
0x8b: {  	s0 =	sand.u32 $0x1, s1  }
0x8c: {  	s16 =	sshll.u32 s0, $0xA;
	s2 =	sadd.s32 s3, s2  }
0x8d: {  	s2 =	sadd.s32 s2, s16  }
0x8e: {  	[smem:$0x3FB9] =	sst s2  }
0x8f: {  	_ = 	snop  }
0x90: {  	(tm) =	ssettm $0x1  }
0x91: {  	s17 =	sld [smem:$0x3FFB];
	_ =	sdelay $0x3  }
0x92: {  	_ =	strace s17  }
0x93: {  	s2 =	sld [smem:$0x3FFC];
	_ =	sdelay $0x3  }
0x94: {  	_ =	strace s2  }
0x95: {  	s2 =	sld [smem:$0x3FFD];
	_ =	sdelay $0x3  }
0x96: {  	_ =	strace s2  }
0x97: {  	_ =	strace $0x8FFFFFFF  }
0x98: {  	s18 =	sld [smem:$0x3FDB];
	_ =	sdelay $0x1  }
0x99: {  	s19 =	simm.s32 $_scs_section_size  }
0x9a: {  	s4 =	simm.s32 $_size__tile_overlayer_lowered;
	s5 =	simm.s32 $_tile_overlayer_lowered  }
0x9b: {  	s22 =	simm.s32 $0x1BFF;
	s21 =	sshll.u32 s5, $0x1;
	s2 =	sadd.s32 s19, s18  }
0x9c: {  	s6 =	simm.s32 $0x0;
	s20 =	sshll.u32 s4, $0x1;
	s4 =	sadd.s32 s21, s2  }
0x9d: {  	[timem:s6], [sflag:s22] =	dma.local [hbm:s4], s20  }
0x9e: {  	_ =	swait.ge [sflag:s22], s20  }
0x9f: {  	s3 =	ssub.s32 $0x0, s20;
	[sflag:s22] =	ssyncset.done $0x0  }
0xa0: {  	[sflag:s22] =	ssyncadd.s32 s3;
	_ =	sdelay $0x1  }
0xa1: {  	s23 =	simm.s32 $0x1B8B  }
0xa2: {  	_ =	swait.ge [sflag:s23], $0x1  }
0xa3: {  	[sflag:s23] =	ssyncset.done $0x0  }
0xa4: {  	s25 =	simm.s32 $0x1B8E;
	s24 =	sld [smem:$0x3FFE];
	[sflag:s23] =	ssyncadd.s32 $0xFFFFFFFF  }
0xa5: {  	s26 =	simm.s32 $execute0_lowered;
	[smem:$0x3FD2] =	sst s25  }
0xa6: {  	s4 =	sshll.u32 s26, $0x1;
	_ =	strace $0x8000004C;
	[dreg:$0x1] =	wrdreg $0xFFFFFFFF  }
0xa7: {  	s28 =	simm.s32 $_size_execute0_lowered;
	s2 =	sadd.s32 s2, s4;
	[dreg:$0x0] =	wrdreg $0x0  }
0xa8: {  	s4 =	sshll.u32 s28, $0x1;
	[dreg:$0x2] =	wrdreg s2  }
0xa9: {  	[dreg:$0x3] =	wrdreg s4  }
0xaa: {  	[dreg:$0x4] =	wrdreg $0xC0  }
0xab: {  	_ =	task [dreg:s6], $0x5FFFF  }
0xac: {  	[dreg:$0x1] =	wrdreg $0xFFFFFFFF  }
0xad: {  	[dreg:$0x0] =	wrdreg $0x60  }
0xae: {  	[dreg:$0x2] =	wrdreg s24  }
0xaf: {  	[dreg:$0x3] =	wrdreg $0xA8000  }
0xb0: {  	[dreg:$0x4] =	wrdreg $0x9  }
0xb1: {  	_ =	task.clear_ibuf [dreg:s6], $0x5FFFF;
	_ =	strace $0x9000004C  }
0xb2: {  	s29 =	simm.s32 $0x9;
	_ =	strace $0x8000004E  }
0xb3: {  	_ =	swait.ge [sflag:s29], $0x1  }
0xb4: {  	[sflag:s29] =	ssyncadd.s32 $0xFFFFFFFF  }
0xb5: {  	_ =	strace $0x9000004E  }
0xb6: {  	_ =	sfence  }
0xb7: {  	s30 =	sld [smem:$0x0];
	_ =	sdelay $0x2  }
0xb8: {  	s31 =	sshll.u32 s1, $0xD;
	s1 =	sshrl.u32 s1, $0x2  }
0xb9: {  	s3 =	sand.u32 $0x4000, s31;
	s1 =	sadd.s32 s1, s30  }
0xba: {  	s0 =	sor.u32 s3, s0;
	s1 =	sshll.u32 s1, $0x11  }
0xbb: {  	s0 =	sor.u32 s1, s0  }
0xbc: {  	s0 =	sadd.s32 $0x8F2B, s0  }
0xbd: {  	[sflag:s0] =	ssyncadd.remote.s32 $0x1  }
0xbe: {  	_ =	sfence.sel $0xFFFF  }
0xbf: {  	[dreg:$0x0] =	wrdreg $0xFFFFFFFF;
	(pc) =	sbr.abs _section_cstart, $3  }
0xc0: {  	[dreg:$0x1] =	wrdreg $0xFFFFFFFF  }
0xc1: {  	_ =	task.clear_ibuf [dreg:s6], $0x2FFFF;
	_ =	strace $0x9FFFFFFF  }
0xc2: {  	(tm) =	ssettm $0x7FFFFFFF  }
0xc3: {  	_ =	shalt  }
tec
execute0_lowered:
.L_overlay_start_1:
0x0: {  	(tag) =	ssettag $0x1  }
0x1: {  	s0 =	rddreg [dreg:$0x0]  }
0x2: {  	s1 =	rddreg [dreg:$0x1]  }
0x3: {  	s2 =	simm.s32 $0x0;
	s3 =	srdreg.scid;
	s15 =	stileid.u32  }
0x4: {  	s28 =	simm.s32 $0x80;
	s29 =	simm.s32 $0x1;
	s30 =	simm.s32 $0x6800  }
0x5: {  	s31 =	simm.s32 $0x2;
	[smem:$0x7FF] =	sst s2;
	s9 =	smul.u32 $0x50000, s15  }
0x6: {  	s4 =	sadd.s32 $0x18000, s0;
	s3 =	sand.u32 $0x1, s3;
	s20 =	smul.u32 $0x280, s15  }
0x7: {  	s6 =	sadd.s32 $0x4000, s0;
	s7 =	sshll.u32 s15, $0x1;
	s24 =	smul.u32 $0x2800, s15  }
0x8: {  	s8 =	sadd.s32 $0xE000, s0;
	s5 =	smul.u32 $0x28000, s3;
	s7 =	sor.u32 s3, s7  }
0x9: {  	_ =	strace $0x8000004D;
	s3 =	ssub.s32 $0x2, s3;
	s10 =	smul.u32 $0x2800, s7  }
0xa: {  	s14 =	sshrl.u32 s3, $0x1;
	s9 =	sshrl.u32 s9, $0x2;
	s7 =	smul.u32 $0x500, s7  }
0xb: {  	s21 =	sadd.s32 $0x80, s20;
	s23 =	sadd.s32 $0x100, s20;
	s26 =	sadd.s32 $0x180, s20  }
0xc: {  	s0 =	sadd.s32 s5, s0;
	s3 =	ssub.s32 s3, s14;
	s5 =	sadd.s32 s9, s1  }
0xd: {  	s22 =	sshll.u32 s21, $0x7;
	s25 =	sshll.u32 s23, $0x7;
	s16 =	sshrl.u32 s10, $0x3  }
0xe: {  	s17 =	sadd.s32 s6, s7;
	s7 =	sadd.s32 s8, s7;
	s0 =	sadd.s32 $0x3F200, s0  }
0xf: {  	s3 =	smax.u32 s3, $0x1;
	s11 =	sadd.s32 $0x4000, s5;
	s12 =	sadd.s32 $0x8000, s5  }
0x10: {  	s13 =	sadd.s32 $0xC000, s5;
	s14 =	sadd.s32 $0x10000, s5;
	[dreg:$0x3] =	wrdreg s17  }
0x11: {  	s15 =	sadd.s32 s22, s1;
	[dreg:$0x4] =	wrdreg s7;
	s18 =	sadd.s32 $0x280, s16  }
0x12: {  	[dreg:$0x7] =	wrdreg s3;
	s3 =	sshll.u32 s21, $0x4;
	s16 =	sadd.s32 s25, s1  }
0x13: {  	s17 =	sshll.u32 s26, $0x7;
	s7 =	sshll.u32 s26, $0x4;
	s25 =	simm.s32 $0x3  }
0x14: {  	s26 =	simm.s32 $0x1400;
	s6 =	sadd.s32 s6, s18;
	s19 =	sadd.s32 s8, s18  }
0x15: {  	s8 =	sshll.u32 s23, $0x4;
	s17 =	sadd.s32 s17, s1;
	s21 =	sadd.s32 s3, s0  }
0x16: {  	s23 =	sadd.s32 s7, s0;
	s3 =	simm.s32 $0x2700;
	[dreg:$0x5] =	wrdreg s6  }
0x17: {  	s7 =	simm.s32 $0x0;
	[dreg:$0x6] =	wrdreg s19;
	s6 =	sadd.s32 $0x200, s20  }
0x18: {  	s19 =	simm.s32 $0x2800;
	s20 =	sadd.s32 s24, s0;
	s18 =	sshll.u32 s6, $0x7  }
0x19: {  	s22 =	sadd.s32 s8, s0;
	s6 =	sshll.u32 s6, $0x4;
	s18 =	sadd.s32 s18, s1  }
0x1a: {  	v0 =	vimm.f32 $0.0e+00;
	s24 =	sadd.s32 s6, s0;
	s0 =	simm.s32 $0x1380;
	s6 =	simm.s32 $0x2780  }
.LBB2_1:
0x1b: {  	s8 =	simm.s32 $0x0;
	s9 =	simm.s32 $0x200  }
.LBB2_2:
0x1c: {  	p0 =	sne.s32 s9, $0xFE00;
	[tilespmem:s8+$0x2870] =	vst v0  }
0x1d: {  	[tilespmem:s8+$0x2800] =	vst v0  }
0x1e: {  	[tilespmem:s8+$0x2810] =	vst v0  }
.Ltmp0:
0x1f: {  	[tilespmem:s8+$0x2820] =	vst v0;
	(pc) =	sbr.rel @p0 .LBB2_2-.Ltmp0, $4  }
0x20: {  	[tilespmem:s8+$0x2830] =	vst v0  }
0x21: {  	[tilespmem:s8+$0x2840] =	vst v0  }
0x22: {  	[tilespmem:s8+$0x2850] =	vst v0  }
0x23: {  	[tilespmem:s8+$0x2860] =	vst v0;
	s8 =	sshra.s32 s9, $0x2;
	s9 =	sadd.s32 $0x200, s9  }
0x24: {  	[tilespmem:s8+$0x2870] =	vst v0  }
0x25: {  	[tilespmem:s8+$0x2800] =	vst v0  }
0x26: {  	[tilespmem:s8+$0x2810] =	vst v0  }
0x27: {  	[tilespmem:s8+$0x2820] =	vst v0  }
0x28: {  	[tilespmem:s8+$0x2830] =	vst v0  }
0x29: {  	[tilespmem:s8+$0x2840] =	vst v0  }
0x2a: {  	[tilespmem:s8+$0x2850] =	vst v0  }
0x2b: {  	[tilespmem:s8+$0x2860] =	vst v0  }
0x2c: {  	[spmem:s5] =	stream.linear.scatter [tilespmem:s19], [sflag:$0x3], $0x4000, $0x38;
	[tilespmem:$0x1E800] =	vst v63  }
0x2d: {  	_ =	swait.ge [sflag:s25], $0x4000  }
0x2e: {  	[sflag:s25] =	ssyncset.done $0x0  }
0x2f: {  	[sflag:s25] =	ssyncadd.s32 $0xFFFFC000  }
0x30: {  	[spmem:s11] =	stream.linear.scatter [tilespmem:s19], [sflag:$0x3], $0x4000, $0x38;
	[tilespmem:$0x1E800] =	vst v63  }
0x31: {  	_ =	swait.ge [sflag:s25], $0x4000  }
0x32: {  	[sflag:s25] =	ssyncset.done $0x0  }
0x33: {  	[sflag:s25] =	ssyncadd.s32 $0xFFFFC000  }
0x34: {  	[spmem:s12] =	stream.linear.scatter [tilespmem:s19], [sflag:$0x3], $0x4000, $0x38;
	[tilespmem:$0x1E800] =	vst v63  }
0x35: {  	_ =	swait.ge [sflag:s25], $0x4000  }
0x36: {  	[sflag:s25] =	ssyncset.done $0x0  }
0x37: {  	[sflag:s25] =	ssyncadd.s32 $0xFFFFC000  }
0x38: {  	[spmem:s13] =	stream.linear.scatter [tilespmem:s19], [sflag:$0x3], $0x4000, $0x38;
	[tilespmem:$0x1E800] =	vst v63  }
0x39: {  	_ =	swait.ge [sflag:s25], $0x4000  }
0x3a: {  	[sflag:s25] =	ssyncset.done $0x0  }
0x3b: {  	[sflag:s25] =	ssyncadd.s32 $0xFFFFC000  }
0x3c: {  	[spmem:s14] =	stream.linear.scatter [tilespmem:s19], [sflag:$0x3], $0x4000, $0x38;
	[tilespmem:$0x1E800] =	vst v63  }
0x3d: {  	_ =	swait.ge [sflag:s25], $0x4000  }
0x3e: {  	[sflag:s25] =	ssyncset.done $0x0  }
0x3f: {  	[sflag:s25] =	ssyncadd.s32 $0xFFFFC000  }
0x40: {  	[bflag:$0x0] =	sbarrier.arrive $0xFFFF  }
0x41: {  	s8 =	simm.s32 $0x0;
	s9 =	rddreg [dreg:$0x3]  }
0x42: {  	[tilespmem:s8], [sflag:$0x3] =	stream.linear.gather [hbm4b:s9+s8], $0x1400, $0x38;
	[tilespmem:$0x1E800] =	vst v63  }
0x43: {  	_ =	swait.ge [sflag:s25], $0x1400  }
0x44: {  	[sflag:s25] =	ssyncset.done $0x0  }
0x45: {  	s10 =	rddreg [dreg:$0x4];
	[sflag:s25] =	ssyncadd.s32 $0xFFFFEC00  }
0x46: {  	[tilespmem:s26], [sflag:$0x3] =	stream.linear.gather [hbm4b:s10+s8], $0x1400, $0x38;
	[tilespmem:$0x1E800] =	vst v63  }
0x47: {  	_ =	swait.ge [sflag:s25], $0x1400  }
0x48: {  	[sflag:s25] =	ssyncset.done $0x0  }
0x49: {  	[sflag:s25] =	ssyncadd.s32 $0xFFFFEC00  }
0x4a: {  	[tilespmem:s19], [sflag:$0x1] =	stream.indirect.gather [hbm4b:s4+s28], $0x80, s8, s28, $0xb8;
	[tilespmem:$0x1E800] =	vst v63  }
0x4b: {  	_ =	swait.ge [sflag:s29], $0x4000  }
0x4c: {  	[sflag:s29] =	ssyncset.done $0x0  }
0x4d: {  	s9 =	simm.s32 $0x80;
	[sflag:s29] =	ssyncadd.s32 $0xFFFFC000  }
0x4e: {  	[tilespmem:s30], [sflag:$0x2] =	stream.indirect.gather [hbm4b:s4+s28], $0x80, s9, s28, $0xb8;
	[tilespmem:$0x1E800] =	vst v63  }
0x4f: {  	s10 =	simm.s32 $0x1400  }
0x50: {  	[spmem:s1] =	stream.indirect.scatter.add.f32 [tilespmem:s19], [sflag:$0x3], $0x80, s10, s28, $0xb8;
	[tilespmem:$0x1E800] =	vst v63  }
0x51: {  	_ =	swait.ge [sflag:s25], $0x4000  }
0x52: {  	[sflag:s25] =	ssyncset.done $0x0  }
0x53: {  	[sflag:s25] =	ssyncadd.s32 $0xFFFFC000  }
0x54: {  	_ =	swait.ge [sflag:s31], $0x4000  }
0x55: {  	[sflag:s31] =	ssyncset.done $0x0  }
0x56: {  	s9 =	simm.s32 $0x100;
	[sflag:s31] =	ssyncadd.s32 $0xFFFFC000  }
0x57: {  	[tilespmem:s19], [sflag:$0x1] =	stream.indirect.gather [hbm4b:s4+s28], $0x80, s9, s28, $0xb8;
	[tilespmem:$0x1E800] =	vst v63  }
0x58: {  	s10 =	simm.s32 $0x1480  }
0x59: {  	[spmem:s1] =	stream.indirect.scatter.add.f32 [tilespmem:s30], [sflag:$0x3], $0x80, s10, s28, $0xb8;
	[tilespmem:$0x1E800] =	vst v63  }
0x5a: {  	_ =	swait.ge [sflag:s25], $0x4000  }
0x5b: {  	s8 =	simm.s32 $0x400;
	[sflag:s25] =	ssyncset.done $0x0  }
.LBB2_4:
0x5c: {  	p0 =	sne.s32 s8, $0x4800  }
0x5d: {  	[sflag:s25] =	ssyncadd.s32 $0xFFFFC000;
	s9 =	smov.u32 s8;
	s8 =	sadd.s32 $0x400, s8  }
0x5e: {  	_ = 	snop  }
0x5f: {  	_ =	swait.ge [sflag:s29], $0x4000  }
0x60: {  	s9 =	sshra.s32 s9, $0x2;
	[sflag:s29] =	ssyncset.done $0x0  }
0x61: {  	s10 =	sadd.s32 $0x80, s9;
	[sflag:s29] =	ssyncadd.s32 $0xFFFFC000  }
0x62: {  	[tilespmem:s30], [sflag:$0x2] =	stream.indirect.gather [hbm4b:s4+s28], $0x80, s10, s28, $0xb8;
	[tilespmem:$0x1E800] =	vst v63  }
0x63: {  	s10 =	sadd.s32 $0x1400, s9  }
0x64: {  	[spmem:s1] =	stream.indirect.scatter.add.f32 [tilespmem:s19], [sflag:$0x3], $0x80, s10, s28, $0xb8;
	[tilespmem:$0x1E800] =	vst v63  }
0x65: {  	_ =	swait.ge [sflag:s25], $0x4000  }
0x66: {  	[sflag:s25] =	ssyncset.done $0x0  }
0x67: {  	[sflag:s25] =	ssyncadd.s32 $0xFFFFC000  }
0x68: {  	_ =	swait.ge [sflag:s31], $0x4000  }
0x69: {  	[sflag:s31] =	ssyncset.done $0x0  }
0x6a: {  	s10 =	sadd.s32 $0x100, s9;
	[sflag:s31] =	ssyncadd.s32 $0xFFFFC000  }
0x6b: {  	[tilespmem:s19], [sflag:$0x1] =	stream.indirect.gather [hbm4b:s4+s28], $0x80, s10, s28, $0xb8;
	[tilespmem:$0x1E800] =	vst v63  }
.Ltmp1:
0x6c: {  	_ = 	snop;
	(pc) =	sbr.rel @p0 .LBB2_4-.Ltmp1, $4  }
0x6d: {  	s9 =	sadd.s32 $0x1480, s9  }
0x6e: {  	[spmem:s1] =	stream.indirect.scatter.add.f32 [tilespmem:s30], [sflag:$0x3], $0x80, s9, s28, $0xb8;
	[tilespmem:$0x1E800] =	vst v63  }
0x6f: {  	_ =	swait.ge [sflag:s25], $0x4000  }
0x70: {  	[sflag:s25] =	ssyncset.done $0x0  }
0x71: {  	[sflag:s25] =	ssyncadd.s32 $0xFFFFC000  }
0x72: {  	_ =	swait.ge [sflag:s29], $0x4000  }
0x73: {  	[sflag:s29] =	ssyncset.done $0x0  }
0x74: {  	[sflag:s29] =	ssyncadd.s32 $0xFFFFC000  }
0x75: {  	[tilespmem:s30], [sflag:$0x2] =	stream.indirect.gather [hbm4b:s4+s28], $0x80, s0, s28, $0xb8;
	[tilespmem:$0x1E800] =	vst v63  }
0x76: {  	_ = 	snop  }
0x77: {  	[spmem:s1] =	stream.indirect.scatter.add.f32 [tilespmem:s19], [sflag:$0x3], $0x80, s3, s28, $0xb8;
	[tilespmem:$0x1E800] =	vst v63  }
0x78: {  	_ =	swait.ge [sflag:s25], $0x4000  }
0x79: {  	[sflag:s25] =	ssyncset.done $0x0  }
0x7a: {  	[sflag:s25] =	ssyncadd.s32 $0xFFFFC000  }
0x7b: {  	_ =	swait.ge [sflag:s31], $0x4000  }
0x7c: {  	[sflag:s31] =	ssyncset.done $0x0  }
0x7d: {  	[sflag:s31] =	ssyncadd.s32 $0xFFFFC000  }
0x7e: {  	[spmem:s1] =	stream.indirect.scatter.add.f32 [tilespmem:s30], [sflag:$0x3], $0x80, s6, s28, $0xb8;
	[tilespmem:$0x1E800] =	vst v63  }
0x7f: {  	_ =	swait.ge [sflag:s25], $0x4000  }
0x80: {  	[sflag:s25] =	ssyncset.done $0x0  }
0x81: {  	s8 =	simm.s32 $0x0;
	s9 =	rddreg [dreg:$0x5];
	[sflag:s25] =	ssyncadd.s32 $0xFFFFC000  }
0x82: {  	[tilespmem:s8], [sflag:$0x3] =	stream.linear.gather [hbm4b:s9+s8], $0x1400, $0x38;
	[tilespmem:$0x1E800] =	vst v63  }
0x83: {  	_ =	swait.ge [sflag:s25], $0x1400  }
0x84: {  	[sflag:s25] =	ssyncset.done $0x0  }
0x85: {  	s10 =	rddreg [dreg:$0x6];
	[sflag:s25] =	ssyncadd.s32 $0xFFFFEC00  }
0x86: {  	[tilespmem:s26], [sflag:$0x3] =	stream.linear.gather [hbm4b:s10+s8], $0x1400, $0x38;
	[tilespmem:$0x1E800] =	vst v63  }
0x87: {  	_ =	swait.ge [sflag:s25], $0x1400  }
0x88: {  	[sflag:s25] =	ssyncset.done $0x0  }
0x89: {  	[sflag:s25] =	ssyncadd.s32 $0xFFFFEC00  }
0x8a: {  	[tilespmem:s19], [sflag:$0x1] =	stream.indirect.gather [hbm4b:s4+s28], $0x80, s8, s28, $0xb8;
	[tilespmem:$0x1E800] =	vst v63  }
0x8b: {  	_ =	swait.ge [sflag:s29], $0x4000  }
0x8c: {  	[sflag:s29] =	ssyncset.done $0x0  }
0x8d: {  	s9 =	simm.s32 $0x80;
	[sflag:s29] =	ssyncadd.s32 $0xFFFFC000  }
0x8e: {  	[tilespmem:s30], [sflag:$0x2] =	stream.indirect.gather [hbm4b:s4+s28], $0x80, s9, s28, $0xb8;
	[tilespmem:$0x1E800] =	vst v63  }
0x8f: {  	s10 =	simm.s32 $0x1400  }
0x90: {  	[spmem:s1] =	stream.indirect.scatter.add.f32 [tilespmem:s19], [sflag:$0x3], $0x80, s10, s28, $0xb8;
	[tilespmem:$0x1E800] =	vst v63  }
0x91: {  	_ =	swait.ge [sflag:s25], $0x4000  }
0x92: {  	[sflag:s25] =	ssyncset.done $0x0  }
0x93: {  	[sflag:s25] =	ssyncadd.s32 $0xFFFFC000  }
0x94: {  	_ =	swait.ge [sflag:s31], $0x4000  }
0x95: {  	[sflag:s31] =	ssyncset.done $0x0  }
0x96: {  	s9 =	simm.s32 $0x100;
	[sflag:s31] =	ssyncadd.s32 $0xFFFFC000  }
0x97: {  	[tilespmem:s19], [sflag:$0x1] =	stream.indirect.gather [hbm4b:s4+s28], $0x80, s9, s28, $0xb8;
	[tilespmem:$0x1E800] =	vst v63  }
0x98: {  	s10 =	simm.s32 $0x1480  }
0x99: {  	[spmem:s1] =	stream.indirect.scatter.add.f32 [tilespmem:s30], [sflag:$0x3], $0x80, s10, s28, $0xb8;
	[tilespmem:$0x1E800] =	vst v63  }
0x9a: {  	_ =	swait.ge [sflag:s25], $0x4000  }
0x9b: {  	s8 =	simm.s32 $0x400;
	[sflag:s25] =	ssyncset.done $0x0  }
.LBB2_6:
0x9c: {  	p0 =	sne.s32 s8, $0x4800  }
0x9d: {  	[sflag:s25] =	ssyncadd.s32 $0xFFFFC000;
	s9 =	smov.u32 s8;
	s8 =	sadd.s32 $0x400, s8  }
0x9e: {  	_ = 	snop  }
0x9f: {  	_ =	swait.ge [sflag:s29], $0x4000  }
0xa0: {  	s9 =	sshra.s32 s9, $0x2;
	[sflag:s29] =	ssyncset.done $0x0  }
0xa1: {  	s10 =	sadd.s32 $0x80, s9;
	[sflag:s29] =	ssyncadd.s32 $0xFFFFC000  }
0xa2: {  	[tilespmem:s30], [sflag:$0x2] =	stream.indirect.gather [hbm4b:s4+s28], $0x80, s10, s28, $0xb8;
	[tilespmem:$0x1E800] =	vst v63  }
0xa3: {  	s10 =	sadd.s32 $0x1400, s9  }
0xa4: {  	[spmem:s1] =	stream.indirect.scatter.add.f32 [tilespmem:s19], [sflag:$0x3], $0x80, s10, s28, $0xb8;
	[tilespmem:$0x1E800] =	vst v63  }
0xa5: {  	_ =	swait.ge [sflag:s25], $0x4000  }
0xa6: {  	[sflag:s25] =	ssyncset.done $0x0  }
0xa7: {  	[sflag:s25] =	ssyncadd.s32 $0xFFFFC000  }
0xa8: {  	_ =	swait.ge [sflag:s31], $0x4000  }
0xa9: {  	[sflag:s31] =	ssyncset.done $0x0  }
0xaa: {  	s10 =	sadd.s32 $0x100, s9;
	[sflag:s31] =	ssyncadd.s32 $0xFFFFC000  }
0xab: {  	[tilespmem:s19], [sflag:$0x1] =	stream.indirect.gather [hbm4b:s4+s28], $0x80, s10, s28, $0xb8;
	[tilespmem:$0x1E800] =	vst v63  }
.Ltmp2:
0xac: {  	_ = 	snop;
	(pc) =	sbr.rel @p0 .LBB2_6-.Ltmp2, $4  }
0xad: {  	s9 =	sadd.s32 $0x1480, s9  }
0xae: {  	[spmem:s1] =	stream.indirect.scatter.add.f32 [tilespmem:s30], [sflag:$0x3], $0x80, s9, s28, $0xb8;
	[tilespmem:$0x1E800] =	vst v63  }
0xaf: {  	_ =	swait.ge [sflag:s25], $0x4000  }
0xb0: {  	[sflag:s25] =	ssyncset.done $0x0  }
0xb1: {  	[sflag:s25] =	ssyncadd.s32 $0xFFFFC000  }
0xb2: {  	_ =	swait.ge [sflag:s29], $0x4000  }
0xb3: {  	[sflag:s29] =	ssyncset.done $0x0  }
0xb4: {  	[sflag:s29] =	ssyncadd.s32 $0xFFFFC000  }
0xb5: {  	[tilespmem:s30], [sflag:$0x2] =	stream.indirect.gather [hbm4b:s4+s28], $0x80, s0, s28, $0xb8;
	[tilespmem:$0x1E800] =	vst v63  }
0xb6: {  	_ = 	snop  }
0xb7: {  	[spmem:s1] =	stream.indirect.scatter.add.f32 [tilespmem:s19], [sflag:$0x3], $0x80, s3, s28, $0xb8;
	[tilespmem:$0x1E800] =	vst v63  }
0xb8: {  	_ =	swait.ge [sflag:s25], $0x4000  }
0xb9: {  	[sflag:s25] =	ssyncset.done $0x0  }
0xba: {  	[sflag:s25] =	ssyncadd.s32 $0xFFFFC000  }
0xbb: {  	_ =	swait.ge [sflag:s31], $0x4000  }
0xbc: {  	[sflag:s31] =	ssyncset.done $0x0  }
0xbd: {  	[sflag:s31] =	ssyncadd.s32 $0xFFFFC000  }
0xbe: {  	[spmem:s1] =	stream.indirect.scatter.add.f32 [tilespmem:s30], [sflag:$0x3], $0x80, s6, s28, $0xb8;
	[tilespmem:$0x1E800] =	vst v63  }
0xbf: {  	_ =	swait.ge [sflag:s25], $0x4000  }
0xc0: {  	[sflag:s25] =	ssyncset.done $0x0  }
0xc1: {  	[sflag:s25] =	ssyncadd.s32 $0xFFFFC000  }
0xc2: {  	[bflag:$0x0] =	sbarrier.arrive $0xFFFF  }
0xc3: {  	[tilespmem:s19], [sflag:$0x3] =	stream.linear.gather [spmem:s5], $0x4000, $0x38;
	[tilespmem:$0x1E800] =	vst v63  }
0xc4: {  	_ =	swait.ge [sflag:s25], $0x4000  }
0xc5: {  	[sflag:s25] =	ssyncset.done $0x0  }
0xc6: {  	[sflag:s25] =	ssyncadd.s32 $0xFFFFC000  }
0xc7: {  	[hbm4b:s20+s2] =	stream.linear.scatter [tilespmem:s19], [sflag:$0x3], $0x4000, $0x38;
	[tilespmem:$0x1E800] =	vst v63  }
0xc8: {  	_ =	swait.ge [sflag:s25], $0x4000  }
0xc9: {  	[sflag:s25] =	ssyncset.done $0x0  }
0xca: {  	[sflag:s25] =	ssyncadd.s32 $0xFFFFC000  }
0xcb: {  	[tilespmem:s19], [sflag:$0x3] =	stream.linear.gather [spmem:s15], $0x4000, $0x38;
	[tilespmem:$0x1E800] =	vst v63  }
0xcc: {  	_ =	swait.ge [sflag:s25], $0x4000  }
0xcd: {  	[sflag:s25] =	ssyncset.done $0x0  }
0xce: {  	[sflag:s25] =	ssyncadd.s32 $0xFFFFC000  }
0xcf: {  	[hbm4b:s21+s2] =	stream.linear.scatter [tilespmem:s19], [sflag:$0x3], $0x4000, $0x38;
	[tilespmem:$0x1E800] =	vst v63  }
0xd0: {  	_ =	swait.ge [sflag:s25], $0x4000  }
0xd1: {  	[sflag:s25] =	ssyncset.done $0x0  }
0xd2: {  	[sflag:s25] =	ssyncadd.s32 $0xFFFFC000  }
0xd3: {  	[tilespmem:s19], [sflag:$0x3] =	stream.linear.gather [spmem:s16], $0x4000, $0x38;
	[tilespmem:$0x1E800] =	vst v63  }
0xd4: {  	_ =	swait.ge [sflag:s25], $0x4000  }
0xd5: {  	[sflag:s25] =	ssyncset.done $0x0  }
0xd6: {  	[sflag:s25] =	ssyncadd.s32 $0xFFFFC000  }
0xd7: {  	[hbm4b:s22+s2] =	stream.linear.scatter [tilespmem:s19], [sflag:$0x3], $0x4000, $0x38;
	[tilespmem:$0x1E800] =	vst v63  }
0xd8: {  	_ =	swait.ge [sflag:s25], $0x4000  }
0xd9: {  	[sflag:s25] =	ssyncset.done $0x0  }
0xda: {  	[sflag:s25] =	ssyncadd.s32 $0xFFFFC000  }
0xdb: {  	[tilespmem:s19], [sflag:$0x3] =	stream.linear.gather [spmem:s17], $0x4000, $0x38;
	[tilespmem:$0x1E800] =	vst v63  }
0xdc: {  	_ =	swait.ge [sflag:s25], $0x4000  }
0xdd: {  	[sflag:s25] =	ssyncset.done $0x0  }
0xde: {  	[sflag:s25] =	ssyncadd.s32 $0xFFFFC000  }
0xdf: {  	[hbm4b:s23+s2] =	stream.linear.scatter [tilespmem:s19], [sflag:$0x3], $0x4000, $0x38;
	[tilespmem:$0x1E800] =	vst v63  }
0xe0: {  	_ =	swait.ge [sflag:s25], $0x4000  }
0xe1: {  	[sflag:s25] =	ssyncset.done $0x0  }
0xe2: {  	[sflag:s25] =	ssyncadd.s32 $0xFFFFC000  }
0xe3: {  	[tilespmem:s19], [sflag:$0x3] =	stream.linear.gather [spmem:s18], $0x4000, $0x38;
	[tilespmem:$0x1E800] =	vst v63  }
0xe4: {  	_ =	swait.ge [sflag:s25], $0x4000  }
0xe5: {  	[sflag:s25] =	ssyncset.done $0x0  }
0xe6: {  	[sflag:s25] =	ssyncadd.s32 $0xFFFFC000  }
0xe7: {  	[hbm4b:s24+s2] =	stream.linear.scatter [tilespmem:s19], [sflag:$0x3], $0x4000, $0x38;
	[tilespmem:$0x1E800] =	vst v63  }
0xe8: {  	_ =	swait.ge [sflag:s25], $0x4000  }
0xe9: {  	s7 =	sadd.s32 $0x1, s7;
	s8 =	rddreg [dreg:$0x7]  }
0xea: {  	p0 =	sne.s32 s7, s8  }
.Ltmp3:
0xeb: {  	_ = 	snop;
	(pc) =	sbr.rel @p0 .LBB2_1-.Ltmp3, $3  }
0xec: {  	_ =	sdelay $0x1  }
0xed: {  	[sflag:s25] =	ssyncset.done $0x0  }
0xee: {  	[sflag:s25] =	ssyncadd.s32 $0xFFFFC000  }
0xef: {  	_ =	sfence.sel $0x180000  }
0xf0: {  	[bflag:$0x0] =	sbarrier.arrive $0xFFFF  }
0xf1: {  	_ =	strace $0x9000004D  }
0xf2: {  	s0 =	stileid.u32;
	[bflag:$0x2] =	sbarrier.arrive $0xFFFF  }
0xf3: {  	p0 =	sne.s32 s0, $0x0;
	s0 =	rddreg [dreg:$0x2]  }
0xf4: {  	s0 =	sadd.s32 @!p0 $0x100000, s0  }
0xf5: {  	[sflag:s0] =	ssyncadd.tile.s32 @!p0 $0x1;
	_ =	shalt  }
.Lfunc_end2:
_tile_overlayer_lowered:
.L_overlay_start_2:
0xf6: {  	(tag) =	ssettag $0x2  }
0xf7: {  	s0 =	rddreg [dreg:$0x0];
	s2 =	stileid.u32  }
0xf8: {  	s1 =	rddreg [dreg:$0x1];
	p0 =	sne.s32 s2, $0x0  }
0xf9: {  	s3 =	rddreg [dreg:$0x2];
	[bflag:$0x3] =	sbarrier.arrive $0xFFFF;
	s2 =	simm.s32 @!p0 $0x1C03  }
0xfa: {  	[timem:s3], [sflag:s2] =	dma.local @!p0 [hbm:s0], s1  }
0xfb: {  	s0 =	simm.s32 @!p0 $0x3  }
0xfc: {  	_ =	swait.ge @!p0 [sflag:s0], s1  }
0xfd: {  	s1 =	ssub.s32 @!p0 $0x0, s1;
	[sflag:s0] =	ssyncset.done @!p0 $0x0  }
0xfe: {  	[sflag:s0] =	ssyncadd.s32 @!p0 s1  }
0xff: {  	[bflag:$0x3] =	sbarrier.arrive $0xFFFF  }
0x100: {  	_ =	shalt  }

// kernel: kernel.19.cloned.1.call-start
scs
__scs_entry_jumppad:
0x0: {  	(pc) =	sbr.rel $0x88, $3  }
0x1: {  	(tag) =	ssettag $0x0;
	lr =	simm.s32 $0x1  }
0x2: {  	[smem:$0x3F92] =	sst lr;
	_ =	strace $0xD0000000  }
0x3: {  	_ = 	snop  }
0x4: {  	_ = 	snop  }
0x5: {  	_ = 	snop  }
0x6: {  	_ = 	snop  }
0x7: {  	_ = 	snop  }
__scs_overlays_trampoline_lowered:
0x8: {  	[smem:$0x3FA1] =	sst s0  }
0x9: {  	[smem:$0x3FA2] =	sst s1  }
0xa: {  	[smem:$0x3FA3] =	sst s2  }
0xb: {  	[smem:$0x3FA4] =	sst s3  }
0xc: {  	[smem:$0x3FA5] =	sst s4  }
0xd: {  	[smem:$0x3FA6] =	sst s5  }
0xe: {  	[smem:$0x3FA7] =	sst s6  }
0xf: {  	[smem:$0x3FA8] =	sst s7  }
0x10: {  	[smem:$0x3FA9] =	sst s8  }
0x11: {  	[smem:$0x3FAA] =	sst s9;
	s0 =	simm.s32 @!p0 $0x0  }
0x12: {  	s1 =	sld [smem:$0x3F90];
	s0 =	simm.s32 @p0 $0x1  }
0x13: {  	[smem:$0x3FAB] =	sst s0;
	s0 =	simm.s32 @!p1 $0x0  }
0x14: {  	s2 =	sld [smem:$0x3F8F];
	s0 =	simm.s32 @p1 $0x1  }
0x15: {  	[smem:$0x3FAC] =	sst s0;
	s0 =	simm.s32 @!p2 $0x0  }
0x16: {  	s3 =	sld [smem:$0x3FDB];
	s0 =	simm.s32 @p2 $0x1  }
0x17: {  	s4 =	simm.s32 $0x1BF5;
	[smem:$0x3FAE] =	sst s0  }
0x18: {  	s0 =	sld [smem:$0x3F91];
	_ =	swait.ge [sflag:s4], $0x0  }
0x19: {  	s7 =	sld [smem:$0x3F92]  }
0x1a: {  	s8 =	sadd.s32 $0xFFFFE003, lr  }
0x1b: {  	s9 =	sadd.s32 $0xFFFFFEF7, lr;
	s5 =	simm.s32 $0xFFFFFFFF;
	p2 =	slt.u32 s8, $0xFFFFF086  }
0x1c: {  	p1 =	slt.u32 s9, $0xF7A;
	s5 =	simm.s32 @!p2 $0x0  }
0x1d: {  	s5 =	simm.s32 @p1 $0x1;
	p0 =	seq.s32 s7, s2  }
0x1e: {  	s7 =	smul.u32 @!p0 $0xF7A, s2;
	p2 =	seq.s32 @!p0 s5, $0x0  }
0x1f: {  	s9 =	smul.u32 $0xF7A, s1;
	s8 =	simm.s32 @!p0 $0x1BF5;
	p2 =	por !p2, p0  }
0x20: {  	[sflag:s8] =	ssyncset.s32 @!p0 $0xFFFFF086;
	s6 =	sadd.s32 @!p0 s3, s7;
	s7 =	simm.s32 @!p0 $0x108  }
0x21: {  	s3 =	sadd.s32 s3, s9;
	s6 =	sadd.s32 @!p0 $0x88, s6;
	s7 =	simm.s32 @p2 $0x1082  }
0x22: {  	[simem:s7], [sflag:s8] =	dma.local @!p0 [hbm:s6], $0xF7A  }
0x23: {  	s9 =	sor.u32 $0xD0000000, s2;
	s6 =	simm.s32 $0x108;
	_ =	swait.ge @!p0 [sflag:s8], $0x0  }
0x24: {  	s3 =	sadd.s32 $0x88, s3;
	s6 =	simm.s32 @!p1 $0x1082;
	[sflag:s4] =	ssyncset.s32 $0xFFFFF086  }
0x25: {  	[simem:s6], [sflag:s4] =	dma.local [hbm:s3], $0xF7A  }
0x26: {  	[smem:$0x3F92] =	sst s1;
	(tag) =	ssettag s2;
	_ =	strace s9  }
0x27: {  	s1 =	sld [smem:$0x3FA2]  }
0x28: {  	s2 =	sld [smem:$0x3FA3]  }
0x29: {  	s4 =	sld [smem:$0x3FA5]  }
0x2a: {  	p0 =	seq.s32 s5, $0x0;
	s5 =	sld [smem:$0x3FA6]  }
0x2b: {  	s6 =	sld [smem:$0x3FA7]  }
0x2c: {  	s7 =	sld [smem:$0x3FA8]  }
0x2d: {  	s3 =	simm.s32 $0x108;
	s8 =	sld [smem:$0x3FA9]  }
0x2e: {  	s3 =	simm.s32 @!p0 $0x1082;
	s9 =	sld [smem:$0x3FAA]  }
0x2f: {  	lr =	sadd.s32 s0, s3;
	s0 =	sld [smem:$0x3FA1]  }
0x30: {  	s3 =	sld [smem:$0x3FA4]  }
0x31: {  	[smem:$0x3FAD] =	sst s10  }
0x32: {  	s10 =	sld [smem:$0x3FAB];
	_ =	sdelay $0x3  }
0x33: {  	p0 =	seq.s32 s10, $0x1;
	s10 =	sld [smem:$0x3FAD];
	_ =	sdelay $0x3  }
0x34: {  	[smem:$0x3FAD] =	sst s10  }
0x35: {  	s10 =	sld [smem:$0x3FAC];
	_ =	sdelay $0x3  }
0x36: {  	p1 =	seq.s32 s10, $0x1;
	s10 =	sld [smem:$0x3FAD];
	_ =	sdelay $0x3  }
0x37: {  	[smem:$0x3FAD] =	sst s10  }
0x38: {  	s10 =	sld [smem:$0x3FAE]  }
0x39: {  	_ = 	snop;
	(pc) =	sbr.ind lr, $3  }
0x3a: {  	_ = 	snop  }
0x3b: {  	_ = 	snop  }
0x3c: {  	p2 =	seq.s32 s10, $0x1;
	s10 =	sld [smem:$0x3FAD]  }
0x3d: {  	_ =	shalt  }
0x3e: {  	_ =	shalt  }
0x3f: {  	_ =	shalt  }
0x40: {  	_ =	shalt  }
0x41: {  	_ =	shalt  }
0x42: {  	_ =	shalt  }
0x43: {  	_ =	shalt  }
0x44: {  	_ =	shalt  }
0x45: {  	_ =	shalt  }
0x46: {  	_ =	shalt  }
0x47: {  	_ =	shalt  }
0x48: {  	_ =	shalt  }
0x49: {  	_ =	shalt  }
0x4a: {  	_ =	shalt  }
0x4b: {  	_ =	shalt  }
0x4c: {  	_ =	shalt  }
0x4d: {  	_ =	shalt  }
0x4e: {  	_ =	shalt  }
0x4f: {  	_ =	shalt  }
0x50: {  	_ =	shalt  }
0x51: {  	_ =	shalt  }
0x52: {  	_ =	shalt  }
0x53: {  	_ =	shalt  }
0x54: {  	_ =	shalt  }
0x55: {  	_ =	shalt  }
0x56: {  	_ =	shalt  }
0x57: {  	_ =	shalt  }
0x58: {  	_ =	shalt  }
0x59: {  	_ =	shalt  }
0x5a: {  	_ =	shalt  }
0x5b: {  	_ =	shalt  }
0x5c: {  	_ =	shalt  }
0x5d: {  	_ =	shalt  }
0x5e: {  	_ =	shalt  }
0x5f: {  	_ =	shalt  }
0x60: {  	_ =	shalt  }
0x61: {  	_ =	shalt  }
0x62: {  	_ =	shalt  }
0x63: {  	_ =	shalt  }
0x64: {  	_ =	shalt  }
0x65: {  	_ =	shalt  }
0x66: {  	_ =	shalt  }
0x67: {  	_ =	shalt  }
0x68: {  	_ =	shalt  }
0x69: {  	_ =	shalt  }
0x6a: {  	_ =	shalt  }
0x6b: {  	_ =	shalt  }
0x6c: {  	_ =	shalt  }
0x6d: {  	_ =	shalt  }
0x6e: {  	_ =	shalt  }
0x6f: {  	_ =	shalt  }
0x70: {  	_ =	shalt  }
0x71: {  	_ =	shalt  }
0x72: {  	_ =	shalt  }
0x73: {  	_ =	shalt  }
0x74: {  	_ =	shalt  }
0x75: {  	_ =	shalt  }
0x76: {  	_ =	shalt  }
0x77: {  	_ =	shalt  }
0x78: {  	_ =	shalt  }
0x79: {  	_ =	shalt  }
0x7a: {  	_ =	shalt  }
0x7b: {  	_ =	shalt  }
0x7c: {  	_ =	shalt  }
0x7d: {  	_ =	shalt  }
0x7e: {  	_ =	shalt  }
0x7f: {  	_ =	shalt  }
0x80: {  	_ =	shalt  }
0x81: {  	_ =	shalt  }
0x82: {  	_ =	shalt  }
0x83: {  	_ =	shalt  }
0x84: {  	_ =	shalt  }
0x85: {  	_ =	shalt  }
0x86: {  	_ =	shalt  }
0x87: {  	_ =	shalt  }
.Lfunc_end0:
.L_simem_size_0:
called_computation.3_lowered:
.L_overlay_start_0:
0x88: {  	s2 =	sld [smem:$0x3FD9]  }
0x89: {  	s3 =	sld [smem:$0x3FFE];
	_ =	sdelay $0x1  }
0x8a: {  	s1 =	srdreg.scid  }
0x8b: {  	s0 =	sand.u32 $0x1, s1  }
0x8c: {  	s17 =	sshll.u32 s0, $0xA;
	s2 =	sadd.s32 s3, s2  }
0x8d: {  	s2 =	sadd.s32 s2, s17  }
0x8e: {  	[smem:$0x3FB9] =	sst s2  }
0x8f: {  	_ = 	snop  }
0x90: {  	s2 =	sld [smem:$0x3FC7];
	(tm) =	ssettm $0x1  }
0x91: {  	s18 =	sld [smem:$0x3FFB];
	_ =	sdelay $0x3  }
0x92: {  	_ =	strace s18  }
0x93: {  	s3 =	sld [smem:$0x3FFC];
	_ =	sdelay $0x3  }
0x94: {  	_ =	strace s3  }
0x95: {  	s3 =	sld [smem:$0x3FFD];
	_ =	sdelay $0x3  }
0x96: {  	_ =	strace s3  }
0x97: {  	_ =	strace $0x8FFFFFFF  }
0x98: {  	s19 =	sld [smem:$0x3FDB];
	_ =	sdelay $0x1  }
0x99: {  	s4 =	simm.s32 $_scs_section_size  }
0x9a: {  	s5 =	simm.s32 $_size__tile_overlayer_lowered;
	s6 =	simm.s32 $_tile_overlayer_lowered  }
0x9b: {  	s22 =	simm.s32 $0x1BFF;
	s21 =	sshll.u32 s6, $0x1;
	s3 =	sadd.s32 s4, s19  }
0x9c: {  	s7 =	simm.s32 $0x0;
	s20 =	sshll.u32 s5, $0x1;
	s5 =	sadd.s32 s21, s3  }
0x9d: {  	[timem:s7], [sflag:s22] =	dma.local [hbm:s5], s20  }
0x9e: {  	_ =	swait.ge [sflag:s22], s20  }
0x9f: {  	s4 =	ssub.s32 $0x0, s20;
	[sflag:s22] =	ssyncset.done $0x0  }
0xa0: {  	[sflag:s22] =	ssyncadd.s32 s4;
	_ =	sdelay $0x1  }
0xa1: {  	s23 =	simm.s32 $0x1B8B  }
0xa2: {  	_ =	swait.ge [sflag:s23], $0x1  }
0xa3: {  	[sflag:s23] =	ssyncset.done $0x0  }
0xa4: {  	s25 =	simm.s32 $0x1B8E;
	s24 =	sld [smem:$0x3FFE];
	[sflag:s23] =	ssyncadd.s32 $0xFFFFFFFF  }
0xa5: {  	s26 =	simm.s32 $execute0_lowered;
	[smem:$0x3FD2] =	sst s25  }
0xa6: {  	s5 =	sshll.u32 s26, $0x1;
	_ =	strace $0x8000004F;
	[dreg:$0x1] =	wrdreg $0xFFFFFFFF  }
0xa7: {  	s28 =	simm.s32 $_size_execute0_lowered;
	s3 =	sadd.s32 s3, s5;
	[dreg:$0x0] =	wrdreg $0x0  }
0xa8: {  	s5 =	sshll.u32 s28, $0x1;
	[dreg:$0x2] =	wrdreg s3  }
0xa9: {  	[dreg:$0x3] =	wrdreg s5  }
0xaa: {  	[dreg:$0x4] =	wrdreg $0xC0  }
0xab: {  	_ =	task [dreg:s7], $0x5FFFF  }
0xac: {  	[dreg:$0x1] =	wrdreg $0xFFFFFFFF  }
0xad: {  	[dreg:$0x0] =	wrdreg $0x60  }
0xae: {  	[dreg:$0x2] =	wrdreg s24  }
0xaf: {  	[dreg:$0x3] =	wrdreg s2  }
0xb0: {  	[dreg:$0x4] =	wrdreg $0x9  }
0xb1: {  	_ =	task.clear_ibuf [dreg:s7], $0x5FFFF;
	_ =	strace $0x9000004F  }
0xb2: {  	s29 =	simm.s32 $0x9;
	_ =	strace $0x80000051  }
0xb3: {  	_ =	swait.ge [sflag:s29], $0x1  }
0xb4: {  	[sflag:s29] =	ssyncadd.s32 $0xFFFFFFFF  }
0xb5: {  	_ =	strace $0x90000051  }
0xb6: {  	_ =	sfence  }
0xb7: {  	s30 =	sld [smem:$0x0];
	_ =	sdelay $0x2  }
0xb8: {  	s31 =	sshll.u32 s1, $0xD;
	s1 =	sshrl.u32 s1, $0x2  }
0xb9: {  	s3 =	sand.u32 $0x4000, s31;
	s1 =	sadd.s32 s1, s30  }
0xba: {  	s0 =	sor.u32 s3, s0;
	s1 =	sshll.u32 s1, $0x11  }
0xbb: {  	s0 =	sor.u32 s1, s0  }
0xbc: {  	s0 =	sadd.s32 $0x8F2B, s0  }
0xbd: {  	[sflag:s0] =	ssyncadd.remote.s32 $0x1  }
0xbe: {  	_ =	sfence.sel $0xFFFF  }
0xbf: {  	[dreg:$0x0] =	wrdreg $0xFFFFFFFF;
	(pc) =	sbr.abs _section_cstart, $3  }
0xc0: {  	[dreg:$0x1] =	wrdreg $0xFFFFFFFF  }
0xc1: {  	_ =	task.clear_ibuf [dreg:s7], $0x2FFFF;
	_ =	strace $0x9FFFFFFF  }
0xc2: {  	(tm) =	ssettm $0x7FFFFFFF  }
0xc3: {  	_ =	shalt  }
tec
execute0_lowered:
.L_overlay_start_1:
0x0: {  	(tag) =	ssettag $0x1  }
0x1: {  	s6 =	rddreg [dreg:$0x0]  }
0x2: {  	s7 =	rddreg [dreg:$0x1]  }
0x3: {  	s0 =	rddreg [dreg:$0x2];
	s3 =	srdreg.scid  }
0x4: {  	s1 =	stileid.u32;
	s2 =	simm.s32 $0x0;
	s14 =	simm.s32 $0xA180  }
0x5: {  	s15 =	simm.s32 $0x1;
	s16 =	simm.s32 $0xC180;
	s17 =	simm.s32 $0xE180  }
0x6: {  	s18 =	simm.s32 $0x0;
	s3 =	sand.u32 $0x1, s3;
	s4 =	sshll.u32 s1, $0x1  }
0x7: {  	[smem:$0x7FF] =	sst s2;
	s8 =	sshrl.u32 s1, $0x2;
	s4 =	sor.u32 s3, s4  }
0x8: {  	_ =	strace $0x80000050;
	s10 =	sshll.u32 s8, $0x10;
	s8 =	sshll.u32 s8, $0xA  }
0x9: {  	s31 =	ssub.s32 $0x2, s3;
	s3 =	simm.s32 $0x50;
	s5 =	smul.u32 $0x1400, s4  }
0xa: {  	s9 =	sshll.u32 s4, $0x7;
	s11 =	sshrl.u32 s31, $0x1;
	p0 =	seq.s32 s4, $0x1F  }
0xb: {  	s12 =	smul.u32 $0x28, s4;
	s9 =	sand.u32 $0x380, s9;
	s11 =	ssub.s32 s31, s11  }
0xc: {  	s3 =	simm.s32 @!p0 $0x140;
	s5 =	sadd.s32 s5, s6;
	s10 =	sor.u32 s10, s9  }
0xd: {  	s8 =	sor.u32 s8, s9;
	s11 =	smax.u32 s11, $0x1;
	s10 =	sshrl.u32 s10, $0x3  }
0xe: {  	s8 =	sshrl.u32 s8, $0x3;
	s4 =	sadd.s32 $0x4000, s5;
	s5 =	sadd.s32 s7, s12  }
0xf: {  	s7 =	sadd.s32 $0x4D8, s7;
	s12 =	simm.s32 $0x80;
	s10 =	sadd.s32 s10, s6  }
0x10: {  	v0 =	vimm.f32 $0.0e+00;
	vm0 =	vcmask $0x300;
	s13 =	sadd.s32 s8, s6;
	s6 =	sadd.s32 $0x2AC00, s6;
	s8 =	sadd.s32 $0x2B400, s10  }
0x11: {  	v1 =	vimm.f32 $-Inf;
	v2 =	vsel vm0, $0x3F800000, v0;
	s9 =	sadd.s32 $0x33400, s10;
	s10 =	sadd.s32 $0x2B200, s13;
	s13 =	simm.s32 $0x400  }
.LBB2_1:
0x12: {  	s20 =	simm.s32 $0xA1A0  }
0x13: {  	[tilespmem:s20+$0xFFFFFFE0] =	vst v1  }
0x14: {  	[tilespmem:s20+$0x10] =	vst v1  }
0x15: {  	s21 =	simm.s32 $0x0;
	[tilespmem:s20+$0x0] =	vst v1  }
.LBB2_2:
0x16: {  	s21 =	sadd.s32 $0x4, s21  }
0x17: {  	[tilespmem:s20+$0xFFFFFFF0] =	vst v1;
	s20 =	sadd.s32 $0x40, s20;
	s19 =	simm.s32 $0xC1A0;
	p1 =	slt.u32 s21, $0x1FC  }
.Ltmp0:
0x18: {  	[tilespmem:s20+$0xFFFFFFE0] =	vst v1;
	(pc) =	sbr.rel @p1 .LBB2_2-.Ltmp0, $3  }
0x19: {  	_ =	sdelay $0x1  }
0x1a: {  	[tilespmem:s20+$0x10] =	vst v1  }
0x1b: {  	[tilespmem:s20+$0x0] =	vst v1  }
0x1c: {  	[tilespmem:s20+$0xFFFFFFF0] =	vst v1  }
0x1d: {  	[tilespmem:s19+$0xFFFFFFE0] =	vst v0  }
0x1e: {  	[tilespmem:s19+$0x10] =	vst v0  }
0x1f: {  	s20 =	simm.s32 $0x0;
	[tilespmem:s19+$0x0] =	vst v0  }
.LBB2_4:
0x20: {  	s20 =	sadd.s32 $0x4, s20  }
0x21: {  	[tilespmem:s19+$0xFFFFFFF0] =	vst v0;
	s19 =	sadd.s32 $0x40, s19;
	p1 =	slt.u32 s20, $0x1FC  }
.Ltmp1:
0x22: {  	[tilespmem:s19+$0xFFFFFFE0] =	vst v0;
	(pc) =	sbr.rel @p1 .LBB2_4-.Ltmp1, $3  }
0x23: {  	_ =	sdelay $0x1  }
0x24: {  	[tilespmem:s19+$0x10] =	vst v0  }
0x25: {  	[tilespmem:s19+$0x0] =	vst v0  }
0x26: {  	[tilespmem:s19+$0xFFFFFFF0] =	vst v0  }
0x27: {  	[tilespmem:$0xE180] =	vst v0  }
0x28: {  	[tilespmem:$0xE190] =	vst v0  }
0x29: {  	[tilespmem:$0xE1A0] =	vst v0  }
0x2a: {  	[tilespmem:$0xE1B0] =	vst v0  }
0x2b: {  	[tilespmem:$0xE1C0] =	vst v0  }
0x2c: {  	[tilespmem:$0xE1D0] =	vst v0  }
0x2d: {  	[tilespmem:$0xE1E0] =	vst v0  }
0x2e: {  	[tilespmem:$0xE1F0] =	vst v0  }
0x2f: {  	s19 =	simm.s32 @p0 $0x0;
	s20 =	simm.s32 @p0 $0x1;
	[tilespmem:$0xE200] =	vst v0  }
0x30: {  	[tilespmem:s19], [sflag:$0x1] =	stream.linear.gather @p0 [hbm4b:s6+s19], $0x2800, $0x38;
	[tilespmem:$0xE280] =	vst v63  }
0x31: {  	_ =	swait.ge @p0 [sflag:s20], $0x2800  }
0x32: {  	[sflag:s20] =	ssyncset.done @p0 $0x0  }
0x33: {  	s21 =	simm.s32 @p0 $0xA000;
	[sflag:s20] =	ssyncadd.s32 @p0 $0xFFFFD800  }
0x34: {  	[tilespmem:s21], [sflag:$0x1] =	stream.linear.gather @p0 [hbm4b:s7+s19], $0x50, $0x38;
	[tilespmem:$0xE280] =	vst v63  }
0x35: {  	_ =	swait.ge @p0 [sflag:s20], $0x50  }
0x36: {  	[sflag:s20] =	ssyncset.done @p0 $0x0  }
0x37: {  	s19 =	simm.s32 @!p0 $0x0;
	[sflag:s20] =	ssyncadd.s32 @p0 $0xFFFFFFB0;
	s20 =	simm.s32 @!p0 $0x1  }
0x38: {  	[tilespmem:s19], [sflag:$0x1] =	stream.linear.gather @!p0 [hbm4b:s4+s19], $0xA000, $0x38;
	[tilespmem:$0xE280] =	vst v63  }
0x39: {  	_ =	swait.ge @!p0 [sflag:s20], $0xA000  }
0x3a: {  	[sflag:s20] =	ssyncset.done @!p0 $0x0  }
0x3b: {  	s21 =	simm.s32 @!p0 $0xA000;
	[sflag:s20] =	ssyncadd.s32 @!p0 $0xFFFF6000  }
0x3c: {  	[tilespmem:s21], [sflag:$0x1] =	stream.linear.gather @!p0 [hbm4b:s5+s19], $0x140, $0x38;
	[tilespmem:$0xE280] =	vst v63  }
0x3d: {  	_ =	swait.ge @!p0 [sflag:s20], $0x140  }
0x3e: {  	[sflag:s20] =	ssyncset.done @!p0 $0x0  }
0x3f: {  	s19 =	simm.s32 $0xA000;
	[sflag:s20] =	ssyncadd.s32 @!p0 $0xFFFFFEC0  }
0x40: {  	v3 =	vld [tilespmem:s19+$0x0];
	_ =	sdelay $0x4  }
0x41: {  	(v2sf) =	vpush v3, $0x0;
	_ =	sdelay $0xe  }
0x42: {  	s31 =	spop (v2sf)  }
0x43: {  	v3 =	vld [tilespmem:s31+$0xE180];
	_ =	sdelay $0x4  }
0x44: {  	v3 =	vadd.f32 v2, v3;
	_ =	sdelay $0x1  }
0x45: {  	s21 =	sshll.u32 s31, $0x7;
	[tilespmem:s31+$0xE180] =	vst v3  }
0x46: {  	s20 =	simm.s32 $0x40;
	v3 =	vld [tilespmem:s21+$0xA180]  }
0x47: {  	v4 =	vld [tilespmem:s20+$0xFFFFFFC0]  }
0x48: {  	v5 =	vld [tilespmem:s21+$0xC180];
	_ =	sdelay $0x4  }
0x49: {  	v3 =	vmax.f32 v3, v4;
	v4 =	vadd.f32 v5, v4  }
0x4a: {  	v5 =	vld [tilespmem:s21+$0xC190];
	[tilespmem:s21+$0xA180] =	vst v3  }
0x4b: {  	v3 =	vld [tilespmem:s21+$0xA190];
	[tilespmem:s21+$0xC180] =	vst v4  }
0x4c: {  	v4 =	vld [tilespmem:s20+$0xFFFFFFD0];
	_ =	sdelay $0x4  }
0x4d: {  	v3 =	vmax.f32 v3, v4;
	v4 =	vadd.f32 v5, v4  }
0x4e: {  	v5 =	vld [tilespmem:s21+$0xC1A0];
	[tilespmem:s21+$0xA190] =	vst v3  }
0x4f: {  	v3 =	vld [tilespmem:s21+$0xA1A0];
	[tilespmem:s21+$0xC190] =	vst v4  }
0x50: {  	v4 =	vld [tilespmem:s20+$0xFFFFFFE0];
	_ =	sdelay $0x4  }
0x51: {  	v3 =	vmax.f32 v3, v4;
	v4 =	vadd.f32 v5, v4  }
0x52: {  	v5 =	vld [tilespmem:s21+$0xC1B0];
	[tilespmem:s21+$0xA1A0] =	vst v3  }
0x53: {  	v3 =	vld [tilespmem:s21+$0xA1B0];
	[tilespmem:s21+$0xC1A0] =	vst v4  }
0x54: {  	v4 =	vld [tilespmem:s20+$0xFFFFFFF0];
	_ =	sdelay $0x4  }
0x55: {  	v3 =	vmax.f32 v3, v4;
	v4 =	vadd.f32 v5, v4  }
0x56: {  	v5 =	vld [tilespmem:s21+$0xC1C0];
	[tilespmem:s21+$0xA1B0] =	vst v3  }
0x57: {  	v3 =	vld [tilespmem:s21+$0xA1C0];
	[tilespmem:s21+$0xC1B0] =	vst v4  }
0x58: {  	v4 =	vld [tilespmem:s20+$0x0];
	_ =	sdelay $0x4  }
0x59: {  	v3 =	vmax.f32 v3, v4;
	v4 =	vadd.f32 v5, v4  }
0x5a: {  	v5 =	vld [tilespmem:s21+$0xC1D0];
	[tilespmem:s21+$0xA1C0] =	vst v3  }
0x5b: {  	v3 =	vld [tilespmem:s21+$0xA1D0];
	[tilespmem:s21+$0xC1C0] =	vst v4  }
0x5c: {  	v4 =	vld [tilespmem:s20+$0x10];
	_ =	sdelay $0x4  }
0x5d: {  	v3 =	vmax.f32 v3, v4;
	v4 =	vadd.f32 v5, v4  }
0x5e: {  	v5 =	vld [tilespmem:s21+$0xC1E0];
	[tilespmem:s21+$0xA1D0] =	vst v3  }
0x5f: {  	v3 =	vld [tilespmem:s21+$0xA1E0];
	[tilespmem:s21+$0xC1D0] =	vst v4  }
0x60: {  	v4 =	vld [tilespmem:s20+$0x20];
	_ =	sdelay $0x2  }
0x61: {  	p1 =	sne.s32 s3, $0x1  }
.Ltmp2:
0x62: {  	_ = 	snop;
	(pc) =	sbr.rel @!p1 .LBB2_7-.Ltmp2, $4  }
0x63: {  	v3 =	vmax.f32 v3, v4;
	v4 =	vadd.f32 v5, v4  }
0x64: {  	[tilespmem:s21+$0xA1E0] =	vst v3;
	v3 =	vld [tilespmem:s21+$0xA1F0]  }
0x65: {  	[tilespmem:s21+$0xC1E0] =	vst v4;
	v4 =	vld [tilespmem:s21+$0xC1F0]  }
0x66: {  	s22 =	sadd.s32 $0xFFFFFFFF, s3;
	v5 =	vld [tilespmem:s20+$0x30]  }
.LBB2_6:
0x67: {  	_ =	sdelay $0x3  }
0x68: {  	p1 =	sne.s32 s22, $0x1;
	s19 =	sadd.s32 $0x1, s19;
	s20 =	sadd.s32 $0x80, s20;
	v3 =	vmax.f32 v3, v5;
	v4 =	vadd.f32 v4, v5  }
0x69: {  	s22 =	sadd.s32 $0xFFFFFFFF, s22;
	[tilespmem:s21+$0xA1F0] =	vst v3  }
0x6a: {  	[tilespmem:s21+$0xC1F0] =	vst v4  }
0x6b: {  	v3 =	vld [tilespmem:s19+$0x0];
	_ =	sdelay $0x4  }
0x6c: {  	(v2sf) =	vpush v3, $0x0;
	_ =	sdelay $0xe  }
0x6d: {  	s21 =	spop (v2sf)  }
0x6e: {  	v3 =	vld [tilespmem:s21+$0xE180];
	_ =	sdelay $0x4  }
0x6f: {  	v3 =	vadd.f32 v2, v3;
	_ =	sdelay $0x1  }
0x70: {  	[tilespmem:s21+$0xE180] =	vst v3;
	s21 =	sshll.u32 s21, $0x7  }
0x71: {  	v3 =	vld [tilespmem:s21+$0xA180]  }
0x72: {  	v4 =	vld [tilespmem:s20+$0xFFFFFFC0]  }
0x73: {  	v5 =	vld [tilespmem:s21+$0xC180];
	_ =	sdelay $0x3  }
0x74: {  	v3 =	vmax.f32 v3, v4  }
0x75: {  	v4 =	vadd.f32 v5, v4  }
0x76: {  	[tilespmem:s21+$0xA180] =	vst v3;
	v3 =	vld [tilespmem:s21+$0xA190]  }
0x77: {  	[tilespmem:s21+$0xC180] =	vst v4;
	v4 =	vld [tilespmem:s21+$0xC190]  }
0x78: {  	v5 =	vld [tilespmem:s20+$0xFFFFFFD0];
	_ =	sdelay $0x4  }
0x79: {  	v3 =	vmax.f32 v3, v5;
	v4 =	vadd.f32 v4, v5  }
0x7a: {  	[tilespmem:s21+$0xA190] =	vst v3;
	v3 =	vld [tilespmem:s21+$0xA1A0]  }
0x7b: {  	[tilespmem:s21+$0xC190] =	vst v4;
	v4 =	vld [tilespmem:s21+$0xC1A0]  }
0x7c: {  	v5 =	vld [tilespmem:s20+$0xFFFFFFE0];
	_ =	sdelay $0x4  }
0x7d: {  	v3 =	vmax.f32 v3, v5;
	v4 =	vadd.f32 v4, v5  }
0x7e: {  	[tilespmem:s21+$0xA1A0] =	vst v3;
	v3 =	vld [tilespmem:s21+$0xA1B0]  }
0x7f: {  	[tilespmem:s21+$0xC1A0] =	vst v4;
	v4 =	vld [tilespmem:s21+$0xC1B0]  }
0x80: {  	v5 =	vld [tilespmem:s20+$0xFFFFFFF0];
	_ =	sdelay $0x4  }
0x81: {  	v3 =	vmax.f32 v3, v5;
	v4 =	vadd.f32 v4, v5  }
0x82: {  	[tilespmem:s21+$0xA1B0] =	vst v3;
	v3 =	vld [tilespmem:s21+$0xA1C0]  }
0x83: {  	[tilespmem:s21+$0xC1B0] =	vst v4;
	v4 =	vld [tilespmem:s21+$0xC1C0]  }
0x84: {  	v5 =	vld [tilespmem:s20+$0x0];
	_ =	sdelay $0x4  }
0x85: {  	v3 =	vmax.f32 v3, v5;
	v4 =	vadd.f32 v4, v5  }
0x86: {  	[tilespmem:s21+$0xA1C0] =	vst v3;
	v3 =	vld [tilespmem:s21+$0xA1D0]  }
0x87: {  	[tilespmem:s21+$0xC1C0] =	vst v4;
	v4 =	vld [tilespmem:s21+$0xC1D0]  }
0x88: {  	v5 =	vld [tilespmem:s20+$0x10];
	_ =	sdelay $0x4  }
0x89: {  	v3 =	vmax.f32 v3, v5;
	v4 =	vadd.f32 v4, v5  }
0x8a: {  	[tilespmem:s21+$0xA1D0] =	vst v3;
	v3 =	vld [tilespmem:s21+$0xA1E0]  }
0x8b: {  	[tilespmem:s21+$0xC1D0] =	vst v4;
	v4 =	vld [tilespmem:s21+$0xC1E0]  }
0x8c: {  	v5 =	vld [tilespmem:s20+$0x20];
	_ =	sdelay $0x3  }
.Ltmp3:
0x8d: {  	(pc) =	sbr.rel @p1 .LBB2_6-.Ltmp3, $4  }
0x8e: {  	v3 =	vmax.f32 v3, v5;
	v4 =	vadd.f32 v4, v5  }
0x8f: {  	[tilespmem:s21+$0xA1E0] =	vst v3;
	v3 =	vld [tilespmem:s21+$0xA1F0]  }
0x90: {  	[tilespmem:s21+$0xC1E0] =	vst v4;
	v4 =	vld [tilespmem:s21+$0xC1F0]  }
0x91: {  	v5 =	vld [tilespmem:s20+$0x30]  }
.LBB2_7:
0x92: {  	_ =	sdelay $0x3  }
0x93: {  	v3 =	vmax.f32 v3, v5;
	v4 =	vadd.f32 v4, v5  }
0x94: {  	[tilespmem:s21+$0xA1F0] =	vst v3  }
0x95: {  	[tilespmem:s21+$0xC1F0] =	vst v4  }
0x96: {  	[hbm4b:s8+s12] =	stream.strided.scatter [tilespmem:s14], [sflag:$0x1], $0x2000, s13, s12, $0x38;
	[tilespmem:$0xE280] =	vst v63  }
0x97: {  	_ =	swait.ge [sflag:s15], $0x2000  }
0x98: {  	[sflag:s15] =	ssyncset.done $0x0  }
0x99: {  	[sflag:s15] =	ssyncadd.s32 $0xFFFFE000  }
0x9a: {  	[hbm4b:s9+s12] =	stream.strided.scatter [tilespmem:s16], [sflag:$0x1], $0x2000, s13, s12, $0x38;
	[tilespmem:$0xE280] =	vst v63  }
0x9b: {  	s18 =	sadd.s32 $0x1, s18;
	_ =	swait.ge [sflag:s15], $0x2000  }
0x9c: {  	p1 =	sne.s32 s18, s11;
	[sflag:s15] =	ssyncset.done $0x0  }
.Ltmp4:
0x9d: {  	[sflag:s15] =	ssyncadd.s32 $0xFFFFE000;
	(pc) =	sbr.rel @p1 .LBB2_1-.Ltmp4, $4  }
0x9e: {  	[hbm4b:s10+s2] =	stream.linear.scatter [tilespmem:s17], [sflag:$0x1], $0x80, $0x38;
	[tilespmem:$0xE280] =	vst v63  }
0x9f: {  	_ =	swait.ge [sflag:s15], $0x80  }
0xa0: {  	[sflag:s15] =	ssyncset.done $0x0  }
0xa1: {  	[sflag:s15] =	ssyncadd.s32 $0xFFFFFF80  }
0xa2: {  	_ =	sfence.sel $0x180000  }
0xa3: {  	[bflag:$0x0] =	sbarrier.arrive $0xFFFF  }
0xa4: {  	p0 =	sne.s32 s1, $0x0;
	_ =	strace $0x90000050  }
0xa5: {  	s0 =	sadd.s32 @!p0 $0x100000, s0;
	[bflag:$0x2] =	sbarrier.arrive $0xFFFF  }
0xa6: {  	[sflag:s0] =	ssyncadd.tile.s32 @!p0 $0x1;
	_ =	shalt  }
.Lfunc_end2:
_tile_overlayer_lowered:
.L_overlay_start_2:
0xa7: {  	(tag) =	ssettag $0x2  }
0xa8: {  	s0 =	rddreg [dreg:$0x0];
	s2 =	stileid.u32  }
0xa9: {  	s1 =	rddreg [dreg:$0x1];
	p0 =	sne.s32 s2, $0x0  }
0xaa: {  	s3 =	rddreg [dreg:$0x2];
	[bflag:$0x3] =	sbarrier.arrive $0xFFFF;
	s2 =	simm.s32 @!p0 $0x1C01  }
0xab: {  	[timem:s3], [sflag:s2] =	dma.local @!p0 [hbm:s0], s1  }
0xac: {  	s0 =	simm.s32 @!p0 $0x1  }
0xad: {  	_ =	swait.ge @!p0 [sflag:s0], s1  }
0xae: {  	s1 =	ssub.s32 @!p0 $0x0, s1;
	[sflag:s0] =	ssyncset.done @!p0 $0x0  }
0xaf: {  	[sflag:s0] =	ssyncadd.s32 @!p0 s1  }
0xb0: {  	[bflag:$0x3] =	sbarrier.arrive $0xFFFF  }
0xb1: {  	_ =	shalt  }

</sc_bundles>
